<compile_context>
chip_gen: v7x
topology: tpu7x:2x2x1
jax: 0.10.2.dev20260603
libtpu: 0.0.44.dev20260713+nightly
codegen_flags: <defaults>
</compile_context>

<pallas_src>
import functools

import jax
import jax.numpy as jnp
from jax import lax
from jax.experimental import pallas as pl
from jax.experimental.pallas import tpu as pltpu
from jax.experimental.pallas import tpu_sc as plsc


@functools.lru_cache(maxsize=None)
def _make_scores_kernel(V, D, B, CTX, K):
    info = plsc.get_sparse_core_info()
    NC, NS, L = info.num_cores, info.num_subcores, info.num_lanes
    NW = NC * NS
    E = B // NW
    CB = 32
    NCH = E // CB
    DB = D // L
    G = CB // L
    NCTX = CB * CTX
    NNEG = CB * K
    GLEN = 128
    mesh = plsc.VectorSubcoreMesh(core_axis_name="c", subcore_axis_name="s")

    @functools.partial(
        pl.kernel,
        out_type=[
            jax.ShapeDtypeStruct((B,), jnp.float32),
            jax.ShapeDtypeStruct((B * K,), jnp.float32),
        ],
        mesh=mesh,
        compiler_params=pltpu.CompilerParams(needs_layout_passes=False, use_tc_tiling_on_sc=False),
        scratch_types=[
            pltpu.VMEM((NCTX,), jnp.int32),
            pltpu.VMEM((NNEG,), jnp.int32),
            pltpu.VMEM((CB,), jnp.int32),
            pltpu.VMEM((NCTX, D), jnp.float32),
            pltpu.VMEM((NNEG, D), jnp.float32),
            pltpu.VMEM((CB, D), jnp.float32),
            pltpu.VMEM((CB, D), jnp.float32),
            pltpu.VMEM((CB,), jnp.float32),
            pltpu.VMEM((NNEG,), jnp.float32),
            pltpu.VMEM((L * L,), jnp.float32),
            pltpu.SemaphoreType.DMA,
            pltpu.SemaphoreType.DMA,
            pltpu.SemaphoreType.DMA,
        ],
    )
    def scores_kernel(ctx_hbm, tgt_hbm, neg_hbm, win_hbm, wout_hbm,
                      pos_out, negs_out,
                      ctx_idx, neg_idx, tgt_idx, ctx_rows, neg_rows,
                      tgt_rows, h_v, pos_v, negs_v, tsc,
                      sem_c, sem_t, sem_n):
        wid = lax.axis_index("s") * NC + lax.axis_index("c")
        iota = lax.iota(jnp.int32, L)

        def chunk_body(c, carry):
            base = wid * E + c * CB
            pltpu.sync_copy(ctx_hbm.at[pl.ds(base * CTX, NCTX)], ctx_idx)
            pltpu.sync_copy(neg_hbm.at[pl.ds(base * K, NNEG)], neg_idx)
            pltpu.sync_copy(tgt_hbm.at[pl.ds(base, CB)], tgt_idx)
            ctx_cps = [
                pltpu.async_copy(
                    win_hbm.at[ctx_idx.at[pl.ds(q * GLEN, GLEN)]],
                    ctx_rows.at[pl.ds(q * GLEN, GLEN)], sem_c)
                for q in range(NCTX // GLEN)
            ]
            tgt_cp = pltpu.async_copy(wout_hbm.at[tgt_idx], tgt_rows, sem_t)
            neg_cps = [
                pltpu.async_copy(
                    wout_hbm.at[neg_idx.at[pl.ds(q * GLEN, GLEN)]],
                    neg_rows.at[pl.ds(q * GLEN, GLEN)], sem_n)
                for q in range(NNEG // GLEN)
            ]
            for cp in ctx_cps:
                cp.wait()

            def h_body(b, carry2):
                for kb in range(DB):
                    acc = ctx_rows[b * CTX, pl.ds(kb * L, L)]
                    for j in range(1, CTX):
                        acc = acc + ctx_rows[b * CTX + j, pl.ds(kb * L, L)]
                    h_v[b, pl.ds(kb * L, L)] = acc * (1.0 / CTX)
                return carry2
            lax.fori_loop(0, CB, h_body, 0)

            tgt_cp.wait()
            for g in range(G):
                for b16 in range(L):
                    b = g * L + b16
                    p = tgt_rows[b, pl.ds(0, L)] * h_v[b, pl.ds(0, L)]
                    for kb in range(1, DB):
                        p = p + (tgt_rows[b, pl.ds(kb * L, L)]
                                 * h_v[b, pl.ds(kb * L, L)])
                    plsc.store_scatter(tsc, [iota * L + b16], p)
                s = tsc[pl.ds(0, L)]
                for i in range(1, L):
                    s = s + tsc[pl.ds(i * L, L)]
                pos_v[pl.ds(g * L, L)] = s

            for cp in neg_cps:
                cp.wait()

            def neg_body(j, carry2):
                for g in range(G):
                    for b16 in range(L):
                        b = g * L + b16
                        r = b * K + j
                        p = neg_rows[r, pl.ds(0, L)] * h_v[b, pl.ds(0, L)]
                        for kb in range(1, DB):
                            p = p + (neg_rows[r, pl.ds(kb * L, L)]
                                     * h_v[b, pl.ds(kb * L, L)])
                        plsc.store_scatter(tsc, [iota * L + b16], p)
                    s = tsc[pl.ds(0, L)]
                    for i in range(1, L):
                        s = s + tsc[pl.ds(i * L, L)]
                    plsc.store_scatter(
                        negs_v, [(iota + g * L) * K + j], s)
                return carry2
            lax.fori_loop(0, K, neg_body, 0)

            pltpu.sync_copy(pos_v, pos_out.at[pl.ds(base, CB)])
            pltpu.sync_copy(negs_v, negs_out.at[pl.ds(base * K, NNEG)])
            return carry

        lax.fori_loop(0, NCH, chunk_body, 0)

    return scores_kernel


@functools.lru_cache(maxsize=None)
def _make_loss_kernel(B):
    def loss_body(pos_ref, neg_ref, out_ref):
        p = pos_ref[...]
        n = neg_ref[...]
        ls_p = jnp.minimum(p, 0.0) - jnp.log1p(jnp.exp(-jnp.abs(p)))
        ls_n = jnp.minimum(-n, 0.0) - jnp.log1p(jnp.exp(-jnp.abs(n)))
        out_ref[0] = -(jnp.sum(ls_p) + jnp.sum(ls_n)) / B

    return pl.pallas_call(
        loss_body,
        out_shape=jax.ShapeDtypeStruct((1,), jnp.float32),
        out_specs=pl.BlockSpec(memory_space=pltpu.SMEM),
    )


def kernel(context, target, neg_targets, W_in, W_out):
    B, CTX = context.shape
    K = neg_targets.shape[1]
    V, D = W_in.shape
    ctx_flat = context.astype(jnp.int32).reshape(-1)
    neg_flat = neg_targets.astype(jnp.int32).reshape(-1)
    tgt = target.astype(jnp.int32)
    pos_s, neg_s = _make_scores_kernel(V, D, B, CTX, K)(
        ctx_flat, tgt, neg_flat, W_in, W_out)
    loss = _make_loss_kernel(B)(
        pos_s.reshape(B // 128, 128), neg_s.reshape(K * B // 128, 128))
    return loss[0]

# --- scband reference (transcript-rebuilt; emitter-appended) ---
"""Pipeline reference for scband-word2-vec-cbow-15350213116310 (READ-ONLY COPY).

The authoritative reference and input builder live on the scoring server;
editing this copy changes nothing except your own understanding.
"""

import jax, jax.numpy as jnp
import numpy as np

V = 1000000
D = 64
B = 16384
CTX = 20
K = 20


def setup_inputs(seed: int = 0) -> dict:
    key = jax.random.key(seed)
    k1, k2, k3, k4, k5 = jax.random.split(key, 5)
    context = jax.random.randint(k1, (B, CTX), 0, V, dtype=jnp.int64) if jax.config.jax_enable_x64 else jax.random.randint(k1, (B, CTX), 0, V, dtype=jnp.int32)
    target = jax.random.randint(k2, (B,), 0, V, dtype=jnp.int32)
    neg_targets = jax.random.randint(k3, (B, K), 0, V, dtype=jnp.int32)
    limit = float(np.sqrt(6.0 / (V + D)))  # xavier_uniform
    W_in = jax.random.uniform(k4, (V, D), minval=-limit, maxval=limit, dtype=jnp.float32)
    W_out = jax.random.uniform(k5, (V, D), minval=-limit, maxval=limit, dtype=jnp.float32)
    return {"context": context, "target": target, "neg_targets": neg_targets, "W_in": W_in, "W_out": W_out}


def reference(context, target, neg_targets, W_in, W_out):
    # h = mean of context input-embeddings
    h = jnp.take(W_in, context, axis=0).mean(axis=1)          # (B, D)
    # positive score
    pos_emb = jnp.take(W_out, target, axis=0)                  # (B, D)
    pos_score = jnp.sum(h * pos_emb, axis=1)                   # (B,)
    pos_loss = jax.nn.log_sigmoid(pos_score)                   # (B,)
    # negative scores: bmm(neg_emb, h)
    neg_emb = jnp.take(W_out, neg_targets, axis=0)             # (B, K, D)
    neg_score = jnp.einsum("bkd,bd->bk", neg_emb, h)          # (B, K)
    neg_loss = jax.nn.log_sigmoid(-neg_score).sum(axis=1)      # (B,)
    loss = -(pos_loss + neg_loss).mean()
    return loss

if __name__ == "__main__":
    import jax
    _d = setup_inputs()
    print(jax.jit(kernel)(*tuple(_d.values())))

</pallas_src>

<mosaic_0001>
#map = affine_map<(d0, d1) -> (0)>
#map1 = affine_map<(d0, d1) -> (0, 0)>
module attributes {stable_mosaic.version = 14 : i64} {
  func.func @scores_kernel(%arg0: i32, %arg1: i32, %arg2: memref<327680xi32, #tpu.memory_space<hbm>>, %arg3: memref<16384xi32, #tpu.memory_space<hbm>>, %arg4: memref<327680xi32, #tpu.memory_space<hbm>>, %arg5: memref<1000000x64xf32, #tpu.memory_space<hbm>>, %arg6: memref<1000000x64xf32, #tpu.memory_space<hbm>>, %arg7: memref<16384xf32, #tpu.memory_space<hbm>>, %arg8: memref<327680xf32, #tpu.memory_space<hbm>>, %arg9: memref<640xi32, #tpu.memory_space<vmem>>, %arg10: memref<640xi32, #tpu.memory_space<vmem>>, %arg11: memref<32xi32, #tpu.memory_space<vmem>>, %arg12: memref<640x64xf32, #tpu.memory_space<vmem>>, %arg13: memref<640x64xf32, #tpu.memory_space<vmem>>, %arg14: memref<32x64xf32, #tpu.memory_space<vmem>>, %arg15: memref<32x64xf32, #tpu.memory_space<vmem>>, %arg16: memref<32xf32, #tpu.memory_space<vmem>>, %arg17: memref<640xf32, #tpu.memory_space<vmem>>, %arg18: memref<256xf32, #tpu.memory_space<vmem>>, %arg19: memref<!tpu.dma_semaphore, #tpu.memory_space<semaphore_mem>>, %arg20: memref<!tpu.dma_semaphore, #tpu.memory_space<semaphore_mem>>, %arg21: memref<!tpu.dma_semaphore, #tpu.memory_space<semaphore_mem>>) attributes {dimension_semantics = [#tpu.dimension_semantics<core_parallel>, #tpu.dimension_semantics<subcore_parallel>], iteration_bounds = array<i64: 2, 16>, scalar_prefetch = 0 : i64, scratch_operands = 13 : i64, tpu.core_type = #tpu.core_type<sc_vector_subcore>, window_params = [{transform_indices = #map}, {transform_indices = #map}, {transform_indices = #map}, {transform_indices = #map1}, {transform_indices = #map1}, {transform_indices = #map}, {transform_indices = #map}]} {
    %mul3A = arith.constant 2 : i32
    %mul3A_0 = arith.muli %arg1, %mul3A : i32
    %add3A = arith.addi %mul3A_0, %arg0 : i32
    %iota3A = tpu.iota {dimensions = array<i32: 0>} : vector<16xi32>
    %scan3A = arith.constant 0 : i32
    %scan3A_1 = arith.constant 0 : i32
    %scan3A_2 = arith.constant 16 : i32
    %scan3A_3 = arith.addi %scan3A_1, %scan3A_2 : i32
    %scan3A_4 = arith.constant 1 : i32
    scf.for %scan3A_6 = %scan3A_1 to %scan3A_3 step %scan3A_4  : i32 {
      %mul3A_7 = arith.constant 512 : i32
      %mul3A_8 = arith.muli %add3A, %mul3A_7 : i32
      %mul3A_9 = arith.constant 32 : i32
      %mul3A_10 = arith.muli %scan3A_6, %mul3A_9 : i32
      %add3A_11 = arith.addi %mul3A_8, %mul3A_10 : i32
      %mul3A_12 = arith.constant 20 : i32
      %mul3A_13 = arith.muli %add3A_11, %mul3A_12 : i32
      "tpu.region"() ({
        %run_scoped3A = tpu.sem_alloc : memref<!tpu.dma_semaphore, #tpu.memory_space<semaphore_mem>>
        %dma_start3A_1730 = tpu.memref_slice %arg2[%mul3A_13] : memref<327680xi32, #tpu.memory_space<hbm>> -> memref<640xi32, #tpu.memory_space<hbm>>
        %dma_start3A_1731 = tpu.memref_slice %arg2[%mul3A_13] : memref<327680xi32, #tpu.memory_space<hbm>> -> memref<640xi32, #tpu.memory_space<hbm>>
        tpu.enqueue_dma source(%dma_start3A_1731 : memref<640xi32, #tpu.memory_space<hbm>>) target(%arg9 : memref<640xi32, #tpu.memory_space<vmem>>) target_semaphore(%run_scoped3A : memref<!tpu.dma_semaphore, #tpu.memory_space<semaphore_mem>>)
        %dma_wait3A_1732 = tpu.memref_slice %arg2[%mul3A_13] : memref<327680xi32, #tpu.memory_space<hbm>> -> memref<640xi32, #tpu.memory_space<hbm>>
        %dma_wait3A_1733 = tpu.memref_slice %arg2[%mul3A_13] : memref<327680xi32, #tpu.memory_space<hbm>> -> memref<640xi32, #tpu.memory_space<hbm>>
        tpu.wait_dma2 semaphore(%run_scoped3A : memref<!tpu.dma_semaphore, #tpu.memory_space<semaphore_mem>>) src(%dma_wait3A_1733 : memref<640xi32, #tpu.memory_space<hbm>>) dst(%arg9 : memref<640xi32, #tpu.memory_space<vmem>>)
        tpu.yield
      }) : () -> ()
      %mul3A_14 = arith.constant 20 : i32
      %mul3A_15 = arith.muli %add3A_11, %mul3A_14 : i32
      "tpu.region"() ({
        %run_scoped3A = tpu.sem_alloc : memref<!tpu.dma_semaphore, #tpu.memory_space<semaphore_mem>>
        %dma_start3A_1730 = tpu.memref_slice %arg4[%mul3A_15] : memref<327680xi32, #tpu.memory_space<hbm>> -> memref<640xi32, #tpu.memory_space<hbm>>
        %dma_start3A_1731 = tpu.memref_slice %arg4[%mul3A_15] : memref<327680xi32, #tpu.memory_space<hbm>> -> memref<640xi32, #tpu.memory_space<hbm>>
        tpu.enqueue_dma source(%dma_start3A_1731 : memref<640xi32, #tpu.memory_space<hbm>>) target(%arg10 : memref<640xi32, #tpu.memory_space<vmem>>) target_semaphore(%run_scoped3A : memref<!tpu.dma_semaphore, #tpu.memory_space<semaphore_mem>>)
        %dma_wait3A_1732 = tpu.memref_slice %arg4[%mul3A_15] : memref<327680xi32, #tpu.memory_space<hbm>> -> memref<640xi32, #tpu.memory_space<hbm>>
        %dma_wait3A_1733 = tpu.memref_slice %arg4[%mul3A_15] : memref<327680xi32, #tpu.memory_space<hbm>> -> memref<640xi32, #tpu.memory_space<hbm>>
        tpu.wait_dma2 semaphore(%run_scoped3A : memref<!tpu.dma_semaphore, #tpu.memory_space<semaphore_mem>>) src(%dma_wait3A_1733 : memref<640xi32, #tpu.memory_space<hbm>>) dst(%arg10 : memref<640xi32, #tpu.memory_space<vmem>>)
        tpu.yield
      }) : () -> ()
      "tpu.region"() ({
        %run_scoped3A = tpu.sem_alloc : memref<!tpu.dma_semaphore, #tpu.memory_space<semaphore_mem>>
        %dma_start3A_1730 = tpu.memref_slice %arg3[%add3A_11] : memref<16384xi32, #tpu.memory_space<hbm>> -> memref<32xi32, #tpu.memory_space<hbm>>
        %dma_start3A_1731 = tpu.memref_slice %arg3[%add3A_11] : memref<16384xi32, #tpu.memory_space<hbm>> -> memref<32xi32, #tpu.memory_space<hbm>>
        tpu.enqueue_dma source(%dma_start3A_1731 : memref<32xi32, #tpu.memory_space<hbm>>) target(%arg11 : memref<32xi32, #tpu.memory_space<vmem>>) target_semaphore(%run_scoped3A : memref<!tpu.dma_semaphore, #tpu.memory_space<semaphore_mem>>)
        %dma_wait3A_1732 = tpu.memref_slice %arg3[%add3A_11] : memref<16384xi32, #tpu.memory_space<hbm>> -> memref<32xi32, #tpu.memory_space<hbm>>
        %dma_wait3A_1733 = tpu.memref_slice %arg3[%add3A_11] : memref<16384xi32, #tpu.memory_space<hbm>> -> memref<32xi32, #tpu.memory_space<hbm>>
        tpu.wait_dma2 semaphore(%run_scoped3A : memref<!tpu.dma_semaphore, #tpu.memory_space<semaphore_mem>>) src(%dma_wait3A_1733 : memref<32xi32, #tpu.memory_space<hbm>>) dst(%arg11 : memref<32xi32, #tpu.memory_space<vmem>>)
        tpu.yield
      }) : () -> ()
      %dma_start3A = arith.constant 0 : i32
      %dma_start3A_16 = arith.constant 0 : i32
      %dma_start3A_17 = tpu.memref_slice %arg12[%dma_start3A, %dma_start3A_16] : memref<640x64xf32, #tpu.memory_space<vmem>> -> memref<128x64xf32, #tpu.memory_space<vmem>>
      %dma_start3A_18 = arith.constant 0 : i32
      %dma_start3A_19 = tpu.memref_slice %arg9[%dma_start3A_18] : memref<640xi32, #tpu.memory_space<vmem>> -> memref<128xi32, #tpu.memory_space<vmem>>
      %dma_start3A_20 = arith.constant 0 : i32
      %dma_start3A_21 = arith.constant 0 : i32
      %dma_start3A_22 = tpu.memref_slice %arg5[%dma_start3A_20, %dma_start3A_21] : memref<1000000x64xf32, #tpu.memory_space<hbm>> -> memref<1000000x64xf32, #tpu.memory_space<hbm>>
      tpu.enqueue_indirect_dma source(%dma_start3A_22 : memref<1000000x64xf32, #tpu.memory_space<hbm>>) target(%dma_start3A_17 : memref<128x64xf32, #tpu.memory_space<vmem>>) offsets(%dma_start3A_19 : memref<128xi32, #tpu.memory_space<vmem>>) semaphore(%arg19 : memref<!tpu.dma_semaphore, #tpu.memory_space<semaphore_mem>>)
      %dma_start3A_23 = arith.constant 128 : i32
      %dma_start3A_24 = arith.constant 0 : i32
      %dma_start3A_25 = tpu.memref_slice %arg12[%dma_start3A_23, %dma_start3A_24] : memref<640x64xf32, #tpu.memory_space<vmem>> -> memref<128x64xf32, #tpu.memory_space<vmem>>
      %dma_start3A_26 = arith.constant 128 : i32
      %dma_start3A_27 = tpu.memref_slice %arg9[%dma_start3A_26] : memref<640xi32, #tpu.memory_space<vmem>> -> memref<128xi32, #tpu.memory_space<vmem>>
      %dma_start3A_28 = arith.constant 0 : i32
      %dma_start3A_29 = arith.constant 0 : i32
      %dma_start3A_30 = tpu.memref_slice %arg5[%dma_start3A_28, %dma_start3A_29] : memref<1000000x64xf32, #tpu.memory_space<hbm>> -> memref<1000000x64xf32, #tpu.memory_space<hbm>>
      tpu.enqueue_indirect_dma source(%dma_start3A_30 : memref<1000000x64xf32, #tpu.memory_space<hbm>>) target(%dma_start3A_25 : memref<128x64xf32, #tpu.memory_space<vmem>>) offsets(%dma_start3A_27 : memref<128xi32, #tpu.memory_space<vmem>>) semaphore(%arg19 : memref<!tpu.dma_semaphore, #tpu.memory_space<semaphore_mem>>)
      %dma_start3A_31 = arith.constant 256 : i32
      %dma_start3A_32 = arith.constant 0 : i32
      %dma_start3A_33 = tpu.memref_slice %arg12[%dma_start3A_31, %dma_start3A_32] : memref<640x64xf32, #tpu.memory_space<vmem>> -> memref<128x64xf32, #tpu.memory_space<vmem>>
      %dma_start3A_34 = arith.constant 256 : i32
      %dma_start3A_35 = tpu.memref_slice %arg9[%dma_start3A_34] : memref<640xi32, #tpu.memory_space<vmem>> -> memref<128xi32, #tpu.memory_space<vmem>>
      %dma_start3A_36 = arith.constant 0 : i32
      %dma_start3A_37 = arith.constant 0 : i32
      %dma_start3A_38 = tpu.memref_slice %arg5[%dma_start3A_36, %dma_start3A_37] : memref<1000000x64xf32, #tpu.memory_space<hbm>> -> memref<1000000x64xf32, #tpu.memory_space<hbm>>
      tpu.enqueue_indirect_dma source(%dma_start3A_38 : memref<1000000x64xf32, #tpu.memory_space<hbm>>) target(%dma_start3A_33 : memref<128x64xf32, #tpu.memory_space<vmem>>) offsets(%dma_start3A_35 : memref<128xi32, #tpu.memory_space<vmem>>) semaphore(%arg19 : memref<!tpu.dma_semaphore, #tpu.memory_space<semaphore_mem>>)
      %dma_start3A_39 = arith.constant 384 : i32
      %dma_start3A_40 = arith.constant 0 : i32
      %dma_start3A_41 = tpu.memref_slice %arg12[%dma_start3A_39, %dma_start3A_40] : memref<640x64xf32, #tpu.memory_space<vmem>> -> memref<128x64xf32, #tpu.memory_space<vmem>>
      %dma_start3A_42 = arith.constant 384 : i32
      %dma_start3A_43 = tpu.memref_slice %arg9[%dma_start3A_42] : memref<640xi32, #tpu.memory_space<vmem>> -> memref<128xi32, #tpu.memory_space<vmem>>
      %dma_start3A_44 = arith.constant 0 : i32
      %dma_start3A_45 = arith.constant 0 : i32
      %dma_start3A_46 = tpu.memref_slice %arg5[%dma_start3A_44, %dma_start3A_45] : memref<1000000x64xf32, #tpu.memory_space<hbm>> -> memref<1000000x64xf32, #tpu.memory_space<hbm>>
      tpu.enqueue_indirect_dma source(%dma_start3A_46 : memref<1000000x64xf32, #tpu.memory_space<hbm>>) target(%dma_start3A_41 : memref<128x64xf32, #tpu.memory_space<vmem>>) offsets(%dma_start3A_43 : memref<128xi32, #tpu.memory_space<vmem>>) semaphore(%arg19 : memref<!tpu.dma_semaphore, #tpu.memory_space<semaphore_mem>>)
      %dma_start3A_47 = arith.constant 512 : i32
      %dma_start3A_48 = arith.constant 0 : i32
      %dma_start3A_49 = tpu.memref_slice %arg12[%dma_start3A_47, %dma_start3A_48] : memref<640x64xf32, #tpu.memory_space<vmem>> -> memref<128x64xf32, #tpu.memory_space<vmem>>
      %dma_start3A_50 = arith.constant 512 : i32
      %dma_start3A_51 = tpu.memref_slice %arg9[%dma_start3A_50] : memref<640xi32, #tpu.memory_space<vmem>> -> memref<128xi32, #tpu.memory_space<vmem>>
      %dma_start3A_52 = arith.constant 0 : i32
      %dma_start3A_53 = arith.constant 0 : i32
      %dma_start3A_54 = tpu.memref_slice %arg5[%dma_start3A_52, %dma_start3A_53] : memref<1000000x64xf32, #tpu.memory_space<hbm>> -> memref<1000000x64xf32, #tpu.memory_space<hbm>>
      tpu.enqueue_indirect_dma source(%dma_start3A_54 : memref<1000000x64xf32, #tpu.memory_space<hbm>>) target(%dma_start3A_49 : memref<128x64xf32, #tpu.memory_space<vmem>>) offsets(%dma_start3A_51 : memref<128xi32, #tpu.memory_space<vmem>>) semaphore(%arg19 : memref<!tpu.dma_semaphore, #tpu.memory_space<semaphore_mem>>)
      %dma_start3A_55 = arith.constant 0 : i32
      %dma_start3A_56 = arith.constant 0 : i32
      %dma_start3A_57 = tpu.memref_slice %arg6[%dma_start3A_55, %dma_start3A_56] : memref<1000000x64xf32, #tpu.memory_space<hbm>> -> memref<1000000x64xf32, #tpu.memory_space<hbm>>
      tpu.enqueue_indirect_dma source(%dma_start3A_57 : memref<1000000x64xf32, #tpu.memory_space<hbm>>) target(%arg14 : memref<32x64xf32, #tpu.memory_space<vmem>>) offsets(%arg11 : memref<32xi32, #tpu.memory_space<vmem>>) semaphore(%arg20 : memref<!tpu.dma_semaphore, #tpu.memory_space<semaphore_mem>>)
      %dma_start3A_58 = arith.constant 0 : i32
      %dma_start3A_59 = arith.constant 0 : i32
      %dma_start3A_60 = tpu.memref_slice %arg13[%dma_start3A_58, %dma_start3A_59] : memref<640x64xf32, #tpu.memory_space<vmem>> -> memref<128x64xf32, #tpu.memory_space<vmem>>
      %dma_start3A_61 = arith.constant 0 : i32
      %dma_start3A_62 = tpu.memref_slice %arg10[%dma_start3A_61] : memref<640xi32, #tpu.memory_space<vmem>> -> memref<128xi32, #tpu.memory_space<vmem>>
      %dma_start3A_63 = arith.constant 0 : i32
      %dma_start3A_64 = arith.constant 0 : i32
      %dma_start3A_65 = tpu.memref_slice %arg6[%dma_start3A_63, %dma_start3A_64] : memref<1000000x64xf32, #tpu.memory_space<hbm>> -> memref<1000000x64xf32, #tpu.memory_space<hbm>>
      tpu.enqueue_indirect_dma source(%dma_start3A_65 : memref<1000000x64xf32, #tpu.memory_space<hbm>>) target(%dma_start3A_60 : memref<128x64xf32, #tpu.memory_space<vmem>>) offsets(%dma_start3A_62 : memref<128xi32, #tpu.memory_space<vmem>>) semaphore(%arg21 : memref<!tpu.dma_semaphore, #tpu.memory_space<semaphore_mem>>)
      %dma_start3A_66 = arith.constant 128 : i32
      %dma_start3A_67 = arith.constant 0 : i32
      %dma_start3A_68 = tpu.memref_slice %arg13[%dma_start3A_66, %dma_start3A_67] : memref<640x64xf32, #tpu.memory_space<vmem>> -> memref<128x64xf32, #tpu.memory_space<vmem>>
      %dma_start3A_69 = arith.constant 128 : i32
      %dma_start3A_70 = tpu.memref_slice %arg10[%dma_start3A_69] : memref<640xi32, #tpu.memory_space<vmem>> -> memref<128xi32, #tpu.memory_space<vmem>>
      %dma_start3A_71 = arith.constant 0 : i32
      %dma_start3A_72 = arith.constant 0 : i32
      %dma_start3A_73 = tpu.memref_slice %arg6[%dma_start3A_71, %dma_start3A_72] : memref<1000000x64xf32, #tpu.memory_space<hbm>> -> memref<1000000x64xf32, #tpu.memory_space<hbm>>
      tpu.enqueue_indirect_dma source(%dma_start3A_73 : memref<1000000x64xf32, #tpu.memory_space<hbm>>) target(%dma_start3A_68 : memref<128x64xf32, #tpu.memory_space<vmem>>) offsets(%dma_start3A_70 : memref<128xi32, #tpu.memory_space<vmem>>) semaphore(%arg21 : memref<!tpu.dma_semaphore, #tpu.memory_space<semaphore_mem>>)
      %dma_start3A_74 = arith.constant 256 : i32
      %dma_start3A_75 = arith.constant 0 : i32
      %dma_start3A_76 = tpu.memref_slice %arg13[%dma_start3A_74, %dma_start3A_75] : memref<640x64xf32, #tpu.memory_space<vmem>> -> memref<128x64xf32, #tpu.memory_space<vmem>>
      %dma_start3A_77 = arith.constant 256 : i32
      %dma_start3A_78 = tpu.memref_slice %arg10[%dma_start3A_77] : memref<640xi32, #tpu.memory_space<vmem>> -> memref<128xi32, #tpu.memory_space<vmem>>
      %dma_start3A_79 = arith.constant 0 : i32
      %dma_start3A_80 = arith.constant 0 : i32
      %dma_start3A_81 = tpu.memref_slice %arg6[%dma_start3A_79, %dma_start3A_80] : memref<1000000x64xf32, #tpu.memory_space<hbm>> -> memref<1000000x64xf32, #tpu.memory_space<hbm>>
      tpu.enqueue_indirect_dma source(%dma_start3A_81 : memref<1000000x64xf32, #tpu.memory_space<hbm>>) target(%dma_start3A_76 : memref<128x64xf32, #tpu.memory_space<vmem>>) offsets(%dma_start3A_78 : memref<128xi32, #tpu.memory_space<vmem>>) semaphore(%arg21 : memref<!tpu.dma_semaphore, #tpu.memory_space<semaphore_mem>>)
      %dma_start3A_82 = arith.constant 384 : i32
      %dma_start3A_83 = arith.constant 0 : i32
      %dma_start3A_84 = tpu.memref_slice %arg13[%dma_start3A_82, %dma_start3A_83] : memref<640x64xf32, #tpu.memory_space<vmem>> -> memref<128x64xf32, #tpu.memory_space<vmem>>
      %dma_start3A_85 = arith.constant 384 : i32
      %dma_start3A_86 = tpu.memref_slice %arg10[%dma_start3A_85] : memref<640xi32, #tpu.memory_space<vmem>> -> memref<128xi32, #tpu.memory_space<vmem>>
      %dma_start3A_87 = arith.constant 0 : i32
      %dma_start3A_88 = arith.constant 0 : i32
      %dma_start3A_89 = tpu.memref_slice %arg6[%dma_start3A_87, %dma_start3A_88] : memref<1000000x64xf32, #tpu.memory_space<hbm>> -> memref<1000000x64xf32, #tpu.memory_space<hbm>>
      tpu.enqueue_indirect_dma source(%dma_start3A_89 : memref<1000000x64xf32, #tpu.memory_space<hbm>>) target(%dma_start3A_84 : memref<128x64xf32, #tpu.memory_space<vmem>>) offsets(%dma_start3A_86 : memref<128xi32, #tpu.memory_space<vmem>>) semaphore(%arg21 : memref<!tpu.dma_semaphore, #tpu.memory_space<semaphore_mem>>)
      %dma_start3A_90 = arith.constant 512 : i32
      %dma_start3A_91 = arith.constant 0 : i32
      %dma_start3A_92 = tpu.memref_slice %arg13[%dma_start3A_90, %dma_start3A_91] : memref<640x64xf32, #tpu.memory_space<vmem>> -> memref<128x64xf32, #tpu.memory_space<vmem>>
      %dma_start3A_93 = arith.constant 512 : i32
      %dma_start3A_94 = tpu.memref_slice %arg10[%dma_start3A_93] : memref<640xi32, #tpu.memory_space<vmem>> -> memref<128xi32, #tpu.memory_space<vmem>>
      %dma_start3A_95 = arith.constant 0 : i32
      %dma_start3A_96 = arith.constant 0 : i32
      %dma_start3A_97 = tpu.memref_slice %arg6[%dma_start3A_95, %dma_start3A_96] : memref<1000000x64xf32, #tpu.memory_space<hbm>> -> memref<1000000x64xf32, #tpu.memory_space<hbm>>
      tpu.enqueue_indirect_dma source(%dma_start3A_97 : memref<1000000x64xf32, #tpu.memory_space<hbm>>) target(%dma_start3A_92 : memref<128x64xf32, #tpu.memory_space<vmem>>) offsets(%dma_start3A_94 : memref<128xi32, #tpu.memory_space<vmem>>) semaphore(%arg21 : memref<!tpu.dma_semaphore, #tpu.memory_space<semaphore_mem>>)
      %dma_wait3A = arith.constant 0 : i32
      %dma_wait3A_98 = arith.constant 0 : i32
      %dma_wait3A_99 = tpu.memref_slice %arg12[%dma_wait3A, %dma_wait3A_98] : memref<640x64xf32, #tpu.memory_space<vmem>> -> memref<128x64xf32, #tpu.memory_space<vmem>>
      %dma_wait3A_100 = arith.constant 0 : i32
      %dma_wait3A_101 = tpu.memref_slice %arg9[%dma_wait3A_100] : memref<640xi32, #tpu.memory_space<vmem>> -> memref<128xi32, #tpu.memory_space<vmem>>
      %dma_wait3A_102 = arith.constant 0 : i32
      %dma_wait3A_103 = arith.constant 0 : i32
      %dma_wait3A_104 = tpu.memref_slice %arg5[%dma_wait3A_102, %dma_wait3A_103] : memref<1000000x64xf32, #tpu.memory_space<hbm>> -> memref<1000000x64xf32, #tpu.memory_space<hbm>>
      tpu.wait_indirect_dma semaphore(%arg19 : memref<!tpu.dma_semaphore, #tpu.memory_space<semaphore_mem>>) src(%dma_wait3A_104 : memref<1000000x64xf32, #tpu.memory_space<hbm>>) dst(%dma_wait3A_99 : memref<128x64xf32, #tpu.memory_space<vmem>>)
      %dma_wait3A_105 = arith.constant 128 : i32
      %dma_wait3A_106 = arith.constant 0 : i32
      %dma_wait3A_107 = tpu.memref_slice %arg12[%dma_wait3A_105, %dma_wait3A_106] : memref<640x64xf32, #tpu.memory_space<vmem>> -> memref<128x64xf32, #tpu.memory_space<vmem>>
      %dma_wait3A_108 = arith.constant 128 : i32
      %dma_wait3A_109 = tpu.memref_slice %arg9[%dma_wait3A_108] : memref<640xi32, #tpu.memory_space<vmem>> -> memref<128xi32, #tpu.memory_space<vmem>>
      %dma_wait3A_110 = arith.constant 0 : i32
      %dma_wait3A_111 = arith.constant 0 : i32
      %dma_wait3A_112 = tpu.memref_slice %arg5[%dma_wait3A_110, %dma_wait3A_111] : memref<1000000x64xf32, #tpu.memory_space<hbm>> -> memref<1000000x64xf32, #tpu.memory_space<hbm>>
      tpu.wait_indirect_dma semaphore(%arg19 : memref<!tpu.dma_semaphore, #tpu.memory_space<semaphore_mem>>) src(%dma_wait3A_112 : memref<1000000x64xf32, #tpu.memory_space<hbm>>) dst(%dma_wait3A_107 : memref<128x64xf32, #tpu.memory_space<vmem>>)
      %dma_wait3A_113 = arith.constant 256 : i32
      %dma_wait3A_114 = arith.constant 0 : i32
      %dma_wait3A_115 = tpu.memref_slice %arg12[%dma_wait3A_113, %dma_wait3A_114] : memref<640x64xf32, #tpu.memory_space<vmem>> -> memref<128x64xf32, #tpu.memory_space<vmem>>
      %dma_wait3A_116 = arith.constant 256 : i32
      %dma_wait3A_117 = tpu.memref_slice %arg9[%dma_wait3A_116] : memref<640xi32, #tpu.memory_space<vmem>> -> memref<128xi32, #tpu.memory_space<vmem>>
      %dma_wait3A_118 = arith.constant 0 : i32
      %dma_wait3A_119 = arith.constant 0 : i32
      %dma_wait3A_120 = tpu.memref_slice %arg5[%dma_wait3A_118, %dma_wait3A_119] : memref<1000000x64xf32, #tpu.memory_space<hbm>> -> memref<1000000x64xf32, #tpu.memory_space<hbm>>
      tpu.wait_indirect_dma semaphore(%arg19 : memref<!tpu.dma_semaphore, #tpu.memory_space<semaphore_mem>>) src(%dma_wait3A_120 : memref<1000000x64xf32, #tpu.memory_space<hbm>>) dst(%dma_wait3A_115 : memref<128x64xf32, #tpu.memory_space<vmem>>)
      %dma_wait3A_121 = arith.constant 384 : i32
      %dma_wait3A_122 = arith.constant 0 : i32
      %dma_wait3A_123 = tpu.memref_slice %arg12[%dma_wait3A_121, %dma_wait3A_122] : memref<640x64xf32, #tpu.memory_space<vmem>> -> memref<128x64xf32, #tpu.memory_space<vmem>>
      %dma_wait3A_124 = arith.constant 384 : i32
      %dma_wait3A_125 = tpu.memref_slice %arg9[%dma_wait3A_124] : memref<640xi32, #tpu.memory_space<vmem>> -> memref<128xi32, #tpu.memory_space<vmem>>
      %dma_wait3A_126 = arith.constant 0 : i32
      %dma_wait3A_127 = arith.constant 0 : i32
      %dma_wait3A_128 = tpu.memref_slice %arg5[%dma_wait3A_126, %dma_wait3A_127] : memref<1000000x64xf32, #tpu.memory_space<hbm>> -> memref<1000000x64xf32, #tpu.memory_space<hbm>>
      tpu.wait_indirect_dma semaphore(%arg19 : memref<!tpu.dma_semaphore, #tpu.memory_space<semaphore_mem>>) src(%dma_wait3A_128 : memref<1000000x64xf32, #tpu.memory_space<hbm>>) dst(%dma_wait3A_123 : memref<128x64xf32, #tpu.memory_space<vmem>>)
      %dma_wait3A_129 = arith.constant 512 : i32
      %dma_wait3A_130 = arith.constant 0 : i32
      %dma_wait3A_131 = tpu.memref_slice %arg12[%dma_wait3A_129, %dma_wait3A_130] : memref<640x64xf32, #tpu.memory_space<vmem>> -> memref<128x64xf32, #tpu.memory_space<vmem>>
      %dma_wait3A_132 = arith.constant 512 : i32
      %dma_wait3A_133 = tpu.memref_slice %arg9[%dma_wait3A_132] : memref<640xi32, #tpu.memory_space<vmem>> -> memref<128xi32, #tpu.memory_space<vmem>>
      %dma_wait3A_134 = arith.constant 0 : i32
      %dma_wait3A_135 = arith.constant 0 : i32
      %dma_wait3A_136 = tpu.memref_slice %arg5[%dma_wait3A_134, %dma_wait3A_135] : memref<1000000x64xf32, #tpu.memory_space<hbm>> -> memref<1000000x64xf32, #tpu.memory_space<hbm>>
      tpu.wait_indirect_dma semaphore(%arg19 : memref<!tpu.dma_semaphore, #tpu.memory_space<semaphore_mem>>) src(%dma_wait3A_136 : memref<1000000x64xf32, #tpu.memory_space<hbm>>) dst(%dma_wait3A_131 : memref<128x64xf32, #tpu.memory_space<vmem>>)
      %scan3A_137 = arith.constant 0 : i32
      %scan3A_138 = arith.constant 0 : i32
      %scan3A_139 = arith.constant 32 : i32
      %scan3A_140 = arith.addi %scan3A_138, %scan3A_139 : i32
      %scan3A_141 = arith.constant 1 : i32
      scf.for %scan3A_1730 = %scan3A_138 to %scan3A_140 step %scan3A_141  : i32 {
        %mul3A_1731 = arith.constant 20 : i32
        %mul3A_1732 = arith.muli %scan3A_1730, %mul3A_1731 : i32
        %get3A_1733 = arith.index_cast %mul3A_1732 : i32 to index
        %get3A_1734 = arith.constant 0 : index
        %get3A_1735 = tpu.vector_load %arg12[%get3A_1733, %get3A_1734] {strides = array<i32>} : memref<640x64xf32, #tpu.memory_space<vmem>>, vector<16xf32>,
        %mul3A_1736 = arith.constant 20 : i32
        %mul3A_1737 = arith.muli %scan3A_1730, %mul3A_1736 : i32
        %add3A_1738 = arith.constant 1 : i32
        %add3A_1739 = arith.addi %mul3A_1737, %add3A_1738 : i32
        %get3A_1740 = arith.index_cast %add3A_1739 : i32 to index
        %get3A_1741 = arith.constant 0 : index
        %get3A_1742 = tpu.vector_load %arg12[%get3A_1740, %get3A_1741] {strides = array<i32>} : memref<640x64xf32, #tpu.memory_space<vmem>>, vector<16xf32>,
        %add3A_1743 = arith.addf %get3A_1735, %get3A_1742 : vector<16xf32>
        %mul3A_1744 = arith.constant 20 : i32
        %mul3A_1745 = arith.muli %scan3A_1730, %mul3A_1744 : i32
        %add3A_1746 = arith.constant 2 : i32
        %add3A_1747 = arith.addi %mul3A_1745, %add3A_1746 : i32
        %get3A_1748 = arith.index_cast %add3A_1747 : i32 to index
        %get3A_1749 = arith.constant 0 : index
        %get3A_1750 = tpu.vector_load %arg12[%get3A_1748, %get3A_1749] {strides = array<i32>} : memref<640x64xf32, #tpu.memory_space<vmem>>, vector<16xf32>,
        %add3A_1751 = arith.addf %add3A_1743, %get3A_1750 : vector<16xf32>
        %mul3A_1752 = arith.constant 20 : i32
        %mul3A_1753 = arith.muli %scan3A_1730, %mul3A_1752 : i32
        %add3A_1754 = arith.constant 3 : i32
        %add3A_1755 = arith.addi %mul3A_1753, %add3A_1754 : i32
        %get3A_1756 = arith.index_cast %add3A_1755 : i32 to index
        %get3A_1757 = arith.constant 0 : index
        %get3A_1758 = tpu.vector_load %arg12[%get3A_1756, %get3A_1757] {strides = array<i32>} : memref<640x64xf32, #tpu.memory_space<vmem>>, vector<16xf32>,
        %add3A_1759 = arith.addf %add3A_1751, %get3A_1758 : vector<16xf32>
        %mul3A_1760 = arith.constant 20 : i32
        %mul3A_1761 = arith.muli %scan3A_1730, %mul3A_1760 : i32
        %add3A_1762 = arith.constant 4 : i32
        %add3A_1763 = arith.addi %mul3A_1761, %add3A_1762 : i32
        %get3A_1764 = arith.index_cast %add3A_1763 : i32 to index
        %get3A_1765 = arith.constant 0 : index
        %get3A_1766 = tpu.vector_load %arg12[%get3A_1764, %get3A_1765] {strides = array<i32>} : memref<640x64xf32, #tpu.memory_space<vmem>>, vector<16xf32>,
        %add3A_1767 = arith.addf %add3A_1759, %get3A_1766 : vector<16xf32>
        %mul3A_1768 = arith.constant 20 : i32
        %mul3A_1769 = arith.muli %scan3A_1730, %mul3A_1768 : i32
        %add3A_1770 = arith.constant 5 : i32
        %add3A_1771 = arith.addi %mul3A_1769, %add3A_1770 : i32
        %get3A_1772 = arith.index_cast %add3A_1771 : i32 to index
        %get3A_1773 = arith.constant 0 : index
        %get3A_1774 = tpu.vector_load %arg12[%get3A_1772, %get3A_1773] {strides = array<i32>} : memref<640x64xf32, #tpu.memory_space<vmem>>, vector<16xf32>,
        %add3A_1775 = arith.addf %add3A_1767, %get3A_1774 : vector<16xf32>
        %mul3A_1776 = arith.constant 20 : i32
        %mul3A_1777 = arith.muli %scan3A_1730, %mul3A_1776 : i32
        %add3A_1778 = arith.constant 6 : i32
        %add3A_1779 = arith.addi %mul3A_1777, %add3A_1778 : i32
        %get3A_1780 = arith.index_cast %add3A_1779 : i32 to index
        %get3A_1781 = arith.constant 0 : index
        %get3A_1782 = tpu.vector_load %arg12[%get3A_1780, %get3A_1781] {strides = array<i32>} : memref<640x64xf32, #tpu.memory_space<vmem>>, vector<16xf32>,
        %add3A_1783 = arith.addf %add3A_1775, %get3A_1782 : vector<16xf32>
        %mul3A_1784 = arith.constant 20 : i32
        %mul3A_1785 = arith.muli %scan3A_1730, %mul3A_1784 : i32
        %add3A_1786 = arith.constant 7 : i32
        %add3A_1787 = arith.addi %mul3A_1785, %add3A_1786 : i32
        %get3A_1788 = arith.index_cast %add3A_1787 : i32 to index
        %get3A_1789 = arith.constant 0 : index
        %get3A_1790 = tpu.vector_load %arg12[%get3A_1788, %get3A_1789] {strides = array<i32>} : memref<640x64xf32, #tpu.memory_space<vmem>>, vector<16xf32>,
        %add3A_1791 = arith.addf %add3A_1783, %get3A_1790 : vector<16xf32>
        %mul3A_1792 = arith.constant 20 : i32
        %mul3A_1793 = arith.muli %scan3A_1730, %mul3A_1792 : i32
        %add3A_1794 = arith.constant 8 : i32
        %add3A_1795 = arith.addi %mul3A_1793, %add3A_1794 : i32
        %get3A_1796 = arith.index_cast %add3A_1795 : i32 to index
        %get3A_1797 = arith.constant 0 : index
        %get3A_1798 = tpu.vector_load %arg12[%get3A_1796, %get3A_1797] {strides = array<i32>} : memref<640x64xf32, #tpu.memory_space<vmem>>, vector<16xf32>,
        %add3A_1799 = arith.addf %add3A_1791, %get3A_1798 : vector<16xf32>
        %mul3A_1800 = arith.constant 20 : i32
        %mul3A_1801 = arith.muli %scan3A_1730, %mul3A_1800 : i32
        %add3A_1802 = arith.constant 9 : i32
        %add3A_1803 = arith.addi %mul3A_1801, %add3A_1802 : i32
        %get3A_1804 = arith.index_cast %add3A_1803 : i32 to index
        %get3A_1805 = arith.constant 0 : index
        %get3A_1806 = tpu.vector_load %arg12[%get3A_1804, %get3A_1805] {strides = array<i32>} : memref<640x64xf32, #tpu.memory_space<vmem>>, vector<16xf32>,
        %add3A_1807 = arith.addf %add3A_1799, %get3A_1806 : vector<16xf32>
        %mul3A_1808 = arith.constant 20 : i32
        %mul3A_1809 = arith.muli %scan3A_1730, %mul3A_1808 : i32
        %add3A_1810 = arith.constant 10 : i32
        %add3A_1811 = arith.addi %mul3A_1809, %add3A_1810 : i32
        %get3A_1812 = arith.index_cast %add3A_1811 : i32 to index
        %get3A_1813 = arith.constant 0 : index
        %get3A_1814 = tpu.vector_load %arg12[%get3A_1812, %get3A_1813] {strides = array<i32>} : memref<640x64xf32, #tpu.memory_space<vmem>>, vector<16xf32>,
        %add3A_1815 = arith.addf %add3A_1807, %get3A_1814 : vector<16xf32>
        %mul3A_1816 = arith.constant 20 : i32
        %mul3A_1817 = arith.muli %scan3A_1730, %mul3A_1816 : i32
        %add3A_1818 = arith.constant 11 : i32
        %add3A_1819 = arith.addi %mul3A_1817, %add3A_1818 : i32
        %get3A_1820 = arith.index_cast %add3A_1819 : i32 to index
        %get3A_1821 = arith.constant 0 : index
        %get3A_1822 = tpu.vector_load %arg12[%get3A_1820, %get3A_1821] {strides = array<i32>} : memref<640x64xf32, #tpu.memory_space<vmem>>, vector<16xf32>,
        %add3A_1823 = arith.addf %add3A_1815, %get3A_1822 : vector<16xf32>
        %mul3A_1824 = arith.constant 20 : i32
        %mul3A_1825 = arith.muli %scan3A_1730, %mul3A_1824 : i32
        %add3A_1826 = arith.constant 12 : i32
        %add3A_1827 = arith.addi %mul3A_1825, %add3A_1826 : i32
        %get3A_1828 = arith.index_cast %add3A_1827 : i32 to index
        %get3A_1829 = arith.constant 0 : index
        %get3A_1830 = tpu.vector_load %arg12[%get3A_1828, %get3A_1829] {strides = array<i32>} : memref<640x64xf32, #tpu.memory_space<vmem>>, vector<16xf32>,
        %add3A_1831 = arith.addf %add3A_1823, %get3A_1830 : vector<16xf32>
        %mul3A_1832 = arith.constant 20 : i32
        %mul3A_1833 = arith.muli %scan3A_1730, %mul3A_1832 : i32
        %add3A_1834 = arith.constant 13 : i32
        %add3A_1835 = arith.addi %mul3A_1833, %add3A_1834 : i32
        %get3A_1836 = arith.index_cast %add3A_1835 : i32 to index
        %get3A_1837 = arith.constant 0 : index
        %get3A_1838 = tpu.vector_load %arg12[%get3A_1836, %get3A_1837] {strides = array<i32>} : memref<640x64xf32, #tpu.memory_space<vmem>>, vector<16xf32>,
        %add3A_1839 = arith.addf %add3A_1831, %get3A_1838 : vector<16xf32>
        %mul3A_1840 = arith.constant 20 : i32
        %mul3A_1841 = arith.muli %scan3A_1730, %mul3A_1840 : i32
        %add3A_1842 = arith.constant 14 : i32
        %add3A_1843 = arith.addi %mul3A_1841, %add3A_1842 : i32
        %get3A_1844 = arith.index_cast %add3A_1843 : i32 to index
        %get3A_1845 = arith.constant 0 : index
        %get3A_1846 = tpu.vector_load %arg12[%get3A_1844, %get3A_1845] {strides = array<i32>} : memref<640x64xf32, #tpu.memory_space<vmem>>, vector<16xf32>,
        %add3A_1847 = arith.addf %add3A_1839, %get3A_1846 : vector<16xf32>
        %mul3A_1848 = arith.constant 20 : i32
        %mul3A_1849 = arith.muli %scan3A_1730, %mul3A_1848 : i32
        %add3A_1850 = arith.constant 15 : i32
        %add3A_1851 = arith.addi %mul3A_1849, %add3A_1850 : i32
        %get3A_1852 = arith.index_cast %add3A_1851 : i32 to index
        %get3A_1853 = arith.constant 0 : index
        %get3A_1854 = tpu.vector_load %arg12[%get3A_1852, %get3A_1853] {strides = array<i32>} : memref<640x64xf32, #tpu.memory_space<vmem>>, vector<16xf32>,
        %add3A_1855 = arith.addf %add3A_1847, %get3A_1854 : vector<16xf32>
        %mul3A_1856 = arith.constant 20 : i32
        %mul3A_1857 = arith.muli %scan3A_1730, %mul3A_1856 : i32
        %add3A_1858 = arith.constant 16 : i32
        %add3A_1859 = arith.addi %mul3A_1857, %add3A_1858 : i32
        %get3A_1860 = arith.index_cast %add3A_1859 : i32 to index
        %get3A_1861 = arith.constant 0 : index
        %get3A_1862 = tpu.vector_load %arg12[%get3A_1860, %get3A_1861] {strides = array<i32>} : memref<640x64xf32, #tpu.memory_space<vmem>>, vector<16xf32>,
        %add3A_1863 = arith.addf %add3A_1855, %get3A_1862 : vector<16xf32>
        %mul3A_1864 = arith.constant 20 : i32
        %mul3A_1865 = arith.muli %scan3A_1730, %mul3A_1864 : i32
        %add3A_1866 = arith.constant 17 : i32
        %add3A_1867 = arith.addi %mul3A_1865, %add3A_1866 : i32
        %get3A_1868 = arith.index_cast %add3A_1867 : i32 to index
        %get3A_1869 = arith.constant 0 : index
        %get3A_1870 = tpu.vector_load %arg12[%get3A_1868, %get3A_1869] {strides = array<i32>} : memref<640x64xf32, #tpu.memory_space<vmem>>, vector<16xf32>,
        %add3A_1871 = arith.addf %add3A_1863, %get3A_1870 : vector<16xf32>
        %mul3A_1872 = arith.constant 20 : i32
        %mul3A_1873 = arith.muli %scan3A_1730, %mul3A_1872 : i32
        %add3A_1874 = arith.constant 18 : i32
        %add3A_1875 = arith.addi %mul3A_1873, %add3A_1874 : i32
        %get3A_1876 = arith.index_cast %add3A_1875 : i32 to index
        %get3A_1877 = arith.constant 0 : index
        %get3A_1878 = tpu.vector_load %arg12[%get3A_1876, %get3A_1877] {strides = array<i32>} : memref<640x64xf32, #tpu.memory_space<vmem>>, vector<16xf32>,
        %add3A_1879 = arith.addf %add3A_1871, %get3A_1878 : vector<16xf32>
        %mul3A_1880 = arith.constant 20 : i32
        %mul3A_1881 = arith.muli %scan3A_1730, %mul3A_1880 : i32
        %add3A_1882 = arith.constant 19 : i32
        %add3A_1883 = arith.addi %mul3A_1881, %add3A_1882 : i32
        %get3A_1884 = arith.index_cast %add3A_1883 : i32 to index
        %get3A_1885 = arith.constant 0 : index
        %get3A_1886 = tpu.vector_load %arg12[%get3A_1884, %get3A_1885] {strides = array<i32>} : memref<640x64xf32, #tpu.memory_space<vmem>>, vector<16xf32>,
        %add3A_1887 = arith.addf %add3A_1879, %get3A_1886 : vector<16xf32>
        %mul3A_1888 = arith.constant 5.000000e-02 : f32
        %mul3A_1889 = vector.broadcast %mul3A_1888 : f32 to vector<16xf32>
        %mul3A_1890 = arith.mulf %add3A_1887, %mul3A_1889 : vector<16xf32>
        %swap3A_1891 = arith.index_cast %scan3A_1730 : i32 to index
        %swap3A_1892 = arith.constant 0 : index
        %swap3A_1893 = tpu.vector_load %arg15[%swap3A_1891, %swap3A_1892] {strides = array<i32>} : memref<32x64xf32, #tpu.memory_space<vmem>>, vector<16xf32>,
        tpu.vector_store %arg15[%swap3A_1891, %swap3A_1892], %mul3A_1890 {strides = array<i32>} : memref<32x64xf32, #tpu.memory_space<vmem>>, vector<16xf32>,
        %mul3A_1894 = arith.constant 20 : i32
        %mul3A_1895 = arith.muli %scan3A_1730, %mul3A_1894 : i32
        %get3A_1896 = arith.index_cast %mul3A_1895 : i32 to index
        %get3A_1897 = arith.constant 16 : index
        %get3A_1898 = tpu.vector_load %arg12[%get3A_1896, %get3A_1897] {strides = array<i32>} : memref<640x64xf32, #tpu.memory_space<vmem>>, vector<16xf32>,
        %mul3A_1899 = arith.constant 20 : i32
        %mul3A_1900 = arith.muli %scan3A_1730, %mul3A_1899 : i32
        %add3A_1901 = arith.constant 1 : i32
        %add3A_1902 = arith.addi %mul3A_1900, %add3A_1901 : i32
        %get3A_1903 = arith.index_cast %add3A_1902 : i32 to index
        %get3A_1904 = arith.constant 16 : index
        %get3A_1905 = tpu.vector_load %arg12[%get3A_1903, %get3A_1904] {strides = array<i32>} : memref<640x64xf32, #tpu.memory_space<vmem>>, vector<16xf32>,
        %add3A_1906 = arith.addf %get3A_1898, %get3A_1905 : vector<16xf32>
        %mul3A_1907 = arith.constant 20 : i32
        %mul3A_1908 = arith.muli %scan3A_1730, %mul3A_1907 : i32
        %add3A_1909 = arith.constant 2 : i32
        %add3A_1910 = arith.addi %mul3A_1908, %add3A_1909 : i32
        %get3A_1911 = arith.index_cast %add3A_1910 : i32 to index
        %get3A_1912 = arith.constant 16 : index
        %get3A_1913 = tpu.vector_load %arg12[%get3A_1911, %get3A_1912] {strides = array<i32>} : memref<640x64xf32, #tpu.memory_space<vmem>>, vector<16xf32>,
        %add3A_1914 = arith.addf %add3A_1906, %get3A_1913 : vector<16xf32>
        %mul3A_1915 = arith.constant 20 : i32
        %mul3A_1916 = arith.muli %scan3A_1730, %mul3A_1915 : i32
        %add3A_1917 = arith.constant 3 : i32
        %add3A_1918 = arith.addi %mul3A_1916, %add3A_1917 : i32
        %get3A_1919 = arith.index_cast %add3A_1918 : i32 to index
        %get3A_1920 = arith.constant 16 : index
        %get3A_1921 = tpu.vector_load %arg12[%get3A_1919, %get3A_1920] {strides = array<i32>} : memref<640x64xf32, #tpu.memory_space<vmem>>, vector<16xf32>,
        %add3A_1922 = arith.addf %add3A_1914, %get3A_1921 : vector<16xf32>
        %mul3A_1923 = arith.constant 20 : i32
        %mul3A_1924 = arith.muli %scan3A_1730, %mul3A_1923 : i32
        %add3A_1925 = arith.constant 4 : i32
        %add3A_1926 = arith.addi %mul3A_1924, %add3A_1925 : i32
        %get3A_1927 = arith.index_cast %add3A_1926 : i32 to index
        %get3A_1928 = arith.constant 16 : index
        %get3A_1929 = tpu.vector_load %arg12[%get3A_1927, %get3A_1928] {strides = array<i32>} : memref<640x64xf32, #tpu.memory_space<vmem>>, vector<16xf32>,
        %add3A_1930 = arith.addf %add3A_1922, %get3A_1929 : vector<16xf32>
        %mul3A_1931 = arith.constant 20 : i32
        %mul3A_1932 = arith.muli %scan3A_1730, %mul3A_1931 : i32
        %add3A_1933 = arith.constant 5 : i32
        %add3A_1934 = arith.addi %mul3A_1932, %add3A_1933 : i32
        %get3A_1935 = arith.index_cast %add3A_1934 : i32 to index
        %get3A_1936 = arith.constant 16 : index
        %get3A_1937 = tpu.vector_load %arg12[%get3A_1935, %get3A_1936] {strides = array<i32>} : memref<640x64xf32, #tpu.memory_space<vmem>>, vector<16xf32>,
        %add3A_1938 = arith.addf %add3A_1930, %get3A_1937 : vector<16xf32>
        %mul3A_1939 = arith.constant 20 : i32
        %mul3A_1940 = arith.muli %scan3A_1730, %mul3A_1939 : i32
        %add3A_1941 = arith.constant 6 : i32
        %add3A_1942 = arith.addi %mul3A_1940, %add3A_1941 : i32
        %get3A_1943 = arith.index_cast %add3A_1942 : i32 to index
        %get3A_1944 = arith.constant 16 : index
        %get3A_1945 = tpu.vector_load %arg12[%get3A_1943, %get3A_1944] {strides = array<i32>} : memref<640x64xf32, #tpu.memory_space<vmem>>, vector<16xf32>,
        %add3A_1946 = arith.addf %add3A_1938, %get3A_1945 : vector<16xf32>
        %mul3A_1947 = arith.constant 20 : i32
        %mul3A_1948 = arith.muli %scan3A_1730, %mul3A_1947 : i32
        %add3A_1949 = arith.constant 7 : i32
        %add3A_1950 = arith.addi %mul3A_1948, %add3A_1949 : i32
        %get3A_1951 = arith.index_cast %add3A_1950 : i32 to index
        %get3A_1952 = arith.constant 16 : index
        %get3A_1953 = tpu.vector_load %arg12[%get3A_1951, %get3A_1952] {strides = array<i32>} : memref<640x64xf32, #tpu.memory_space<vmem>>, vector<16xf32>,
        %add3A_1954 = arith.addf %add3A_1946, %get3A_1953 : vector<16xf32>
        %mul3A_1955 = arith.constant 20 : i32
        %mul3A_1956 = arith.muli %scan3A_1730, %mul3A_1955 : i32
        %add3A_1957 = arith.constant 8 : i32
        %add3A_1958 = arith.addi %mul3A_1956, %add3A_1957 : i32
        %get3A_1959 = arith.index_cast %add3A_1958 : i32 to index
        %get3A_1960 = arith.constant 16 : index
        %get3A_1961 = tpu.vector_load %arg12[%get3A_1959, %get3A_1960] {strides = array<i32>} : memref<640x64xf32, #tpu.memory_space<vmem>>, vector<16xf32>,
        %add3A_1962 = arith.addf %add3A_1954, %get3A_1961 : vector<16xf32>
        %mul3A_1963 = arith.constant 20 : i32
        %mul3A_1964 = arith.muli %scan3A_1730, %mul3A_1963 : i32
        %add3A_1965 = arith.constant 9 : i32
        %add3A_1966 = arith.addi %mul3A_1964, %add3A_1965 : i32
        %get3A_1967 = arith.index_cast %add3A_1966 : i32 to index
        %get3A_1968 = arith.constant 16 : index
        %get3A_1969 = tpu.vector_load %arg12[%get3A_1967, %get3A_1968] {strides = array<i32>} : memref<640x64xf32, #tpu.memory_space<vmem>>, vector<16xf32>,
        %add3A_1970 = arith.addf %add3A_1962, %get3A_1969 : vector<16xf32>
        %mul3A_1971 = arith.constant 20 : i32
        %mul3A_1972 = arith.muli %scan3A_1730, %mul3A_1971 : i32
        %add3A_1973 = arith.constant 10 : i32
        %add3A_1974 = arith.addi %mul3A_1972, %add3A_1973 : i32
        %get3A_1975 = arith.index_cast %add3A_1974 : i32 to index
        %get3A_1976 = arith.constant 16 : index
        %get3A_1977 = tpu.vector_load %arg12[%get3A_1975, %get3A_1976] {strides = array<i32>} : memref<640x64xf32, #tpu.memory_space<vmem>>, vector<16xf32>,
        %add3A_1978 = arith.addf %add3A_1970, %get3A_1977 : vector<16xf32>
        %mul3A_1979 = arith.constant 20 : i32
        %mul3A_1980 = arith.muli %scan3A_1730, %mul3A_1979 : i32
        %add3A_1981 = arith.constant 11 : i32
        %add3A_1982 = arith.addi %mul3A_1980, %add3A_1981 : i32
        %get3A_1983 = arith.index_cast %add3A_1982 : i32 to index
        %get3A_1984 = arith.constant 16 : index
        %get3A_1985 = tpu.vector_load %arg12[%get3A_1983, %get3A_1984] {strides = array<i32>} : memref<640x64xf32, #tpu.memory_space<vmem>>, vector<16xf32>,
        %add3A_1986 = arith.addf %add3A_1978, %get3A_1985 : vector<16xf32>
        %mul3A_1987 = arith.constant 20 : i32
        %mul3A_1988 = arith.muli %scan3A_1730, %mul3A_1987 : i32
        %add3A_1989 = arith.constant 12 : i32
        %add3A_1990 = arith.addi %mul3A_1988, %add3A_1989 : i32
        %get3A_1991 = arith.index_cast %add3A_1990 : i32 to index
        %get3A_1992 = arith.constant 16 : index
        %get3A_1993 = tpu.vector_load %arg12[%get3A_1991, %get3A_1992] {strides = array<i32>} : memref<640x64xf32, #tpu.memory_space<vmem>>, vector<16xf32>,
        %add3A_1994 = arith.addf %add3A_1986, %get3A_1993 : vector<16xf32>
        %mul3A_1995 = arith.constant 20 : i32
        %mul3A_1996 = arith.muli %scan3A_1730, %mul3A_1995 : i32
        %add3A_1997 = arith.constant 13 : i32
        %add3A_1998 = arith.addi %mul3A_1996, %add3A_1997 : i32
        %get3A_1999 = arith.index_cast %add3A_1998 : i32 to index
        %get3A_2000 = arith.constant 16 : index
        %get3A_2001 = tpu.vector_load %arg12[%get3A_1999, %get3A_2000] {strides = array<i32>} : memref<640x64xf32, #tpu.memory_space<vmem>>, vector<16xf32>,
        %add3A_2002 = arith.addf %add3A_1994, %get3A_2001 : vector<16xf32>
        %mul3A_2003 = arith.constant 20 : i32
        %mul3A_2004 = arith.muli %scan3A_1730, %mul3A_2003 : i32
        %add3A_2005 = arith.constant 14 : i32
        %add3A_2006 = arith.addi %mul3A_2004, %add3A_2005 : i32
        %get3A_2007 = arith.index_cast %add3A_2006 : i32 to index
        %get3A_2008 = arith.constant 16 : index
        %get3A_2009 = tpu.vector_load %arg12[%get3A_2007, %get3A_2008] {strides = array<i32>} : memref<640x64xf32, #tpu.memory_space<vmem>>, vector<16xf32>,
        %add3A_2010 = arith.addf %add3A_2002, %get3A_2009 : vector<16xf32>
        %mul3A_2011 = arith.constant 20 : i32
        %mul3A_2012 = arith.muli %scan3A_1730, %mul3A_2011 : i32
        %add3A_2013 = arith.constant 15 : i32
        %add3A_2014 = arith.addi %mul3A_2012, %add3A_2013 : i32
        %get3A_2015 = arith.index_cast %add3A_2014 : i32 to index
        %get3A_2016 = arith.constant 16 : index
        %get3A_2017 = tpu.vector_load %arg12[%get3A_2015, %get3A_2016] {strides = array<i32>} : memref<640x64xf32, #tpu.memory_space<vmem>>, vector<16xf32>,
        %add3A_2018 = arith.addf %add3A_2010, %get3A_2017 : vector<16xf32>
        %mul3A_2019 = arith.constant 20 : i32
        %mul3A_2020 = arith.muli %scan3A_1730, %mul3A_2019 : i32
        %add3A_2021 = arith.constant 16 : i32
        %add3A_2022 = arith.addi %mul3A_2020, %add3A_2021 : i32
        %get3A_2023 = arith.index_cast %add3A_2022 : i32 to index
        %get3A_2024 = arith.constant 16 : index
        %get3A_2025 = tpu.vector_load %arg12[%get3A_2023, %get3A_2024] {strides = array<i32>} : memref<640x64xf32, #tpu.memory_space<vmem>>, vector<16xf32>,
        %add3A_2026 = arith.addf %add3A_2018, %get3A_2025 : vector<16xf32>
        %mul3A_2027 = arith.constant 20 : i32
        %mul3A_2028 = arith.muli %scan3A_1730, %mul3A_2027 : i32
        %add3A_2029 = arith.constant 17 : i32
        %add3A_2030 = arith.addi %mul3A_2028, %add3A_2029 : i32
        %get3A_2031 = arith.index_cast %add3A_2030 : i32 to index
        %get3A_2032 = arith.constant 16 : index
        %get3A_2033 = tpu.vector_load %arg12[%get3A_2031, %get3A_2032] {strides = array<i32>} : memref<640x64xf32, #tpu.memory_space<vmem>>, vector<16xf32>,
        %add3A_2034 = arith.addf %add3A_2026, %get3A_2033 : vector<16xf32>
        %mul3A_2035 = arith.constant 20 : i32
        %mul3A_2036 = arith.muli %scan3A_1730, %mul3A_2035 : i32
        %add3A_2037 = arith.constant 18 : i32
        %add3A_2038 = arith.addi %mul3A_2036, %add3A_2037 : i32
        %get3A_2039 = arith.index_cast %add3A_2038 : i32 to index
        %get3A_2040 = arith.constant 16 : index
        %get3A_2041 = tpu.vector_load %arg12[%get3A_2039, %get3A_2040] {strides = array<i32>} : memref<640x64xf32, #tpu.memory_space<vmem>>, vector<16xf32>,
        %add3A_2042 = arith.addf %add3A_2034, %get3A_2041 : vector<16xf32>
        %mul3A_2043 = arith.constant 20 : i32
        %mul3A_2044 = arith.muli %scan3A_1730, %mul3A_2043 : i32
        %add3A_2045 = arith.constant 19 : i32
        %add3A_2046 = arith.addi %mul3A_2044, %add3A_2045 : i32
        %get3A_2047 = arith.index_cast %add3A_2046 : i32 to index
        %get3A_2048 = arith.constant 16 : index
        %get3A_2049 = tpu.vector_load %arg12[%get3A_2047, %get3A_2048] {strides = array<i32>} : memref<640x64xf32, #tpu.memory_space<vmem>>, vector<16xf32>,
        %add3A_2050 = arith.addf %add3A_2042, %get3A_2049 : vector<16xf32>
        %mul3A_2051 = arith.constant 5.000000e-02 : f32
        %mul3A_2052 = vector.broadcast %mul3A_2051 : f32 to vector<16xf32>
        %mul3A_2053 = arith.mulf %add3A_2050, %mul3A_2052 : vector<16xf32>
        %swap3A_2054 = arith.index_cast %scan3A_1730 : i32 to index
        %swap3A_2055 = arith.constant 16 : index
        %swap3A_2056 = tpu.vector_load %arg15[%swap3A_2054, %swap3A_2055] {strides = array<i32>} : memref<32x64xf32, #tpu.memory_space<vmem>>, vector<16xf32>,
        tpu.vector_store %arg15[%swap3A_2054, %swap3A_2055], %mul3A_2053 {strides = array<i32>} : memref<32x64xf32, #tpu.memory_space<vmem>>, vector<16xf32>,
        %mul3A_2057 = arith.constant 20 : i32
        %mul3A_2058 = arith.muli %scan3A_1730, %mul3A_2057 : i32
        %get3A_2059 = arith.index_cast %mul3A_2058 : i32 to index
        %get3A_2060 = arith.constant 32 : index
        %get3A_2061 = tpu.vector_load %arg12[%get3A_2059, %get3A_2060] {strides = array<i32>} : memref<640x64xf32, #tpu.memory_space<vmem>>, vector<16xf32>,
        %mul3A_2062 = arith.constant 20 : i32
        %mul3A_2063 = arith.muli %scan3A_1730, %mul3A_2062 : i32
        %add3A_2064 = arith.constant 1 : i32
        %add3A_2065 = arith.addi %mul3A_2063, %add3A_2064 : i32
        %get3A_2066 = arith.index_cast %add3A_2065 : i32 to index
        %get3A_2067 = arith.constant 32 : index
        %get3A_2068 = tpu.vector_load %arg12[%get3A_2066, %get3A_2067] {strides = array<i32>} : memref<640x64xf32, #tpu.memory_space<vmem>>, vector<16xf32>,
        %add3A_2069 = arith.addf %get3A_2061, %get3A_2068 : vector<16xf32>
        %mul3A_2070 = arith.constant 20 : i32
        %mul3A_2071 = arith.muli %scan3A_1730, %mul3A_2070 : i32
        %add3A_2072 = arith.constant 2 : i32
        %add3A_2073 = arith.addi %mul3A_2071, %add3A_2072 : i32
        %get3A_2074 = arith.index_cast %add3A_2073 : i32 to index
        %get3A_2075 = arith.constant 32 : index
        %get3A_2076 = tpu.vector_load %arg12[%get3A_2074, %get3A_2075] {strides = array<i32>} : memref<640x64xf32, #tpu.memory_space<vmem>>, vector<16xf32>,
        %add3A_2077 = arith.addf %add3A_2069, %get3A_2076 : vector<16xf32>
        %mul3A_2078 = arith.constant 20 : i32
        %mul3A_2079 = arith.muli %scan3A_1730, %mul3A_2078 : i32
        %add3A_2080 = arith.constant 3 : i32
        %add3A_2081 = arith.addi %mul3A_2079, %add3A_2080 : i32
        %get3A_2082 = arith.index_cast %add3A_2081 : i32 to index
        %get3A_2083 = arith.constant 32 : index
        %get3A_2084 = tpu.vector_load %arg12[%get3A_2082, %get3A_2083] {strides = array<i32>} : memref<640x64xf32, #tpu.memory_space<vmem>>, vector<16xf32>,
        %add3A_2085 = arith.addf %add3A_2077, %get3A_2084 : vector<16xf32>
        %mul3A_2086 = arith.constant 20 : i32
        %mul3A_2087 = arith.muli %scan3A_1730, %mul3A_2086 : i32
        %add3A_2088 = arith.constant 4 : i32
        %add3A_2089 = arith.addi %mul3A_2087, %add3A_2088 : i32
        %get3A_2090 = arith.index_cast %add3A_2089 : i32 to index
        %get3A_2091 = arith.constant 32 : index
        %get3A_2092 = tpu.vector_load %arg12[%get3A_2090, %get3A_2091] {strides = array<i32>} : memref<640x64xf32, #tpu.memory_space<vmem>>, vector<16xf32>,
        %add3A_2093 = arith.addf %add3A_2085, %get3A_2092 : vector<16xf32>
        %mul3A_2094 = arith.constant 20 : i32
        %mul3A_2095 = arith.muli %scan3A_1730, %mul3A_2094 : i32
        %add3A_2096 = arith.constant 5 : i32
        %add3A_2097 = arith.addi %mul3A_2095, %add3A_2096 : i32
        %get3A_2098 = arith.index_cast %add3A_2097 : i32 to index
        %get3A_2099 = arith.constant 32 : index
        %get3A_2100 = tpu.vector_load %arg12[%get3A_2098, %get3A_2099] {strides = array<i32>} : memref<640x64xf32, #tpu.memory_space<vmem>>, vector<16xf32>,
        %add3A_2101 = arith.addf %add3A_2093, %get3A_2100 : vector<16xf32>
        %mul3A_2102 = arith.constant 20 : i32
        %mul3A_2103 = arith.muli %scan3A_1730, %mul3A_2102 : i32
        %add3A_2104 = arith.constant 6 : i32
        %add3A_2105 = arith.addi %mul3A_2103, %add3A_2104 : i32
        %get3A_2106 = arith.index_cast %add3A_2105 : i32 to index
        %get3A_2107 = arith.constant 32 : index
        %get3A_2108 = tpu.vector_load %arg12[%get3A_2106, %get3A_2107] {strides = array<i32>} : memref<640x64xf32, #tpu.memory_space<vmem>>, vector<16xf32>,
        %add3A_2109 = arith.addf %add3A_2101, %get3A_2108 : vector<16xf32>
        %mul3A_2110 = arith.constant 20 : i32
        %mul3A_2111 = arith.muli %scan3A_1730, %mul3A_2110 : i32
        %add3A_2112 = arith.constant 7 : i32
        %add3A_2113 = arith.addi %mul3A_2111, %add3A_2112 : i32
        %get3A_2114 = arith.index_cast %add3A_2113 : i32 to index
        %get3A_2115 = arith.constant 32 : index
        %get3A_2116 = tpu.vector_load %arg12[%get3A_2114, %get3A_2115] {strides = array<i32>} : memref<640x64xf32, #tpu.memory_space<vmem>>, vector<16xf32>,
        %add3A_2117 = arith.addf %add3A_2109, %get3A_2116 : vector<16xf32>
        %mul3A_2118 = arith.constant 20 : i32
        %mul3A_2119 = arith.muli %scan3A_1730, %mul3A_2118 : i32
        %add3A_2120 = arith.constant 8 : i32
        %add3A_2121 = arith.addi %mul3A_2119, %add3A_2120 : i32
        %get3A_2122 = arith.index_cast %add3A_2121 : i32 to index
        %get3A_2123 = arith.constant 32 : index
        %get3A_2124 = tpu.vector_load %arg12[%get3A_2122, %get3A_2123] {strides = array<i32>} : memref<640x64xf32, #tpu.memory_space<vmem>>, vector<16xf32>,
        %add3A_2125 = arith.addf %add3A_2117, %get3A_2124 : vector<16xf32>
        %mul3A_2126 = arith.constant 20 : i32
        %mul3A_2127 = arith.muli %scan3A_1730, %mul3A_2126 : i32
        %add3A_2128 = arith.constant 9 : i32
        %add3A_2129 = arith.addi %mul3A_2127, %add3A_2128 : i32
        %get3A_2130 = arith.index_cast %add3A_2129 : i32 to index
        %get3A_2131 = arith.constant 32 : index
        %get3A_2132 = tpu.vector_load %arg12[%get3A_2130, %get3A_2131] {strides = array<i32>} : memref<640x64xf32, #tpu.memory_space<vmem>>, vector<16xf32>,
        %add3A_2133 = arith.addf %add3A_2125, %get3A_2132 : vector<16xf32>
        %mul3A_2134 = arith.constant 20 : i32
        %mul3A_2135 = arith.muli %scan3A_1730, %mul3A_2134 : i32
        %add3A_2136 = arith.constant 10 : i32
        %add3A_2137 = arith.addi %mul3A_2135, %add3A_2136 : i32
        %get3A_2138 = arith.index_cast %add3A_2137 : i32 to index
        %get3A_2139 = arith.constant 32 : index
        %get3A_2140 = tpu.vector_load %arg12[%get3A_2138, %get3A_2139] {strides = array<i32>} : memref<640x64xf32, #tpu.memory_space<vmem>>, vector<16xf32>,
        %add3A_2141 = arith.addf %add3A_2133, %get3A_2140 : vector<16xf32>
        %mul3A_2142 = arith.constant 20 : i32
        %mul3A_2143 = arith.muli %scan3A_1730, %mul3A_2142 : i32
        %add3A_2144 = arith.constant 11 : i32
        %add3A_2145 = arith.addi %mul3A_2143, %add3A_2144 : i32
        %get3A_2146 = arith.index_cast %add3A_2145 : i32 to index
        %get3A_2147 = arith.constant 32 : index
        %get3A_2148 = tpu.vector_load %arg12[%get3A_2146, %get3A_2147] {strides = array<i32>} : memref<640x64xf32, #tpu.memory_space<vmem>>, vector<16xf32>,
        %add3A_2149 = arith.addf %add3A_2141, %get3A_2148 : vector<16xf32>
        %mul3A_2150 = arith.constant 20 : i32
        %mul3A_2151 = arith.muli %scan3A_1730, %mul3A_2150 : i32
        %add3A_2152 = arith.constant 12 : i32
        %add3A_2153 = arith.addi %mul3A_2151, %add3A_2152 : i32
        %get3A_2154 = arith.index_cast %add3A_2153 : i32 to index
        %get3A_2155 = arith.constant 32 : index
        %get3A_2156 = tpu.vector_load %arg12[%get3A_2154, %get3A_2155] {strides = array<i32>} : memref<640x64xf32, #tpu.memory_space<vmem>>, vector<16xf32>,
        %add3A_2157 = arith.addf %add3A_2149, %get3A_2156 : vector<16xf32>
        %mul3A_2158 = arith.constant 20 : i32
        %mul3A_2159 = arith.muli %scan3A_1730, %mul3A_2158 : i32
        %add3A_2160 = arith.constant 13 : i32
        %add3A_2161 = arith.addi %mul3A_2159, %add3A_2160 : i32
        %get3A_2162 = arith.index_cast %add3A_2161 : i32 to index
        %get3A_2163 = arith.constant 32 : index
        %get3A_2164 = tpu.vector_load %arg12[%get3A_2162, %get3A_2163] {strides = array<i32>} : memref<640x64xf32, #tpu.memory_space<vmem>>, vector<16xf32>,
        %add3A_2165 = arith.addf %add3A_2157, %get3A_2164 : vector<16xf32>
        %mul3A_2166 = arith.constant 20 : i32
        %mul3A_2167 = arith.muli %scan3A_1730, %mul3A_2166 : i32
        %add3A_2168 = arith.constant 14 : i32
        %add3A_2169 = arith.addi %mul3A_2167, %add3A_2168 : i32
        %get3A_2170 = arith.index_cast %add3A_2169 : i32 to index
        %get3A_2171 = arith.constant 32 : index
        %get3A_2172 = tpu.vector_load %arg12[%get3A_2170, %get3A_2171] {strides = array<i32>} : memref<640x64xf32, #tpu.memory_space<vmem>>, vector<16xf32>,
        %add3A_2173 = arith.addf %add3A_2165, %get3A_2172 : vector<16xf32>
        %mul3A_2174 = arith.constant 20 : i32
        %mul3A_2175 = arith.muli %scan3A_1730, %mul3A_2174 : i32
        %add3A_2176 = arith.constant 15 : i32
        %add3A_2177 = arith.addi %mul3A_2175, %add3A_2176 : i32
        %get3A_2178 = arith.index_cast %add3A_2177 : i32 to index
        %get3A_2179 = arith.constant 32 : index
        %get3A_2180 = tpu.vector_load %arg12[%get3A_2178, %get3A_2179] {strides = array<i32>} : memref<640x64xf32, #tpu.memory_space<vmem>>, vector<16xf32>,
        %add3A_2181 = arith.addf %add3A_2173, %get3A_2180 : vector<16xf32>
        %mul3A_2182 = arith.constant 20 : i32
        %mul3A_2183 = arith.muli %scan3A_1730, %mul3A_2182 : i32
        %add3A_2184 = arith.constant 16 : i32
        %add3A_2185 = arith.addi %mul3A_2183, %add3A_2184 : i32
        %get3A_2186 = arith.index_cast %add3A_2185 : i32 to index
        %get3A_2187 = arith.constant 32 : index
        %get3A_2188 = tpu.vector_load %arg12[%get3A_2186, %get3A_2187] {strides = array<i32>} : memref<640x64xf32, #tpu.memory_space<vmem>>, vector<16xf32>,
        %add3A_2189 = arith.addf %add3A_2181, %get3A_2188 : vector<16xf32>
        %mul3A_2190 = arith.constant 20 : i32
        %mul3A_2191 = arith.muli %scan3A_1730, %mul3A_2190 : i32
        %add3A_2192 = arith.constant 17 : i32
        %add3A_2193 = arith.addi %mul3A_2191, %add3A_2192 : i32
        %get3A_2194 = arith.index_cast %add3A_2193 : i32 to index
        %get3A_2195 = arith.constant 32 : index
        %get3A_2196 = tpu.vector_load %arg12[%get3A_2194, %get3A_2195] {strides = array<i32>} : memref<640x64xf32, #tpu.memory_space<vmem>>, vector<16xf32>,
        %add3A_2197 = arith.addf %add3A_2189, %get3A_2196 : vector<16xf32>
        %mul3A_2198 = arith.constant 20 : i32
        %mul3A_2199 = arith.muli %scan3A_1730, %mul3A_2198 : i32
        %add3A_2200 = arith.constant 18 : i32
        %add3A_2201 = arith.addi %mul3A_2199, %add3A_2200 : i32
        %get3A_2202 = arith.index_cast %add3A_2201 : i32 to index
        %get3A_2203 = arith.constant 32 : index
        %get3A_2204 = tpu.vector_load %arg12[%get3A_2202, %get3A_2203] {strides = array<i32>} : memref<640x64xf32, #tpu.memory_space<vmem>>, vector<16xf32>,
        %add3A_2205 = arith.addf %add3A_2197, %get3A_2204 : vector<16xf32>
        %mul3A_2206 = arith.constant 20 : i32
        %mul3A_2207 = arith.muli %scan3A_1730, %mul3A_2206 : i32
        %add3A_2208 = arith.constant 19 : i32
        %add3A_2209 = arith.addi %mul3A_2207, %add3A_2208 : i32
        %get3A_2210 = arith.index_cast %add3A_2209 : i32 to index
        %get3A_2211 = arith.constant 32 : index
        %get3A_2212 = tpu.vector_load %arg12[%get3A_2210, %get3A_2211] {strides = array<i32>} : memref<640x64xf32, #tpu.memory_space<vmem>>, vector<16xf32>,
        %add3A_2213 = arith.addf %add3A_2205, %get3A_2212 : vector<16xf32>
        %mul3A_2214 = arith.constant 5.000000e-02 : f32
        %mul3A_2215 = vector.broadcast %mul3A_2214 : f32 to vector<16xf32>
        %mul3A_2216 = arith.mulf %add3A_2213, %mul3A_2215 : vector<16xf32>
        %swap3A_2217 = arith.index_cast %scan3A_1730 : i32 to index
        %swap3A_2218 = arith.constant 32 : index
        %swap3A_2219 = tpu.vector_load %arg15[%swap3A_2217, %swap3A_2218] {strides = array<i32>} : memref<32x64xf32, #tpu.memory_space<vmem>>, vector<16xf32>,
        tpu.vector_store %arg15[%swap3A_2217, %swap3A_2218], %mul3A_2216 {strides = array<i32>} : memref<32x64xf32, #tpu.memory_space<vmem>>, vector<16xf32>,
        %mul3A_2220 = arith.constant 20 : i32
        %mul3A_2221 = arith.muli %scan3A_1730, %mul3A_2220 : i32
        %get3A_2222 = arith.index_cast %mul3A_2221 : i32 to index
        %get3A_2223 = arith.constant 48 : index
        %get3A_2224 = tpu.vector_load %arg12[%get3A_2222, %get3A_2223] {strides = array<i32>} : memref<640x64xf32, #tpu.memory_space<vmem>>, vector<16xf32>,
        %mul3A_2225 = arith.constant 20 : i32
        %mul3A_2226 = arith.muli %scan3A_1730, %mul3A_2225 : i32
        %add3A_2227 = arith.constant 1 : i32
        %add3A_2228 = arith.addi %mul3A_2226, %add3A_2227 : i32
        %get3A_2229 = arith.index_cast %add3A_2228 : i32 to index
        %get3A_2230 = arith.constant 48 : index
        %get3A_2231 = tpu.vector_load %arg12[%get3A_2229, %get3A_2230] {strides = array<i32>} : memref<640x64xf32, #tpu.memory_space<vmem>>, vector<16xf32>,
        %add3A_2232 = arith.addf %get3A_2224, %get3A_2231 : vector<16xf32>
        %mul3A_2233 = arith.constant 20 : i32
        %mul3A_2234 = arith.muli %scan3A_1730, %mul3A_2233 : i32
        %add3A_2235 = arith.constant 2 : i32
        %add3A_2236 = arith.addi %mul3A_2234, %add3A_2235 : i32
        %get3A_2237 = arith.index_cast %add3A_2236 : i32 to index
        %get3A_2238 = arith.constant 48 : index
        %get3A_2239 = tpu.vector_load %arg12[%get3A_2237, %get3A_2238] {strides = array<i32>} : memref<640x64xf32, #tpu.memory_space<vmem>>, vector<16xf32>,
        %add3A_2240 = arith.addf %add3A_2232, %get3A_2239 : vector<16xf32>
        %mul3A_2241 = arith.constant 20 : i32
        %mul3A_2242 = arith.muli %scan3A_1730, %mul3A_2241 : i32
        %add3A_2243 = arith.constant 3 : i32
        %add3A_2244 = arith.addi %mul3A_2242, %add3A_2243 : i32
        %get3A_2245 = arith.index_cast %add3A_2244 : i32 to index
        %get3A_2246 = arith.constant 48 : index
        %get3A_2247 = tpu.vector_load %arg12[%get3A_2245, %get3A_2246] {strides = array<i32>} : memref<640x64xf32, #tpu.memory_space<vmem>>, vector<16xf32>,
        %add3A_2248 = arith.addf %add3A_2240, %get3A_2247 : vector<16xf32>
        %mul3A_2249 = arith.constant 20 : i32
        %mul3A_2250 = arith.muli %scan3A_1730, %mul3A_2249 : i32
        %add3A_2251 = arith.constant 4 : i32
        %add3A_2252 = arith.addi %mul3A_2250, %add3A_2251 : i32
        %get3A_2253 = arith.index_cast %add3A_2252 : i32 to index
        %get3A_2254 = arith.constant 48 : index
        %get3A_2255 = tpu.vector_load %arg12[%get3A_2253, %get3A_2254] {strides = array<i32>} : memref<640x64xf32, #tpu.memory_space<vmem>>, vector<16xf32>,
        %add3A_2256 = arith.addf %add3A_2248, %get3A_2255 : vector<16xf32>
        %mul3A_2257 = arith.constant 20 : i32
        %mul3A_2258 = arith.muli %scan3A_1730, %mul3A_2257 : i32
        %add3A_2259 = arith.constant 5 : i32
        %add3A_2260 = arith.addi %mul3A_2258, %add3A_2259 : i32
        %get3A_2261 = arith.index_cast %add3A_2260 : i32 to index
        %get3A_2262 = arith.constant 48 : index
        %get3A_2263 = tpu.vector_load %arg12[%get3A_2261, %get3A_2262] {strides = array<i32>} : memref<640x64xf32, #tpu.memory_space<vmem>>, vector<16xf32>,
        %add3A_2264 = arith.addf %add3A_2256, %get3A_2263 : vector<16xf32>
        %mul3A_2265 = arith.constant 20 : i32
        %mul3A_2266 = arith.muli %scan3A_1730, %mul3A_2265 : i32
        %add3A_2267 = arith.constant 6 : i32
        %add3A_2268 = arith.addi %mul3A_2266, %add3A_2267 : i32
        %get3A_2269 = arith.index_cast %add3A_2268 : i32 to index
        %get3A_2270 = arith.constant 48 : index
        %get3A_2271 = tpu.vector_load %arg12[%get3A_2269, %get3A_2270] {strides = array<i32>} : memref<640x64xf32, #tpu.memory_space<vmem>>, vector<16xf32>,
        %add3A_2272 = arith.addf %add3A_2264, %get3A_2271 : vector<16xf32>
        %mul3A_2273 = arith.constant 20 : i32
        %mul3A_2274 = arith.muli %scan3A_1730, %mul3A_2273 : i32
        %add3A_2275 = arith.constant 7 : i32
        %add3A_2276 = arith.addi %mul3A_2274, %add3A_2275 : i32
        %get3A_2277 = arith.index_cast %add3A_2276 : i32 to index
        %get3A_2278 = arith.constant 48 : index
        %get3A_2279 = tpu.vector_load %arg12[%get3A_2277, %get3A_2278] {strides = array<i32>} : memref<640x64xf32, #tpu.memory_space<vmem>>, vector<16xf32>,
        %add3A_2280 = arith.addf %add3A_2272, %get3A_2279 : vector<16xf32>
        %mul3A_2281 = arith.constant 20 : i32
        %mul3A_2282 = arith.muli %scan3A_1730, %mul3A_2281 : i32
        %add3A_2283 = arith.constant 8 : i32
        %add3A_2284 = arith.addi %mul3A_2282, %add3A_2283 : i32
        %get3A_2285 = arith.index_cast %add3A_2284 : i32 to index
        %get3A_2286 = arith.constant 48 : index
        %get3A_2287 = tpu.vector_load %arg12[%get3A_2285, %get3A_2286] {strides = array<i32>} : memref<640x64xf32, #tpu.memory_space<vmem>>, vector<16xf32>,
        %add3A_2288 = arith.addf %add3A_2280, %get3A_2287 : vector<16xf32>
        %mul3A_2289 = arith.constant 20 : i32
        %mul3A_2290 = arith.muli %scan3A_1730, %mul3A_2289 : i32
        %add3A_2291 = arith.constant 9 : i32
        %add3A_2292 = arith.addi %mul3A_2290, %add3A_2291 : i32
        %get3A_2293 = arith.index_cast %add3A_2292 : i32 to index
        %get3A_2294 = arith.constant 48 : index
        %get3A_2295 = tpu.vector_load %arg12[%get3A_2293, %get3A_2294] {strides = array<i32>} : memref<640x64xf32, #tpu.memory_space<vmem>>, vector<16xf32>,
        %add3A_2296 = arith.addf %add3A_2288, %get3A_2295 : vector<16xf32>
        %mul3A_2297 = arith.constant 20 : i32
        %mul3A_2298 = arith.muli %scan3A_1730, %mul3A_2297 : i32
        %add3A_2299 = arith.constant 10 : i32
        %add3A_2300 = arith.addi %mul3A_2298, %add3A_2299 : i32
        %get3A_2301 = arith.index_cast %add3A_2300 : i32 to index
        %get3A_2302 = arith.constant 48 : index
        %get3A_2303 = tpu.vector_load %arg12[%get3A_2301, %get3A_2302] {strides = array<i32>} : memref<640x64xf32, #tpu.memory_space<vmem>>, vector<16xf32>,
        %add3A_2304 = arith.addf %add3A_2296, %get3A_2303 : vector<16xf32>
        %mul3A_2305 = arith.constant 20 : i32
        %mul3A_2306 = arith.muli %scan3A_1730, %mul3A_2305 : i32
        %add3A_2307 = arith.constant 11 : i32
        %add3A_2308 = arith.addi %mul3A_2306, %add3A_2307 : i32
        %get3A_2309 = arith.index_cast %add3A_2308 : i32 to index
        %get3A_2310 = arith.constant 48 : index
        %get3A_2311 = tpu.vector_load %arg12[%get3A_2309, %get3A_2310] {strides = array<i32>} : memref<640x64xf32, #tpu.memory_space<vmem>>, vector<16xf32>,
        %add3A_2312 = arith.addf %add3A_2304, %get3A_2311 : vector<16xf32>
        %mul3A_2313 = arith.constant 20 : i32
        %mul3A_2314 = arith.muli %scan3A_1730, %mul3A_2313 : i32
        %add3A_2315 = arith.constant 12 : i32
        %add3A_2316 = arith.addi %mul3A_2314, %add3A_2315 : i32
        %get3A_2317 = arith.index_cast %add3A_2316 : i32 to index
        %get3A_2318 = arith.constant 48 : index
        %get3A_2319 = tpu.vector_load %arg12[%get3A_2317, %get3A_2318] {strides = array<i32>} : memref<640x64xf32, #tpu.memory_space<vmem>>, vector<16xf32>,
        %add3A_2320 = arith.addf %add3A_2312, %get3A_2319 : vector<16xf32>
        %mul3A_2321 = arith.constant 20 : i32
        %mul3A_2322 = arith.muli %scan3A_1730, %mul3A_2321 : i32
        %add3A_2323 = arith.constant 13 : i32
        %add3A_2324 = arith.addi %mul3A_2322, %add3A_2323 : i32
        %get3A_2325 = arith.index_cast %add3A_2324 : i32 to index
        %get3A_2326 = arith.constant 48 : index
        %get3A_2327 = tpu.vector_load %arg12[%get3A_2325, %get3A_2326] {strides = array<i32>} : memref<640x64xf32, #tpu.memory_space<vmem>>, vector<16xf32>,
        %add3A_2328 = arith.addf %add3A_2320, %get3A_2327 : vector<16xf32>
        %mul3A_2329 = arith.constant 20 : i32
        %mul3A_2330 = arith.muli %scan3A_1730, %mul3A_2329 : i32
        %add3A_2331 = arith.constant 14 : i32
        %add3A_2332 = arith.addi %mul3A_2330, %add3A_2331 : i32
        %get3A_2333 = arith.index_cast %add3A_2332 : i32 to index
        %get3A_2334 = arith.constant 48 : index
        %get3A_2335 = tpu.vector_load %arg12[%get3A_2333, %get3A_2334] {strides = array<i32>} : memref<640x64xf32, #tpu.memory_space<vmem>>, vector<16xf32>,
        %add3A_2336 = arith.addf %add3A_2328, %get3A_2335 : vector<16xf32>
        %mul3A_2337 = arith.constant 20 : i32
        %mul3A_2338 = arith.muli %scan3A_1730, %mul3A_2337 : i32
        %add3A_2339 = arith.constant 15 : i32
        %add3A_2340 = arith.addi %mul3A_2338, %add3A_2339 : i32
        %get3A_2341 = arith.index_cast %add3A_2340 : i32 to index
        %get3A_2342 = arith.constant 48 : index
        %get3A_2343 = tpu.vector_load %arg12[%get3A_2341, %get3A_2342] {strides = array<i32>} : memref<640x64xf32, #tpu.memory_space<vmem>>, vector<16xf32>,
        %add3A_2344 = arith.addf %add3A_2336, %get3A_2343 : vector<16xf32>
        %mul3A_2345 = arith.constant 20 : i32
        %mul3A_2346 = arith.muli %scan3A_1730, %mul3A_2345 : i32
        %add3A_2347 = arith.constant 16 : i32
        %add3A_2348 = arith.addi %mul3A_2346, %add3A_2347 : i32
        %get3A_2349 = arith.index_cast %add3A_2348 : i32 to index
        %get3A_2350 = arith.constant 48 : index
        %get3A_2351 = tpu.vector_load %arg12[%get3A_2349, %get3A_2350] {strides = array<i32>} : memref<640x64xf32, #tpu.memory_space<vmem>>, vector<16xf32>,
        %add3A_2352 = arith.addf %add3A_2344, %get3A_2351 : vector<16xf32>
        %mul3A_2353 = arith.constant 20 : i32
        %mul3A_2354 = arith.muli %scan3A_1730, %mul3A_2353 : i32
        %add3A_2355 = arith.constant 17 : i32
        %add3A_2356 = arith.addi %mul3A_2354, %add3A_2355 : i32
        %get3A_2357 = arith.index_cast %add3A_2356 : i32 to index
        %get3A_2358 = arith.constant 48 : index
        %get3A_2359 = tpu.vector_load %arg12[%get3A_2357, %get3A_2358] {strides = array<i32>} : memref<640x64xf32, #tpu.memory_space<vmem>>, vector<16xf32>,
        %add3A_2360 = arith.addf %add3A_2352, %get3A_2359 : vector<16xf32>
        %mul3A_2361 = arith.constant 20 : i32
        %mul3A_2362 = arith.muli %scan3A_1730, %mul3A_2361 : i32
        %add3A_2363 = arith.constant 18 : i32
        %add3A_2364 = arith.addi %mul3A_2362, %add3A_2363 : i32
        %get3A_2365 = arith.index_cast %add3A_2364 : i32 to index
        %get3A_2366 = arith.constant 48 : index
        %get3A_2367 = tpu.vector_load %arg12[%get3A_2365, %get3A_2366] {strides = array<i32>} : memref<640x64xf32, #tpu.memory_space<vmem>>, vector<16xf32>,
        %add3A_2368 = arith.addf %add3A_2360, %get3A_2367 : vector<16xf32>
        %mul3A_2369 = arith.constant 20 : i32
        %mul3A_2370 = arith.muli %scan3A_1730, %mul3A_2369 : i32
        %add3A_2371 = arith.constant 19 : i32
        %add3A_2372 = arith.addi %mul3A_2370, %add3A_2371 : i32
        %get3A_2373 = arith.index_cast %add3A_2372 : i32 to index
        %get3A_2374 = arith.constant 48 : index
        %get3A_2375 = tpu.vector_load %arg12[%get3A_2373, %get3A_2374] {strides = array<i32>} : memref<640x64xf32, #tpu.memory_space<vmem>>, vector<16xf32>,
        %add3A_2376 = arith.addf %add3A_2368, %get3A_2375 : vector<16xf32>
        %mul3A_2377 = arith.constant 5.000000e-02 : f32
        %mul3A_2378 = vector.broadcast %mul3A_2377 : f32 to vector<16xf32>
        %mul3A_2379 = arith.mulf %add3A_2376, %mul3A_2378 : vector<16xf32>
        %swap3A_2380 = arith.index_cast %scan3A_1730 : i32 to index
        %swap3A_2381 = arith.constant 48 : index
        %swap3A_2382 = tpu.vector_load %arg15[%swap3A_2380, %swap3A_2381] {strides = array<i32>} : memref<32x64xf32, #tpu.memory_space<vmem>>, vector<16xf32>,
        tpu.vector_store %arg15[%swap3A_2380, %swap3A_2381], %mul3A_2379 {strides = array<i32>} : memref<32x64xf32, #tpu.memory_space<vmem>>, vector<16xf32>,
      }
      %scan3A_142 = arith.constant 32 : i32
      %dma_wait3A_143 = arith.constant 0 : i32
      %dma_wait3A_144 = arith.constant 0 : i32
      %dma_wait3A_145 = tpu.memref_slice %arg6[%dma_wait3A_143, %dma_wait3A_144] : memref<1000000x64xf32, #tpu.memory_space<hbm>> -> memref<1000000x64xf32, #tpu.memory_space<hbm>>
      tpu.wait_indirect_dma semaphore(%arg20 : memref<!tpu.dma_semaphore, #tpu.memory_space<semaphore_mem>>) src(%dma_wait3A_145 : memref<1000000x64xf32, #tpu.memory_space<hbm>>) dst(%arg14 : memref<32x64xf32, #tpu.memory_space<vmem>>)
      %get3A = arith.constant 0 : i32
      %get3A_146 = arith.index_cast %get3A : i32 to index
      %get3A_147 = arith.constant 0 : index
      %get3A_148 = tpu.vector_load %arg14[%get3A_146, %get3A_147] {strides = array<i32>} : memref<32x64xf32, #tpu.memory_space<vmem>>, vector<16xf32>,
      %get3A_149 = arith.constant 0 : i32
      %get3A_150 = arith.index_cast %get3A_149 : i32 to index
      %get3A_151 = arith.constant 0 : index
      %get3A_152 = tpu.vector_load %arg15[%get3A_150, %get3A_151] {strides = array<i32>} : memref<32x64xf32, #tpu.memory_space<vmem>>, vector<16xf32>,
      %mul3A_153 = arith.mulf %get3A_148, %get3A_152 : vector<16xf32>
      %get3A_154 = arith.constant 0 : i32
      %get3A_155 = arith.index_cast %get3A_154 : i32 to index
      %get3A_156 = arith.constant 16 : index
      %get3A_157 = tpu.vector_load %arg14[%get3A_155, %get3A_156] {strides = array<i32>} : memref<32x64xf32, #tpu.memory_space<vmem>>, vector<16xf32>,
      %get3A_158 = arith.constant 0 : i32
      %get3A_159 = arith.index_cast %get3A_158 : i32 to index
      %get3A_160 = arith.constant 16 : index
      %get3A_161 = tpu.vector_load %arg15[%get3A_159, %get3A_160] {strides = array<i32>} : memref<32x64xf32, #tpu.memory_space<vmem>>, vector<16xf32>,
      %mul3A_162 = arith.mulf %get3A_157, %get3A_161 : vector<16xf32>
      %add3A_163 = arith.addf %mul3A_153, %mul3A_162 : vector<16xf32>
      %get3A_164 = arith.constant 0 : i32
      %get3A_165 = arith.index_cast %get3A_164 : i32 to index
      %get3A_166 = arith.constant 32 : index
      %get3A_167 = tpu.vector_load %arg14[%get3A_165, %get3A_166] {strides = array<i32>} : memref<32x64xf32, #tpu.memory_space<vmem>>, vector<16xf32>,
      %get3A_168 = arith.constant 0 : i32
      %get3A_169 = arith.index_cast %get3A_168 : i32 to index
      %get3A_170 = arith.constant 32 : index
      %get3A_171 = tpu.vector_load %arg15[%get3A_169, %get3A_170] {strides = array<i32>} : memref<32x64xf32, #tpu.memory_space<vmem>>, vector<16xf32>,
      %mul3A_172 = arith.mulf %get3A_167, %get3A_171 : vector<16xf32>
      %add3A_173 = arith.addf %add3A_163, %mul3A_172 : vector<16xf32>
      %get3A_174 = arith.constant 0 : i32
      %get3A_175 = arith.index_cast %get3A_174 : i32 to index
      %get3A_176 = arith.constant 48 : index
      %get3A_177 = tpu.vector_load %arg14[%get3A_175, %get3A_176] {strides = array<i32>} : memref<32x64xf32, #tpu.memory_space<vmem>>, vector<16xf32>,
      %get3A_178 = arith.constant 0 : i32
      %get3A_179 = arith.index_cast %get3A_178 : i32 to index
      %get3A_180 = arith.constant 48 : index
      %get3A_181 = tpu.vector_load %arg15[%get3A_179, %get3A_180] {strides = array<i32>} : memref<32x64xf32, #tpu.memory_space<vmem>>, vector<16xf32>,
      %mul3A_182 = arith.mulf %get3A_177, %get3A_181 : vector<16xf32>
      %add3A_183 = arith.addf %add3A_173, %mul3A_182 : vector<16xf32>
      %mul3A_184 = arith.constant 16 : i32
      %mul3A_185 = vector.broadcast %mul3A_184 : i32 to vector<16xi32>
      %mul3A_186 = arith.muli %iota3A, %mul3A_185 : vector<16xi32>
      %add3A_187 = arith.constant 0 : i32
      %add3A_188 = vector.broadcast %add3A_187 : i32 to vector<16xi32>
      %add3A_189 = arith.addi %mul3A_186, %add3A_188 : vector<16xi32>
      tpu.vector_store_idx %arg18[%add3A_189], %add3A_183 : memref<256xf32, #tpu.memory_space<vmem>>[vector<16xi32>], vector<16xf32>,
      %get3A_190 = arith.constant 1 : i32
      %get3A_191 = arith.index_cast %get3A_190 : i32 to index
      %get3A_192 = arith.constant 0 : index
      %get3A_193 = tpu.vector_load %arg14[%get3A_191, %get3A_192] {strides = array<i32>} : memref<32x64xf32, #tpu.memory_space<vmem>>, vector<16xf32>,
      %get3A_194 = arith.constant 1 : i32
      %get3A_195 = arith.index_cast %get3A_194 : i32 to index
      %get3A_196 = arith.constant 0 : index
      %get3A_197 = tpu.vector_load %arg15[%get3A_195, %get3A_196] {strides = array<i32>} : memref<32x64xf32, #tpu.memory_space<vmem>>, vector<16xf32>,
      %mul3A_198 = arith.mulf %get3A_193, %get3A_197 : vector<16xf32>
      %get3A_199 = arith.constant 1 : i32
      %get3A_200 = arith.index_cast %get3A_199 : i32 to index
      %get3A_201 = arith.constant 16 : index
      %get3A_202 = tpu.vector_load %arg14[%get3A_200, %get3A_201] {strides = array<i32>} : memref<32x64xf32, #tpu.memory_space<vmem>>, vector<16xf32>,
      %get3A_203 = arith.constant 1 : i32
      %get3A_204 = arith.index_cast %get3A_203 : i32 to index
      %get3A_205 = arith.constant 16 : index
      %get3A_206 = tpu.vector_load %arg15[%get3A_204, %get3A_205] {strides = array<i32>} : memref<32x64xf32, #tpu.memory_space<vmem>>, vector<16xf32>,
      %mul3A_207 = arith.mulf %get3A_202, %get3A_206 : vector<16xf32>
      %add3A_208 = arith.addf %mul3A_198, %mul3A_207 : vector<16xf32>
      %get3A_209 = arith.constant 1 : i32
      %get3A_210 = arith.index_cast %get3A_209 : i32 to index
      %get3A_211 = arith.constant 32 : index
      %get3A_212 = tpu.vector_load %arg14[%get3A_210, %get3A_211] {strides = array<i32>} : memref<32x64xf32, #tpu.memory_space<vmem>>, vector<16xf32>,
      %get3A_213 = arith.constant 1 : i32
      %get3A_214 = arith.index_cast %get3A_213 : i32 to index
      %get3A_215 = arith.constant 32 : index
      %get3A_216 = tpu.vector_load %arg15[%get3A_214, %get3A_215] {strides = array<i32>} : memref<32x64xf32, #tpu.memory_space<vmem>>, vector<16xf32>,
      %mul3A_217 = arith.mulf %get3A_212, %get3A_216 : vector<16xf32>
      %add3A_218 = arith.addf %add3A_208, %mul3A_217 : vector<16xf32>
      %get3A_219 = arith.constant 1 : i32
      %get3A_220 = arith.index_cast %get3A_219 : i32 to index
      %get3A_221 = arith.constant 48 : index
      %get3A_222 = tpu.vector_load %arg14[%get3A_220, %get3A_221] {strides = array<i32>} : memref<32x64xf32, #tpu.memory_space<vmem>>, vector<16xf32>,
      %get3A_223 = arith.constant 1 : i32
      %get3A_224 = arith.index_cast %get3A_223 : i32 to index
      %get3A_225 = arith.constant 48 : index
      %get3A_226 = tpu.vector_load %arg15[%get3A_224, %get3A_225] {strides = array<i32>} : memref<32x64xf32, #tpu.memory_space<vmem>>, vector<16xf32>,
      %mul3A_227 = arith.mulf %get3A_222, %get3A_226 : vector<16xf32>
      %add3A_228 = arith.addf %add3A_218, %mul3A_227 : vector<16xf32>
      %mul3A_229 = arith.constant 16 : i32
      %mul3A_230 = vector.broadcast %mul3A_229 : i32 to vector<16xi32>
      %mul3A_231 = arith.muli %iota3A, %mul3A_230 : vector<16xi32>
      %add3A_232 = arith.constant 1 : i32
      %add3A_233 = vector.broadcast %add3A_232 : i32 to vector<16xi32>
      %add3A_234 = arith.addi %mul3A_231, %add3A_233 : vector<16xi32>
      tpu.vector_store_idx %arg18[%add3A_234], %add3A_228 : memref<256xf32, #tpu.memory_space<vmem>>[vector<16xi32>], vector<16xf32>,
      %get3A_235 = arith.constant 2 : i32
      %get3A_236 = arith.index_cast %get3A_235 : i32 to index
      %get3A_237 = arith.constant 0 : index
      %get3A_238 = tpu.vector_load %arg14[%get3A_236, %get3A_237] {strides = array<i32>} : memref<32x64xf32, #tpu.memory_space<vmem>>, vector<16xf32>,
      %get3A_239 = arith.constant 2 : i32
      %get3A_240 = arith.index_cast %get3A_239 : i32 to index
      %get3A_241 = arith.constant 0 : index
      %get3A_242 = tpu.vector_load %arg15[%get3A_240, %get3A_241] {strides = array<i32>} : memref<32x64xf32, #tpu.memory_space<vmem>>, vector<16xf32>,
      %mul3A_243 = arith.mulf %get3A_238, %get3A_242 : vector<16xf32>
      %get3A_244 = arith.constant 2 : i32
      %get3A_245 = arith.index_cast %get3A_244 : i32 to index
      %get3A_246 = arith.constant 16 : index
      %get3A_247 = tpu.vector_load %arg14[%get3A_245, %get3A_246] {strides = array<i32>} : memref<32x64xf32, #tpu.memory_space<vmem>>, vector<16xf32>,
      %get3A_248 = arith.constant 2 : i32
      %get3A_249 = arith.index_cast %get3A_248 : i32 to index
      %get3A_250 = arith.constant 16 : index
      %get3A_251 = tpu.vector_load %arg15[%get3A_249, %get3A_250] {strides = array<i32>} : memref<32x64xf32, #tpu.memory_space<vmem>>, vector<16xf32>,
      %mul3A_252 = arith.mulf %get3A_247, %get3A_251 : vector<16xf32>
      %add3A_253 = arith.addf %mul3A_243, %mul3A_252 : vector<16xf32>
      %get3A_254 = arith.constant 2 : i32
      %get3A_255 = arith.index_cast %get3A_254 : i32 to index
      %get3A_256 = arith.constant 32 : index
      %get3A_257 = tpu.vector_load %arg14[%get3A_255, %get3A_256] {strides = array<i32>} : memref<32x64xf32, #tpu.memory_space<vmem>>, vector<16xf32>,
      %get3A_258 = arith.constant 2 : i32
      %get3A_259 = arith.index_cast %get3A_258 : i32 to index
      %get3A_260 = arith.constant 32 : index
      %get3A_261 = tpu.vector_load %arg15[%get3A_259, %get3A_260] {strides = array<i32>} : memref<32x64xf32, #tpu.memory_space<vmem>>, vector<16xf32>,
      %mul3A_262 = arith.mulf %get3A_257, %get3A_261 : vector<16xf32>
      %add3A_263 = arith.addf %add3A_253, %mul3A_262 : vector<16xf32>
      %get3A_264 = arith.constant 2 : i32
      %get3A_265 = arith.index_cast %get3A_264 : i32 to index
      %get3A_266 = arith.constant 48 : index
      %get3A_267 = tpu.vector_load %arg14[%get3A_265, %get3A_266] {strides = array<i32>} : memref<32x64xf32, #tpu.memory_space<vmem>>, vector<16xf32>,
      %get3A_268 = arith.constant 2 : i32
      %get3A_269 = arith.index_cast %get3A_268 : i32 to index
      %get3A_270 = arith.constant 48 : index
      %get3A_271 = tpu.vector_load %arg15[%get3A_269, %get3A_270] {strides = array<i32>} : memref<32x64xf32, #tpu.memory_space<vmem>>, vector<16xf32>,
      %mul3A_272 = arith.mulf %get3A_267, %get3A_271 : vector<16xf32>
      %add3A_273 = arith.addf %add3A_263, %mul3A_272 : vector<16xf32>
      %mul3A_274 = arith.constant 16 : i32
      %mul3A_275 = vector.broadcast %mul3A_274 : i32 to vector<16xi32>
      %mul3A_276 = arith.muli %iota3A, %mul3A_275 : vector<16xi32>
      %add3A_277 = arith.constant 2 : i32
      %add3A_278 = vector.broadcast %add3A_277 : i32 to vector<16xi32>
      %add3A_279 = arith.addi %mul3A_276, %add3A_278 : vector<16xi32>
      tpu.vector_store_idx %arg18[%add3A_279], %add3A_273 : memref<256xf32, #tpu.memory_space<vmem>>[vector<16xi32>], vector<16xf32>,
      %get3A_280 = arith.constant 3 : i32
      %get3A_281 = arith.index_cast %get3A_280 : i32 to index
      %get3A_282 = arith.constant 0 : index
      %get3A_283 = tpu.vector_load %arg14[%get3A_281, %get3A_282] {strides = array<i32>} : memref<32x64xf32, #tpu.memory_space<vmem>>, vector<16xf32>,
      %get3A_284 = arith.constant 3 : i32
      %get3A_285 = arith.index_cast %get3A_284 : i32 to index
      %get3A_286 = arith.constant 0 : index
      %get3A_287 = tpu.vector_load %arg15[%get3A_285, %get3A_286] {strides = array<i32>} : memref<32x64xf32, #tpu.memory_space<vmem>>, vector<16xf32>,
      %mul3A_288 = arith.mulf %get3A_283, %get3A_287 : vector<16xf32>
      %get3A_289 = arith.constant 3 : i32
      %get3A_290 = arith.index_cast %get3A_289 : i32 to index
      %get3A_291 = arith.constant 16 : index
      %get3A_292 = tpu.vector_load %arg14[%get3A_290, %get3A_291] {strides = array<i32>} : memref<32x64xf32, #tpu.memory_space<vmem>>, vector<16xf32>,
      %get3A_293 = arith.constant 3 : i32
      %get3A_294 = arith.index_cast %get3A_293 : i32 to index
      %get3A_295 = arith.constant 16 : index
      %get3A_296 = tpu.vector_load %arg15[%get3A_294, %get3A_295] {strides = array<i32>} : memref<32x64xf32, #tpu.memory_space<vmem>>, vector<16xf32>,
      %mul3A_297 = arith.mulf %get3A_292, %get3A_296 : vector<16xf32>
      %add3A_298 = arith.addf %mul3A_288, %mul3A_297 : vector<16xf32>
      %get3A_299 = arith.constant 3 : i32
      %get3A_300 = arith.index_cast %get3A_299 : i32 to index
      %get3A_301 = arith.constant 32 : index
      %get3A_302 = tpu.vector_load %arg14[%get3A_300, %get3A_301] {strides = array<i32>} : memref<32x64xf32, #tpu.memory_space<vmem>>, vector<16xf32>,
      %get3A_303 = arith.constant 3 : i32
      %get3A_304 = arith.index_cast %get3A_303 : i32 to index
      %get3A_305 = arith.constant 32 : index
      %get3A_306 = tpu.vector_load %arg15[%get3A_304, %get3A_305] {strides = array<i32>} : memref<32x64xf32, #tpu.memory_space<vmem>>, vector<16xf32>,
      %mul3A_307 = arith.mulf %get3A_302, %get3A_306 : vector<16xf32>
      %add3A_308 = arith.addf %add3A_298, %mul3A_307 : vector<16xf32>
      %get3A_309 = arith.constant 3 : i32
      %get3A_310 = arith.index_cast %get3A_309 : i32 to index
      %get3A_311 = arith.constant 48 : index
      %get3A_312 = tpu.vector_load %arg14[%get3A_310, %get3A_311] {strides = array<i32>} : memref<32x64xf32, #tpu.memory_space<vmem>>, vector<16xf32>,
      %get3A_313 = arith.constant 3 : i32
      %get3A_314 = arith.index_cast %get3A_313 : i32 to index
      %get3A_315 = arith.constant 48 : index
      %get3A_316 = tpu.vector_load %arg15[%get3A_314, %get3A_315] {strides = array<i32>} : memref<32x64xf32, #tpu.memory_space<vmem>>, vector<16xf32>,
      %mul3A_317 = arith.mulf %get3A_312, %get3A_316 : vector<16xf32>
      %add3A_318 = arith.addf %add3A_308, %mul3A_317 : vector<16xf32>
      %mul3A_319 = arith.constant 16 : i32
      %mul3A_320 = vector.broadcast %mul3A_319 : i32 to vector<16xi32>
      %mul3A_321 = arith.muli %iota3A, %mul3A_320 : vector<16xi32>
      %add3A_322 = arith.constant 3 : i32
      %add3A_323 = vector.broadcast %add3A_322 : i32 to vector<16xi32>
      %add3A_324 = arith.addi %mul3A_321, %add3A_323 : vector<16xi32>
      tpu.vector_store_idx %arg18[%add3A_324], %add3A_318 : memref<256xf32, #tpu.memory_space<vmem>>[vector<16xi32>], vector<16xf32>,
      %get3A_325 = arith.constant 4 : i32
      %get3A_326 = arith.index_cast %get3A_325 : i32 to index
      %get3A_327 = arith.constant 0 : index
      %get3A_328 = tpu.vector_load %arg14[%get3A_326, %get3A_327] {strides = array<i32>} : memref<32x64xf32, #tpu.memory_space<vmem>>, vector<16xf32>,
      %get3A_329 = arith.constant 4 : i32
      %get3A_330 = arith.index_cast %get3A_329 : i32 to index
      %get3A_331 = arith.constant 0 : index
      %get3A_332 = tpu.vector_load %arg15[%get3A_330, %get3A_331] {strides = array<i32>} : memref<32x64xf32, #tpu.memory_space<vmem>>, vector<16xf32>,
      %mul3A_333 = arith.mulf %get3A_328, %get3A_332 : vector<16xf32>
      %get3A_334 = arith.constant 4 : i32
      %get3A_335 = arith.index_cast %get3A_334 : i32 to index
      %get3A_336 = arith.constant 16 : index
      %get3A_337 = tpu.vector_load %arg14[%get3A_335, %get3A_336] {strides = array<i32>} : memref<32x64xf32, #tpu.memory_space<vmem>>, vector<16xf32>,
      %get3A_338 = arith.constant 4 : i32
      %get3A_339 = arith.index_cast %get3A_338 : i32 to index
      %get3A_340 = arith.constant 16 : index
      %get3A_341 = tpu.vector_load %arg15[%get3A_339, %get3A_340] {strides = array<i32>} : memref<32x64xf32, #tpu.memory_space<vmem>>, vector<16xf32>,
      %mul3A_342 = arith.mulf %get3A_337, %get3A_341 : vector<16xf32>
      %add3A_343 = arith.addf %mul3A_333, %mul3A_342 : vector<16xf32>
      %get3A_344 = arith.constant 4 : i32
      %get3A_345 = arith.index_cast %get3A_344 : i32 to index
      %get3A_346 = arith.constant 32 : index
      %get3A_347 = tpu.vector_load %arg14[%get3A_345, %get3A_346] {strides = array<i32>} : memref<32x64xf32, #tpu.memory_space<vmem>>, vector<16xf32>,
      %get3A_348 = arith.constant 4 : i32
      %get3A_349 = arith.index_cast %get3A_348 : i32 to index
      %get3A_350 = arith.constant 32 : index
      %get3A_351 = tpu.vector_load %arg15[%get3A_349, %get3A_350] {strides = array<i32>} : memref<32x64xf32, #tpu.memory_space<vmem>>, vector<16xf32>,
      %mul3A_352 = arith.mulf %get3A_347, %get3A_351 : vector<16xf32>
      %add3A_353 = arith.addf %add3A_343, %mul3A_352 : vector<16xf32>
      %get3A_354 = arith.constant 4 : i32
      %get3A_355 = arith.index_cast %get3A_354 : i32 to index
      %get3A_356 = arith.constant 48 : index
      %get3A_357 = tpu.vector_load %arg14[%get3A_355, %get3A_356] {strides = array<i32>} : memref<32x64xf32, #tpu.memory_space<vmem>>, vector<16xf32>,
      %get3A_358 = arith.constant 4 : i32
      %get3A_359 = arith.index_cast %get3A_358 : i32 to index
      %get3A_360 = arith.constant 48 : index
      %get3A_361 = tpu.vector_load %arg15[%get3A_359, %get3A_360] {strides = array<i32>} : memref<32x64xf32, #tpu.memory_space<vmem>>, vector<16xf32>,
      %mul3A_362 = arith.mulf %get3A_357, %get3A_361 : vector<16xf32>
      %add3A_363 = arith.addf %add3A_353, %mul3A_362 : vector<16xf32>
      %mul3A_364 = arith.constant 16 : i32
      %mul3A_365 = vector.broadcast %mul3A_364 : i32 to vector<16xi32>
      %mul3A_366 = arith.muli %iota3A, %mul3A_365 : vector<16xi32>
      %add3A_367 = arith.constant 4 : i32
      %add3A_368 = vector.broadcast %add3A_367 : i32 to vector<16xi32>
      %add3A_369 = arith.addi %mul3A_366, %add3A_368 : vector<16xi32>
      tpu.vector_store_idx %arg18[%add3A_369], %add3A_363 : memref<256xf32, #tpu.memory_space<vmem>>[vector<16xi32>], vector<16xf32>,
      %get3A_370 = arith.constant 5 : i32
      %get3A_371 = arith.index_cast %get3A_370 : i32 to index
      %get3A_372 = arith.constant 0 : index
      %get3A_373 = tpu.vector_load %arg14[%get3A_371, %get3A_372] {strides = array<i32>} : memref<32x64xf32, #tpu.memory_space<vmem>>, vector<16xf32>,
      %get3A_374 = arith.constant 5 : i32
      %get3A_375 = arith.index_cast %get3A_374 : i32 to index
      %get3A_376 = arith.constant 0 : index
      %get3A_377 = tpu.vector_load %arg15[%get3A_375, %get3A_376] {strides = array<i32>} : memref<32x64xf32, #tpu.memory_space<vmem>>, vector<16xf32>,
      %mul3A_378 = arith.mulf %get3A_373, %get3A_377 : vector<16xf32>
      %get3A_379 = arith.constant 5 : i32
      %get3A_380 = arith.index_cast %get3A_379 : i32 to index
      %get3A_381 = arith.constant 16 : index
      %get3A_382 = tpu.vector_load %arg14[%get3A_380, %get3A_381] {strides = array<i32>} : memref<32x64xf32, #tpu.memory_space<vmem>>, vector<16xf32>,
      %get3A_383 = arith.constant 5 : i32
      %get3A_384 = arith.index_cast %get3A_383 : i32 to index
      %get3A_385 = arith.constant 16 : index
      %get3A_386 = tpu.vector_load %arg15[%get3A_384, %get3A_385] {strides = array<i32>} : memref<32x64xf32, #tpu.memory_space<vmem>>, vector<16xf32>,
      %mul3A_387 = arith.mulf %get3A_382, %get3A_386 : vector<16xf32>
      %add3A_388 = arith.addf %mul3A_378, %mul3A_387 : vector<16xf32>
      %get3A_389 = arith.constant 5 : i32
      %get3A_390 = arith.index_cast %get3A_389 : i32 to index
      %get3A_391 = arith.constant 32 : index
      %get3A_392 = tpu.vector_load %arg14[%get3A_390, %get3A_391] {strides = array<i32>} : memref<32x64xf32, #tpu.memory_space<vmem>>, vector<16xf32>,
      %get3A_393 = arith.constant 5 : i32
      %get3A_394 = arith.index_cast %get3A_393 : i32 to index
      %get3A_395 = arith.constant 32 : index
      %get3A_396 = tpu.vector_load %arg15[%get3A_394, %get3A_395] {strides = array<i32>} : memref<32x64xf32, #tpu.memory_space<vmem>>, vector<16xf32>,
      %mul3A_397 = arith.mulf %get3A_392, %get3A_396 : vector<16xf32>
      %add3A_398 = arith.addf %add3A_388, %mul3A_397 : vector<16xf32>
      %get3A_399 = arith.constant 5 : i32
      %get3A_400 = arith.index_cast %get3A_399 : i32 to index
      %get3A_401 = arith.constant 48 : index
      %get3A_402 = tpu.vector_load %arg14[%get3A_400, %get3A_401] {strides = array<i32>} : memref<32x64xf32, #tpu.memory_space<vmem>>, vector<16xf32>,
      %get3A_403 = arith.constant 5 : i32
      %get3A_404 = arith.index_cast %get3A_403 : i32 to index
      %get3A_405 = arith.constant 48 : index
      %get3A_406 = tpu.vector_load %arg15[%get3A_404, %get3A_405] {strides = array<i32>} : memref<32x64xf32, #tpu.memory_space<vmem>>, vector<16xf32>,
      %mul3A_407 = arith.mulf %get3A_402, %get3A_406 : vector<16xf32>
      %add3A_408 = arith.addf %add3A_398, %mul3A_407 : vector<16xf32>
      %mul3A_409 = arith.constant 16 : i32
      %mul3A_410 = vector.broadcast %mul3A_409 : i32 to vector<16xi32>
      %mul3A_411 = arith.muli %iota3A, %mul3A_410 : vector<16xi32>
      %add3A_412 = arith.constant 5 : i32
      %add3A_413 = vector.broadcast %add3A_412 : i32 to vector<16xi32>
      %add3A_414 = arith.addi %mul3A_411, %add3A_413 : vector<16xi32>
      tpu.vector_store_idx %arg18[%add3A_414], %add3A_408 : memref<256xf32, #tpu.memory_space<vmem>>[vector<16xi32>], vector<16xf32>,
      %get3A_415 = arith.constant 6 : i32
      %get3A_416 = arith.index_cast %get3A_415 : i32 to index
      %get3A_417 = arith.constant 0 : index
      %get3A_418 = tpu.vector_load %arg14[%get3A_416, %get3A_417] {strides = array<i32>} : memref<32x64xf32, #tpu.memory_space<vmem>>, vector<16xf32>,
      %get3A_419 = arith.constant 6 : i32
      %get3A_420 = arith.index_cast %get3A_419 : i32 to index
      %get3A_421 = arith.constant 0 : index
      %get3A_422 = tpu.vector_load %arg15[%get3A_420, %get3A_421] {strides = array<i32>} : memref<32x64xf32, #tpu.memory_space<vmem>>, vector<16xf32>,
      %mul3A_423 = arith.mulf %get3A_418, %get3A_422 : vector<16xf32>
      %get3A_424 = arith.constant 6 : i32
      %get3A_425 = arith.index_cast %get3A_424 : i32 to index
      %get3A_426 = arith.constant 16 : index
      %get3A_427 = tpu.vector_load %arg14[%get3A_425, %get3A_426] {strides = array<i32>} : memref<32x64xf32, #tpu.memory_space<vmem>>, vector<16xf32>,
      %get3A_428 = arith.constant 6 : i32
      %get3A_429 = arith.index_cast %get3A_428 : i32 to index
      %get3A_430 = arith.constant 16 : index
      %get3A_431 = tpu.vector_load %arg15[%get3A_429, %get3A_430] {strides = array<i32>} : memref<32x64xf32, #tpu.memory_space<vmem>>, vector<16xf32>,
      %mul3A_432 = arith.mulf %get3A_427, %get3A_431 : vector<16xf32>
      %add3A_433 = arith.addf %mul3A_423, %mul3A_432 : vector<16xf32>
      %get3A_434 = arith.constant 6 : i32
      %get3A_435 = arith.index_cast %get3A_434 : i32 to index
      %get3A_436 = arith.constant 32 : index
      %get3A_437 = tpu.vector_load %arg14[%get3A_435, %get3A_436] {strides = array<i32>} : memref<32x64xf32, #tpu.memory_space<vmem>>, vector<16xf32>,
      %get3A_438 = arith.constant 6 : i32
      %get3A_439 = arith.index_cast %get3A_438 : i32 to index
      %get3A_440 = arith.constant 32 : index
      %get3A_441 = tpu.vector_load %arg15[%get3A_439, %get3A_440] {strides = array<i32>} : memref<32x64xf32, #tpu.memory_space<vmem>>, vector<16xf32>,
      %mul3A_442 = arith.mulf %get3A_437, %get3A_441 : vector<16xf32>
      %add3A_443 = arith.addf %add3A_433, %mul3A_442 : vector<16xf32>
      %get3A_444 = arith.constant 6 : i32
      %get3A_445 = arith.index_cast %get3A_444 : i32 to index
      %get3A_446 = arith.constant 48 : index
      %get3A_447 = tpu.vector_load %arg14[%get3A_445, %get3A_446] {strides = array<i32>} : memref<32x64xf32, #tpu.memory_space<vmem>>, vector<16xf32>,
      %get3A_448 = arith.constant 6 : i32
      %get3A_449 = arith.index_cast %get3A_448 : i32 to index
      %get3A_450 = arith.constant 48 : index
      %get3A_451 = tpu.vector_load %arg15[%get3A_449, %get3A_450] {strides = array<i32>} : memref<32x64xf32, #tpu.memory_space<vmem>>, vector<16xf32>,
      %mul3A_452 = arith.mulf %get3A_447, %get3A_451 : vector<16xf32>
      %add3A_453 = arith.addf %add3A_443, %mul3A_452 : vector<16xf32>
      %mul3A_454 = arith.constant 16 : i32
      %mul3A_455 = vector.broadcast %mul3A_454 : i32 to vector<16xi32>
      %mul3A_456 = arith.muli %iota3A, %mul3A_455 : vector<16xi32>
      %add3A_457 = arith.constant 6 : i32
      %add3A_458 = vector.broadcast %add3A_457 : i32 to vector<16xi32>
      %add3A_459 = arith.addi %mul3A_456, %add3A_458 : vector<16xi32>
      tpu.vector_store_idx %arg18[%add3A_459], %add3A_453 : memref<256xf32, #tpu.memory_space<vmem>>[vector<16xi32>], vector<16xf32>,
      %get3A_460 = arith.constant 7 : i32
      %get3A_461 = arith.index_cast %get3A_460 : i32 to index
      %get3A_462 = arith.constant 0 : index
      %get3A_463 = tpu.vector_load %arg14[%get3A_461, %get3A_462] {strides = array<i32>} : memref<32x64xf32, #tpu.memory_space<vmem>>, vector<16xf32>,
      %get3A_464 = arith.constant 7 : i32
      %get3A_465 = arith.index_cast %get3A_464 : i32 to index
      %get3A_466 = arith.constant 0 : index
      %get3A_467 = tpu.vector_load %arg15[%get3A_465, %get3A_466] {strides = array<i32>} : memref<32x64xf32, #tpu.memory_space<vmem>>, vector<16xf32>,
      %mul3A_468 = arith.mulf %get3A_463, %get3A_467 : vector<16xf32>
      %get3A_469 = arith.constant 7 : i32
      %get3A_470 = arith.index_cast %get3A_469 : i32 to index
      %get3A_471 = arith.constant 16 : index
      %get3A_472 = tpu.vector_load %arg14[%get3A_470, %get3A_471] {strides = array<i32>} : memref<32x64xf32, #tpu.memory_space<vmem>>, vector<16xf32>,
      %get3A_473 = arith.constant 7 : i32
      %get3A_474 = arith.index_cast %get3A_473 : i32 to index
      %get3A_475 = arith.constant 16 : index
      %get3A_476 = tpu.vector_load %arg15[%get3A_474, %get3A_475] {strides = array<i32>} : memref<32x64xf32, #tpu.memory_space<vmem>>, vector<16xf32>,
      %mul3A_477 = arith.mulf %get3A_472, %get3A_476 : vector<16xf32>
      %add3A_478 = arith.addf %mul3A_468, %mul3A_477 : vector<16xf32>
      %get3A_479 = arith.constant 7 : i32
      %get3A_480 = arith.index_cast %get3A_479 : i32 to index
      %get3A_481 = arith.constant 32 : index
      %get3A_482 = tpu.vector_load %arg14[%get3A_480, %get3A_481] {strides = array<i32>} : memref<32x64xf32, #tpu.memory_space<vmem>>, vector<16xf32>,
      %get3A_483 = arith.constant 7 : i32
      %get3A_484 = arith.index_cast %get3A_483 : i32 to index
      %get3A_485 = arith.constant 32 : index
      %get3A_486 = tpu.vector_load %arg15[%get3A_484, %get3A_485] {strides = array<i32>} : memref<32x64xf32, #tpu.memory_space<vmem>>, vector<16xf32>,
      %mul3A_487 = arith.mulf %get3A_482, %get3A_486 : vector<16xf32>
      %add3A_488 = arith.addf %add3A_478, %mul3A_487 : vector<16xf32>
      %get3A_489 = arith.constant 7 : i32
      %get3A_490 = arith.index_cast %get3A_489 : i32 to index
      %get3A_491 = arith.constant 48 : index
      %get3A_492 = tpu.vector_load %arg14[%get3A_490, %get3A_491] {strides = array<i32>} : memref<32x64xf32, #tpu.memory_space<vmem>>, vector<16xf32>,
      %get3A_493 = arith.constant 7 : i32
      %get3A_494 = arith.index_cast %get3A_493 : i32 to index
      %get3A_495 = arith.constant 48 : index
      %get3A_496 = tpu.vector_load %arg15[%get3A_494, %get3A_495] {strides = array<i32>} : memref<32x64xf32, #tpu.memory_space<vmem>>, vector<16xf32>,
      %mul3A_497 = arith.mulf %get3A_492, %get3A_496 : vector<16xf32>
      %add3A_498 = arith.addf %add3A_488, %mul3A_497 : vector<16xf32>
      %mul3A_499 = arith.constant 16 : i32
      %mul3A_500 = vector.broadcast %mul3A_499 : i32 to vector<16xi32>
      %mul3A_501 = arith.muli %iota3A, %mul3A_500 : vector<16xi32>
      %add3A_502 = arith.constant 7 : i32
      %add3A_503 = vector.broadcast %add3A_502 : i32 to vector<16xi32>
      %add3A_504 = arith.addi %mul3A_501, %add3A_503 : vector<16xi32>
      tpu.vector_store_idx %arg18[%add3A_504], %add3A_498 : memref<256xf32, #tpu.memory_space<vmem>>[vector<16xi32>], vector<16xf32>,
      %get3A_505 = arith.constant 8 : i32
      %get3A_506 = arith.index_cast %get3A_505 : i32 to index
      %get3A_507 = arith.constant 0 : index
      %get3A_508 = tpu.vector_load %arg14[%get3A_506, %get3A_507] {strides = array<i32>} : memref<32x64xf32, #tpu.memory_space<vmem>>, vector<16xf32>,
      %get3A_509 = arith.constant 8 : i32
      %get3A_510 = arith.index_cast %get3A_509 : i32 to index
      %get3A_511 = arith.constant 0 : index
      %get3A_512 = tpu.vector_load %arg15[%get3A_510, %get3A_511] {strides = array<i32>} : memref<32x64xf32, #tpu.memory_space<vmem>>, vector<16xf32>,
      %mul3A_513 = arith.mulf %get3A_508, %get3A_512 : vector<16xf32>
      %get3A_514 = arith.constant 8 : i32
      %get3A_515 = arith.index_cast %get3A_514 : i32 to index
      %get3A_516 = arith.constant 16 : index
      %get3A_517 = tpu.vector_load %arg14[%get3A_515, %get3A_516] {strides = array<i32>} : memref<32x64xf32, #tpu.memory_space<vmem>>, vector<16xf32>,
      %get3A_518 = arith.constant 8 : i32
      %get3A_519 = arith.index_cast %get3A_518 : i32 to index
      %get3A_520 = arith.constant 16 : index
      %get3A_521 = tpu.vector_load %arg15[%get3A_519, %get3A_520] {strides = array<i32>} : memref<32x64xf32, #tpu.memory_space<vmem>>, vector<16xf32>,
      %mul3A_522 = arith.mulf %get3A_517, %get3A_521 : vector<16xf32>
      %add3A_523 = arith.addf %mul3A_513, %mul3A_522 : vector<16xf32>
      %get3A_524 = arith.constant 8 : i32
      %get3A_525 = arith.index_cast %get3A_524 : i32 to index
      %get3A_526 = arith.constant 32 : index
      %get3A_527 = tpu.vector_load %arg14[%get3A_525, %get3A_526] {strides = array<i32>} : memref<32x64xf32, #tpu.memory_space<vmem>>, vector<16xf32>,
      %get3A_528 = arith.constant 8 : i32
      %get3A_529 = arith.index_cast %get3A_528 : i32 to index
      %get3A_530 = arith.constant 32 : index
      %get3A_531 = tpu.vector_load %arg15[%get3A_529, %get3A_530] {strides = array<i32>} : memref<32x64xf32, #tpu.memory_space<vmem>>, vector<16xf32>,
      %mul3A_532 = arith.mulf %get3A_527, %get3A_531 : vector<16xf32>
      %add3A_533 = arith.addf %add3A_523, %mul3A_532 : vector<16xf32>
      %get3A_534 = arith.constant 8 : i32
      %get3A_535 = arith.index_cast %get3A_534 : i32 to index
      %get3A_536 = arith.constant 48 : index
      %get3A_537 = tpu.vector_load %arg14[%get3A_535, %get3A_536] {strides = array<i32>} : memref<32x64xf32, #tpu.memory_space<vmem>>, vector<16xf32>,
      %get3A_538 = arith.constant 8 : i32
      %get3A_539 = arith.index_cast %get3A_538 : i32 to index
      %get3A_540 = arith.constant 48 : index
      %get3A_541 = tpu.vector_load %arg15[%get3A_539, %get3A_540] {strides = array<i32>} : memref<32x64xf32, #tpu.memory_space<vmem>>, vector<16xf32>,
      %mul3A_542 = arith.mulf %get3A_537, %get3A_541 : vector<16xf32>
      %add3A_543 = arith.addf %add3A_533, %mul3A_542 : vector<16xf32>
      %mul3A_544 = arith.constant 16 : i32
      %mul3A_545 = vector.broadcast %mul3A_544 : i32 to vector<16xi32>
      %mul3A_546 = arith.muli %iota3A, %mul3A_545 : vector<16xi32>
      %add3A_547 = arith.constant 8 : i32
      %add3A_548 = vector.broadcast %add3A_547 : i32 to vector<16xi32>
      %add3A_549 = arith.addi %mul3A_546, %add3A_548 : vector<16xi32>
      tpu.vector_store_idx %arg18[%add3A_549], %add3A_543 : memref<256xf32, #tpu.memory_space<vmem>>[vector<16xi32>], vector<16xf32>,
      %get3A_550 = arith.constant 9 : i32
      %get3A_551 = arith.index_cast %get3A_550 : i32 to index
      %get3A_552 = arith.constant 0 : index
      %get3A_553 = tpu.vector_load %arg14[%get3A_551, %get3A_552] {strides = array<i32>} : memref<32x64xf32, #tpu.memory_space<vmem>>, vector<16xf32>,
      %get3A_554 = arith.constant 9 : i32
      %get3A_555 = arith.index_cast %get3A_554 : i32 to index
      %get3A_556 = arith.constant 0 : index
      %get3A_557 = tpu.vector_load %arg15[%get3A_555, %get3A_556] {strides = array<i32>} : memref<32x64xf32, #tpu.memory_space<vmem>>, vector<16xf32>,
      %mul3A_558 = arith.mulf %get3A_553, %get3A_557 : vector<16xf32>
      %get3A_559 = arith.constant 9 : i32
      %get3A_560 = arith.index_cast %get3A_559 : i32 to index
      %get3A_561 = arith.constant 16 : index
      %get3A_562 = tpu.vector_load %arg14[%get3A_560, %get3A_561] {strides = array<i32>} : memref<32x64xf32, #tpu.memory_space<vmem>>, vector<16xf32>,
      %get3A_563 = arith.constant 9 : i32
      %get3A_564 = arith.index_cast %get3A_563 : i32 to index
      %get3A_565 = arith.constant 16 : index
      %get3A_566 = tpu.vector_load %arg15[%get3A_564, %get3A_565] {strides = array<i32>} : memref<32x64xf32, #tpu.memory_space<vmem>>, vector<16xf32>,
      %mul3A_567 = arith.mulf %get3A_562, %get3A_566 : vector<16xf32>
      %add3A_568 = arith.addf %mul3A_558, %mul3A_567 : vector<16xf32>
      %get3A_569 = arith.constant 9 : i32
      %get3A_570 = arith.index_cast %get3A_569 : i32 to index
      %get3A_571 = arith.constant 32 : index
      %get3A_572 = tpu.vector_load %arg14[%get3A_570, %get3A_571] {strides = array<i32>} : memref<32x64xf32, #tpu.memory_space<vmem>>, vector<16xf32>,
      %get3A_573 = arith.constant 9 : i32
      %get3A_574 = arith.index_cast %get3A_573 : i32 to index
      %get3A_575 = arith.constant 32 : index
      %get3A_576 = tpu.vector_load %arg15[%get3A_574, %get3A_575] {strides = array<i32>} : memref<32x64xf32, #tpu.memory_space<vmem>>, vector<16xf32>,
      %mul3A_577 = arith.mulf %get3A_572, %get3A_576 : vector<16xf32>
      %add3A_578 = arith.addf %add3A_568, %mul3A_577 : vector<16xf32>
      %get3A_579 = arith.constant 9 : i32
      %get3A_580 = arith.index_cast %get3A_579 : i32 to index
      %get3A_581 = arith.constant 48 : index
      %get3A_582 = tpu.vector_load %arg14[%get3A_580, %get3A_581] {strides = array<i32>} : memref<32x64xf32, #tpu.memory_space<vmem>>, vector<16xf32>,
      %get3A_583 = arith.constant 9 : i32
      %get3A_584 = arith.index_cast %get3A_583 : i32 to index
      %get3A_585 = arith.constant 48 : index
      %get3A_586 = tpu.vector_load %arg15[%get3A_584, %get3A_585] {strides = array<i32>} : memref<32x64xf32, #tpu.memory_space<vmem>>, vector<16xf32>,
      %mul3A_587 = arith.mulf %get3A_582, %get3A_586 : vector<16xf32>
      %add3A_588 = arith.addf %add3A_578, %mul3A_587 : vector<16xf32>
      %mul3A_589 = arith.constant 16 : i32
      %mul3A_590 = vector.broadcast %mul3A_589 : i32 to vector<16xi32>
      %mul3A_591 = arith.muli %iota3A, %mul3A_590 : vector<16xi32>
      %add3A_592 = arith.constant 9 : i32
      %add3A_593 = vector.broadcast %add3A_592 : i32 to vector<16xi32>
      %add3A_594 = arith.addi %mul3A_591, %add3A_593 : vector<16xi32>
      tpu.vector_store_idx %arg18[%add3A_594], %add3A_588 : memref<256xf32, #tpu.memory_space<vmem>>[vector<16xi32>], vector<16xf32>,
      %get3A_595 = arith.constant 10 : i32
      %get3A_596 = arith.index_cast %get3A_595 : i32 to index
      %get3A_597 = arith.constant 0 : index
      %get3A_598 = tpu.vector_load %arg14[%get3A_596, %get3A_597] {strides = array<i32>} : memref<32x64xf32, #tpu.memory_space<vmem>>, vector<16xf32>,
      %get3A_599 = arith.constant 10 : i32
      %get3A_600 = arith.index_cast %get3A_599 : i32 to index
      %get3A_601 = arith.constant 0 : index
      %get3A_602 = tpu.vector_load %arg15[%get3A_600, %get3A_601] {strides = array<i32>} : memref<32x64xf32, #tpu.memory_space<vmem>>, vector<16xf32>,
      %mul3A_603 = arith.mulf %get3A_598, %get3A_602 : vector<16xf32>
      %get3A_604 = arith.constant 10 : i32
      %get3A_605 = arith.index_cast %get3A_604 : i32 to index
      %get3A_606 = arith.constant 16 : index
      %get3A_607 = tpu.vector_load %arg14[%get3A_605, %get3A_606] {strides = array<i32>} : memref<32x64xf32, #tpu.memory_space<vmem>>, vector<16xf32>,
      %get3A_608 = arith.constant 10 : i32
      %get3A_609 = arith.index_cast %get3A_608 : i32 to index
      %get3A_610 = arith.constant 16 : index
      %get3A_611 = tpu.vector_load %arg15[%get3A_609, %get3A_610] {strides = array<i32>} : memref<32x64xf32, #tpu.memory_space<vmem>>, vector<16xf32>,
      %mul3A_612 = arith.mulf %get3A_607, %get3A_611 : vector<16xf32>
      %add3A_613 = arith.addf %mul3A_603, %mul3A_612 : vector<16xf32>
      %get3A_614 = arith.constant 10 : i32
      %get3A_615 = arith.index_cast %get3A_614 : i32 to index
      %get3A_616 = arith.constant 32 : index
      %get3A_617 = tpu.vector_load %arg14[%get3A_615, %get3A_616] {strides = array<i32>} : memref<32x64xf32, #tpu.memory_space<vmem>>, vector<16xf32>,
      %get3A_618 = arith.constant 10 : i32
      %get3A_619 = arith.index_cast %get3A_618 : i32 to index
      %get3A_620 = arith.constant 32 : index
      %get3A_621 = tpu.vector_load %arg15[%get3A_619, %get3A_620] {strides = array<i32>} : memref<32x64xf32, #tpu.memory_space<vmem>>, vector<16xf32>,
      %mul3A_622 = arith.mulf %get3A_617, %get3A_621 : vector<16xf32>
      %add3A_623 = arith.addf %add3A_613, %mul3A_622 : vector<16xf32>
      %get3A_624 = arith.constant 10 : i32
      %get3A_625 = arith.index_cast %get3A_624 : i32 to index
      %get3A_626 = arith.constant 48 : index
      %get3A_627 = tpu.vector_load %arg14[%get3A_625, %get3A_626] {strides = array<i32>} : memref<32x64xf32, #tpu.memory_space<vmem>>, vector<16xf32>,
      %get3A_628 = arith.constant 10 : i32
      %get3A_629 = arith.index_cast %get3A_628 : i32 to index
      %get3A_630 = arith.constant 48 : index
      %get3A_631 = tpu.vector_load %arg15[%get3A_629, %get3A_630] {strides = array<i32>} : memref<32x64xf32, #tpu.memory_space<vmem>>, vector<16xf32>,
      %mul3A_632 = arith.mulf %get3A_627, %get3A_631 : vector<16xf32>
      %add3A_633 = arith.addf %add3A_623, %mul3A_632 : vector<16xf32>
      %mul3A_634 = arith.constant 16 : i32
      %mul3A_635 = vector.broadcast %mul3A_634 : i32 to vector<16xi32>
      %mul3A_636 = arith.muli %iota3A, %mul3A_635 : vector<16xi32>
      %add3A_637 = arith.constant 10 : i32
      %add3A_638 = vector.broadcast %add3A_637 : i32 to vector<16xi32>
      %add3A_639 = arith.addi %mul3A_636, %add3A_638 : vector<16xi32>
      tpu.vector_store_idx %arg18[%add3A_639], %add3A_633 : memref<256xf32, #tpu.memory_space<vmem>>[vector<16xi32>], vector<16xf32>,
      %get3A_640 = arith.constant 11 : i32
      %get3A_641 = arith.index_cast %get3A_640 : i32 to index
      %get3A_642 = arith.constant 0 : index
      %get3A_643 = tpu.vector_load %arg14[%get3A_641, %get3A_642] {strides = array<i32>} : memref<32x64xf32, #tpu.memory_space<vmem>>, vector<16xf32>,
      %get3A_644 = arith.constant 11 : i32
      %get3A_645 = arith.index_cast %get3A_644 : i32 to index
      %get3A_646 = arith.constant 0 : index
      %get3A_647 = tpu.vector_load %arg15[%get3A_645, %get3A_646] {strides = array<i32>} : memref<32x64xf32, #tpu.memory_space<vmem>>, vector<16xf32>,
      %mul3A_648 = arith.mulf %get3A_643, %get3A_647 : vector<16xf32>
      %get3A_649 = arith.constant 11 : i32
      %get3A_650 = arith.index_cast %get3A_649 : i32 to index
      %get3A_651 = arith.constant 16 : index
      %get3A_652 = tpu.vector_load %arg14[%get3A_650, %get3A_651] {strides = array<i32>} : memref<32x64xf32, #tpu.memory_space<vmem>>, vector<16xf32>,
      %get3A_653 = arith.constant 11 : i32
      %get3A_654 = arith.index_cast %get3A_653 : i32 to index
      %get3A_655 = arith.constant 16 : index
      %get3A_656 = tpu.vector_load %arg15[%get3A_654, %get3A_655] {strides = array<i32>} : memref<32x64xf32, #tpu.memory_space<vmem>>, vector<16xf32>,
      %mul3A_657 = arith.mulf %get3A_652, %get3A_656 : vector<16xf32>
      %add3A_658 = arith.addf %mul3A_648, %mul3A_657 : vector<16xf32>
      %get3A_659 = arith.constant 11 : i32
      %get3A_660 = arith.index_cast %get3A_659 : i32 to index
      %get3A_661 = arith.constant 32 : index
      %get3A_662 = tpu.vector_load %arg14[%get3A_660, %get3A_661] {strides = array<i32>} : memref<32x64xf32, #tpu.memory_space<vmem>>, vector<16xf32>,
      %get3A_663 = arith.constant 11 : i32
      %get3A_664 = arith.index_cast %get3A_663 : i32 to index
      %get3A_665 = arith.constant 32 : index
      %get3A_666 = tpu.vector_load %arg15[%get3A_664, %get3A_665] {strides = array<i32>} : memref<32x64xf32, #tpu.memory_space<vmem>>, vector<16xf32>,
      %mul3A_667 = arith.mulf %get3A_662, %get3A_666 : vector<16xf32>
      %add3A_668 = arith.addf %add3A_658, %mul3A_667 : vector<16xf32>
      %get3A_669 = arith.constant 11 : i32
      %get3A_670 = arith.index_cast %get3A_669 : i32 to index
      %get3A_671 = arith.constant 48 : index
      %get3A_672 = tpu.vector_load %arg14[%get3A_670, %get3A_671] {strides = array<i32>} : memref<32x64xf32, #tpu.memory_space<vmem>>, vector<16xf32>,
      %get3A_673 = arith.constant 11 : i32
      %get3A_674 = arith.index_cast %get3A_673 : i32 to index
      %get3A_675 = arith.constant 48 : index
      %get3A_676 = tpu.vector_load %arg15[%get3A_674, %get3A_675] {strides = array<i32>} : memref<32x64xf32, #tpu.memory_space<vmem>>, vector<16xf32>,
      %mul3A_677 = arith.mulf %get3A_672, %get3A_676 : vector<16xf32>
      %add3A_678 = arith.addf %add3A_668, %mul3A_677 : vector<16xf32>
      %mul3A_679 = arith.constant 16 : i32
      %mul3A_680 = vector.broadcast %mul3A_679 : i32 to vector<16xi32>
      %mul3A_681 = arith.muli %iota3A, %mul3A_680 : vector<16xi32>
      %add3A_682 = arith.constant 11 : i32
      %add3A_683 = vector.broadcast %add3A_682 : i32 to vector<16xi32>
      %add3A_684 = arith.addi %mul3A_681, %add3A_683 : vector<16xi32>
      tpu.vector_store_idx %arg18[%add3A_684], %add3A_678 : memref<256xf32, #tpu.memory_space<vmem>>[vector<16xi32>], vector<16xf32>,
      %get3A_685 = arith.constant 12 : i32
      %get3A_686 = arith.index_cast %get3A_685 : i32 to index
      %get3A_687 = arith.constant 0 : index
      %get3A_688 = tpu.vector_load %arg14[%get3A_686, %get3A_687] {strides = array<i32>} : memref<32x64xf32, #tpu.memory_space<vmem>>, vector<16xf32>,
      %get3A_689 = arith.constant 12 : i32
      %get3A_690 = arith.index_cast %get3A_689 : i32 to index
      %get3A_691 = arith.constant 0 : index
      %get3A_692 = tpu.vector_load %arg15[%get3A_690, %get3A_691] {strides = array<i32>} : memref<32x64xf32, #tpu.memory_space<vmem>>, vector<16xf32>,
      %mul3A_693 = arith.mulf %get3A_688, %get3A_692 : vector<16xf32>
      %get3A_694 = arith.constant 12 : i32
      %get3A_695 = arith.index_cast %get3A_694 : i32 to index
      %get3A_696 = arith.constant 16 : index
      %get3A_697 = tpu.vector_load %arg14[%get3A_695, %get3A_696] {strides = array<i32>} : memref<32x64xf32, #tpu.memory_space<vmem>>, vector<16xf32>,
      %get3A_698 = arith.constant 12 : i32
      %get3A_699 = arith.index_cast %get3A_698 : i32 to index
      %get3A_700 = arith.constant 16 : index
      %get3A_701 = tpu.vector_load %arg15[%get3A_699, %get3A_700] {strides = array<i32>} : memref<32x64xf32, #tpu.memory_space<vmem>>, vector<16xf32>,
      %mul3A_702 = arith.mulf %get3A_697, %get3A_701 : vector<16xf32>
      %add3A_703 = arith.addf %mul3A_693, %mul3A_702 : vector<16xf32>
      %get3A_704 = arith.constant 12 : i32
      %get3A_705 = arith.index_cast %get3A_704 : i32 to index
      %get3A_706 = arith.constant 32 : index
      %get3A_707 = tpu.vector_load %arg14[%get3A_705, %get3A_706] {strides = array<i32>} : memref<32x64xf32, #tpu.memory_space<vmem>>, vector<16xf32>,
      %get3A_708 = arith.constant 12 : i32
      %get3A_709 = arith.index_cast %get3A_708 : i32 to index
      %get3A_710 = arith.constant 32 : index
      %get3A_711 = tpu.vector_load %arg15[%get3A_709, %get3A_710] {strides = array<i32>} : memref<32x64xf32, #tpu.memory_space<vmem>>, vector<16xf32>,
      %mul3A_712 = arith.mulf %get3A_707, %get3A_711 : vector<16xf32>
      %add3A_713 = arith.addf %add3A_703, %mul3A_712 : vector<16xf32>
      %get3A_714 = arith.constant 12 : i32
      %get3A_715 = arith.index_cast %get3A_714 : i32 to index
      %get3A_716 = arith.constant 48 : index
      %get3A_717 = tpu.vector_load %arg14[%get3A_715, %get3A_716] {strides = array<i32>} : memref<32x64xf32, #tpu.memory_space<vmem>>, vector<16xf32>,
      %get3A_718 = arith.constant 12 : i32
      %get3A_719 = arith.index_cast %get3A_718 : i32 to index
      %get3A_720 = arith.constant 48 : index
      %get3A_721 = tpu.vector_load %arg15[%get3A_719, %get3A_720] {strides = array<i32>} : memref<32x64xf32, #tpu.memory_space<vmem>>, vector<16xf32>,
      %mul3A_722 = arith.mulf %get3A_717, %get3A_721 : vector<16xf32>
      %add3A_723 = arith.addf %add3A_713, %mul3A_722 : vector<16xf32>
      %mul3A_724 = arith.constant 16 : i32
      %mul3A_725 = vector.broadcast %mul3A_724 : i32 to vector<16xi32>
      %mul3A_726 = arith.muli %iota3A, %mul3A_725 : vector<16xi32>
      %add3A_727 = arith.constant 12 : i32
      %add3A_728 = vector.broadcast %add3A_727 : i32 to vector<16xi32>
      %add3A_729 = arith.addi %mul3A_726, %add3A_728 : vector<16xi32>
      tpu.vector_store_idx %arg18[%add3A_729], %add3A_723 : memref<256xf32, #tpu.memory_space<vmem>>[vector<16xi32>], vector<16xf32>,
      %get3A_730 = arith.constant 13 : i32
      %get3A_731 = arith.index_cast %get3A_730 : i32 to index
      %get3A_732 = arith.constant 0 : index
      %get3A_733 = tpu.vector_load %arg14[%get3A_731, %get3A_732] {strides = array<i32>} : memref<32x64xf32, #tpu.memory_space<vmem>>, vector<16xf32>,
      %get3A_734 = arith.constant 13 : i32
      %get3A_735 = arith.index_cast %get3A_734 : i32 to index
      %get3A_736 = arith.constant 0 : index
      %get3A_737 = tpu.vector_load %arg15[%get3A_735, %get3A_736] {strides = array<i32>} : memref<32x64xf32, #tpu.memory_space<vmem>>, vector<16xf32>,
      %mul3A_738 = arith.mulf %get3A_733, %get3A_737 : vector<16xf32>
      %get3A_739 = arith.constant 13 : i32
      %get3A_740 = arith.index_cast %get3A_739 : i32 to index
      %get3A_741 = arith.constant 16 : index
      %get3A_742 = tpu.vector_load %arg14[%get3A_740, %get3A_741] {strides = array<i32>} : memref<32x64xf32, #tpu.memory_space<vmem>>, vector<16xf32>,
      %get3A_743 = arith.constant 13 : i32
      %get3A_744 = arith.index_cast %get3A_743 : i32 to index
      %get3A_745 = arith.constant 16 : index
      %get3A_746 = tpu.vector_load %arg15[%get3A_744, %get3A_745] {strides = array<i32>} : memref<32x64xf32, #tpu.memory_space<vmem>>, vector<16xf32>,
      %mul3A_747 = arith.mulf %get3A_742, %get3A_746 : vector<16xf32>
      %add3A_748 = arith.addf %mul3A_738, %mul3A_747 : vector<16xf32>
      %get3A_749 = arith.constant 13 : i32
      %get3A_750 = arith.index_cast %get3A_749 : i32 to index
      %get3A_751 = arith.constant 32 : index
      %get3A_752 = tpu.vector_load %arg14[%get3A_750, %get3A_751] {strides = array<i32>} : memref<32x64xf32, #tpu.memory_space<vmem>>, vector<16xf32>,
      %get3A_753 = arith.constant 13 : i32
      %get3A_754 = arith.index_cast %get3A_753 : i32 to index
      %get3A_755 = arith.constant 32 : index
      %get3A_756 = tpu.vector_load %arg15[%get3A_754, %get3A_755] {strides = array<i32>} : memref<32x64xf32, #tpu.memory_space<vmem>>, vector<16xf32>,
      %mul3A_757 = arith.mulf %get3A_752, %get3A_756 : vector<16xf32>
      %add3A_758 = arith.addf %add3A_748, %mul3A_757 : vector<16xf32>
      %get3A_759 = arith.constant 13 : i32
      %get3A_760 = arith.index_cast %get3A_759 : i32 to index
      %get3A_761 = arith.constant 48 : index
      %get3A_762 = tpu.vector_load %arg14[%get3A_760, %get3A_761] {strides = array<i32>} : memref<32x64xf32, #tpu.memory_space<vmem>>, vector<16xf32>,
      %get3A_763 = arith.constant 13 : i32
      %get3A_764 = arith.index_cast %get3A_763 : i32 to index
      %get3A_765 = arith.constant 48 : index
      %get3A_766 = tpu.vector_load %arg15[%get3A_764, %get3A_765] {strides = array<i32>} : memref<32x64xf32, #tpu.memory_space<vmem>>, vector<16xf32>,
      %mul3A_767 = arith.mulf %get3A_762, %get3A_766 : vector<16xf32>
      %add3A_768 = arith.addf %add3A_758, %mul3A_767 : vector<16xf32>
      %mul3A_769 = arith.constant 16 : i32
      %mul3A_770 = vector.broadcast %mul3A_769 : i32 to vector<16xi32>
      %mul3A_771 = arith.muli %iota3A, %mul3A_770 : vector<16xi32>
      %add3A_772 = arith.constant 13 : i32
      %add3A_773 = vector.broadcast %add3A_772 : i32 to vector<16xi32>
      %add3A_774 = arith.addi %mul3A_771, %add3A_773 : vector<16xi32>
      tpu.vector_store_idx %arg18[%add3A_774], %add3A_768 : memref<256xf32, #tpu.memory_space<vmem>>[vector<16xi32>], vector<16xf32>,
      %get3A_775 = arith.constant 14 : i32
      %get3A_776 = arith.index_cast %get3A_775 : i32 to index
      %get3A_777 = arith.constant 0 : index
      %get3A_778 = tpu.vector_load %arg14[%get3A_776, %get3A_777] {strides = array<i32>} : memref<32x64xf32, #tpu.memory_space<vmem>>, vector<16xf32>,
      %get3A_779 = arith.constant 14 : i32
      %get3A_780 = arith.index_cast %get3A_779 : i32 to index
      %get3A_781 = arith.constant 0 : index
      %get3A_782 = tpu.vector_load %arg15[%get3A_780, %get3A_781] {strides = array<i32>} : memref<32x64xf32, #tpu.memory_space<vmem>>, vector<16xf32>,
      %mul3A_783 = arith.mulf %get3A_778, %get3A_782 : vector<16xf32>
      %get3A_784 = arith.constant 14 : i32
      %get3A_785 = arith.index_cast %get3A_784 : i32 to index
      %get3A_786 = arith.constant 16 : index
      %get3A_787 = tpu.vector_load %arg14[%get3A_785, %get3A_786] {strides = array<i32>} : memref<32x64xf32, #tpu.memory_space<vmem>>, vector<16xf32>,
      %get3A_788 = arith.constant 14 : i32
      %get3A_789 = arith.index_cast %get3A_788 : i32 to index
      %get3A_790 = arith.constant 16 : index
      %get3A_791 = tpu.vector_load %arg15[%get3A_789, %get3A_790] {strides = array<i32>} : memref<32x64xf32, #tpu.memory_space<vmem>>, vector<16xf32>,
      %mul3A_792 = arith.mulf %get3A_787, %get3A_791 : vector<16xf32>
      %add3A_793 = arith.addf %mul3A_783, %mul3A_792 : vector<16xf32>
      %get3A_794 = arith.constant 14 : i32
      %get3A_795 = arith.index_cast %get3A_794 : i32 to index
      %get3A_796 = arith.constant 32 : index
      %get3A_797 = tpu.vector_load %arg14[%get3A_795, %get3A_796] {strides = array<i32>} : memref<32x64xf32, #tpu.memory_space<vmem>>, vector<16xf32>,
      %get3A_798 = arith.constant 14 : i32
      %get3A_799 = arith.index_cast %get3A_798 : i32 to index
      %get3A_800 = arith.constant 32 : index
      %get3A_801 = tpu.vector_load %arg15[%get3A_799, %get3A_800] {strides = array<i32>} : memref<32x64xf32, #tpu.memory_space<vmem>>, vector<16xf32>,
      %mul3A_802 = arith.mulf %get3A_797, %get3A_801 : vector<16xf32>
      %add3A_803 = arith.addf %add3A_793, %mul3A_802 : vector<16xf32>
      %get3A_804 = arith.constant 14 : i32
      %get3A_805 = arith.index_cast %get3A_804 : i32 to index
      %get3A_806 = arith.constant 48 : index
      %get3A_807 = tpu.vector_load %arg14[%get3A_805, %get3A_806] {strides = array<i32>} : memref<32x64xf32, #tpu.memory_space<vmem>>, vector<16xf32>,
      %get3A_808 = arith.constant 14 : i32
      %get3A_809 = arith.index_cast %get3A_808 : i32 to index
      %get3A_810 = arith.constant 48 : index
      %get3A_811 = tpu.vector_load %arg15[%get3A_809, %get3A_810] {strides = array<i32>} : memref<32x64xf32, #tpu.memory_space<vmem>>, vector<16xf32>,
      %mul3A_812 = arith.mulf %get3A_807, %get3A_811 : vector<16xf32>
      %add3A_813 = arith.addf %add3A_803, %mul3A_812 : vector<16xf32>
      %mul3A_814 = arith.constant 16 : i32
      %mul3A_815 = vector.broadcast %mul3A_814 : i32 to vector<16xi32>
      %mul3A_816 = arith.muli %iota3A, %mul3A_815 : vector<16xi32>
      %add3A_817 = arith.constant 14 : i32
      %add3A_818 = vector.broadcast %add3A_817 : i32 to vector<16xi32>
      %add3A_819 = arith.addi %mul3A_816, %add3A_818 : vector<16xi32>
      tpu.vector_store_idx %arg18[%add3A_819], %add3A_813 : memref<256xf32, #tpu.memory_space<vmem>>[vector<16xi32>], vector<16xf32>,
      %get3A_820 = arith.constant 15 : i32
      %get3A_821 = arith.index_cast %get3A_820 : i32 to index
      %get3A_822 = arith.constant 0 : index
      %get3A_823 = tpu.vector_load %arg14[%get3A_821, %get3A_822] {strides = array<i32>} : memref<32x64xf32, #tpu.memory_space<vmem>>, vector<16xf32>,
      %get3A_824 = arith.constant 15 : i32
      %get3A_825 = arith.index_cast %get3A_824 : i32 to index
      %get3A_826 = arith.constant 0 : index
      %get3A_827 = tpu.vector_load %arg15[%get3A_825, %get3A_826] {strides = array<i32>} : memref<32x64xf32, #tpu.memory_space<vmem>>, vector<16xf32>,
      %mul3A_828 = arith.mulf %get3A_823, %get3A_827 : vector<16xf32>
      %get3A_829 = arith.constant 15 : i32
      %get3A_830 = arith.index_cast %get3A_829 : i32 to index
      %get3A_831 = arith.constant 16 : index
      %get3A_832 = tpu.vector_load %arg14[%get3A_830, %get3A_831] {strides = array<i32>} : memref<32x64xf32, #tpu.memory_space<vmem>>, vector<16xf32>,
      %get3A_833 = arith.constant 15 : i32
      %get3A_834 = arith.index_cast %get3A_833 : i32 to index
      %get3A_835 = arith.constant 16 : index
      %get3A_836 = tpu.vector_load %arg15[%get3A_834, %get3A_835] {strides = array<i32>} : memref<32x64xf32, #tpu.memory_space<vmem>>, vector<16xf32>,
      %mul3A_837 = arith.mulf %get3A_832, %get3A_836 : vector<16xf32>
      %add3A_838 = arith.addf %mul3A_828, %mul3A_837 : vector<16xf32>
      %get3A_839 = arith.constant 15 : i32
      %get3A_840 = arith.index_cast %get3A_839 : i32 to index
      %get3A_841 = arith.constant 32 : index
      %get3A_842 = tpu.vector_load %arg14[%get3A_840, %get3A_841] {strides = array<i32>} : memref<32x64xf32, #tpu.memory_space<vmem>>, vector<16xf32>,
      %get3A_843 = arith.constant 15 : i32
      %get3A_844 = arith.index_cast %get3A_843 : i32 to index
      %get3A_845 = arith.constant 32 : index
      %get3A_846 = tpu.vector_load %arg15[%get3A_844, %get3A_845] {strides = array<i32>} : memref<32x64xf32, #tpu.memory_space<vmem>>, vector<16xf32>,
      %mul3A_847 = arith.mulf %get3A_842, %get3A_846 : vector<16xf32>
      %add3A_848 = arith.addf %add3A_838, %mul3A_847 : vector<16xf32>
      %get3A_849 = arith.constant 15 : i32
      %get3A_850 = arith.index_cast %get3A_849 : i32 to index
      %get3A_851 = arith.constant 48 : index
      %get3A_852 = tpu.vector_load %arg14[%get3A_850, %get3A_851] {strides = array<i32>} : memref<32x64xf32, #tpu.memory_space<vmem>>, vector<16xf32>,
      %get3A_853 = arith.constant 15 : i32
      %get3A_854 = arith.index_cast %get3A_853 : i32 to index
      %get3A_855 = arith.constant 48 : index
      %get3A_856 = tpu.vector_load %arg15[%get3A_854, %get3A_855] {strides = array<i32>} : memref<32x64xf32, #tpu.memory_space<vmem>>, vector<16xf32>,
      %mul3A_857 = arith.mulf %get3A_852, %get3A_856 : vector<16xf32>
      %add3A_858 = arith.addf %add3A_848, %mul3A_857 : vector<16xf32>
      %mul3A_859 = arith.constant 16 : i32
      %mul3A_860 = vector.broadcast %mul3A_859 : i32 to vector<16xi32>
      %mul3A_861 = arith.muli %iota3A, %mul3A_860 : vector<16xi32>
      %add3A_862 = arith.constant 15 : i32
      %add3A_863 = vector.broadcast %add3A_862 : i32 to vector<16xi32>
      %add3A_864 = arith.addi %mul3A_861, %add3A_863 : vector<16xi32>
      tpu.vector_store_idx %arg18[%add3A_864], %add3A_858 : memref<256xf32, #tpu.memory_space<vmem>>[vector<16xi32>], vector<16xf32>,
      %get3A_865 = arith.constant 0 : index
      %get3A_866 = tpu.vector_load %arg18[%get3A_865] {strides = array<i32>} : memref<256xf32, #tpu.memory_space<vmem>>, vector<16xf32>,
      %get3A_867 = arith.constant 16 : index
      %get3A_868 = tpu.vector_load %arg18[%get3A_867] {strides = array<i32>} : memref<256xf32, #tpu.memory_space<vmem>>, vector<16xf32>,
      %add3A_869 = arith.addf %get3A_866, %get3A_868 : vector<16xf32>
      %get3A_870 = arith.constant 32 : index
      %get3A_871 = tpu.vector_load %arg18[%get3A_870] {strides = array<i32>} : memref<256xf32, #tpu.memory_space<vmem>>, vector<16xf32>,
      %add3A_872 = arith.addf %add3A_869, %get3A_871 : vector<16xf32>
      %get3A_873 = arith.constant 48 : index
      %get3A_874 = tpu.vector_load %arg18[%get3A_873] {strides = array<i32>} : memref<256xf32, #tpu.memory_space<vmem>>, vector<16xf32>,
      %add3A_875 = arith.addf %add3A_872, %get3A_874 : vector<16xf32>
      %get3A_876 = arith.constant 64 : index
      %get3A_877 = tpu.vector_load %arg18[%get3A_876] {strides = array<i32>} : memref<256xf32, #tpu.memory_space<vmem>>, vector<16xf32>,
      %add3A_878 = arith.addf %add3A_875, %get3A_877 : vector<16xf32>
      %get3A_879 = arith.constant 80 : index
      %get3A_880 = tpu.vector_load %arg18[%get3A_879] {strides = array<i32>} : memref<256xf32, #tpu.memory_space<vmem>>, vector<16xf32>,
      %add3A_881 = arith.addf %add3A_878, %get3A_880 : vector<16xf32>
      %get3A_882 = arith.constant 96 : index
      %get3A_883 = tpu.vector_load %arg18[%get3A_882] {strides = array<i32>} : memref<256xf32, #tpu.memory_space<vmem>>, vector<16xf32>,
      %add3A_884 = arith.addf %add3A_881, %get3A_883 : vector<16xf32>
      %get3A_885 = arith.constant 112 : index
      %get3A_886 = tpu.vector_load %arg18[%get3A_885] {strides = array<i32>} : memref<256xf32, #tpu.memory_space<vmem>>, vector<16xf32>,
      %add3A_887 = arith.addf %add3A_884, %get3A_886 : vector<16xf32>
      %get3A_888 = arith.constant 128 : index
      %get3A_889 = tpu.vector_load %arg18[%get3A_888] {strides = array<i32>} : memref<256xf32, #tpu.memory_space<vmem>>, vector<16xf32>,
      %add3A_890 = arith.addf %add3A_887, %get3A_889 : vector<16xf32>
      %get3A_891 = arith.constant 144 : index
      %get3A_892 = tpu.vector_load %arg18[%get3A_891] {strides = array<i32>} : memref<256xf32, #tpu.memory_space<vmem>>, vector<16xf32>,
      %add3A_893 = arith.addf %add3A_890, %get3A_892 : vector<16xf32>
      %get3A_894 = arith.constant 160 : index
      %get3A_895 = tpu.vector_load %arg18[%get3A_894] {strides = array<i32>} : memref<256xf32, #tpu.memory_space<vmem>>, vector<16xf32>,
      %add3A_896 = arith.addf %add3A_893, %get3A_895 : vector<16xf32>
      %get3A_897 = arith.constant 176 : index
      %get3A_898 = tpu.vector_load %arg18[%get3A_897] {strides = array<i32>} : memref<256xf32, #tpu.memory_space<vmem>>, vector<16xf32>,
      %add3A_899 = arith.addf %add3A_896, %get3A_898 : vector<16xf32>
      %get3A_900 = arith.constant 192 : index
      %get3A_901 = tpu.vector_load %arg18[%get3A_900] {strides = array<i32>} : memref<256xf32, #tpu.memory_space<vmem>>, vector<16xf32>,
      %add3A_902 = arith.addf %add3A_899, %get3A_901 : vector<16xf32>
      %get3A_903 = arith.constant 208 : index
      %get3A_904 = tpu.vector_load %arg18[%get3A_903] {strides = array<i32>} : memref<256xf32, #tpu.memory_space<vmem>>, vector<16xf32>,
      %add3A_905 = arith.addf %add3A_902, %get3A_904 : vector<16xf32>
      %get3A_906 = arith.constant 224 : index
      %get3A_907 = tpu.vector_load %arg18[%get3A_906] {strides = array<i32>} : memref<256xf32, #tpu.memory_space<vmem>>, vector<16xf32>,
      %add3A_908 = arith.addf %add3A_905, %get3A_907 : vector<16xf32>
      %get3A_909 = arith.constant 240 : index
      %get3A_910 = tpu.vector_load %arg18[%get3A_909] {strides = array<i32>} : memref<256xf32, #tpu.memory_space<vmem>>, vector<16xf32>,
      %add3A_911 = arith.addf %add3A_908, %get3A_910 : vector<16xf32>
      %swap3A = arith.constant 0 : index
      %swap3A_912 = tpu.vector_load %arg16[%swap3A] {strides = array<i32>} : memref<32xf32, #tpu.memory_space<vmem>>, vector<16xf32>,
      tpu.vector_store %arg16[%swap3A], %add3A_911 {strides = array<i32>} : memref<32xf32, #tpu.memory_space<vmem>>, vector<16xf32>,
      %get3A_913 = arith.constant 16 : i32
      %get3A_914 = arith.index_cast %get3A_913 : i32 to index
      %get3A_915 = arith.constant 0 : index
      %get3A_916 = tpu.vector_load %arg14[%get3A_914, %get3A_915] {strides = array<i32>} : memref<32x64xf32, #tpu.memory_space<vmem>>, vector<16xf32>,
      %get3A_917 = arith.constant 16 : i32
      %get3A_918 = arith.index_cast %get3A_917 : i32 to index
      %get3A_919 = arith.constant 0 : index
      %get3A_920 = tpu.vector_load %arg15[%get3A_918, %get3A_919] {strides = array<i32>} : memref<32x64xf32, #tpu.memory_space<vmem>>, vector<16xf32>,
      %mul3A_921 = arith.mulf %get3A_916, %get3A_920 : vector<16xf32>
      %get3A_922 = arith.constant 16 : i32
      %get3A_923 = arith.index_cast %get3A_922 : i32 to index
      %get3A_924 = arith.constant 16 : index
      %get3A_925 = tpu.vector_load %arg14[%get3A_923, %get3A_924] {strides = array<i32>} : memref<32x64xf32, #tpu.memory_space<vmem>>, vector<16xf32>,
      %get3A_926 = arith.constant 16 : i32
      %get3A_927 = arith.index_cast %get3A_926 : i32 to index
      %get3A_928 = arith.constant 16 : index
      %get3A_929 = tpu.vector_load %arg15[%get3A_927, %get3A_928] {strides = array<i32>} : memref<32x64xf32, #tpu.memory_space<vmem>>, vector<16xf32>,
      %mul3A_930 = arith.mulf %get3A_925, %get3A_929 : vector<16xf32>
      %add3A_931 = arith.addf %mul3A_921, %mul3A_930 : vector<16xf32>
      %get3A_932 = arith.constant 16 : i32
      %get3A_933 = arith.index_cast %get3A_932 : i32 to index
      %get3A_934 = arith.constant 32 : index
      %get3A_935 = tpu.vector_load %arg14[%get3A_933, %get3A_934] {strides = array<i32>} : memref<32x64xf32, #tpu.memory_space<vmem>>, vector<16xf32>,
      %get3A_936 = arith.constant 16 : i32
      %get3A_937 = arith.index_cast %get3A_936 : i32 to index
      %get3A_938 = arith.constant 32 : index
      %get3A_939 = tpu.vector_load %arg15[%get3A_937, %get3A_938] {strides = array<i32>} : memref<32x64xf32, #tpu.memory_space<vmem>>, vector<16xf32>,
      %mul3A_940 = arith.mulf %get3A_935, %get3A_939 : vector<16xf32>
      %add3A_941 = arith.addf %add3A_931, %mul3A_940 : vector<16xf32>
      %get3A_942 = arith.constant 16 : i32
      %get3A_943 = arith.index_cast %get3A_942 : i32 to index
      %get3A_944 = arith.constant 48 : index
      %get3A_945 = tpu.vector_load %arg14[%get3A_943, %get3A_944] {strides = array<i32>} : memref<32x64xf32, #tpu.memory_space<vmem>>, vector<16xf32>,
      %get3A_946 = arith.constant 16 : i32
      %get3A_947 = arith.index_cast %get3A_946 : i32 to index
      %get3A_948 = arith.constant 48 : index
      %get3A_949 = tpu.vector_load %arg15[%get3A_947, %get3A_948] {strides = array<i32>} : memref<32x64xf32, #tpu.memory_space<vmem>>, vector<16xf32>,
      %mul3A_950 = arith.mulf %get3A_945, %get3A_949 : vector<16xf32>
      %add3A_951 = arith.addf %add3A_941, %mul3A_950 : vector<16xf32>
      %mul3A_952 = arith.constant 16 : i32
      %mul3A_953 = vector.broadcast %mul3A_952 : i32 to vector<16xi32>
      %mul3A_954 = arith.muli %iota3A, %mul3A_953 : vector<16xi32>
      %add3A_955 = arith.constant 0 : i32
      %add3A_956 = vector.broadcast %add3A_955 : i32 to vector<16xi32>
      %add3A_957 = arith.addi %mul3A_954, %add3A_956 : vector<16xi32>
      tpu.vector_store_idx %arg18[%add3A_957], %add3A_951 : memref<256xf32, #tpu.memory_space<vmem>>[vector<16xi32>], vector<16xf32>,
      %get3A_958 = arith.constant 17 : i32
      %get3A_959 = arith.index_cast %get3A_958 : i32 to index
      %get3A_960 = arith.constant 0 : index
      %get3A_961 = tpu.vector_load %arg14[%get3A_959, %get3A_960] {strides = array<i32>} : memref<32x64xf32, #tpu.memory_space<vmem>>, vector<16xf32>,
      %get3A_962 = arith.constant 17 : i32
      %get3A_963 = arith.index_cast %get3A_962 : i32 to index
      %get3A_964 = arith.constant 0 : index
      %get3A_965 = tpu.vector_load %arg15[%get3A_963, %get3A_964] {strides = array<i32>} : memref<32x64xf32, #tpu.memory_space<vmem>>, vector<16xf32>,
      %mul3A_966 = arith.mulf %get3A_961, %get3A_965 : vector<16xf32>
      %get3A_967 = arith.constant 17 : i32
      %get3A_968 = arith.index_cast %get3A_967 : i32 to index
      %get3A_969 = arith.constant 16 : index
      %get3A_970 = tpu.vector_load %arg14[%get3A_968, %get3A_969] {strides = array<i32>} : memref<32x64xf32, #tpu.memory_space<vmem>>, vector<16xf32>,
      %get3A_971 = arith.constant 17 : i32
      %get3A_972 = arith.index_cast %get3A_971 : i32 to index
      %get3A_973 = arith.constant 16 : index
      %get3A_974 = tpu.vector_load %arg15[%get3A_972, %get3A_973] {strides = array<i32>} : memref<32x64xf32, #tpu.memory_space<vmem>>, vector<16xf32>,
      %mul3A_975 = arith.mulf %get3A_970, %get3A_974 : vector<16xf32>
      %add3A_976 = arith.addf %mul3A_966, %mul3A_975 : vector<16xf32>
      %get3A_977 = arith.constant 17 : i32
      %get3A_978 = arith.index_cast %get3A_977 : i32 to index
      %get3A_979 = arith.constant 32 : index
      %get3A_980 = tpu.vector_load %arg14[%get3A_978, %get3A_979] {strides = array<i32>} : memref<32x64xf32, #tpu.memory_space<vmem>>, vector<16xf32>,
      %get3A_981 = arith.constant 17 : i32
      %get3A_982 = arith.index_cast %get3A_981 : i32 to index
      %get3A_983 = arith.constant 32 : index
      %get3A_984 = tpu.vector_load %arg15[%get3A_982, %get3A_983] {strides = array<i32>} : memref<32x64xf32, #tpu.memory_space<vmem>>, vector<16xf32>,
      %mul3A_985 = arith.mulf %get3A_980, %get3A_984 : vector<16xf32>
      %add3A_986 = arith.addf %add3A_976, %mul3A_985 : vector<16xf32>
      %get3A_987 = arith.constant 17 : i32
      %get3A_988 = arith.index_cast %get3A_987 : i32 to index
      %get3A_989 = arith.constant 48 : index
      %get3A_990 = tpu.vector_load %arg14[%get3A_988, %get3A_989] {strides = array<i32>} : memref<32x64xf32, #tpu.memory_space<vmem>>, vector<16xf32>,
      %get3A_991 = arith.constant 17 : i32
      %get3A_992 = arith.index_cast %get3A_991 : i32 to index
      %get3A_993 = arith.constant 48 : index
      %get3A_994 = tpu.vector_load %arg15[%get3A_992, %get3A_993] {strides = array<i32>} : memref<32x64xf32, #tpu.memory_space<vmem>>, vector<16xf32>,
      %mul3A_995 = arith.mulf %get3A_990, %get3A_994 : vector<16xf32>
      %add3A_996 = arith.addf %add3A_986, %mul3A_995 : vector<16xf32>
      %mul3A_997 = arith.constant 16 : i32
      %mul3A_998 = vector.broadcast %mul3A_997 : i32 to vector<16xi32>
      %mul3A_999 = arith.muli %iota3A, %mul3A_998 : vector<16xi32>
      %add3A_1000 = arith.constant 1 : i32
      %add3A_1001 = vector.broadcast %add3A_1000 : i32 to vector<16xi32>
      %add3A_1002 = arith.addi %mul3A_999, %add3A_1001 : vector<16xi32>
      tpu.vector_store_idx %arg18[%add3A_1002], %add3A_996 : memref<256xf32, #tpu.memory_space<vmem>>[vector<16xi32>], vector<16xf32>,
      %get3A_1003 = arith.constant 18 : i32
      %get3A_1004 = arith.index_cast %get3A_1003 : i32 to index
      %get3A_1005 = arith.constant 0 : index
      %get3A_1006 = tpu.vector_load %arg14[%get3A_1004, %get3A_1005] {strides = array<i32>} : memref<32x64xf32, #tpu.memory_space<vmem>>, vector<16xf32>,
      %get3A_1007 = arith.constant 18 : i32
      %get3A_1008 = arith.index_cast %get3A_1007 : i32 to index
      %get3A_1009 = arith.constant 0 : index
      %get3A_1010 = tpu.vector_load %arg15[%get3A_1008, %get3A_1009] {strides = array<i32>} : memref<32x64xf32, #tpu.memory_space<vmem>>, vector<16xf32>,
      %mul3A_1011 = arith.mulf %get3A_1006, %get3A_1010 : vector<16xf32>
      %get3A_1012 = arith.constant 18 : i32
      %get3A_1013 = arith.index_cast %get3A_1012 : i32 to index
      %get3A_1014 = arith.constant 16 : index
      %get3A_1015 = tpu.vector_load %arg14[%get3A_1013, %get3A_1014] {strides = array<i32>} : memref<32x64xf32, #tpu.memory_space<vmem>>, vector<16xf32>,
      %get3A_1016 = arith.constant 18 : i32
      %get3A_1017 = arith.index_cast %get3A_1016 : i32 to index
      %get3A_1018 = arith.constant 16 : index
      %get3A_1019 = tpu.vector_load %arg15[%get3A_1017, %get3A_1018] {strides = array<i32>} : memref<32x64xf32, #tpu.memory_space<vmem>>, vector<16xf32>,
      %mul3A_1020 = arith.mulf %get3A_1015, %get3A_1019 : vector<16xf32>
      %add3A_1021 = arith.addf %mul3A_1011, %mul3A_1020 : vector<16xf32>
      %get3A_1022 = arith.constant 18 : i32
      %get3A_1023 = arith.index_cast %get3A_1022 : i32 to index
      %get3A_1024 = arith.constant 32 : index
      %get3A_1025 = tpu.vector_load %arg14[%get3A_1023, %get3A_1024] {strides = array<i32>} : memref<32x64xf32, #tpu.memory_space<vmem>>, vector<16xf32>,
      %get3A_1026 = arith.constant 18 : i32
      %get3A_1027 = arith.index_cast %get3A_1026 : i32 to index
      %get3A_1028 = arith.constant 32 : index
      %get3A_1029 = tpu.vector_load %arg15[%get3A_1027, %get3A_1028] {strides = array<i32>} : memref<32x64xf32, #tpu.memory_space<vmem>>, vector<16xf32>,
      %mul3A_1030 = arith.mulf %get3A_1025, %get3A_1029 : vector<16xf32>
      %add3A_1031 = arith.addf %add3A_1021, %mul3A_1030 : vector<16xf32>
      %get3A_1032 = arith.constant 18 : i32
      %get3A_1033 = arith.index_cast %get3A_1032 : i32 to index
      %get3A_1034 = arith.constant 48 : index
      %get3A_1035 = tpu.vector_load %arg14[%get3A_1033, %get3A_1034] {strides = array<i32>} : memref<32x64xf32, #tpu.memory_space<vmem>>, vector<16xf32>,
      %get3A_1036 = arith.constant 18 : i32
      %get3A_1037 = arith.index_cast %get3A_1036 : i32 to index
      %get3A_1038 = arith.constant 48 : index
      %get3A_1039 = tpu.vector_load %arg15[%get3A_1037, %get3A_1038] {strides = array<i32>} : memref<32x64xf32, #tpu.memory_space<vmem>>, vector<16xf32>,
      %mul3A_1040 = arith.mulf %get3A_1035, %get3A_1039 : vector<16xf32>
      %add3A_1041 = arith.addf %add3A_1031, %mul3A_1040 : vector<16xf32>
      %mul3A_1042 = arith.constant 16 : i32
      %mul3A_1043 = vector.broadcast %mul3A_1042 : i32 to vector<16xi32>
      %mul3A_1044 = arith.muli %iota3A, %mul3A_1043 : vector<16xi32>
      %add3A_1045 = arith.constant 2 : i32
      %add3A_1046 = vector.broadcast %add3A_1045 : i32 to vector<16xi32>
      %add3A_1047 = arith.addi %mul3A_1044, %add3A_1046 : vector<16xi32>
      tpu.vector_store_idx %arg18[%add3A_1047], %add3A_1041 : memref<256xf32, #tpu.memory_space<vmem>>[vector<16xi32>], vector<16xf32>,
      %get3A_1048 = arith.constant 19 : i32
      %get3A_1049 = arith.index_cast %get3A_1048 : i32 to index
      %get3A_1050 = arith.constant 0 : index
      %get3A_1051 = tpu.vector_load %arg14[%get3A_1049, %get3A_1050] {strides = array<i32>} : memref<32x64xf32, #tpu.memory_space<vmem>>, vector<16xf32>,
      %get3A_1052 = arith.constant 19 : i32
      %get3A_1053 = arith.index_cast %get3A_1052 : i32 to index
      %get3A_1054 = arith.constant 0 : index
      %get3A_1055 = tpu.vector_load %arg15[%get3A_1053, %get3A_1054] {strides = array<i32>} : memref<32x64xf32, #tpu.memory_space<vmem>>, vector<16xf32>,
      %mul3A_1056 = arith.mulf %get3A_1051, %get3A_1055 : vector<16xf32>
      %get3A_1057 = arith.constant 19 : i32
      %get3A_1058 = arith.index_cast %get3A_1057 : i32 to index
      %get3A_1059 = arith.constant 16 : index
      %get3A_1060 = tpu.vector_load %arg14[%get3A_1058, %get3A_1059] {strides = array<i32>} : memref<32x64xf32, #tpu.memory_space<vmem>>, vector<16xf32>,
      %get3A_1061 = arith.constant 19 : i32
      %get3A_1062 = arith.index_cast %get3A_1061 : i32 to index
      %get3A_1063 = arith.constant 16 : index
      %get3A_1064 = tpu.vector_load %arg15[%get3A_1062, %get3A_1063] {strides = array<i32>} : memref<32x64xf32, #tpu.memory_space<vmem>>, vector<16xf32>,
      %mul3A_1065 = arith.mulf %get3A_1060, %get3A_1064 : vector<16xf32>
      %add3A_1066 = arith.addf %mul3A_1056, %mul3A_1065 : vector<16xf32>
      %get3A_1067 = arith.constant 19 : i32
      %get3A_1068 = arith.index_cast %get3A_1067 : i32 to index
      %get3A_1069 = arith.constant 32 : index
      %get3A_1070 = tpu.vector_load %arg14[%get3A_1068, %get3A_1069] {strides = array<i32>} : memref<32x64xf32, #tpu.memory_space<vmem>>, vector<16xf32>,
      %get3A_1071 = arith.constant 19 : i32
      %get3A_1072 = arith.index_cast %get3A_1071 : i32 to index
      %get3A_1073 = arith.constant 32 : index
      %get3A_1074 = tpu.vector_load %arg15[%get3A_1072, %get3A_1073] {strides = array<i32>} : memref<32x64xf32, #tpu.memory_space<vmem>>, vector<16xf32>,
      %mul3A_1075 = arith.mulf %get3A_1070, %get3A_1074 : vector<16xf32>
      %add3A_1076 = arith.addf %add3A_1066, %mul3A_1075 : vector<16xf32>
      %get3A_1077 = arith.constant 19 : i32
      %get3A_1078 = arith.index_cast %get3A_1077 : i32 to index
      %get3A_1079 = arith.constant 48 : index
      %get3A_1080 = tpu.vector_load %arg14[%get3A_1078, %get3A_1079] {strides = array<i32>} : memref<32x64xf32, #tpu.memory_space<vmem>>, vector<16xf32>,
      %get3A_1081 = arith.constant 19 : i32
      %get3A_1082 = arith.index_cast %get3A_1081 : i32 to index
      %get3A_1083 = arith.constant 48 : index
      %get3A_1084 = tpu.vector_load %arg15[%get3A_1082, %get3A_1083] {strides = array<i32>} : memref<32x64xf32, #tpu.memory_space<vmem>>, vector<16xf32>,
      %mul3A_1085 = arith.mulf %get3A_1080, %get3A_1084 : vector<16xf32>
      %add3A_1086 = arith.addf %add3A_1076, %mul3A_1085 : vector<16xf32>
      %mul3A_1087 = arith.constant 16 : i32
      %mul3A_1088 = vector.broadcast %mul3A_1087 : i32 to vector<16xi32>
      %mul3A_1089 = arith.muli %iota3A, %mul3A_1088 : vector<16xi32>
      %add3A_1090 = arith.constant 3 : i32
      %add3A_1091 = vector.broadcast %add3A_1090 : i32 to vector<16xi32>
      %add3A_1092 = arith.addi %mul3A_1089, %add3A_1091 : vector<16xi32>
      tpu.vector_store_idx %arg18[%add3A_1092], %add3A_1086 : memref<256xf32, #tpu.memory_space<vmem>>[vector<16xi32>], vector<16xf32>,
      %get3A_1093 = arith.constant 20 : i32
      %get3A_1094 = arith.index_cast %get3A_1093 : i32 to index
      %get3A_1095 = arith.constant 0 : index
      %get3A_1096 = tpu.vector_load %arg14[%get3A_1094, %get3A_1095] {strides = array<i32>} : memref<32x64xf32, #tpu.memory_space<vmem>>, vector<16xf32>,
      %get3A_1097 = arith.constant 20 : i32
      %get3A_1098 = arith.index_cast %get3A_1097 : i32 to index
      %get3A_1099 = arith.constant 0 : index
      %get3A_1100 = tpu.vector_load %arg15[%get3A_1098, %get3A_1099] {strides = array<i32>} : memref<32x64xf32, #tpu.memory_space<vmem>>, vector<16xf32>,
      %mul3A_1101 = arith.mulf %get3A_1096, %get3A_1100 : vector<16xf32>
      %get3A_1102 = arith.constant 20 : i32
      %get3A_1103 = arith.index_cast %get3A_1102 : i32 to index
      %get3A_1104 = arith.constant 16 : index
      %get3A_1105 = tpu.vector_load %arg14[%get3A_1103, %get3A_1104] {strides = array<i32>} : memref<32x64xf32, #tpu.memory_space<vmem>>, vector<16xf32>,
      %get3A_1106 = arith.constant 20 : i32
      %get3A_1107 = arith.index_cast %get3A_1106 : i32 to index
      %get3A_1108 = arith.constant 16 : index
      %get3A_1109 = tpu.vector_load %arg15[%get3A_1107, %get3A_1108] {strides = array<i32>} : memref<32x64xf32, #tpu.memory_space<vmem>>, vector<16xf32>,
      %mul3A_1110 = arith.mulf %get3A_1105, %get3A_1109 : vector<16xf32>
      %add3A_1111 = arith.addf %mul3A_1101, %mul3A_1110 : vector<16xf32>
      %get3A_1112 = arith.constant 20 : i32
      %get3A_1113 = arith.index_cast %get3A_1112 : i32 to index
      %get3A_1114 = arith.constant 32 : index
      %get3A_1115 = tpu.vector_load %arg14[%get3A_1113, %get3A_1114] {strides = array<i32>} : memref<32x64xf32, #tpu.memory_space<vmem>>, vector<16xf32>,
      %get3A_1116 = arith.constant 20 : i32
      %get3A_1117 = arith.index_cast %get3A_1116 : i32 to index
      %get3A_1118 = arith.constant 32 : index
      %get3A_1119 = tpu.vector_load %arg15[%get3A_1117, %get3A_1118] {strides = array<i32>} : memref<32x64xf32, #tpu.memory_space<vmem>>, vector<16xf32>,
      %mul3A_1120 = arith.mulf %get3A_1115, %get3A_1119 : vector<16xf32>
      %add3A_1121 = arith.addf %add3A_1111, %mul3A_1120 : vector<16xf32>
      %get3A_1122 = arith.constant 20 : i32
      %get3A_1123 = arith.index_cast %get3A_1122 : i32 to index
      %get3A_1124 = arith.constant 48 : index
      %get3A_1125 = tpu.vector_load %arg14[%get3A_1123, %get3A_1124] {strides = array<i32>} : memref<32x64xf32, #tpu.memory_space<vmem>>, vector<16xf32>,
      %get3A_1126 = arith.constant 20 : i32
      %get3A_1127 = arith.index_cast %get3A_1126 : i32 to index
      %get3A_1128 = arith.constant 48 : index
      %get3A_1129 = tpu.vector_load %arg15[%get3A_1127, %get3A_1128] {strides = array<i32>} : memref<32x64xf32, #tpu.memory_space<vmem>>, vector<16xf32>,
      %mul3A_1130 = arith.mulf %get3A_1125, %get3A_1129 : vector<16xf32>
      %add3A_1131 = arith.addf %add3A_1121, %mul3A_1130 : vector<16xf32>
      %mul3A_1132 = arith.constant 16 : i32
      %mul3A_1133 = vector.broadcast %mul3A_1132 : i32 to vector<16xi32>
      %mul3A_1134 = arith.muli %iota3A, %mul3A_1133 : vector<16xi32>
      %add3A_1135 = arith.constant 4 : i32
      %add3A_1136 = vector.broadcast %add3A_1135 : i32 to vector<16xi32>
      %add3A_1137 = arith.addi %mul3A_1134, %add3A_1136 : vector<16xi32>
      tpu.vector_store_idx %arg18[%add3A_1137], %add3A_1131 : memref<256xf32, #tpu.memory_space<vmem>>[vector<16xi32>], vector<16xf32>,
      %get3A_1138 = arith.constant 21 : i32
      %get3A_1139 = arith.index_cast %get3A_1138 : i32 to index
      %get3A_1140 = arith.constant 0 : index
      %get3A_1141 = tpu.vector_load %arg14[%get3A_1139, %get3A_1140] {strides = array<i32>} : memref<32x64xf32, #tpu.memory_space<vmem>>, vector<16xf32>,
      %get3A_1142 = arith.constant 21 : i32
      %get3A_1143 = arith.index_cast %get3A_1142 : i32 to index
      %get3A_1144 = arith.constant 0 : index
      %get3A_1145 = tpu.vector_load %arg15[%get3A_1143, %get3A_1144] {strides = array<i32>} : memref<32x64xf32, #tpu.memory_space<vmem>>, vector<16xf32>,
      %mul3A_1146 = arith.mulf %get3A_1141, %get3A_1145 : vector<16xf32>
      %get3A_1147 = arith.constant 21 : i32
      %get3A_1148 = arith.index_cast %get3A_1147 : i32 to index
      %get3A_1149 = arith.constant 16 : index
      %get3A_1150 = tpu.vector_load %arg14[%get3A_1148, %get3A_1149] {strides = array<i32>} : memref<32x64xf32, #tpu.memory_space<vmem>>, vector<16xf32>,
      %get3A_1151 = arith.constant 21 : i32
      %get3A_1152 = arith.index_cast %get3A_1151 : i32 to index
      %get3A_1153 = arith.constant 16 : index
      %get3A_1154 = tpu.vector_load %arg15[%get3A_1152, %get3A_1153] {strides = array<i32>} : memref<32x64xf32, #tpu.memory_space<vmem>>, vector<16xf32>,
      %mul3A_1155 = arith.mulf %get3A_1150, %get3A_1154 : vector<16xf32>
      %add3A_1156 = arith.addf %mul3A_1146, %mul3A_1155 : vector<16xf32>
      %get3A_1157 = arith.constant 21 : i32
      %get3A_1158 = arith.index_cast %get3A_1157 : i32 to index
      %get3A_1159 = arith.constant 32 : index
      %get3A_1160 = tpu.vector_load %arg14[%get3A_1158, %get3A_1159] {strides = array<i32>} : memref<32x64xf32, #tpu.memory_space<vmem>>, vector<16xf32>,
      %get3A_1161 = arith.constant 21 : i32
      %get3A_1162 = arith.index_cast %get3A_1161 : i32 to index
      %get3A_1163 = arith.constant 32 : index
      %get3A_1164 = tpu.vector_load %arg15[%get3A_1162, %get3A_1163] {strides = array<i32>} : memref<32x64xf32, #tpu.memory_space<vmem>>, vector<16xf32>,
      %mul3A_1165 = arith.mulf %get3A_1160, %get3A_1164 : vector<16xf32>
      %add3A_1166 = arith.addf %add3A_1156, %mul3A_1165 : vector<16xf32>
      %get3A_1167 = arith.constant 21 : i32
      %get3A_1168 = arith.index_cast %get3A_1167 : i32 to index
      %get3A_1169 = arith.constant 48 : index
      %get3A_1170 = tpu.vector_load %arg14[%get3A_1168, %get3A_1169] {strides = array<i32>} : memref<32x64xf32, #tpu.memory_space<vmem>>, vector<16xf32>,
      %get3A_1171 = arith.constant 21 : i32
      %get3A_1172 = arith.index_cast %get3A_1171 : i32 to index
      %get3A_1173 = arith.constant 48 : index
      %get3A_1174 = tpu.vector_load %arg15[%get3A_1172, %get3A_1173] {strides = array<i32>} : memref<32x64xf32, #tpu.memory_space<vmem>>, vector<16xf32>,
      %mul3A_1175 = arith.mulf %get3A_1170, %get3A_1174 : vector<16xf32>
      %add3A_1176 = arith.addf %add3A_1166, %mul3A_1175 : vector<16xf32>
      %mul3A_1177 = arith.constant 16 : i32
      %mul3A_1178 = vector.broadcast %mul3A_1177 : i32 to vector<16xi32>
      %mul3A_1179 = arith.muli %iota3A, %mul3A_1178 : vector<16xi32>
      %add3A_1180 = arith.constant 5 : i32
      %add3A_1181 = vector.broadcast %add3A_1180 : i32 to vector<16xi32>
      %add3A_1182 = arith.addi %mul3A_1179, %add3A_1181 : vector<16xi32>
      tpu.vector_store_idx %arg18[%add3A_1182], %add3A_1176 : memref<256xf32, #tpu.memory_space<vmem>>[vector<16xi32>], vector<16xf32>,
      %get3A_1183 = arith.constant 22 : i32
      %get3A_1184 = arith.index_cast %get3A_1183 : i32 to index
      %get3A_1185 = arith.constant 0 : index
      %get3A_1186 = tpu.vector_load %arg14[%get3A_1184, %get3A_1185] {strides = array<i32>} : memref<32x64xf32, #tpu.memory_space<vmem>>, vector<16xf32>,
      %get3A_1187 = arith.constant 22 : i32
      %get3A_1188 = arith.index_cast %get3A_1187 : i32 to index
      %get3A_1189 = arith.constant 0 : index
      %get3A_1190 = tpu.vector_load %arg15[%get3A_1188, %get3A_1189] {strides = array<i32>} : memref<32x64xf32, #tpu.memory_space<vmem>>, vector<16xf32>,
      %mul3A_1191 = arith.mulf %get3A_1186, %get3A_1190 : vector<16xf32>
      %get3A_1192 = arith.constant 22 : i32
      %get3A_1193 = arith.index_cast %get3A_1192 : i32 to index
      %get3A_1194 = arith.constant 16 : index
      %get3A_1195 = tpu.vector_load %arg14[%get3A_1193, %get3A_1194] {strides = array<i32>} : memref<32x64xf32, #tpu.memory_space<vmem>>, vector<16xf32>,
      %get3A_1196 = arith.constant 22 : i32
      %get3A_1197 = arith.index_cast %get3A_1196 : i32 to index
      %get3A_1198 = arith.constant 16 : index
      %get3A_1199 = tpu.vector_load %arg15[%get3A_1197, %get3A_1198] {strides = array<i32>} : memref<32x64xf32, #tpu.memory_space<vmem>>, vector<16xf32>,
      %mul3A_1200 = arith.mulf %get3A_1195, %get3A_1199 : vector<16xf32>
      %add3A_1201 = arith.addf %mul3A_1191, %mul3A_1200 : vector<16xf32>
      %get3A_1202 = arith.constant 22 : i32
      %get3A_1203 = arith.index_cast %get3A_1202 : i32 to index
      %get3A_1204 = arith.constant 32 : index
      %get3A_1205 = tpu.vector_load %arg14[%get3A_1203, %get3A_1204] {strides = array<i32>} : memref<32x64xf32, #tpu.memory_space<vmem>>, vector<16xf32>,
      %get3A_1206 = arith.constant 22 : i32
      %get3A_1207 = arith.index_cast %get3A_1206 : i32 to index
      %get3A_1208 = arith.constant 32 : index
      %get3A_1209 = tpu.vector_load %arg15[%get3A_1207, %get3A_1208] {strides = array<i32>} : memref<32x64xf32, #tpu.memory_space<vmem>>, vector<16xf32>,
      %mul3A_1210 = arith.mulf %get3A_1205, %get3A_1209 : vector<16xf32>
      %add3A_1211 = arith.addf %add3A_1201, %mul3A_1210 : vector<16xf32>
      %get3A_1212 = arith.constant 22 : i32
      %get3A_1213 = arith.index_cast %get3A_1212 : i32 to index
      %get3A_1214 = arith.constant 48 : index
      %get3A_1215 = tpu.vector_load %arg14[%get3A_1213, %get3A_1214] {strides = array<i32>} : memref<32x64xf32, #tpu.memory_space<vmem>>, vector<16xf32>,
      %get3A_1216 = arith.constant 22 : i32
      %get3A_1217 = arith.index_cast %get3A_1216 : i32 to index
      %get3A_1218 = arith.constant 48 : index
      %get3A_1219 = tpu.vector_load %arg15[%get3A_1217, %get3A_1218] {strides = array<i32>} : memref<32x64xf32, #tpu.memory_space<vmem>>, vector<16xf32>,
      %mul3A_1220 = arith.mulf %get3A_1215, %get3A_1219 : vector<16xf32>
      %add3A_1221 = arith.addf %add3A_1211, %mul3A_1220 : vector<16xf32>
      %mul3A_1222 = arith.constant 16 : i32
      %mul3A_1223 = vector.broadcast %mul3A_1222 : i32 to vector<16xi32>
      %mul3A_1224 = arith.muli %iota3A, %mul3A_1223 : vector<16xi32>
      %add3A_1225 = arith.constant 6 : i32
      %add3A_1226 = vector.broadcast %add3A_1225 : i32 to vector<16xi32>
      %add3A_1227 = arith.addi %mul3A_1224, %add3A_1226 : vector<16xi32>
      tpu.vector_store_idx %arg18[%add3A_1227], %add3A_1221 : memref<256xf32, #tpu.memory_space<vmem>>[vector<16xi32>], vector<16xf32>,
      %get3A_1228 = arith.constant 23 : i32
      %get3A_1229 = arith.index_cast %get3A_1228 : i32 to index
      %get3A_1230 = arith.constant 0 : index
      %get3A_1231 = tpu.vector_load %arg14[%get3A_1229, %get3A_1230] {strides = array<i32>} : memref<32x64xf32, #tpu.memory_space<vmem>>, vector<16xf32>,
      %get3A_1232 = arith.constant 23 : i32
      %get3A_1233 = arith.index_cast %get3A_1232 : i32 to index
      %get3A_1234 = arith.constant 0 : index
      %get3A_1235 = tpu.vector_load %arg15[%get3A_1233, %get3A_1234] {strides = array<i32>} : memref<32x64xf32, #tpu.memory_space<vmem>>, vector<16xf32>,
      %mul3A_1236 = arith.mulf %get3A_1231, %get3A_1235 : vector<16xf32>
      %get3A_1237 = arith.constant 23 : i32
      %get3A_1238 = arith.index_cast %get3A_1237 : i32 to index
      %get3A_1239 = arith.constant 16 : index
      %get3A_1240 = tpu.vector_load %arg14[%get3A_1238, %get3A_1239] {strides = array<i32>} : memref<32x64xf32, #tpu.memory_space<vmem>>, vector<16xf32>,
      %get3A_1241 = arith.constant 23 : i32
      %get3A_1242 = arith.index_cast %get3A_1241 : i32 to index
      %get3A_1243 = arith.constant 16 : index
      %get3A_1244 = tpu.vector_load %arg15[%get3A_1242, %get3A_1243] {strides = array<i32>} : memref<32x64xf32, #tpu.memory_space<vmem>>, vector<16xf32>,
      %mul3A_1245 = arith.mulf %get3A_1240, %get3A_1244 : vector<16xf32>
      %add3A_1246 = arith.addf %mul3A_1236, %mul3A_1245 : vector<16xf32>
      %get3A_1247 = arith.constant 23 : i32
      %get3A_1248 = arith.index_cast %get3A_1247 : i32 to index
      %get3A_1249 = arith.constant 32 : index
      %get3A_1250 = tpu.vector_load %arg14[%get3A_1248, %get3A_1249] {strides = array<i32>} : memref<32x64xf32, #tpu.memory_space<vmem>>, vector<16xf32>,
      %get3A_1251 = arith.constant 23 : i32
      %get3A_1252 = arith.index_cast %get3A_1251 : i32 to index
      %get3A_1253 = arith.constant 32 : index
      %get3A_1254 = tpu.vector_load %arg15[%get3A_1252, %get3A_1253] {strides = array<i32>} : memref<32x64xf32, #tpu.memory_space<vmem>>, vector<16xf32>,
      %mul3A_1255 = arith.mulf %get3A_1250, %get3A_1254 : vector<16xf32>
      %add3A_1256 = arith.addf %add3A_1246, %mul3A_1255 : vector<16xf32>
      %get3A_1257 = arith.constant 23 : i32
      %get3A_1258 = arith.index_cast %get3A_1257 : i32 to index
      %get3A_1259 = arith.constant 48 : index
      %get3A_1260 = tpu.vector_load %arg14[%get3A_1258, %get3A_1259] {strides = array<i32>} : memref<32x64xf32, #tpu.memory_space<vmem>>, vector<16xf32>,
      %get3A_1261 = arith.constant 23 : i32
      %get3A_1262 = arith.index_cast %get3A_1261 : i32 to index
      %get3A_1263 = arith.constant 48 : index
      %get3A_1264 = tpu.vector_load %arg15[%get3A_1262, %get3A_1263] {strides = array<i32>} : memref<32x64xf32, #tpu.memory_space<vmem>>, vector<16xf32>,
      %mul3A_1265 = arith.mulf %get3A_1260, %get3A_1264 : vector<16xf32>
      %add3A_1266 = arith.addf %add3A_1256, %mul3A_1265 : vector<16xf32>
      %mul3A_1267 = arith.constant 16 : i32
      %mul3A_1268 = vector.broadcast %mul3A_1267 : i32 to vector<16xi32>
      %mul3A_1269 = arith.muli %iota3A, %mul3A_1268 : vector<16xi32>
      %add3A_1270 = arith.constant 7 : i32
      %add3A_1271 = vector.broadcast %add3A_1270 : i32 to vector<16xi32>
      %add3A_1272 = arith.addi %mul3A_1269, %add3A_1271 : vector<16xi32>
      tpu.vector_store_idx %arg18[%add3A_1272], %add3A_1266 : memref<256xf32, #tpu.memory_space<vmem>>[vector<16xi32>], vector<16xf32>,
      %get3A_1273 = arith.constant 24 : i32
      %get3A_1274 = arith.index_cast %get3A_1273 : i32 to index
      %get3A_1275 = arith.constant 0 : index
      %get3A_1276 = tpu.vector_load %arg14[%get3A_1274, %get3A_1275] {strides = array<i32>} : memref<32x64xf32, #tpu.memory_space<vmem>>, vector<16xf32>,
      %get3A_1277 = arith.constant 24 : i32
      %get3A_1278 = arith.index_cast %get3A_1277 : i32 to index
      %get3A_1279 = arith.constant 0 : index
      %get3A_1280 = tpu.vector_load %arg15[%get3A_1278, %get3A_1279] {strides = array<i32>} : memref<32x64xf32, #tpu.memory_space<vmem>>, vector<16xf32>,
      %mul3A_1281 = arith.mulf %get3A_1276, %get3A_1280 : vector<16xf32>
      %get3A_1282 = arith.constant 24 : i32
      %get3A_1283 = arith.index_cast %get3A_1282 : i32 to index
      %get3A_1284 = arith.constant 16 : index
      %get3A_1285 = tpu.vector_load %arg14[%get3A_1283, %get3A_1284] {strides = array<i32>} : memref<32x64xf32, #tpu.memory_space<vmem>>, vector<16xf32>,
      %get3A_1286 = arith.constant 24 : i32
      %get3A_1287 = arith.index_cast %get3A_1286 : i32 to index
      %get3A_1288 = arith.constant 16 : index
      %get3A_1289 = tpu.vector_load %arg15[%get3A_1287, %get3A_1288] {strides = array<i32>} : memref<32x64xf32, #tpu.memory_space<vmem>>, vector<16xf32>,
      %mul3A_1290 = arith.mulf %get3A_1285, %get3A_1289 : vector<16xf32>
      %add3A_1291 = arith.addf %mul3A_1281, %mul3A_1290 : vector<16xf32>
      %get3A_1292 = arith.constant 24 : i32
      %get3A_1293 = arith.index_cast %get3A_1292 : i32 to index
      %get3A_1294 = arith.constant 32 : index
      %get3A_1295 = tpu.vector_load %arg14[%get3A_1293, %get3A_1294] {strides = array<i32>} : memref<32x64xf32, #tpu.memory_space<vmem>>, vector<16xf32>,
      %get3A_1296 = arith.constant 24 : i32
      %get3A_1297 = arith.index_cast %get3A_1296 : i32 to index
      %get3A_1298 = arith.constant 32 : index
      %get3A_1299 = tpu.vector_load %arg15[%get3A_1297, %get3A_1298] {strides = array<i32>} : memref<32x64xf32, #tpu.memory_space<vmem>>, vector<16xf32>,
      %mul3A_1300 = arith.mulf %get3A_1295, %get3A_1299 : vector<16xf32>
      %add3A_1301 = arith.addf %add3A_1291, %mul3A_1300 : vector<16xf32>
      %get3A_1302 = arith.constant 24 : i32
      %get3A_1303 = arith.index_cast %get3A_1302 : i32 to index
      %get3A_1304 = arith.constant 48 : index
      %get3A_1305 = tpu.vector_load %arg14[%get3A_1303, %get3A_1304] {strides = array<i32>} : memref<32x64xf32, #tpu.memory_space<vmem>>, vector<16xf32>,
      %get3A_1306 = arith.constant 24 : i32
      %get3A_1307 = arith.index_cast %get3A_1306 : i32 to index
      %get3A_1308 = arith.constant 48 : index
      %get3A_1309 = tpu.vector_load %arg15[%get3A_1307, %get3A_1308] {strides = array<i32>} : memref<32x64xf32, #tpu.memory_space<vmem>>, vector<16xf32>,
      %mul3A_1310 = arith.mulf %get3A_1305, %get3A_1309 : vector<16xf32>
      %add3A_1311 = arith.addf %add3A_1301, %mul3A_1310 : vector<16xf32>
      %mul3A_1312 = arith.constant 16 : i32
      %mul3A_1313 = vector.broadcast %mul3A_1312 : i32 to vector<16xi32>
      %mul3A_1314 = arith.muli %iota3A, %mul3A_1313 : vector<16xi32>
      %add3A_1315 = arith.constant 8 : i32
      %add3A_1316 = vector.broadcast %add3A_1315 : i32 to vector<16xi32>
      %add3A_1317 = arith.addi %mul3A_1314, %add3A_1316 : vector<16xi32>
      tpu.vector_store_idx %arg18[%add3A_1317], %add3A_1311 : memref<256xf32, #tpu.memory_space<vmem>>[vector<16xi32>], vector<16xf32>,
      %get3A_1318 = arith.constant 25 : i32
      %get3A_1319 = arith.index_cast %get3A_1318 : i32 to index
      %get3A_1320 = arith.constant 0 : index
      %get3A_1321 = tpu.vector_load %arg14[%get3A_1319, %get3A_1320] {strides = array<i32>} : memref<32x64xf32, #tpu.memory_space<vmem>>, vector<16xf32>,
      %get3A_1322 = arith.constant 25 : i32
      %get3A_1323 = arith.index_cast %get3A_1322 : i32 to index
      %get3A_1324 = arith.constant 0 : index
      %get3A_1325 = tpu.vector_load %arg15[%get3A_1323, %get3A_1324] {strides = array<i32>} : memref<32x64xf32, #tpu.memory_space<vmem>>, vector<16xf32>,
      %mul3A_1326 = arith.mulf %get3A_1321, %get3A_1325 : vector<16xf32>
      %get3A_1327 = arith.constant 25 : i32
      %get3A_1328 = arith.index_cast %get3A_1327 : i32 to index
      %get3A_1329 = arith.constant 16 : index
      %get3A_1330 = tpu.vector_load %arg14[%get3A_1328, %get3A_1329] {strides = array<i32>} : memref<32x64xf32, #tpu.memory_space<vmem>>, vector<16xf32>,
      %get3A_1331 = arith.constant 25 : i32
      %get3A_1332 = arith.index_cast %get3A_1331 : i32 to index
      %get3A_1333 = arith.constant 16 : index
      %get3A_1334 = tpu.vector_load %arg15[%get3A_1332, %get3A_1333] {strides = array<i32>} : memref<32x64xf32, #tpu.memory_space<vmem>>, vector<16xf32>,
      %mul3A_1335 = arith.mulf %get3A_1330, %get3A_1334 : vector<16xf32>
      %add3A_1336 = arith.addf %mul3A_1326, %mul3A_1335 : vector<16xf32>
      %get3A_1337 = arith.constant 25 : i32
      %get3A_1338 = arith.index_cast %get3A_1337 : i32 to index
      %get3A_1339 = arith.constant 32 : index
      %get3A_1340 = tpu.vector_load %arg14[%get3A_1338, %get3A_1339] {strides = array<i32>} : memref<32x64xf32, #tpu.memory_space<vmem>>, vector<16xf32>,
      %get3A_1341 = arith.constant 25 : i32
      %get3A_1342 = arith.index_cast %get3A_1341 : i32 to index
      %get3A_1343 = arith.constant 32 : index
      %get3A_1344 = tpu.vector_load %arg15[%get3A_1342, %get3A_1343] {strides = array<i32>} : memref<32x64xf32, #tpu.memory_space<vmem>>, vector<16xf32>,
      %mul3A_1345 = arith.mulf %get3A_1340, %get3A_1344 : vector<16xf32>
      %add3A_1346 = arith.addf %add3A_1336, %mul3A_1345 : vector<16xf32>
      %get3A_1347 = arith.constant 25 : i32
      %get3A_1348 = arith.index_cast %get3A_1347 : i32 to index
      %get3A_1349 = arith.constant 48 : index
      %get3A_1350 = tpu.vector_load %arg14[%get3A_1348, %get3A_1349] {strides = array<i32>} : memref<32x64xf32, #tpu.memory_space<vmem>>, vector<16xf32>,
      %get3A_1351 = arith.constant 25 : i32
      %get3A_1352 = arith.index_cast %get3A_1351 : i32 to index
      %get3A_1353 = arith.constant 48 : index
      %get3A_1354 = tpu.vector_load %arg15[%get3A_1352, %get3A_1353] {strides = array<i32>} : memref<32x64xf32, #tpu.memory_space<vmem>>, vector<16xf32>,
      %mul3A_1355 = arith.mulf %get3A_1350, %get3A_1354 : vector<16xf32>
      %add3A_1356 = arith.addf %add3A_1346, %mul3A_1355 : vector<16xf32>
      %mul3A_1357 = arith.constant 16 : i32
      %mul3A_1358 = vector.broadcast %mul3A_1357 : i32 to vector<16xi32>
      %mul3A_1359 = arith.muli %iota3A, %mul3A_1358 : vector<16xi32>
      %add3A_1360 = arith.constant 9 : i32
      %add3A_1361 = vector.broadcast %add3A_1360 : i32 to vector<16xi32>
      %add3A_1362 = arith.addi %mul3A_1359, %add3A_1361 : vector<16xi32>
      tpu.vector_store_idx %arg18[%add3A_1362], %add3A_1356 : memref<256xf32, #tpu.memory_space<vmem>>[vector<16xi32>], vector<16xf32>,
      %get3A_1363 = arith.constant 26 : i32
      %get3A_1364 = arith.index_cast %get3A_1363 : i32 to index
      %get3A_1365 = arith.constant 0 : index
      %get3A_1366 = tpu.vector_load %arg14[%get3A_1364, %get3A_1365] {strides = array<i32>} : memref<32x64xf32, #tpu.memory_space<vmem>>, vector<16xf32>,
      %get3A_1367 = arith.constant 26 : i32
      %get3A_1368 = arith.index_cast %get3A_1367 : i32 to index
      %get3A_1369 = arith.constant 0 : index
      %get3A_1370 = tpu.vector_load %arg15[%get3A_1368, %get3A_1369] {strides = array<i32>} : memref<32x64xf32, #tpu.memory_space<vmem>>, vector<16xf32>,
      %mul3A_1371 = arith.mulf %get3A_1366, %get3A_1370 : vector<16xf32>
      %get3A_1372 = arith.constant 26 : i32
      %get3A_1373 = arith.index_cast %get3A_1372 : i32 to index
      %get3A_1374 = arith.constant 16 : index
      %get3A_1375 = tpu.vector_load %arg14[%get3A_1373, %get3A_1374] {strides = array<i32>} : memref<32x64xf32, #tpu.memory_space<vmem>>, vector<16xf32>,
      %get3A_1376 = arith.constant 26 : i32
      %get3A_1377 = arith.index_cast %get3A_1376 : i32 to index
      %get3A_1378 = arith.constant 16 : index
      %get3A_1379 = tpu.vector_load %arg15[%get3A_1377, %get3A_1378] {strides = array<i32>} : memref<32x64xf32, #tpu.memory_space<vmem>>, vector<16xf32>,
      %mul3A_1380 = arith.mulf %get3A_1375, %get3A_1379 : vector<16xf32>
      %add3A_1381 = arith.addf %mul3A_1371, %mul3A_1380 : vector<16xf32>
      %get3A_1382 = arith.constant 26 : i32
      %get3A_1383 = arith.index_cast %get3A_1382 : i32 to index
      %get3A_1384 = arith.constant 32 : index
      %get3A_1385 = tpu.vector_load %arg14[%get3A_1383, %get3A_1384] {strides = array<i32>} : memref<32x64xf32, #tpu.memory_space<vmem>>, vector<16xf32>,
      %get3A_1386 = arith.constant 26 : i32
      %get3A_1387 = arith.index_cast %get3A_1386 : i32 to index
      %get3A_1388 = arith.constant 32 : index
      %get3A_1389 = tpu.vector_load %arg15[%get3A_1387, %get3A_1388] {strides = array<i32>} : memref<32x64xf32, #tpu.memory_space<vmem>>, vector<16xf32>,
      %mul3A_1390 = arith.mulf %get3A_1385, %get3A_1389 : vector<16xf32>
      %add3A_1391 = arith.addf %add3A_1381, %mul3A_1390 : vector<16xf32>
      %get3A_1392 = arith.constant 26 : i32
      %get3A_1393 = arith.index_cast %get3A_1392 : i32 to index
      %get3A_1394 = arith.constant 48 : index
      %get3A_1395 = tpu.vector_load %arg14[%get3A_1393, %get3A_1394] {strides = array<i32>} : memref<32x64xf32, #tpu.memory_space<vmem>>, vector<16xf32>,
      %get3A_1396 = arith.constant 26 : i32
      %get3A_1397 = arith.index_cast %get3A_1396 : i32 to index
      %get3A_1398 = arith.constant 48 : index
      %get3A_1399 = tpu.vector_load %arg15[%get3A_1397, %get3A_1398] {strides = array<i32>} : memref<32x64xf32, #tpu.memory_space<vmem>>, vector<16xf32>,
      %mul3A_1400 = arith.mulf %get3A_1395, %get3A_1399 : vector<16xf32>
      %add3A_1401 = arith.addf %add3A_1391, %mul3A_1400 : vector<16xf32>
      %mul3A_1402 = arith.constant 16 : i32
      %mul3A_1403 = vector.broadcast %mul3A_1402 : i32 to vector<16xi32>
      %mul3A_1404 = arith.muli %iota3A, %mul3A_1403 : vector<16xi32>
      %add3A_1405 = arith.constant 10 : i32
      %add3A_1406 = vector.broadcast %add3A_1405 : i32 to vector<16xi32>
      %add3A_1407 = arith.addi %mul3A_1404, %add3A_1406 : vector<16xi32>
      tpu.vector_store_idx %arg18[%add3A_1407], %add3A_1401 : memref<256xf32, #tpu.memory_space<vmem>>[vector<16xi32>], vector<16xf32>,
      %get3A_1408 = arith.constant 27 : i32
      %get3A_1409 = arith.index_cast %get3A_1408 : i32 to index
      %get3A_1410 = arith.constant 0 : index
      %get3A_1411 = tpu.vector_load %arg14[%get3A_1409, %get3A_1410] {strides = array<i32>} : memref<32x64xf32, #tpu.memory_space<vmem>>, vector<16xf32>,
      %get3A_1412 = arith.constant 27 : i32
      %get3A_1413 = arith.index_cast %get3A_1412 : i32 to index
      %get3A_1414 = arith.constant 0 : index
      %get3A_1415 = tpu.vector_load %arg15[%get3A_1413, %get3A_1414] {strides = array<i32>} : memref<32x64xf32, #tpu.memory_space<vmem>>, vector<16xf32>,
      %mul3A_1416 = arith.mulf %get3A_1411, %get3A_1415 : vector<16xf32>
      %get3A_1417 = arith.constant 27 : i32
      %get3A_1418 = arith.index_cast %get3A_1417 : i32 to index
      %get3A_1419 = arith.constant 16 : index
      %get3A_1420 = tpu.vector_load %arg14[%get3A_1418, %get3A_1419] {strides = array<i32>} : memref<32x64xf32, #tpu.memory_space<vmem>>, vector<16xf32>,
      %get3A_1421 = arith.constant 27 : i32
      %get3A_1422 = arith.index_cast %get3A_1421 : i32 to index
      %get3A_1423 = arith.constant 16 : index
      %get3A_1424 = tpu.vector_load %arg15[%get3A_1422, %get3A_1423] {strides = array<i32>} : memref<32x64xf32, #tpu.memory_space<vmem>>, vector<16xf32>,
      %mul3A_1425 = arith.mulf %get3A_1420, %get3A_1424 : vector<16xf32>
      %add3A_1426 = arith.addf %mul3A_1416, %mul3A_1425 : vector<16xf32>
      %get3A_1427 = arith.constant 27 : i32
      %get3A_1428 = arith.index_cast %get3A_1427 : i32 to index
      %get3A_1429 = arith.constant 32 : index
      %get3A_1430 = tpu.vector_load %arg14[%get3A_1428, %get3A_1429] {strides = array<i32>} : memref<32x64xf32, #tpu.memory_space<vmem>>, vector<16xf32>,
      %get3A_1431 = arith.constant 27 : i32
      %get3A_1432 = arith.index_cast %get3A_1431 : i32 to index
      %get3A_1433 = arith.constant 32 : index
      %get3A_1434 = tpu.vector_load %arg15[%get3A_1432, %get3A_1433] {strides = array<i32>} : memref<32x64xf32, #tpu.memory_space<vmem>>, vector<16xf32>,
      %mul3A_1435 = arith.mulf %get3A_1430, %get3A_1434 : vector<16xf32>
      %add3A_1436 = arith.addf %add3A_1426, %mul3A_1435 : vector<16xf32>
      %get3A_1437 = arith.constant 27 : i32
      %get3A_1438 = arith.index_cast %get3A_1437 : i32 to index
      %get3A_1439 = arith.constant 48 : index
      %get3A_1440 = tpu.vector_load %arg14[%get3A_1438, %get3A_1439] {strides = array<i32>} : memref<32x64xf32, #tpu.memory_space<vmem>>, vector<16xf32>,
      %get3A_1441 = arith.constant 27 : i32
      %get3A_1442 = arith.index_cast %get3A_1441 : i32 to index
      %get3A_1443 = arith.constant 48 : index
      %get3A_1444 = tpu.vector_load %arg15[%get3A_1442, %get3A_1443] {strides = array<i32>} : memref<32x64xf32, #tpu.memory_space<vmem>>, vector<16xf32>,
      %mul3A_1445 = arith.mulf %get3A_1440, %get3A_1444 : vector<16xf32>
      %add3A_1446 = arith.addf %add3A_1436, %mul3A_1445 : vector<16xf32>
      %mul3A_1447 = arith.constant 16 : i32
      %mul3A_1448 = vector.broadcast %mul3A_1447 : i32 to vector<16xi32>
      %mul3A_1449 = arith.muli %iota3A, %mul3A_1448 : vector<16xi32>
      %add3A_1450 = arith.constant 11 : i32
      %add3A_1451 = vector.broadcast %add3A_1450 : i32 to vector<16xi32>
      %add3A_1452 = arith.addi %mul3A_1449, %add3A_1451 : vector<16xi32>
      tpu.vector_store_idx %arg18[%add3A_1452], %add3A_1446 : memref<256xf32, #tpu.memory_space<vmem>>[vector<16xi32>], vector<16xf32>,
      %get3A_1453 = arith.constant 28 : i32
      %get3A_1454 = arith.index_cast %get3A_1453 : i32 to index
      %get3A_1455 = arith.constant 0 : index
      %get3A_1456 = tpu.vector_load %arg14[%get3A_1454, %get3A_1455] {strides = array<i32>} : memref<32x64xf32, #tpu.memory_space<vmem>>, vector<16xf32>,
      %get3A_1457 = arith.constant 28 : i32
      %get3A_1458 = arith.index_cast %get3A_1457 : i32 to index
      %get3A_1459 = arith.constant 0 : index
      %get3A_1460 = tpu.vector_load %arg15[%get3A_1458, %get3A_1459] {strides = array<i32>} : memref<32x64xf32, #tpu.memory_space<vmem>>, vector<16xf32>,
      %mul3A_1461 = arith.mulf %get3A_1456, %get3A_1460 : vector<16xf32>
      %get3A_1462 = arith.constant 28 : i32
      %get3A_1463 = arith.index_cast %get3A_1462 : i32 to index
      %get3A_1464 = arith.constant 16 : index
      %get3A_1465 = tpu.vector_load %arg14[%get3A_1463, %get3A_1464] {strides = array<i32>} : memref<32x64xf32, #tpu.memory_space<vmem>>, vector<16xf32>,
      %get3A_1466 = arith.constant 28 : i32
      %get3A_1467 = arith.index_cast %get3A_1466 : i32 to index
      %get3A_1468 = arith.constant 16 : index
      %get3A_1469 = tpu.vector_load %arg15[%get3A_1467, %get3A_1468] {strides = array<i32>} : memref<32x64xf32, #tpu.memory_space<vmem>>, vector<16xf32>,
      %mul3A_1470 = arith.mulf %get3A_1465, %get3A_1469 : vector<16xf32>
      %add3A_1471 = arith.addf %mul3A_1461, %mul3A_1470 : vector<16xf32>
      %get3A_1472 = arith.constant 28 : i32
      %get3A_1473 = arith.index_cast %get3A_1472 : i32 to index
      %get3A_1474 = arith.constant 32 : index
      %get3A_1475 = tpu.vector_load %arg14[%get3A_1473, %get3A_1474] {strides = array<i32>} : memref<32x64xf32, #tpu.memory_space<vmem>>, vector<16xf32>,
      %get3A_1476 = arith.constant 28 : i32
      %get3A_1477 = arith.index_cast %get3A_1476 : i32 to index
      %get3A_1478 = arith.constant 32 : index
      %get3A_1479 = tpu.vector_load %arg15[%get3A_1477, %get3A_1478] {strides = array<i32>} : memref<32x64xf32, #tpu.memory_space<vmem>>, vector<16xf32>,
      %mul3A_1480 = arith.mulf %get3A_1475, %get3A_1479 : vector<16xf32>
      %add3A_1481 = arith.addf %add3A_1471, %mul3A_1480 : vector<16xf32>
      %get3A_1482 = arith.constant 28 : i32
      %get3A_1483 = arith.index_cast %get3A_1482 : i32 to index
      %get3A_1484 = arith.constant 48 : index
      %get3A_1485 = tpu.vector_load %arg14[%get3A_1483, %get3A_1484] {strides = array<i32>} : memref<32x64xf32, #tpu.memory_space<vmem>>, vector<16xf32>,
      %get3A_1486 = arith.constant 28 : i32
      %get3A_1487 = arith.index_cast %get3A_1486 : i32 to index
      %get3A_1488 = arith.constant 48 : index
      %get3A_1489 = tpu.vector_load %arg15[%get3A_1487, %get3A_1488] {strides = array<i32>} : memref<32x64xf32, #tpu.memory_space<vmem>>, vector<16xf32>,
      %mul3A_1490 = arith.mulf %get3A_1485, %get3A_1489 : vector<16xf32>
      %add3A_1491 = arith.addf %add3A_1481, %mul3A_1490 : vector<16xf32>
      %mul3A_1492 = arith.constant 16 : i32
      %mul3A_1493 = vector.broadcast %mul3A_1492 : i32 to vector<16xi32>
      %mul3A_1494 = arith.muli %iota3A, %mul3A_1493 : vector<16xi32>
      %add3A_1495 = arith.constant 12 : i32
      %add3A_1496 = vector.broadcast %add3A_1495 : i32 to vector<16xi32>
      %add3A_1497 = arith.addi %mul3A_1494, %add3A_1496 : vector<16xi32>
      tpu.vector_store_idx %arg18[%add3A_1497], %add3A_1491 : memref<256xf32, #tpu.memory_space<vmem>>[vector<16xi32>], vector<16xf32>,
      %get3A_1498 = arith.constant 29 : i32
      %get3A_1499 = arith.index_cast %get3A_1498 : i32 to index
      %get3A_1500 = arith.constant 0 : index
      %get3A_1501 = tpu.vector_load %arg14[%get3A_1499, %get3A_1500] {strides = array<i32>} : memref<32x64xf32, #tpu.memory_space<vmem>>, vector<16xf32>,
      %get3A_1502 = arith.constant 29 : i32
      %get3A_1503 = arith.index_cast %get3A_1502 : i32 to index
      %get3A_1504 = arith.constant 0 : index
      %get3A_1505 = tpu.vector_load %arg15[%get3A_1503, %get3A_1504] {strides = array<i32>} : memref<32x64xf32, #tpu.memory_space<vmem>>, vector<16xf32>,
      %mul3A_1506 = arith.mulf %get3A_1501, %get3A_1505 : vector<16xf32>
      %get3A_1507 = arith.constant 29 : i32
      %get3A_1508 = arith.index_cast %get3A_1507 : i32 to index
      %get3A_1509 = arith.constant 16 : index
      %get3A_1510 = tpu.vector_load %arg14[%get3A_1508, %get3A_1509] {strides = array<i32>} : memref<32x64xf32, #tpu.memory_space<vmem>>, vector<16xf32>,
      %get3A_1511 = arith.constant 29 : i32
      %get3A_1512 = arith.index_cast %get3A_1511 : i32 to index
      %get3A_1513 = arith.constant 16 : index
      %get3A_1514 = tpu.vector_load %arg15[%get3A_1512, %get3A_1513] {strides = array<i32>} : memref<32x64xf32, #tpu.memory_space<vmem>>, vector<16xf32>,
      %mul3A_1515 = arith.mulf %get3A_1510, %get3A_1514 : vector<16xf32>
      %add3A_1516 = arith.addf %mul3A_1506, %mul3A_1515 : vector<16xf32>
      %get3A_1517 = arith.constant 29 : i32
      %get3A_1518 = arith.index_cast %get3A_1517 : i32 to index
      %get3A_1519 = arith.constant 32 : index
      %get3A_1520 = tpu.vector_load %arg14[%get3A_1518, %get3A_1519] {strides = array<i32>} : memref<32x64xf32, #tpu.memory_space<vmem>>, vector<16xf32>,
      %get3A_1521 = arith.constant 29 : i32
      %get3A_1522 = arith.index_cast %get3A_1521 : i32 to index
      %get3A_1523 = arith.constant 32 : index
      %get3A_1524 = tpu.vector_load %arg15[%get3A_1522, %get3A_1523] {strides = array<i32>} : memref<32x64xf32, #tpu.memory_space<vmem>>, vector<16xf32>,
      %mul3A_1525 = arith.mulf %get3A_1520, %get3A_1524 : vector<16xf32>
      %add3A_1526 = arith.addf %add3A_1516, %mul3A_1525 : vector<16xf32>
      %get3A_1527 = arith.constant 29 : i32
      %get3A_1528 = arith.index_cast %get3A_1527 : i32 to index
      %get3A_1529 = arith.constant 48 : index
      %get3A_1530 = tpu.vector_load %arg14[%get3A_1528, %get3A_1529] {strides = array<i32>} : memref<32x64xf32, #tpu.memory_space<vmem>>, vector<16xf32>,
      %get3A_1531 = arith.constant 29 : i32
      %get3A_1532 = arith.index_cast %get3A_1531 : i32 to index
      %get3A_1533 = arith.constant 48 : index
      %get3A_1534 = tpu.vector_load %arg15[%get3A_1532, %get3A_1533] {strides = array<i32>} : memref<32x64xf32, #tpu.memory_space<vmem>>, vector<16xf32>,
      %mul3A_1535 = arith.mulf %get3A_1530, %get3A_1534 : vector<16xf32>
      %add3A_1536 = arith.addf %add3A_1526, %mul3A_1535 : vector<16xf32>
      %mul3A_1537 = arith.constant 16 : i32
      %mul3A_1538 = vector.broadcast %mul3A_1537 : i32 to vector<16xi32>
      %mul3A_1539 = arith.muli %iota3A, %mul3A_1538 : vector<16xi32>
      %add3A_1540 = arith.constant 13 : i32
      %add3A_1541 = vector.broadcast %add3A_1540 : i32 to vector<16xi32>
      %add3A_1542 = arith.addi %mul3A_1539, %add3A_1541 : vector<16xi32>
      tpu.vector_store_idx %arg18[%add3A_1542], %add3A_1536 : memref<256xf32, #tpu.memory_space<vmem>>[vector<16xi32>], vector<16xf32>,
      %get3A_1543 = arith.constant 30 : i32
      %get3A_1544 = arith.index_cast %get3A_1543 : i32 to index
      %get3A_1545 = arith.constant 0 : index
      %get3A_1546 = tpu.vector_load %arg14[%get3A_1544, %get3A_1545] {strides = array<i32>} : memref<32x64xf32, #tpu.memory_space<vmem>>, vector<16xf32>,
      %get3A_1547 = arith.constant 30 : i32
      %get3A_1548 = arith.index_cast %get3A_1547 : i32 to index
      %get3A_1549 = arith.constant 0 : index
      %get3A_1550 = tpu.vector_load %arg15[%get3A_1548, %get3A_1549] {strides = array<i32>} : memref<32x64xf32, #tpu.memory_space<vmem>>, vector<16xf32>,
      %mul3A_1551 = arith.mulf %get3A_1546, %get3A_1550 : vector<16xf32>
      %get3A_1552 = arith.constant 30 : i32
      %get3A_1553 = arith.index_cast %get3A_1552 : i32 to index
      %get3A_1554 = arith.constant 16 : index
      %get3A_1555 = tpu.vector_load %arg14[%get3A_1553, %get3A_1554] {strides = array<i32>} : memref<32x64xf32, #tpu.memory_space<vmem>>, vector<16xf32>,
      %get3A_1556 = arith.constant 30 : i32
      %get3A_1557 = arith.index_cast %get3A_1556 : i32 to index
      %get3A_1558 = arith.constant 16 : index
      %get3A_1559 = tpu.vector_load %arg15[%get3A_1557, %get3A_1558] {strides = array<i32>} : memref<32x64xf32, #tpu.memory_space<vmem>>, vector<16xf32>,
      %mul3A_1560 = arith.mulf %get3A_1555, %get3A_1559 : vector<16xf32>
      %add3A_1561 = arith.addf %mul3A_1551, %mul3A_1560 : vector<16xf32>
      %get3A_1562 = arith.constant 30 : i32
      %get3A_1563 = arith.index_cast %get3A_1562 : i32 to index
      %get3A_1564 = arith.constant 32 : index
      %get3A_1565 = tpu.vector_load %arg14[%get3A_1563, %get3A_1564] {strides = array<i32>} : memref<32x64xf32, #tpu.memory_space<vmem>>, vector<16xf32>,
      %get3A_1566 = arith.constant 30 : i32
      %get3A_1567 = arith.index_cast %get3A_1566 : i32 to index
      %get3A_1568 = arith.constant 32 : index
      %get3A_1569 = tpu.vector_load %arg15[%get3A_1567, %get3A_1568] {strides = array<i32>} : memref<32x64xf32, #tpu.memory_space<vmem>>, vector<16xf32>,
      %mul3A_1570 = arith.mulf %get3A_1565, %get3A_1569 : vector<16xf32>
      %add3A_1571 = arith.addf %add3A_1561, %mul3A_1570 : vector<16xf32>
      %get3A_1572 = arith.constant 30 : i32
      %get3A_1573 = arith.index_cast %get3A_1572 : i32 to index
      %get3A_1574 = arith.constant 48 : index
      %get3A_1575 = tpu.vector_load %arg14[%get3A_1573, %get3A_1574] {strides = array<i32>} : memref<32x64xf32, #tpu.memory_space<vmem>>, vector<16xf32>,
      %get3A_1576 = arith.constant 30 : i32
      %get3A_1577 = arith.index_cast %get3A_1576 : i32 to index
      %get3A_1578 = arith.constant 48 : index
      %get3A_1579 = tpu.vector_load %arg15[%get3A_1577, %get3A_1578] {strides = array<i32>} : memref<32x64xf32, #tpu.memory_space<vmem>>, vector<16xf32>,
      %mul3A_1580 = arith.mulf %get3A_1575, %get3A_1579 : vector<16xf32>
      %add3A_1581 = arith.addf %add3A_1571, %mul3A_1580 : vector<16xf32>
      %mul3A_1582 = arith.constant 16 : i32
      %mul3A_1583 = vector.broadcast %mul3A_1582 : i32 to vector<16xi32>
      %mul3A_1584 = arith.muli %iota3A, %mul3A_1583 : vector<16xi32>
      %add3A_1585 = arith.constant 14 : i32
      %add3A_1586 = vector.broadcast %add3A_1585 : i32 to vector<16xi32>
      %add3A_1587 = arith.addi %mul3A_1584, %add3A_1586 : vector<16xi32>
      tpu.vector_store_idx %arg18[%add3A_1587], %add3A_1581 : memref<256xf32, #tpu.memory_space<vmem>>[vector<16xi32>], vector<16xf32>,
      %get3A_1588 = arith.constant 31 : i32
      %get3A_1589 = arith.index_cast %get3A_1588 : i32 to index
      %get3A_1590 = arith.constant 0 : index
      %get3A_1591 = tpu.vector_load %arg14[%get3A_1589, %get3A_1590] {strides = array<i32>} : memref<32x64xf32, #tpu.memory_space<vmem>>, vector<16xf32>,
      %get3A_1592 = arith.constant 31 : i32
      %get3A_1593 = arith.index_cast %get3A_1592 : i32 to index
      %get3A_1594 = arith.constant 0 : index
      %get3A_1595 = tpu.vector_load %arg15[%get3A_1593, %get3A_1594] {strides = array<i32>} : memref<32x64xf32, #tpu.memory_space<vmem>>, vector<16xf32>,
      %mul3A_1596 = arith.mulf %get3A_1591, %get3A_1595 : vector<16xf32>
      %get3A_1597 = arith.constant 31 : i32
      %get3A_1598 = arith.index_cast %get3A_1597 : i32 to index
      %get3A_1599 = arith.constant 16 : index
      %get3A_1600 = tpu.vector_load %arg14[%get3A_1598, %get3A_1599] {strides = array<i32>} : memref<32x64xf32, #tpu.memory_space<vmem>>, vector<16xf32>,
      %get3A_1601 = arith.constant 31 : i32
      %get3A_1602 = arith.index_cast %get3A_1601 : i32 to index
      %get3A_1603 = arith.constant 16 : index
      %get3A_1604 = tpu.vector_load %arg15[%get3A_1602, %get3A_1603] {strides = array<i32>} : memref<32x64xf32, #tpu.memory_space<vmem>>, vector<16xf32>,
      %mul3A_1605 = arith.mulf %get3A_1600, %get3A_1604 : vector<16xf32>
      %add3A_1606 = arith.addf %mul3A_1596, %mul3A_1605 : vector<16xf32>
      %get3A_1607 = arith.constant 31 : i32
      %get3A_1608 = arith.index_cast %get3A_1607 : i32 to index
      %get3A_1609 = arith.constant 32 : index
      %get3A_1610 = tpu.vector_load %arg14[%get3A_1608, %get3A_1609] {strides = array<i32>} : memref<32x64xf32, #tpu.memory_space<vmem>>, vector<16xf32>,
      %get3A_1611 = arith.constant 31 : i32
      %get3A_1612 = arith.index_cast %get3A_1611 : i32 to index
      %get3A_1613 = arith.constant 32 : index
      %get3A_1614 = tpu.vector_load %arg15[%get3A_1612, %get3A_1613] {strides = array<i32>} : memref<32x64xf32, #tpu.memory_space<vmem>>, vector<16xf32>,
      %mul3A_1615 = arith.mulf %get3A_1610, %get3A_1614 : vector<16xf32>
      %add3A_1616 = arith.addf %add3A_1606, %mul3A_1615 : vector<16xf32>
      %get3A_1617 = arith.constant 31 : i32
      %get3A_1618 = arith.index_cast %get3A_1617 : i32 to index
      %get3A_1619 = arith.constant 48 : index
      %get3A_1620 = tpu.vector_load %arg14[%get3A_1618, %get3A_1619] {strides = array<i32>} : memref<32x64xf32, #tpu.memory_space<vmem>>, vector<16xf32>,
      %get3A_1621 = arith.constant 31 : i32
      %get3A_1622 = arith.index_cast %get3A_1621 : i32 to index
      %get3A_1623 = arith.constant 48 : index
      %get3A_1624 = tpu.vector_load %arg15[%get3A_1622, %get3A_1623] {strides = array<i32>} : memref<32x64xf32, #tpu.memory_space<vmem>>, vector<16xf32>,
      %mul3A_1625 = arith.mulf %get3A_1620, %get3A_1624 : vector<16xf32>
      %add3A_1626 = arith.addf %add3A_1616, %mul3A_1625 : vector<16xf32>
      %mul3A_1627 = arith.constant 16 : i32
      %mul3A_1628 = vector.broadcast %mul3A_1627 : i32 to vector<16xi32>
      %mul3A_1629 = arith.muli %iota3A, %mul3A_1628 : vector<16xi32>
      %add3A_1630 = arith.constant 15 : i32
      %add3A_1631 = vector.broadcast %add3A_1630 : i32 to vector<16xi32>
      %add3A_1632 = arith.addi %mul3A_1629, %add3A_1631 : vector<16xi32>
      tpu.vector_store_idx %arg18[%add3A_1632], %add3A_1626 : memref<256xf32, #tpu.memory_space<vmem>>[vector<16xi32>], vector<16xf32>,
      %get3A_1633 = arith.constant 0 : index
      %get3A_1634 = tpu.vector_load %arg18[%get3A_1633] {strides = array<i32>} : memref<256xf32, #tpu.memory_space<vmem>>, vector<16xf32>,
      %get3A_1635 = arith.constant 16 : index
      %get3A_1636 = tpu.vector_load %arg18[%get3A_1635] {strides = array<i32>} : memref<256xf32, #tpu.memory_space<vmem>>, vector<16xf32>,
      %add3A_1637 = arith.addf %get3A_1634, %get3A_1636 : vector<16xf32>
      %get3A_1638 = arith.constant 32 : index
      %get3A_1639 = tpu.vector_load %arg18[%get3A_1638] {strides = array<i32>} : memref<256xf32, #tpu.memory_space<vmem>>, vector<16xf32>,
      %add3A_1640 = arith.addf %add3A_1637, %get3A_1639 : vector<16xf32>
      %get3A_1641 = arith.constant 48 : index
      %get3A_1642 = tpu.vector_load %arg18[%get3A_1641] {strides = array<i32>} : memref<256xf32, #tpu.memory_space<vmem>>, vector<16xf32>,
      %add3A_1643 = arith.addf %add3A_1640, %get3A_1642 : vector<16xf32>
      %get3A_1644 = arith.constant 64 : index
      %get3A_1645 = tpu.vector_load %arg18[%get3A_1644] {strides = array<i32>} : memref<256xf32, #tpu.memory_space<vmem>>, vector<16xf32>,
      %add3A_1646 = arith.addf %add3A_1643, %get3A_1645 : vector<16xf32>
      %get3A_1647 = arith.constant 80 : index
      %get3A_1648 = tpu.vector_load %arg18[%get3A_1647] {strides = array<i32>} : memref<256xf32, #tpu.memory_space<vmem>>, vector<16xf32>,
      %add3A_1649 = arith.addf %add3A_1646, %get3A_1648 : vector<16xf32>
      %get3A_1650 = arith.constant 96 : index
      %get3A_1651 = tpu.vector_load %arg18[%get3A_1650] {strides = array<i32>} : memref<256xf32, #tpu.memory_space<vmem>>, vector<16xf32>,
      %add3A_1652 = arith.addf %add3A_1649, %get3A_1651 : vector<16xf32>
      %get3A_1653 = arith.constant 112 : index
      %get3A_1654 = tpu.vector_load %arg18[%get3A_1653] {strides = array<i32>} : memref<256xf32, #tpu.memory_space<vmem>>, vector<16xf32>,
      %add3A_1655 = arith.addf %add3A_1652, %get3A_1654 : vector<16xf32>
      %get3A_1656 = arith.constant 128 : index
      %get3A_1657 = tpu.vector_load %arg18[%get3A_1656] {strides = array<i32>} : memref<256xf32, #tpu.memory_space<vmem>>, vector<16xf32>,
      %add3A_1658 = arith.addf %add3A_1655, %get3A_1657 : vector<16xf32>
      %get3A_1659 = arith.constant 144 : index
      %get3A_1660 = tpu.vector_load %arg18[%get3A_1659] {strides = array<i32>} : memref<256xf32, #tpu.memory_space<vmem>>, vector<16xf32>,
      %add3A_1661 = arith.addf %add3A_1658, %get3A_1660 : vector<16xf32>
      %get3A_1662 = arith.constant 160 : index
      %get3A_1663 = tpu.vector_load %arg18[%get3A_1662] {strides = array<i32>} : memref<256xf32, #tpu.memory_space<vmem>>, vector<16xf32>,
      %add3A_1664 = arith.addf %add3A_1661, %get3A_1663 : vector<16xf32>
      %get3A_1665 = arith.constant 176 : index
      %get3A_1666 = tpu.vector_load %arg18[%get3A_1665] {strides = array<i32>} : memref<256xf32, #tpu.memory_space<vmem>>, vector<16xf32>,
      %add3A_1667 = arith.addf %add3A_1664, %get3A_1666 : vector<16xf32>
      %get3A_1668 = arith.constant 192 : index
      %get3A_1669 = tpu.vector_load %arg18[%get3A_1668] {strides = array<i32>} : memref<256xf32, #tpu.memory_space<vmem>>, vector<16xf32>,
      %add3A_1670 = arith.addf %add3A_1667, %get3A_1669 : vector<16xf32>
      %get3A_1671 = arith.constant 208 : index
      %get3A_1672 = tpu.vector_load %arg18[%get3A_1671] {strides = array<i32>} : memref<256xf32, #tpu.memory_space<vmem>>, vector<16xf32>,
      %add3A_1673 = arith.addf %add3A_1670, %get3A_1672 : vector<16xf32>
      %get3A_1674 = arith.constant 224 : index
      %get3A_1675 = tpu.vector_load %arg18[%get3A_1674] {strides = array<i32>} : memref<256xf32, #tpu.memory_space<vmem>>, vector<16xf32>,
      %add3A_1676 = arith.addf %add3A_1673, %get3A_1675 : vector<16xf32>
      %get3A_1677 = arith.constant 240 : index
      %get3A_1678 = tpu.vector_load %arg18[%get3A_1677] {strides = array<i32>} : memref<256xf32, #tpu.memory_space<vmem>>, vector<16xf32>,
      %add3A_1679 = arith.addf %add3A_1676, %get3A_1678 : vector<16xf32>
      %swap3A_1680 = arith.constant 16 : index
      %swap3A_1681 = tpu.vector_load %arg16[%swap3A_1680] {strides = array<i32>} : memref<32xf32, #tpu.memory_space<vmem>>, vector<16xf32>,
      tpu.vector_store %arg16[%swap3A_1680], %add3A_1679 {strides = array<i32>} : memref<32xf32, #tpu.memory_space<vmem>>, vector<16xf32>,
      %dma_wait3A_1682 = arith.constant 0 : i32
      %dma_wait3A_1683 = arith.constant 0 : i32
      %dma_wait3A_1684 = tpu.memref_slice %arg13[%dma_wait3A_1682, %dma_wait3A_1683] : memref<640x64xf32, #tpu.memory_space<vmem>> -> memref<128x64xf32, #tpu.memory_space<vmem>>
      %dma_wait3A_1685 = arith.constant 0 : i32
      %dma_wait3A_1686 = tpu.memref_slice %arg10[%dma_wait3A_1685] : memref<640xi32, #tpu.memory_space<vmem>> -> memref<128xi32, #tpu.memory_space<vmem>>
      %dma_wait3A_1687 = arith.constant 0 : i32
      %dma_wait3A_1688 = arith.constant 0 : i32
      %dma_wait3A_1689 = tpu.memref_slice %arg6[%dma_wait3A_1687, %dma_wait3A_1688] : memref<1000000x64xf32, #tpu.memory_space<hbm>> -> memref<1000000x64xf32, #tpu.memory_space<hbm>>
      tpu.wait_indirect_dma semaphore(%arg21 : memref<!tpu.dma_semaphore, #tpu.memory_space<semaphore_mem>>) src(%dma_wait3A_1689 : memref<1000000x64xf32, #tpu.memory_space<hbm>>) dst(%dma_wait3A_1684 : memref<128x64xf32, #tpu.memory_space<vmem>>)
      %dma_wait3A_1690 = arith.constant 128 : i32
      %dma_wait3A_1691 = arith.constant 0 : i32
      %dma_wait3A_1692 = tpu.memref_slice %arg13[%dma_wait3A_1690, %dma_wait3A_1691] : memref<640x64xf32, #tpu.memory_space<vmem>> -> memref<128x64xf32, #tpu.memory_space<vmem>>
      %dma_wait3A_1693 = arith.constant 128 : i32
      %dma_wait3A_1694 = tpu.memref_slice %arg10[%dma_wait3A_1693] : memref<640xi32, #tpu.memory_space<vmem>> -> memref<128xi32, #tpu.memory_space<vmem>>
      %dma_wait3A_1695 = arith.constant 0 : i32
      %dma_wait3A_1696 = arith.constant 0 : i32
      %dma_wait3A_1697 = tpu.memref_slice %arg6[%dma_wait3A_1695, %dma_wait3A_1696] : memref<1000000x64xf32, #tpu.memory_space<hbm>> -> memref<1000000x64xf32, #tpu.memory_space<hbm>>
      tpu.wait_indirect_dma semaphore(%arg21 : memref<!tpu.dma_semaphore, #tpu.memory_space<semaphore_mem>>) src(%dma_wait3A_1697 : memref<1000000x64xf32, #tpu.memory_space<hbm>>) dst(%dma_wait3A_1692 : memref<128x64xf32, #tpu.memory_space<vmem>>)
      %dma_wait3A_1698 = arith.constant 256 : i32
      %dma_wait3A_1699 = arith.constant 0 : i32
      %dma_wait3A_1700 = tpu.memref_slice %arg13[%dma_wait3A_1698, %dma_wait3A_1699] : memref<640x64xf32, #tpu.memory_space<vmem>> -> memref<128x64xf32, #tpu.memory_space<vmem>>
      %dma_wait3A_1701 = arith.constant 256 : i32
      %dma_wait3A_1702 = tpu.memref_slice %arg10[%dma_wait3A_1701] : memref<640xi32, #tpu.memory_space<vmem>> -> memref<128xi32, #tpu.memory_space<vmem>>
      %dma_wait3A_1703 = arith.constant 0 : i32
      %dma_wait3A_1704 = arith.constant 0 : i32
      %dma_wait3A_1705 = tpu.memref_slice %arg6[%dma_wait3A_1703, %dma_wait3A_1704] : memref<1000000x64xf32, #tpu.memory_space<hbm>> -> memref<1000000x64xf32, #tpu.memory_space<hbm>>
      tpu.wait_indirect_dma semaphore(%arg21 : memref<!tpu.dma_semaphore, #tpu.memory_space<semaphore_mem>>) src(%dma_wait3A_1705 : memref<1000000x64xf32, #tpu.memory_space<hbm>>) dst(%dma_wait3A_1700 : memref<128x64xf32, #tpu.memory_space<vmem>>)
      %dma_wait3A_1706 = arith.constant 384 : i32
      %dma_wait3A_1707 = arith.constant 0 : i32
      %dma_wait3A_1708 = tpu.memref_slice %arg13[%dma_wait3A_1706, %dma_wait3A_1707] : memref<640x64xf32, #tpu.memory_space<vmem>> -> memref<128x64xf32, #tpu.memory_space<vmem>>
      %dma_wait3A_1709 = arith.constant 384 : i32
      %dma_wait3A_1710 = tpu.memref_slice %arg10[%dma_wait3A_1709] : memref<640xi32, #tpu.memory_space<vmem>> -> memref<128xi32, #tpu.memory_space<vmem>>
      %dma_wait3A_1711 = arith.constant 0 : i32
      %dma_wait3A_1712 = arith.constant 0 : i32
      %dma_wait3A_1713 = tpu.memref_slice %arg6[%dma_wait3A_1711, %dma_wait3A_1712] : memref<1000000x64xf32, #tpu.memory_space<hbm>> -> memref<1000000x64xf32, #tpu.memory_space<hbm>>
      tpu.wait_indirect_dma semaphore(%arg21 : memref<!tpu.dma_semaphore, #tpu.memory_space<semaphore_mem>>) src(%dma_wait3A_1713 : memref<1000000x64xf32, #tpu.memory_space<hbm>>) dst(%dma_wait3A_1708 : memref<128x64xf32, #tpu.memory_space<vmem>>)
      %dma_wait3A_1714 = arith.constant 512 : i32
      %dma_wait3A_1715 = arith.constant 0 : i32
      %dma_wait3A_1716 = tpu.memref_slice %arg13[%dma_wait3A_1714, %dma_wait3A_1715] : memref<640x64xf32, #tpu.memory_space<vmem>> -> memref<128x64xf32, #tpu.memory_space<vmem>>
      %dma_wait3A_1717 = arith.constant 512 : i32
      %dma_wait3A_1718 = tpu.memref_slice %arg10[%dma_wait3A_1717] : memref<640xi32, #tpu.memory_space<vmem>> -> memref<128xi32, #tpu.memory_space<vmem>>
      %dma_wait3A_1719 = arith.constant 0 : i32
      %dma_wait3A_1720 = arith.constant 0 : i32
      %dma_wait3A_1721 = tpu.memref_slice %arg6[%dma_wait3A_1719, %dma_wait3A_1720] : memref<1000000x64xf32, #tpu.memory_space<hbm>> -> memref<1000000x64xf32, #tpu.memory_space<hbm>>
      tpu.wait_indirect_dma semaphore(%arg21 : memref<!tpu.dma_semaphore, #tpu.memory_space<semaphore_mem>>) src(%dma_wait3A_1721 : memref<1000000x64xf32, #tpu.memory_space<hbm>>) dst(%dma_wait3A_1716 : memref<128x64xf32, #tpu.memory_space<vmem>>)
      %scan3A_1722 = arith.constant 0 : i32
      %scan3A_1723 = arith.constant 0 : i32
      %scan3A_1724 = arith.constant 20 : i32
      %scan3A_1725 = arith.addi %scan3A_1723, %scan3A_1724 : i32
      %scan3A_1726 = arith.constant 1 : i32
      scf.for %scan3A_1730 = %scan3A_1723 to %scan3A_1725 step %scan3A_1726  : i32 {
        %add3A_1731 = arith.constant 0 : i32
        %add3A_1732 = arith.addi %add3A_1731, %scan3A_1730 : i32
        %get3A_1733 = arith.index_cast %add3A_1732 : i32 to index
        %get3A_1734 = arith.constant 0 : index
        %get3A_1735 = tpu.vector_load %arg13[%get3A_1733, %get3A_1734] {strides = array<i32>} : memref<640x64xf32, #tpu.memory_space<vmem>>, vector<16xf32>,
        %get3A_1736 = arith.constant 0 : i32
        %get3A_1737 = arith.index_cast %get3A_1736 : i32 to index
        %get3A_1738 = arith.constant 0 : index
        %get3A_1739 = tpu.vector_load %arg15[%get3A_1737, %get3A_1738] {strides = array<i32>} : memref<32x64xf32, #tpu.memory_space<vmem>>, vector<16xf32>,
        %mul3A_1740 = arith.mulf %get3A_1735, %get3A_1739 : vector<16xf32>
        %get3A_1741 = arith.index_cast %add3A_1732 : i32 to index
        %get3A_1742 = arith.constant 16 : index
        %get3A_1743 = tpu.vector_load %arg13[%get3A_1741, %get3A_1742] {strides = array<i32>} : memref<640x64xf32, #tpu.memory_space<vmem>>, vector<16xf32>,
        %get3A_1744 = arith.constant 0 : i32
        %get3A_1745 = arith.index_cast %get3A_1744 : i32 to index
        %get3A_1746 = arith.constant 16 : index
        %get3A_1747 = tpu.vector_load %arg15[%get3A_1745, %get3A_1746] {strides = array<i32>} : memref<32x64xf32, #tpu.memory_space<vmem>>, vector<16xf32>,
        %mul3A_1748 = arith.mulf %get3A_1743, %get3A_1747 : vector<16xf32>
        %add3A_1749 = arith.addf %mul3A_1740, %mul3A_1748 : vector<16xf32>
        %get3A_1750 = arith.index_cast %add3A_1732 : i32 to index
        %get3A_1751 = arith.constant 32 : index
        %get3A_1752 = tpu.vector_load %arg13[%get3A_1750, %get3A_1751] {strides = array<i32>} : memref<640x64xf32, #tpu.memory_space<vmem>>, vector<16xf32>,
        %get3A_1753 = arith.constant 0 : i32
        %get3A_1754 = arith.index_cast %get3A_1753 : i32 to index
        %get3A_1755 = arith.constant 32 : index
        %get3A_1756 = tpu.vector_load %arg15[%get3A_1754, %get3A_1755] {strides = array<i32>} : memref<32x64xf32, #tpu.memory_space<vmem>>, vector<16xf32>,
        %mul3A_1757 = arith.mulf %get3A_1752, %get3A_1756 : vector<16xf32>
        %add3A_1758 = arith.addf %add3A_1749, %mul3A_1757 : vector<16xf32>
        %get3A_1759 = arith.index_cast %add3A_1732 : i32 to index
        %get3A_1760 = arith.constant 48 : index
        %get3A_1761 = tpu.vector_load %arg13[%get3A_1759, %get3A_1760] {strides = array<i32>} : memref<640x64xf32, #tpu.memory_space<vmem>>, vector<16xf32>,
        %get3A_1762 = arith.constant 0 : i32
        %get3A_1763 = arith.index_cast %get3A_1762 : i32 to index
        %get3A_1764 = arith.constant 48 : index
        %get3A_1765 = tpu.vector_load %arg15[%get3A_1763, %get3A_1764] {strides = array<i32>} : memref<32x64xf32, #tpu.memory_space<vmem>>, vector<16xf32>,
        %mul3A_1766 = arith.mulf %get3A_1761, %get3A_1765 : vector<16xf32>
        %add3A_1767 = arith.addf %add3A_1758, %mul3A_1766 : vector<16xf32>
        %mul3A_1768 = arith.constant 16 : i32
        %mul3A_1769 = vector.broadcast %mul3A_1768 : i32 to vector<16xi32>
        %mul3A_1770 = arith.muli %iota3A, %mul3A_1769 : vector<16xi32>
        %add3A_1771 = arith.constant 0 : i32
        %add3A_1772 = vector.broadcast %add3A_1771 : i32 to vector<16xi32>
        %add3A_1773 = arith.addi %mul3A_1770, %add3A_1772 : vector<16xi32>
        tpu.vector_store_idx %arg18[%add3A_1773], %add3A_1767 : memref<256xf32, #tpu.memory_space<vmem>>[vector<16xi32>], vector<16xf32>,
        %add3A_1774 = arith.constant 20 : i32
        %add3A_1775 = arith.addi %add3A_1774, %scan3A_1730 : i32
        %get3A_1776 = arith.index_cast %add3A_1775 : i32 to index
        %get3A_1777 = arith.constant 0 : index
        %get3A_1778 = tpu.vector_load %arg13[%get3A_1776, %get3A_1777] {strides = array<i32>} : memref<640x64xf32, #tpu.memory_space<vmem>>, vector<16xf32>,
        %get3A_1779 = arith.constant 1 : i32
        %get3A_1780 = arith.index_cast %get3A_1779 : i32 to index
        %get3A_1781 = arith.constant 0 : index
        %get3A_1782 = tpu.vector_load %arg15[%get3A_1780, %get3A_1781] {strides = array<i32>} : memref<32x64xf32, #tpu.memory_space<vmem>>, vector<16xf32>,
        %mul3A_1783 = arith.mulf %get3A_1778, %get3A_1782 : vector<16xf32>
        %get3A_1784 = arith.index_cast %add3A_1775 : i32 to index
        %get3A_1785 = arith.constant 16 : index
        %get3A_1786 = tpu.vector_load %arg13[%get3A_1784, %get3A_1785] {strides = array<i32>} : memref<640x64xf32, #tpu.memory_space<vmem>>, vector<16xf32>,
        %get3A_1787 = arith.constant 1 : i32
        %get3A_1788 = arith.index_cast %get3A_1787 : i32 to index
        %get3A_1789 = arith.constant 16 : index
        %get3A_1790 = tpu.vector_load %arg15[%get3A_1788, %get3A_1789] {strides = array<i32>} : memref<32x64xf32, #tpu.memory_space<vmem>>, vector<16xf32>,
        %mul3A_1791 = arith.mulf %get3A_1786, %get3A_1790 : vector<16xf32>
        %add3A_1792 = arith.addf %mul3A_1783, %mul3A_1791 : vector<16xf32>
        %get3A_1793 = arith.index_cast %add3A_1775 : i32 to index
        %get3A_1794 = arith.constant 32 : index
        %get3A_1795 = tpu.vector_load %arg13[%get3A_1793, %get3A_1794] {strides = array<i32>} : memref<640x64xf32, #tpu.memory_space<vmem>>, vector<16xf32>,
        %get3A_1796 = arith.constant 1 : i32
        %get3A_1797 = arith.index_cast %get3A_1796 : i32 to index
        %get3A_1798 = arith.constant 32 : index
        %get3A_1799 = tpu.vector_load %arg15[%get3A_1797, %get3A_1798] {strides = array<i32>} : memref<32x64xf32, #tpu.memory_space<vmem>>, vector<16xf32>,
        %mul3A_1800 = arith.mulf %get3A_1795, %get3A_1799 : vector<16xf32>
        %add3A_1801 = arith.addf %add3A_1792, %mul3A_1800 : vector<16xf32>
        %get3A_1802 = arith.index_cast %add3A_1775 : i32 to index
        %get3A_1803 = arith.constant 48 : index
        %get3A_1804 = tpu.vector_load %arg13[%get3A_1802, %get3A_1803] {strides = array<i32>} : memref<640x64xf32, #tpu.memory_space<vmem>>, vector<16xf32>,
        %get3A_1805 = arith.constant 1 : i32
        %get3A_1806 = arith.index_cast %get3A_1805 : i32 to index
        %get3A_1807 = arith.constant 48 : index
        %get3A_1808 = tpu.vector_load %arg15[%get3A_1806, %get3A_1807] {strides = array<i32>} : memref<32x64xf32, #tpu.memory_space<vmem>>, vector<16xf32>,
        %mul3A_1809 = arith.mulf %get3A_1804, %get3A_1808 : vector<16xf32>
        %add3A_1810 = arith.addf %add3A_1801, %mul3A_1809 : vector<16xf32>
        %mul3A_1811 = arith.constant 16 : i32
        %mul3A_1812 = vector.broadcast %mul3A_1811 : i32 to vector<16xi32>
        %mul3A_1813 = arith.muli %iota3A, %mul3A_1812 : vector<16xi32>
        %add3A_1814 = arith.constant 1 : i32
        %add3A_1815 = vector.broadcast %add3A_1814 : i32 to vector<16xi32>
        %add3A_1816 = arith.addi %mul3A_1813, %add3A_1815 : vector<16xi32>
        tpu.vector_store_idx %arg18[%add3A_1816], %add3A_1810 : memref<256xf32, #tpu.memory_space<vmem>>[vector<16xi32>], vector<16xf32>,
        %add3A_1817 = arith.constant 40 : i32
        %add3A_1818 = arith.addi %add3A_1817, %scan3A_1730 : i32
        %get3A_1819 = arith.index_cast %add3A_1818 : i32 to index
        %get3A_1820 = arith.constant 0 : index
        %get3A_1821 = tpu.vector_load %arg13[%get3A_1819, %get3A_1820] {strides = array<i32>} : memref<640x64xf32, #tpu.memory_space<vmem>>, vector<16xf32>,
        %get3A_1822 = arith.constant 2 : i32
        %get3A_1823 = arith.index_cast %get3A_1822 : i32 to index
        %get3A_1824 = arith.constant 0 : index
        %get3A_1825 = tpu.vector_load %arg15[%get3A_1823, %get3A_1824] {strides = array<i32>} : memref<32x64xf32, #tpu.memory_space<vmem>>, vector<16xf32>,
        %mul3A_1826 = arith.mulf %get3A_1821, %get3A_1825 : vector<16xf32>
        %get3A_1827 = arith.index_cast %add3A_1818 : i32 to index
        %get3A_1828 = arith.constant 16 : index
        %get3A_1829 = tpu.vector_load %arg13[%get3A_1827, %get3A_1828] {strides = array<i32>} : memref<640x64xf32, #tpu.memory_space<vmem>>, vector<16xf32>,
        %get3A_1830 = arith.constant 2 : i32
        %get3A_1831 = arith.index_cast %get3A_1830 : i32 to index
        %get3A_1832 = arith.constant 16 : index
        %get3A_1833 = tpu.vector_load %arg15[%get3A_1831, %get3A_1832] {strides = array<i32>} : memref<32x64xf32, #tpu.memory_space<vmem>>, vector<16xf32>,
        %mul3A_1834 = arith.mulf %get3A_1829, %get3A_1833 : vector<16xf32>
        %add3A_1835 = arith.addf %mul3A_1826, %mul3A_1834 : vector<16xf32>
        %get3A_1836 = arith.index_cast %add3A_1818 : i32 to index
        %get3A_1837 = arith.constant 32 : index
        %get3A_1838 = tpu.vector_load %arg13[%get3A_1836, %get3A_1837] {strides = array<i32>} : memref<640x64xf32, #tpu.memory_space<vmem>>, vector<16xf32>,
        %get3A_1839 = arith.constant 2 : i32
        %get3A_1840 = arith.index_cast %get3A_1839 : i32 to index
        %get3A_1841 = arith.constant 32 : index
        %get3A_1842 = tpu.vector_load %arg15[%get3A_1840, %get3A_1841] {strides = array<i32>} : memref<32x64xf32, #tpu.memory_space<vmem>>, vector<16xf32>,
        %mul3A_1843 = arith.mulf %get3A_1838, %get3A_1842 : vector<16xf32>
        %add3A_1844 = arith.addf %add3A_1835, %mul3A_1843 : vector<16xf32>
        %get3A_1845 = arith.index_cast %add3A_1818 : i32 to index
        %get3A_1846 = arith.constant 48 : index
        %get3A_1847 = tpu.vector_load %arg13[%get3A_1845, %get3A_1846] {strides = array<i32>} : memref<640x64xf32, #tpu.memory_space<vmem>>, vector<16xf32>,
        %get3A_1848 = arith.constant 2 : i32
        %get3A_1849 = arith.index_cast %get3A_1848 : i32 to index
        %get3A_1850 = arith.constant 48 : index
        %get3A_1851 = tpu.vector_load %arg15[%get3A_1849, %get3A_1850] {strides = array<i32>} : memref<32x64xf32, #tpu.memory_space<vmem>>, vector<16xf32>,
        %mul3A_1852 = arith.mulf %get3A_1847, %get3A_1851 : vector<16xf32>
        %add3A_1853 = arith.addf %add3A_1844, %mul3A_1852 : vector<16xf32>
        %mul3A_1854 = arith.constant 16 : i32
        %mul3A_1855 = vector.broadcast %mul3A_1854 : i32 to vector<16xi32>
        %mul3A_1856 = arith.muli %iota3A, %mul3A_1855 : vector<16xi32>
        %add3A_1857 = arith.constant 2 : i32
        %add3A_1858 = vector.broadcast %add3A_1857 : i32 to vector<16xi32>
        %add3A_1859 = arith.addi %mul3A_1856, %add3A_1858 : vector<16xi32>
        tpu.vector_store_idx %arg18[%add3A_1859], %add3A_1853 : memref<256xf32, #tpu.memory_space<vmem>>[vector<16xi32>], vector<16xf32>,
        %add3A_1860 = arith.constant 60 : i32
        %add3A_1861 = arith.addi %add3A_1860, %scan3A_1730 : i32
        %get3A_1862 = arith.index_cast %add3A_1861 : i32 to index
        %get3A_1863 = arith.constant 0 : index
        %get3A_1864 = tpu.vector_load %arg13[%get3A_1862, %get3A_1863] {strides = array<i32>} : memref<640x64xf32, #tpu.memory_space<vmem>>, vector<16xf32>,
        %get3A_1865 = arith.constant 3 : i32
        %get3A_1866 = arith.index_cast %get3A_1865 : i32 to index
        %get3A_1867 = arith.constant 0 : index
        %get3A_1868 = tpu.vector_load %arg15[%get3A_1866, %get3A_1867] {strides = array<i32>} : memref<32x64xf32, #tpu.memory_space<vmem>>, vector<16xf32>,
        %mul3A_1869 = arith.mulf %get3A_1864, %get3A_1868 : vector<16xf32>
        %get3A_1870 = arith.index_cast %add3A_1861 : i32 to index
        %get3A_1871 = arith.constant 16 : index
        %get3A_1872 = tpu.vector_load %arg13[%get3A_1870, %get3A_1871] {strides = array<i32>} : memref<640x64xf32, #tpu.memory_space<vmem>>, vector<16xf32>,
        %get3A_1873 = arith.constant 3 : i32
        %get3A_1874 = arith.index_cast %get3A_1873 : i32 to index
        %get3A_1875 = arith.constant 16 : index
        %get3A_1876 = tpu.vector_load %arg15[%get3A_1874, %get3A_1875] {strides = array<i32>} : memref<32x64xf32, #tpu.memory_space<vmem>>, vector<16xf32>,
        %mul3A_1877 = arith.mulf %get3A_1872, %get3A_1876 : vector<16xf32>
        %add3A_1878 = arith.addf %mul3A_1869, %mul3A_1877 : vector<16xf32>
        %get3A_1879 = arith.index_cast %add3A_1861 : i32 to index
        %get3A_1880 = arith.constant 32 : index
        %get3A_1881 = tpu.vector_load %arg13[%get3A_1879, %get3A_1880] {strides = array<i32>} : memref<640x64xf32, #tpu.memory_space<vmem>>, vector<16xf32>,
        %get3A_1882 = arith.constant 3 : i32
        %get3A_1883 = arith.index_cast %get3A_1882 : i32 to index
        %get3A_1884 = arith.constant 32 : index
        %get3A_1885 = tpu.vector_load %arg15[%get3A_1883, %get3A_1884] {strides = array<i32>} : memref<32x64xf32, #tpu.memory_space<vmem>>, vector<16xf32>,
        %mul3A_1886 = arith.mulf %get3A_1881, %get3A_1885 : vector<16xf32>
        %add3A_1887 = arith.addf %add3A_1878, %mul3A_1886 : vector<16xf32>
        %get3A_1888 = arith.index_cast %add3A_1861 : i32 to index
        %get3A_1889 = arith.constant 48 : index
        %get3A_1890 = tpu.vector_load %arg13[%get3A_1888, %get3A_1889] {strides = array<i32>} : memref<640x64xf32, #tpu.memory_space<vmem>>, vector<16xf32>,
        %get3A_1891 = arith.constant 3 : i32
        %get3A_1892 = arith.index_cast %get3A_1891 : i32 to index
        %get3A_1893 = arith.constant 48 : index
        %get3A_1894 = tpu.vector_load %arg15[%get3A_1892, %get3A_1893] {strides = array<i32>} : memref<32x64xf32, #tpu.memory_space<vmem>>, vector<16xf32>,
        %mul3A_1895 = arith.mulf %get3A_1890, %get3A_1894 : vector<16xf32>
        %add3A_1896 = arith.addf %add3A_1887, %mul3A_1895 : vector<16xf32>
        %mul3A_1897 = arith.constant 16 : i32
        %mul3A_1898 = vector.broadcast %mul3A_1897 : i32 to vector<16xi32>
        %mul3A_1899 = arith.muli %iota3A, %mul3A_1898 : vector<16xi32>
        %add3A_1900 = arith.constant 3 : i32
        %add3A_1901 = vector.broadcast %add3A_1900 : i32 to vector<16xi32>
        %add3A_1902 = arith.addi %mul3A_1899, %add3A_1901 : vector<16xi32>
        tpu.vector_store_idx %arg18[%add3A_1902], %add3A_1896 : memref<256xf32, #tpu.memory_space<vmem>>[vector<16xi32>], vector<16xf32>,
        %add3A_1903 = arith.constant 80 : i32
        %add3A_1904 = arith.addi %add3A_1903, %scan3A_1730 : i32
        %get3A_1905 = arith.index_cast %add3A_1904 : i32 to index
        %get3A_1906 = arith.constant 0 : index
        %get3A_1907 = tpu.vector_load %arg13[%get3A_1905, %get3A_1906] {strides = array<i32>} : memref<640x64xf32, #tpu.memory_space<vmem>>, vector<16xf32>,
        %get3A_1908 = arith.constant 4 : i32
        %get3A_1909 = arith.index_cast %get3A_1908 : i32 to index
        %get3A_1910 = arith.constant 0 : index
        %get3A_1911 = tpu.vector_load %arg15[%get3A_1909, %get3A_1910] {strides = array<i32>} : memref<32x64xf32, #tpu.memory_space<vmem>>, vector<16xf32>,
        %mul3A_1912 = arith.mulf %get3A_1907, %get3A_1911 : vector<16xf32>
        %get3A_1913 = arith.index_cast %add3A_1904 : i32 to index
        %get3A_1914 = arith.constant 16 : index
        %get3A_1915 = tpu.vector_load %arg13[%get3A_1913, %get3A_1914] {strides = array<i32>} : memref<640x64xf32, #tpu.memory_space<vmem>>, vector<16xf32>,
        %get3A_1916 = arith.constant 4 : i32
        %get3A_1917 = arith.index_cast %get3A_1916 : i32 to index
        %get3A_1918 = arith.constant 16 : index
        %get3A_1919 = tpu.vector_load %arg15[%get3A_1917, %get3A_1918] {strides = array<i32>} : memref<32x64xf32, #tpu.memory_space<vmem>>, vector<16xf32>,
        %mul3A_1920 = arith.mulf %get3A_1915, %get3A_1919 : vector<16xf32>
        %add3A_1921 = arith.addf %mul3A_1912, %mul3A_1920 : vector<16xf32>
        %get3A_1922 = arith.index_cast %add3A_1904 : i32 to index
        %get3A_1923 = arith.constant 32 : index
        %get3A_1924 = tpu.vector_load %arg13[%get3A_1922, %get3A_1923] {strides = array<i32>} : memref<640x64xf32, #tpu.memory_space<vmem>>, vector<16xf32>,
        %get3A_1925 = arith.constant 4 : i32
        %get3A_1926 = arith.index_cast %get3A_1925 : i32 to index
        %get3A_1927 = arith.constant 32 : index
        %get3A_1928 = tpu.vector_load %arg15[%get3A_1926, %get3A_1927] {strides = array<i32>} : memref<32x64xf32, #tpu.memory_space<vmem>>, vector<16xf32>,
        %mul3A_1929 = arith.mulf %get3A_1924, %get3A_1928 : vector<16xf32>
        %add3A_1930 = arith.addf %add3A_1921, %mul3A_1929 : vector<16xf32>
        %get3A_1931 = arith.index_cast %add3A_1904 : i32 to index
        %get3A_1932 = arith.constant 48 : index
        %get3A_1933 = tpu.vector_load %arg13[%get3A_1931, %get3A_1932] {strides = array<i32>} : memref<640x64xf32, #tpu.memory_space<vmem>>, vector<16xf32>,
        %get3A_1934 = arith.constant 4 : i32
        %get3A_1935 = arith.index_cast %get3A_1934 : i32 to index
        %get3A_1936 = arith.constant 48 : index
        %get3A_1937 = tpu.vector_load %arg15[%get3A_1935, %get3A_1936] {strides = array<i32>} : memref<32x64xf32, #tpu.memory_space<vmem>>, vector<16xf32>,
        %mul3A_1938 = arith.mulf %get3A_1933, %get3A_1937 : vector<16xf32>
        %add3A_1939 = arith.addf %add3A_1930, %mul3A_1938 : vector<16xf32>
        %mul3A_1940 = arith.constant 16 : i32
        %mul3A_1941 = vector.broadcast %mul3A_1940 : i32 to vector<16xi32>
        %mul3A_1942 = arith.muli %iota3A, %mul3A_1941 : vector<16xi32>
        %add3A_1943 = arith.constant 4 : i32
        %add3A_1944 = vector.broadcast %add3A_1943 : i32 to vector<16xi32>
        %add3A_1945 = arith.addi %mul3A_1942, %add3A_1944 : vector<16xi32>
        tpu.vector_store_idx %arg18[%add3A_1945], %add3A_1939 : memref<256xf32, #tpu.memory_space<vmem>>[vector<16xi32>], vector<16xf32>,
        %add3A_1946 = arith.constant 100 : i32
        %add3A_1947 = arith.addi %add3A_1946, %scan3A_1730 : i32
        %get3A_1948 = arith.index_cast %add3A_1947 : i32 to index
        %get3A_1949 = arith.constant 0 : index
        %get3A_1950 = tpu.vector_load %arg13[%get3A_1948, %get3A_1949] {strides = array<i32>} : memref<640x64xf32, #tpu.memory_space<vmem>>, vector<16xf32>,
        %get3A_1951 = arith.constant 5 : i32
        %get3A_1952 = arith.index_cast %get3A_1951 : i32 to index
        %get3A_1953 = arith.constant 0 : index
        %get3A_1954 = tpu.vector_load %arg15[%get3A_1952, %get3A_1953] {strides = array<i32>} : memref<32x64xf32, #tpu.memory_space<vmem>>, vector<16xf32>,
        %mul3A_1955 = arith.mulf %get3A_1950, %get3A_1954 : vector<16xf32>
        %get3A_1956 = arith.index_cast %add3A_1947 : i32 to index
        %get3A_1957 = arith.constant 16 : index
        %get3A_1958 = tpu.vector_load %arg13[%get3A_1956, %get3A_1957] {strides = array<i32>} : memref<640x64xf32, #tpu.memory_space<vmem>>, vector<16xf32>,
        %get3A_1959 = arith.constant 5 : i32
        %get3A_1960 = arith.index_cast %get3A_1959 : i32 to index
        %get3A_1961 = arith.constant 16 : index
        %get3A_1962 = tpu.vector_load %arg15[%get3A_1960, %get3A_1961] {strides = array<i32>} : memref<32x64xf32, #tpu.memory_space<vmem>>, vector<16xf32>,
        %mul3A_1963 = arith.mulf %get3A_1958, %get3A_1962 : vector<16xf32>
        %add3A_1964 = arith.addf %mul3A_1955, %mul3A_1963 : vector<16xf32>
        %get3A_1965 = arith.index_cast %add3A_1947 : i32 to index
        %get3A_1966 = arith.constant 32 : index
        %get3A_1967 = tpu.vector_load %arg13[%get3A_1965, %get3A_1966] {strides = array<i32>} : memref<640x64xf32, #tpu.memory_space<vmem>>, vector<16xf32>,
        %get3A_1968 = arith.constant 5 : i32
        %get3A_1969 = arith.index_cast %get3A_1968 : i32 to index
        %get3A_1970 = arith.constant 32 : index
        %get3A_1971 = tpu.vector_load %arg15[%get3A_1969, %get3A_1970] {strides = array<i32>} : memref<32x64xf32, #tpu.memory_space<vmem>>, vector<16xf32>,
        %mul3A_1972 = arith.mulf %get3A_1967, %get3A_1971 : vector<16xf32>
        %add3A_1973 = arith.addf %add3A_1964, %mul3A_1972 : vector<16xf32>
        %get3A_1974 = arith.index_cast %add3A_1947 : i32 to index
        %get3A_1975 = arith.constant 48 : index
        %get3A_1976 = tpu.vector_load %arg13[%get3A_1974, %get3A_1975] {strides = array<i32>} : memref<640x64xf32, #tpu.memory_space<vmem>>, vector<16xf32>,
        %get3A_1977 = arith.constant 5 : i32
        %get3A_1978 = arith.index_cast %get3A_1977 : i32 to index
        %get3A_1979 = arith.constant 48 : index
        %get3A_1980 = tpu.vector_load %arg15[%get3A_1978, %get3A_1979] {strides = array<i32>} : memref<32x64xf32, #tpu.memory_space<vmem>>, vector<16xf32>,
        %mul3A_1981 = arith.mulf %get3A_1976, %get3A_1980 : vector<16xf32>
        %add3A_1982 = arith.addf %add3A_1973, %mul3A_1981 : vector<16xf32>
        %mul3A_1983 = arith.constant 16 : i32
        %mul3A_1984 = vector.broadcast %mul3A_1983 : i32 to vector<16xi32>
        %mul3A_1985 = arith.muli %iota3A, %mul3A_1984 : vector<16xi32>
        %add3A_1986 = arith.constant 5 : i32
        %add3A_1987 = vector.broadcast %add3A_1986 : i32 to vector<16xi32>
        %add3A_1988 = arith.addi %mul3A_1985, %add3A_1987 : vector<16xi32>
        tpu.vector_store_idx %arg18[%add3A_1988], %add3A_1982 : memref<256xf32, #tpu.memory_space<vmem>>[vector<16xi32>], vector<16xf32>,
        %add3A_1989 = arith.constant 120 : i32
        %add3A_1990 = arith.addi %add3A_1989, %scan3A_1730 : i32
        %get3A_1991 = arith.index_cast %add3A_1990 : i32 to index
        %get3A_1992 = arith.constant 0 : index
        %get3A_1993 = tpu.vector_load %arg13[%get3A_1991, %get3A_1992] {strides = array<i32>} : memref<640x64xf32, #tpu.memory_space<vmem>>, vector<16xf32>,
        %get3A_1994 = arith.constant 6 : i32
        %get3A_1995 = arith.index_cast %get3A_1994 : i32 to index
        %get3A_1996 = arith.constant 0 : index
        %get3A_1997 = tpu.vector_load %arg15[%get3A_1995, %get3A_1996] {strides = array<i32>} : memref<32x64xf32, #tpu.memory_space<vmem>>, vector<16xf32>,
        %mul3A_1998 = arith.mulf %get3A_1993, %get3A_1997 : vector<16xf32>
        %get3A_1999 = arith.index_cast %add3A_1990 : i32 to index
        %get3A_2000 = arith.constant 16 : index
        %get3A_2001 = tpu.vector_load %arg13[%get3A_1999, %get3A_2000] {strides = array<i32>} : memref<640x64xf32, #tpu.memory_space<vmem>>, vector<16xf32>,
        %get3A_2002 = arith.constant 6 : i32
        %get3A_2003 = arith.index_cast %get3A_2002 : i32 to index
        %get3A_2004 = arith.constant 16 : index
        %get3A_2005 = tpu.vector_load %arg15[%get3A_2003, %get3A_2004] {strides = array<i32>} : memref<32x64xf32, #tpu.memory_space<vmem>>, vector<16xf32>,
        %mul3A_2006 = arith.mulf %get3A_2001, %get3A_2005 : vector<16xf32>
        %add3A_2007 = arith.addf %mul3A_1998, %mul3A_2006 : vector<16xf32>
        %get3A_2008 = arith.index_cast %add3A_1990 : i32 to index
        %get3A_2009 = arith.constant 32 : index
        %get3A_2010 = tpu.vector_load %arg13[%get3A_2008, %get3A_2009] {strides = array<i32>} : memref<640x64xf32, #tpu.memory_space<vmem>>, vector<16xf32>,
        %get3A_2011 = arith.constant 6 : i32
        %get3A_2012 = arith.index_cast %get3A_2011 : i32 to index
        %get3A_2013 = arith.constant 32 : index
        %get3A_2014 = tpu.vector_load %arg15[%get3A_2012, %get3A_2013] {strides = array<i32>} : memref<32x64xf32, #tpu.memory_space<vmem>>, vector<16xf32>,
        %mul3A_2015 = arith.mulf %get3A_2010, %get3A_2014 : vector<16xf32>
        %add3A_2016 = arith.addf %add3A_2007, %mul3A_2015 : vector<16xf32>
        %get3A_2017 = arith.index_cast %add3A_1990 : i32 to index
        %get3A_2018 = arith.constant 48 : index
        %get3A_2019 = tpu.vector_load %arg13[%get3A_2017, %get3A_2018] {strides = array<i32>} : memref<640x64xf32, #tpu.memory_space<vmem>>, vector<16xf32>,
        %get3A_2020 = arith.constant 6 : i32
        %get3A_2021 = arith.index_cast %get3A_2020 : i32 to index
        %get3A_2022 = arith.constant 48 : index
        %get3A_2023 = tpu.vector_load %arg15[%get3A_2021, %get3A_2022] {strides = array<i32>} : memref<32x64xf32, #tpu.memory_space<vmem>>, vector<16xf32>,
        %mul3A_2024 = arith.mulf %get3A_2019, %get3A_2023 : vector<16xf32>
        %add3A_2025 = arith.addf %add3A_2016, %mul3A_2024 : vector<16xf32>
        %mul3A_2026 = arith.constant 16 : i32
        %mul3A_2027 = vector.broadcast %mul3A_2026 : i32 to vector<16xi32>
        %mul3A_2028 = arith.muli %iota3A, %mul3A_2027 : vector<16xi32>
        %add3A_2029 = arith.constant 6 : i32
        %add3A_2030 = vector.broadcast %add3A_2029 : i32 to vector<16xi32>
        %add3A_2031 = arith.addi %mul3A_2028, %add3A_2030 : vector<16xi32>
        tpu.vector_store_idx %arg18[%add3A_2031], %add3A_2025 : memref<256xf32, #tpu.memory_space<vmem>>[vector<16xi32>], vector<16xf32>,
        %add3A_2032 = arith.constant 140 : i32
        %add3A_2033 = arith.addi %add3A_2032, %scan3A_1730 : i32
        %get3A_2034 = arith.index_cast %add3A_2033 : i32 to index
        %get3A_2035 = arith.constant 0 : index
        %get3A_2036 = tpu.vector_load %arg13[%get3A_2034, %get3A_2035] {strides = array<i32>} : memref<640x64xf32, #tpu.memory_space<vmem>>, vector<16xf32>,
        %get3A_2037 = arith.constant 7 : i32
        %get3A_2038 = arith.index_cast %get3A_2037 : i32 to index
        %get3A_2039 = arith.constant 0 : index
        %get3A_2040 = tpu.vector_load %arg15[%get3A_2038, %get3A_2039] {strides = array<i32>} : memref<32x64xf32, #tpu.memory_space<vmem>>, vector<16xf32>,
        %mul3A_2041 = arith.mulf %get3A_2036, %get3A_2040 : vector<16xf32>
        %get3A_2042 = arith.index_cast %add3A_2033 : i32 to index
        %get3A_2043 = arith.constant 16 : index
        %get3A_2044 = tpu.vector_load %arg13[%get3A_2042, %get3A_2043] {strides = array<i32>} : memref<640x64xf32, #tpu.memory_space<vmem>>, vector<16xf32>,
        %get3A_2045 = arith.constant 7 : i32
        %get3A_2046 = arith.index_cast %get3A_2045 : i32 to index
        %get3A_2047 = arith.constant 16 : index
        %get3A_2048 = tpu.vector_load %arg15[%get3A_2046, %get3A_2047] {strides = array<i32>} : memref<32x64xf32, #tpu.memory_space<vmem>>, vector<16xf32>,
        %mul3A_2049 = arith.mulf %get3A_2044, %get3A_2048 : vector<16xf32>
        %add3A_2050 = arith.addf %mul3A_2041, %mul3A_2049 : vector<16xf32>
        %get3A_2051 = arith.index_cast %add3A_2033 : i32 to index
        %get3A_2052 = arith.constant 32 : index
        %get3A_2053 = tpu.vector_load %arg13[%get3A_2051, %get3A_2052] {strides = array<i32>} : memref<640x64xf32, #tpu.memory_space<vmem>>, vector<16xf32>,
        %get3A_2054 = arith.constant 7 : i32
        %get3A_2055 = arith.index_cast %get3A_2054 : i32 to index
        %get3A_2056 = arith.constant 32 : index
        %get3A_2057 = tpu.vector_load %arg15[%get3A_2055, %get3A_2056] {strides = array<i32>} : memref<32x64xf32, #tpu.memory_space<vmem>>, vector<16xf32>,
        %mul3A_2058 = arith.mulf %get3A_2053, %get3A_2057 : vector<16xf32>
        %add3A_2059 = arith.addf %add3A_2050, %mul3A_2058 : vector<16xf32>
        %get3A_2060 = arith.index_cast %add3A_2033 : i32 to index
        %get3A_2061 = arith.constant 48 : index
        %get3A_2062 = tpu.vector_load %arg13[%get3A_2060, %get3A_2061] {strides = array<i32>} : memref<640x64xf32, #tpu.memory_space<vmem>>, vector<16xf32>,
        %get3A_2063 = arith.constant 7 : i32
        %get3A_2064 = arith.index_cast %get3A_2063 : i32 to index
        %get3A_2065 = arith.constant 48 : index
        %get3A_2066 = tpu.vector_load %arg15[%get3A_2064, %get3A_2065] {strides = array<i32>} : memref<32x64xf32, #tpu.memory_space<vmem>>, vector<16xf32>,
        %mul3A_2067 = arith.mulf %get3A_2062, %get3A_2066 : vector<16xf32>
        %add3A_2068 = arith.addf %add3A_2059, %mul3A_2067 : vector<16xf32>
        %mul3A_2069 = arith.constant 16 : i32
        %mul3A_2070 = vector.broadcast %mul3A_2069 : i32 to vector<16xi32>
        %mul3A_2071 = arith.muli %iota3A, %mul3A_2070 : vector<16xi32>
        %add3A_2072 = arith.constant 7 : i32
        %add3A_2073 = vector.broadcast %add3A_2072 : i32 to vector<16xi32>
        %add3A_2074 = arith.addi %mul3A_2071, %add3A_2073 : vector<16xi32>
        tpu.vector_store_idx %arg18[%add3A_2074], %add3A_2068 : memref<256xf32, #tpu.memory_space<vmem>>[vector<16xi32>], vector<16xf32>,
        %add3A_2075 = arith.constant 160 : i32
        %add3A_2076 = arith.addi %add3A_2075, %scan3A_1730 : i32
        %get3A_2077 = arith.index_cast %add3A_2076 : i32 to index
        %get3A_2078 = arith.constant 0 : index
        %get3A_2079 = tpu.vector_load %arg13[%get3A_2077, %get3A_2078] {strides = array<i32>} : memref<640x64xf32, #tpu.memory_space<vmem>>, vector<16xf32>,
        %get3A_2080 = arith.constant 8 : i32
        %get3A_2081 = arith.index_cast %get3A_2080 : i32 to index
        %get3A_2082 = arith.constant 0 : index
        %get3A_2083 = tpu.vector_load %arg15[%get3A_2081, %get3A_2082] {strides = array<i32>} : memref<32x64xf32, #tpu.memory_space<vmem>>, vector<16xf32>,
        %mul3A_2084 = arith.mulf %get3A_2079, %get3A_2083 : vector<16xf32>
        %get3A_2085 = arith.index_cast %add3A_2076 : i32 to index
        %get3A_2086 = arith.constant 16 : index
        %get3A_2087 = tpu.vector_load %arg13[%get3A_2085, %get3A_2086] {strides = array<i32>} : memref<640x64xf32, #tpu.memory_space<vmem>>, vector<16xf32>,
        %get3A_2088 = arith.constant 8 : i32
        %get3A_2089 = arith.index_cast %get3A_2088 : i32 to index
        %get3A_2090 = arith.constant 16 : index
        %get3A_2091 = tpu.vector_load %arg15[%get3A_2089, %get3A_2090] {strides = array<i32>} : memref<32x64xf32, #tpu.memory_space<vmem>>, vector<16xf32>,
        %mul3A_2092 = arith.mulf %get3A_2087, %get3A_2091 : vector<16xf32>
        %add3A_2093 = arith.addf %mul3A_2084, %mul3A_2092 : vector<16xf32>
        %get3A_2094 = arith.index_cast %add3A_2076 : i32 to index
        %get3A_2095 = arith.constant 32 : index
        %get3A_2096 = tpu.vector_load %arg13[%get3A_2094, %get3A_2095] {strides = array<i32>} : memref<640x64xf32, #tpu.memory_space<vmem>>, vector<16xf32>,
        %get3A_2097 = arith.constant 8 : i32
        %get3A_2098 = arith.index_cast %get3A_2097 : i32 to index
        %get3A_2099 = arith.constant 32 : index
        %get3A_2100 = tpu.vector_load %arg15[%get3A_2098, %get3A_2099] {strides = array<i32>} : memref<32x64xf32, #tpu.memory_space<vmem>>, vector<16xf32>,
        %mul3A_2101 = arith.mulf %get3A_2096, %get3A_2100 : vector<16xf32>
        %add3A_2102 = arith.addf %add3A_2093, %mul3A_2101 : vector<16xf32>
        %get3A_2103 = arith.index_cast %add3A_2076 : i32 to index
        %get3A_2104 = arith.constant 48 : index
        %get3A_2105 = tpu.vector_load %arg13[%get3A_2103, %get3A_2104] {strides = array<i32>} : memref<640x64xf32, #tpu.memory_space<vmem>>, vector<16xf32>,
        %get3A_2106 = arith.constant 8 : i32
        %get3A_2107 = arith.index_cast %get3A_2106 : i32 to index
        %get3A_2108 = arith.constant 48 : index
        %get3A_2109 = tpu.vector_load %arg15[%get3A_2107, %get3A_2108] {strides = array<i32>} : memref<32x64xf32, #tpu.memory_space<vmem>>, vector<16xf32>,
        %mul3A_2110 = arith.mulf %get3A_2105, %get3A_2109 : vector<16xf32>
        %add3A_2111 = arith.addf %add3A_2102, %mul3A_2110 : vector<16xf32>
        %mul3A_2112 = arith.constant 16 : i32
        %mul3A_2113 = vector.broadcast %mul3A_2112 : i32 to vector<16xi32>
        %mul3A_2114 = arith.muli %iota3A, %mul3A_2113 : vector<16xi32>
        %add3A_2115 = arith.constant 8 : i32
        %add3A_2116 = vector.broadcast %add3A_2115 : i32 to vector<16xi32>
        %add3A_2117 = arith.addi %mul3A_2114, %add3A_2116 : vector<16xi32>
        tpu.vector_store_idx %arg18[%add3A_2117], %add3A_2111 : memref<256xf32, #tpu.memory_space<vmem>>[vector<16xi32>], vector<16xf32>,
        %add3A_2118 = arith.constant 180 : i32
        %add3A_2119 = arith.addi %add3A_2118, %scan3A_1730 : i32
        %get3A_2120 = arith.index_cast %add3A_2119 : i32 to index
        %get3A_2121 = arith.constant 0 : index
        %get3A_2122 = tpu.vector_load %arg13[%get3A_2120, %get3A_2121] {strides = array<i32>} : memref<640x64xf32, #tpu.memory_space<vmem>>, vector<16xf32>,
        %get3A_2123 = arith.constant 9 : i32
        %get3A_2124 = arith.index_cast %get3A_2123 : i32 to index
        %get3A_2125 = arith.constant 0 : index
        %get3A_2126 = tpu.vector_load %arg15[%get3A_2124, %get3A_2125] {strides = array<i32>} : memref<32x64xf32, #tpu.memory_space<vmem>>, vector<16xf32>,
        %mul3A_2127 = arith.mulf %get3A_2122, %get3A_2126 : vector<16xf32>
        %get3A_2128 = arith.index_cast %add3A_2119 : i32 to index
        %get3A_2129 = arith.constant 16 : index
        %get3A_2130 = tpu.vector_load %arg13[%get3A_2128, %get3A_2129] {strides = array<i32>} : memref<640x64xf32, #tpu.memory_space<vmem>>, vector<16xf32>,
        %get3A_2131 = arith.constant 9 : i32
        %get3A_2132 = arith.index_cast %get3A_2131 : i32 to index
        %get3A_2133 = arith.constant 16 : index
        %get3A_2134 = tpu.vector_load %arg15[%get3A_2132, %get3A_2133] {strides = array<i32>} : memref<32x64xf32, #tpu.memory_space<vmem>>, vector<16xf32>,
        %mul3A_2135 = arith.mulf %get3A_2130, %get3A_2134 : vector<16xf32>
        %add3A_2136 = arith.addf %mul3A_2127, %mul3A_2135 : vector<16xf32>
        %get3A_2137 = arith.index_cast %add3A_2119 : i32 to index
        %get3A_2138 = arith.constant 32 : index
        %get3A_2139 = tpu.vector_load %arg13[%get3A_2137, %get3A_2138] {strides = array<i32>} : memref<640x64xf32, #tpu.memory_space<vmem>>, vector<16xf32>,
        %get3A_2140 = arith.constant 9 : i32
        %get3A_2141 = arith.index_cast %get3A_2140 : i32 to index
        %get3A_2142 = arith.constant 32 : index
        %get3A_2143 = tpu.vector_load %arg15[%get3A_2141, %get3A_2142] {strides = array<i32>} : memref<32x64xf32, #tpu.memory_space<vmem>>, vector<16xf32>,
        %mul3A_2144 = arith.mulf %get3A_2139, %get3A_2143 : vector<16xf32>
        %add3A_2145 = arith.addf %add3A_2136, %mul3A_2144 : vector<16xf32>
        %get3A_2146 = arith.index_cast %add3A_2119 : i32 to index
        %get3A_2147 = arith.constant 48 : index
        %get3A_2148 = tpu.vector_load %arg13[%get3A_2146, %get3A_2147] {strides = array<i32>} : memref<640x64xf32, #tpu.memory_space<vmem>>, vector<16xf32>,
        %get3A_2149 = arith.constant 9 : i32
        %get3A_2150 = arith.index_cast %get3A_2149 : i32 to index
        %get3A_2151 = arith.constant 48 : index
        %get3A_2152 = tpu.vector_load %arg15[%get3A_2150, %get3A_2151] {strides = array<i32>} : memref<32x64xf32, #tpu.memory_space<vmem>>, vector<16xf32>,
        %mul3A_2153 = arith.mulf %get3A_2148, %get3A_2152 : vector<16xf32>
        %add3A_2154 = arith.addf %add3A_2145, %mul3A_2153 : vector<16xf32>
        %mul3A_2155 = arith.constant 16 : i32
        %mul3A_2156 = vector.broadcast %mul3A_2155 : i32 to vector<16xi32>
        %mul3A_2157 = arith.muli %iota3A, %mul3A_2156 : vector<16xi32>
        %add3A_2158 = arith.constant 9 : i32
        %add3A_2159 = vector.broadcast %add3A_2158 : i32 to vector<16xi32>
        %add3A_2160 = arith.addi %mul3A_2157, %add3A_2159 : vector<16xi32>
        tpu.vector_store_idx %arg18[%add3A_2160], %add3A_2154 : memref<256xf32, #tpu.memory_space<vmem>>[vector<16xi32>], vector<16xf32>,
        %add3A_2161 = arith.constant 200 : i32
        %add3A_2162 = arith.addi %add3A_2161, %scan3A_1730 : i32
        %get3A_2163 = arith.index_cast %add3A_2162 : i32 to index
        %get3A_2164 = arith.constant 0 : index
        %get3A_2165 = tpu.vector_load %arg13[%get3A_2163, %get3A_2164] {strides = array<i32>} : memref<640x64xf32, #tpu.memory_space<vmem>>, vector<16xf32>,
        %get3A_2166 = arith.constant 10 : i32
        %get3A_2167 = arith.index_cast %get3A_2166 : i32 to index
        %get3A_2168 = arith.constant 0 : index
        %get3A_2169 = tpu.vector_load %arg15[%get3A_2167, %get3A_2168] {strides = array<i32>} : memref<32x64xf32, #tpu.memory_space<vmem>>, vector<16xf32>,
        %mul3A_2170 = arith.mulf %get3A_2165, %get3A_2169 : vector<16xf32>
        %get3A_2171 = arith.index_cast %add3A_2162 : i32 to index
        %get3A_2172 = arith.constant 16 : index
        %get3A_2173 = tpu.vector_load %arg13[%get3A_2171, %get3A_2172] {strides = array<i32>} : memref<640x64xf32, #tpu.memory_space<vmem>>, vector<16xf32>,
        %get3A_2174 = arith.constant 10 : i32
        %get3A_2175 = arith.index_cast %get3A_2174 : i32 to index
        %get3A_2176 = arith.constant 16 : index
        %get3A_2177 = tpu.vector_load %arg15[%get3A_2175, %get3A_2176] {strides = array<i32>} : memref<32x64xf32, #tpu.memory_space<vmem>>, vector<16xf32>,
        %mul3A_2178 = arith.mulf %get3A_2173, %get3A_2177 : vector<16xf32>
        %add3A_2179 = arith.addf %mul3A_2170, %mul3A_2178 : vector<16xf32>
        %get3A_2180 = arith.index_cast %add3A_2162 : i32 to index
        %get3A_2181 = arith.constant 32 : index
        %get3A_2182 = tpu.vector_load %arg13[%get3A_2180, %get3A_2181] {strides = array<i32>} : memref<640x64xf32, #tpu.memory_space<vmem>>, vector<16xf32>,
        %get3A_2183 = arith.constant 10 : i32
        %get3A_2184 = arith.index_cast %get3A_2183 : i32 to index
        %get3A_2185 = arith.constant 32 : index
        %get3A_2186 = tpu.vector_load %arg15[%get3A_2184, %get3A_2185] {strides = array<i32>} : memref<32x64xf32, #tpu.memory_space<vmem>>, vector<16xf32>,
        %mul3A_2187 = arith.mulf %get3A_2182, %get3A_2186 : vector<16xf32>
        %add3A_2188 = arith.addf %add3A_2179, %mul3A_2187 : vector<16xf32>
        %get3A_2189 = arith.index_cast %add3A_2162 : i32 to index
        %get3A_2190 = arith.constant 48 : index
        %get3A_2191 = tpu.vector_load %arg13[%get3A_2189, %get3A_2190] {strides = array<i32>} : memref<640x64xf32, #tpu.memory_space<vmem>>, vector<16xf32>,
        %get3A_2192 = arith.constant 10 : i32
        %get3A_2193 = arith.index_cast %get3A_2192 : i32 to index
        %get3A_2194 = arith.constant 48 : index
        %get3A_2195 = tpu.vector_load %arg15[%get3A_2193, %get3A_2194] {strides = array<i32>} : memref<32x64xf32, #tpu.memory_space<vmem>>, vector<16xf32>,
        %mul3A_2196 = arith.mulf %get3A_2191, %get3A_2195 : vector<16xf32>
        %add3A_2197 = arith.addf %add3A_2188, %mul3A_2196 : vector<16xf32>
        %mul3A_2198 = arith.constant 16 : i32
        %mul3A_2199 = vector.broadcast %mul3A_2198 : i32 to vector<16xi32>
        %mul3A_2200 = arith.muli %iota3A, %mul3A_2199 : vector<16xi32>
        %add3A_2201 = arith.constant 10 : i32
        %add3A_2202 = vector.broadcast %add3A_2201 : i32 to vector<16xi32>
        %add3A_2203 = arith.addi %mul3A_2200, %add3A_2202 : vector<16xi32>
        tpu.vector_store_idx %arg18[%add3A_2203], %add3A_2197 : memref<256xf32, #tpu.memory_space<vmem>>[vector<16xi32>], vector<16xf32>,
        %add3A_2204 = arith.constant 220 : i32
        %add3A_2205 = arith.addi %add3A_2204, %scan3A_1730 : i32
        %get3A_2206 = arith.index_cast %add3A_2205 : i32 to index
        %get3A_2207 = arith.constant 0 : index
        %get3A_2208 = tpu.vector_load %arg13[%get3A_2206, %get3A_2207] {strides = array<i32>} : memref<640x64xf32, #tpu.memory_space<vmem>>, vector<16xf32>,
        %get3A_2209 = arith.constant 11 : i32
        %get3A_2210 = arith.index_cast %get3A_2209 : i32 to index
        %get3A_2211 = arith.constant 0 : index
        %get3A_2212 = tpu.vector_load %arg15[%get3A_2210, %get3A_2211] {strides = array<i32>} : memref<32x64xf32, #tpu.memory_space<vmem>>, vector<16xf32>,
        %mul3A_2213 = arith.mulf %get3A_2208, %get3A_2212 : vector<16xf32>
        %get3A_2214 = arith.index_cast %add3A_2205 : i32 to index
        %get3A_2215 = arith.constant 16 : index
        %get3A_2216 = tpu.vector_load %arg13[%get3A_2214, %get3A_2215] {strides = array<i32>} : memref<640x64xf32, #tpu.memory_space<vmem>>, vector<16xf32>,
        %get3A_2217 = arith.constant 11 : i32
        %get3A_2218 = arith.index_cast %get3A_2217 : i32 to index
        %get3A_2219 = arith.constant 16 : index
        %get3A_2220 = tpu.vector_load %arg15[%get3A_2218, %get3A_2219] {strides = array<i32>} : memref<32x64xf32, #tpu.memory_space<vmem>>, vector<16xf32>,
        %mul3A_2221 = arith.mulf %get3A_2216, %get3A_2220 : vector<16xf32>
        %add3A_2222 = arith.addf %mul3A_2213, %mul3A_2221 : vector<16xf32>
        %get3A_2223 = arith.index_cast %add3A_2205 : i32 to index
        %get3A_2224 = arith.constant 32 : index
        %get3A_2225 = tpu.vector_load %arg13[%get3A_2223, %get3A_2224] {strides = array<i32>} : memref<640x64xf32, #tpu.memory_space<vmem>>, vector<16xf32>,
        %get3A_2226 = arith.constant 11 : i32
        %get3A_2227 = arith.index_cast %get3A_2226 : i32 to index
        %get3A_2228 = arith.constant 32 : index
        %get3A_2229 = tpu.vector_load %arg15[%get3A_2227, %get3A_2228] {strides = array<i32>} : memref<32x64xf32, #tpu.memory_space<vmem>>, vector<16xf32>,
        %mul3A_2230 = arith.mulf %get3A_2225, %get3A_2229 : vector<16xf32>
        %add3A_2231 = arith.addf %add3A_2222, %mul3A_2230 : vector<16xf32>
        %get3A_2232 = arith.index_cast %add3A_2205 : i32 to index
        %get3A_2233 = arith.constant 48 : index
        %get3A_2234 = tpu.vector_load %arg13[%get3A_2232, %get3A_2233] {strides = array<i32>} : memref<640x64xf32, #tpu.memory_space<vmem>>, vector<16xf32>,
        %get3A_2235 = arith.constant 11 : i32
        %get3A_2236 = arith.index_cast %get3A_2235 : i32 to index
        %get3A_2237 = arith.constant 48 : index
        %get3A_2238 = tpu.vector_load %arg15[%get3A_2236, %get3A_2237] {strides = array<i32>} : memref<32x64xf32, #tpu.memory_space<vmem>>, vector<16xf32>,
        %mul3A_2239 = arith.mulf %get3A_2234, %get3A_2238 : vector<16xf32>
        %add3A_2240 = arith.addf %add3A_2231, %mul3A_2239 : vector<16xf32>
        %mul3A_2241 = arith.constant 16 : i32
        %mul3A_2242 = vector.broadcast %mul3A_2241 : i32 to vector<16xi32>
        %mul3A_2243 = arith.muli %iota3A, %mul3A_2242 : vector<16xi32>
        %add3A_2244 = arith.constant 11 : i32
        %add3A_2245 = vector.broadcast %add3A_2244 : i32 to vector<16xi32>
        %add3A_2246 = arith.addi %mul3A_2243, %add3A_2245 : vector<16xi32>
        tpu.vector_store_idx %arg18[%add3A_2246], %add3A_2240 : memref<256xf32, #tpu.memory_space<vmem>>[vector<16xi32>], vector<16xf32>,
        %add3A_2247 = arith.constant 240 : i32
        %add3A_2248 = arith.addi %add3A_2247, %scan3A_1730 : i32
        %get3A_2249 = arith.index_cast %add3A_2248 : i32 to index
        %get3A_2250 = arith.constant 0 : index
        %get3A_2251 = tpu.vector_load %arg13[%get3A_2249, %get3A_2250] {strides = array<i32>} : memref<640x64xf32, #tpu.memory_space<vmem>>, vector<16xf32>,
        %get3A_2252 = arith.constant 12 : i32
        %get3A_2253 = arith.index_cast %get3A_2252 : i32 to index
        %get3A_2254 = arith.constant 0 : index
        %get3A_2255 = tpu.vector_load %arg15[%get3A_2253, %get3A_2254] {strides = array<i32>} : memref<32x64xf32, #tpu.memory_space<vmem>>, vector<16xf32>,
        %mul3A_2256 = arith.mulf %get3A_2251, %get3A_2255 : vector<16xf32>
        %get3A_2257 = arith.index_cast %add3A_2248 : i32 to index
        %get3A_2258 = arith.constant 16 : index
        %get3A_2259 = tpu.vector_load %arg13[%get3A_2257, %get3A_2258] {strides = array<i32>} : memref<640x64xf32, #tpu.memory_space<vmem>>, vector<16xf32>,
        %get3A_2260 = arith.constant 12 : i32
        %get3A_2261 = arith.index_cast %get3A_2260 : i32 to index
        %get3A_2262 = arith.constant 16 : index
        %get3A_2263 = tpu.vector_load %arg15[%get3A_2261, %get3A_2262] {strides = array<i32>} : memref<32x64xf32, #tpu.memory_space<vmem>>, vector<16xf32>,
        %mul3A_2264 = arith.mulf %get3A_2259, %get3A_2263 : vector<16xf32>
        %add3A_2265 = arith.addf %mul3A_2256, %mul3A_2264 : vector<16xf32>
        %get3A_2266 = arith.index_cast %add3A_2248 : i32 to index
        %get3A_2267 = arith.constant 32 : index
        %get3A_2268 = tpu.vector_load %arg13[%get3A_2266, %get3A_2267] {strides = array<i32>} : memref<640x64xf32, #tpu.memory_space<vmem>>, vector<16xf32>,
        %get3A_2269 = arith.constant 12 : i32
        %get3A_2270 = arith.index_cast %get3A_2269 : i32 to index
        %get3A_2271 = arith.constant 32 : index
        %get3A_2272 = tpu.vector_load %arg15[%get3A_2270, %get3A_2271] {strides = array<i32>} : memref<32x64xf32, #tpu.memory_space<vmem>>, vector<16xf32>,
        %mul3A_2273 = arith.mulf %get3A_2268, %get3A_2272 : vector<16xf32>
        %add3A_2274 = arith.addf %add3A_2265, %mul3A_2273 : vector<16xf32>
        %get3A_2275 = arith.index_cast %add3A_2248 : i32 to index
        %get3A_2276 = arith.constant 48 : index
        %get3A_2277 = tpu.vector_load %arg13[%get3A_2275, %get3A_2276] {strides = array<i32>} : memref<640x64xf32, #tpu.memory_space<vmem>>, vector<16xf32>,
        %get3A_2278 = arith.constant 12 : i32
        %get3A_2279 = arith.index_cast %get3A_2278 : i32 to index
        %get3A_2280 = arith.constant 48 : index
        %get3A_2281 = tpu.vector_load %arg15[%get3A_2279, %get3A_2280] {strides = array<i32>} : memref<32x64xf32, #tpu.memory_space<vmem>>, vector<16xf32>,
        %mul3A_2282 = arith.mulf %get3A_2277, %get3A_2281 : vector<16xf32>
        %add3A_2283 = arith.addf %add3A_2274, %mul3A_2282 : vector<16xf32>
        %mul3A_2284 = arith.constant 16 : i32
        %mul3A_2285 = vector.broadcast %mul3A_2284 : i32 to vector<16xi32>
        %mul3A_2286 = arith.muli %iota3A, %mul3A_2285 : vector<16xi32>
        %add3A_2287 = arith.constant 12 : i32
        %add3A_2288 = vector.broadcast %add3A_2287 : i32 to vector<16xi32>
        %add3A_2289 = arith.addi %mul3A_2286, %add3A_2288 : vector<16xi32>
        tpu.vector_store_idx %arg18[%add3A_2289], %add3A_2283 : memref<256xf32, #tpu.memory_space<vmem>>[vector<16xi32>], vector<16xf32>,
        %add3A_2290 = arith.constant 260 : i32
        %add3A_2291 = arith.addi %add3A_2290, %scan3A_1730 : i32
        %get3A_2292 = arith.index_cast %add3A_2291 : i32 to index
        %get3A_2293 = arith.constant 0 : index
        %get3A_2294 = tpu.vector_load %arg13[%get3A_2292, %get3A_2293] {strides = array<i32>} : memref<640x64xf32, #tpu.memory_space<vmem>>, vector<16xf32>,
        %get3A_2295 = arith.constant 13 : i32
        %get3A_2296 = arith.index_cast %get3A_2295 : i32 to index
        %get3A_2297 = arith.constant 0 : index
        %get3A_2298 = tpu.vector_load %arg15[%get3A_2296, %get3A_2297] {strides = array<i32>} : memref<32x64xf32, #tpu.memory_space<vmem>>, vector<16xf32>,
        %mul3A_2299 = arith.mulf %get3A_2294, %get3A_2298 : vector<16xf32>
        %get3A_2300 = arith.index_cast %add3A_2291 : i32 to index
        %get3A_2301 = arith.constant 16 : index
        %get3A_2302 = tpu.vector_load %arg13[%get3A_2300, %get3A_2301] {strides = array<i32>} : memref<640x64xf32, #tpu.memory_space<vmem>>, vector<16xf32>,
        %get3A_2303 = arith.constant 13 : i32
        %get3A_2304 = arith.index_cast %get3A_2303 : i32 to index
        %get3A_2305 = arith.constant 16 : index
        %get3A_2306 = tpu.vector_load %arg15[%get3A_2304, %get3A_2305] {strides = array<i32>} : memref<32x64xf32, #tpu.memory_space<vmem>>, vector<16xf32>,
        %mul3A_2307 = arith.mulf %get3A_2302, %get3A_2306 : vector<16xf32>
        %add3A_2308 = arith.addf %mul3A_2299, %mul3A_2307 : vector<16xf32>
        %get3A_2309 = arith.index_cast %add3A_2291 : i32 to index
        %get3A_2310 = arith.constant 32 : index
        %get3A_2311 = tpu.vector_load %arg13[%get3A_2309, %get3A_2310] {strides = array<i32>} : memref<640x64xf32, #tpu.memory_space<vmem>>, vector<16xf32>,
        %get3A_2312 = arith.constant 13 : i32
        %get3A_2313 = arith.index_cast %get3A_2312 : i32 to index
        %get3A_2314 = arith.constant 32 : index
        %get3A_2315 = tpu.vector_load %arg15[%get3A_2313, %get3A_2314] {strides = array<i32>} : memref<32x64xf32, #tpu.memory_space<vmem>>, vector<16xf32>,
        %mul3A_2316 = arith.mulf %get3A_2311, %get3A_2315 : vector<16xf32>
        %add3A_2317 = arith.addf %add3A_2308, %mul3A_2316 : vector<16xf32>
        %get3A_2318 = arith.index_cast %add3A_2291 : i32 to index
        %get3A_2319 = arith.constant 48 : index
        %get3A_2320 = tpu.vector_load %arg13[%get3A_2318, %get3A_2319] {strides = array<i32>} : memref<640x64xf32, #tpu.memory_space<vmem>>, vector<16xf32>,
        %get3A_2321 = arith.constant 13 : i32
        %get3A_2322 = arith.index_cast %get3A_2321 : i32 to index
        %get3A_2323 = arith.constant 48 : index
        %get3A_2324 = tpu.vector_load %arg15[%get3A_2322, %get3A_2323] {strides = array<i32>} : memref<32x64xf32, #tpu.memory_space<vmem>>, vector<16xf32>,
        %mul3A_2325 = arith.mulf %get3A_2320, %get3A_2324 : vector<16xf32>
        %add3A_2326 = arith.addf %add3A_2317, %mul3A_2325 : vector<16xf32>
        %mul3A_2327 = arith.constant 16 : i32
        %mul3A_2328 = vector.broadcast %mul3A_2327 : i32 to vector<16xi32>
        %mul3A_2329 = arith.muli %iota3A, %mul3A_2328 : vector<16xi32>
        %add3A_2330 = arith.constant 13 : i32
        %add3A_2331 = vector.broadcast %add3A_2330 : i32 to vector<16xi32>
        %add3A_2332 = arith.addi %mul3A_2329, %add3A_2331 : vector<16xi32>
        tpu.vector_store_idx %arg18[%add3A_2332], %add3A_2326 : memref<256xf32, #tpu.memory_space<vmem>>[vector<16xi32>], vector<16xf32>,
        %add3A_2333 = arith.constant 280 : i32
        %add3A_2334 = arith.addi %add3A_2333, %scan3A_1730 : i32
        %get3A_2335 = arith.index_cast %add3A_2334 : i32 to index
        %get3A_2336 = arith.constant 0 : index
        %get3A_2337 = tpu.vector_load %arg13[%get3A_2335, %get3A_2336] {strides = array<i32>} : memref<640x64xf32, #tpu.memory_space<vmem>>, vector<16xf32>,
        %get3A_2338 = arith.constant 14 : i32
        %get3A_2339 = arith.index_cast %get3A_2338 : i32 to index
        %get3A_2340 = arith.constant 0 : index
        %get3A_2341 = tpu.vector_load %arg15[%get3A_2339, %get3A_2340] {strides = array<i32>} : memref<32x64xf32, #tpu.memory_space<vmem>>, vector<16xf32>,
        %mul3A_2342 = arith.mulf %get3A_2337, %get3A_2341 : vector<16xf32>
        %get3A_2343 = arith.index_cast %add3A_2334 : i32 to index
        %get3A_2344 = arith.constant 16 : index
        %get3A_2345 = tpu.vector_load %arg13[%get3A_2343, %get3A_2344] {strides = array<i32>} : memref<640x64xf32, #tpu.memory_space<vmem>>, vector<16xf32>,
        %get3A_2346 = arith.constant 14 : i32
        %get3A_2347 = arith.index_cast %get3A_2346 : i32 to index
        %get3A_2348 = arith.constant 16 : index
        %get3A_2349 = tpu.vector_load %arg15[%get3A_2347, %get3A_2348] {strides = array<i32>} : memref<32x64xf32, #tpu.memory_space<vmem>>, vector<16xf32>,
        %mul3A_2350 = arith.mulf %get3A_2345, %get3A_2349 : vector<16xf32>
        %add3A_2351 = arith.addf %mul3A_2342, %mul3A_2350 : vector<16xf32>
        %get3A_2352 = arith.index_cast %add3A_2334 : i32 to index
        %get3A_2353 = arith.constant 32 : index
        %get3A_2354 = tpu.vector_load %arg13[%get3A_2352, %get3A_2353] {strides = array<i32>} : memref<640x64xf32, #tpu.memory_space<vmem>>, vector<16xf32>,
        %get3A_2355 = arith.constant 14 : i32
        %get3A_2356 = arith.index_cast %get3A_2355 : i32 to index
        %get3A_2357 = arith.constant 32 : index
        %get3A_2358 = tpu.vector_load %arg15[%get3A_2356, %get3A_2357] {strides = array<i32>} : memref<32x64xf32, #tpu.memory_space<vmem>>, vector<16xf32>,
        %mul3A_2359 = arith.mulf %get3A_2354, %get3A_2358 : vector<16xf32>
        %add3A_2360 = arith.addf %add3A_2351, %mul3A_2359 : vector<16xf32>
        %get3A_2361 = arith.index_cast %add3A_2334 : i32 to index
        %get3A_2362 = arith.constant 48 : index
        %get3A_2363 = tpu.vector_load %arg13[%get3A_2361, %get3A_2362] {strides = array<i32>} : memref<640x64xf32, #tpu.memory_space<vmem>>, vector<16xf32>,
        %get3A_2364 = arith.constant 14 : i32
        %get3A_2365 = arith.index_cast %get3A_2364 : i32 to index
        %get3A_2366 = arith.constant 48 : index
        %get3A_2367 = tpu.vector_load %arg15[%get3A_2365, %get3A_2366] {strides = array<i32>} : memref<32x64xf32, #tpu.memory_space<vmem>>, vector<16xf32>,
        %mul3A_2368 = arith.mulf %get3A_2363, %get3A_2367 : vector<16xf32>
        %add3A_2369 = arith.addf %add3A_2360, %mul3A_2368 : vector<16xf32>
        %mul3A_2370 = arith.constant 16 : i32
        %mul3A_2371 = vector.broadcast %mul3A_2370 : i32 to vector<16xi32>
        %mul3A_2372 = arith.muli %iota3A, %mul3A_2371 : vector<16xi32>
        %add3A_2373 = arith.constant 14 : i32
        %add3A_2374 = vector.broadcast %add3A_2373 : i32 to vector<16xi32>
        %add3A_2375 = arith.addi %mul3A_2372, %add3A_2374 : vector<16xi32>
        tpu.vector_store_idx %arg18[%add3A_2375], %add3A_2369 : memref<256xf32, #tpu.memory_space<vmem>>[vector<16xi32>], vector<16xf32>,
        %add3A_2376 = arith.constant 300 : i32
        %add3A_2377 = arith.addi %add3A_2376, %scan3A_1730 : i32
        %get3A_2378 = arith.index_cast %add3A_2377 : i32 to index
        %get3A_2379 = arith.constant 0 : index
        %get3A_2380 = tpu.vector_load %arg13[%get3A_2378, %get3A_2379] {strides = array<i32>} : memref<640x64xf32, #tpu.memory_space<vmem>>, vector<16xf32>,
        %get3A_2381 = arith.constant 15 : i32
        %get3A_2382 = arith.index_cast %get3A_2381 : i32 to index
        %get3A_2383 = arith.constant 0 : index
        %get3A_2384 = tpu.vector_load %arg15[%get3A_2382, %get3A_2383] {strides = array<i32>} : memref<32x64xf32, #tpu.memory_space<vmem>>, vector<16xf32>,
        %mul3A_2385 = arith.mulf %get3A_2380, %get3A_2384 : vector<16xf32>
        %get3A_2386 = arith.index_cast %add3A_2377 : i32 to index
        %get3A_2387 = arith.constant 16 : index
        %get3A_2388 = tpu.vector_load %arg13[%get3A_2386, %get3A_2387] {strides = array<i32>} : memref<640x64xf32, #tpu.memory_space<vmem>>, vector<16xf32>,
        %get3A_2389 = arith.constant 15 : i32
        %get3A_2390 = arith.index_cast %get3A_2389 : i32 to index
        %get3A_2391 = arith.constant 16 : index
        %get3A_2392 = tpu.vector_load %arg15[%get3A_2390, %get3A_2391] {strides = array<i32>} : memref<32x64xf32, #tpu.memory_space<vmem>>, vector<16xf32>,
        %mul3A_2393 = arith.mulf %get3A_2388, %get3A_2392 : vector<16xf32>
        %add3A_2394 = arith.addf %mul3A_2385, %mul3A_2393 : vector<16xf32>
        %get3A_2395 = arith.index_cast %add3A_2377 : i32 to index
        %get3A_2396 = arith.constant 32 : index
        %get3A_2397 = tpu.vector_load %arg13[%get3A_2395, %get3A_2396] {strides = array<i32>} : memref<640x64xf32, #tpu.memory_space<vmem>>, vector<16xf32>,
        %get3A_2398 = arith.constant 15 : i32
        %get3A_2399 = arith.index_cast %get3A_2398 : i32 to index
        %get3A_2400 = arith.constant 32 : index
        %get3A_2401 = tpu.vector_load %arg15[%get3A_2399, %get3A_2400] {strides = array<i32>} : memref<32x64xf32, #tpu.memory_space<vmem>>, vector<16xf32>,
        %mul3A_2402 = arith.mulf %get3A_2397, %get3A_2401 : vector<16xf32>
        %add3A_2403 = arith.addf %add3A_2394, %mul3A_2402 : vector<16xf32>
        %get3A_2404 = arith.index_cast %add3A_2377 : i32 to index
        %get3A_2405 = arith.constant 48 : index
        %get3A_2406 = tpu.vector_load %arg13[%get3A_2404, %get3A_2405] {strides = array<i32>} : memref<640x64xf32, #tpu.memory_space<vmem>>, vector<16xf32>,
        %get3A_2407 = arith.constant 15 : i32
        %get3A_2408 = arith.index_cast %get3A_2407 : i32 to index
        %get3A_2409 = arith.constant 48 : index
        %get3A_2410 = tpu.vector_load %arg15[%get3A_2408, %get3A_2409] {strides = array<i32>} : memref<32x64xf32, #tpu.memory_space<vmem>>, vector<16xf32>,
        %mul3A_2411 = arith.mulf %get3A_2406, %get3A_2410 : vector<16xf32>
        %add3A_2412 = arith.addf %add3A_2403, %mul3A_2411 : vector<16xf32>
        %mul3A_2413 = arith.constant 16 : i32
        %mul3A_2414 = vector.broadcast %mul3A_2413 : i32 to vector<16xi32>
        %mul3A_2415 = arith.muli %iota3A, %mul3A_2414 : vector<16xi32>
        %add3A_2416 = arith.constant 15 : i32
        %add3A_2417 = vector.broadcast %add3A_2416 : i32 to vector<16xi32>
        %add3A_2418 = arith.addi %mul3A_2415, %add3A_2417 : vector<16xi32>
        tpu.vector_store_idx %arg18[%add3A_2418], %add3A_2412 : memref<256xf32, #tpu.memory_space<vmem>>[vector<16xi32>], vector<16xf32>,
        %get3A_2419 = arith.constant 0 : index
        %get3A_2420 = tpu.vector_load %arg18[%get3A_2419] {strides = array<i32>} : memref<256xf32, #tpu.memory_space<vmem>>, vector<16xf32>,
        %get3A_2421 = arith.constant 16 : index
        %get3A_2422 = tpu.vector_load %arg18[%get3A_2421] {strides = array<i32>} : memref<256xf32, #tpu.memory_space<vmem>>, vector<16xf32>,
        %add3A_2423 = arith.addf %get3A_2420, %get3A_2422 : vector<16xf32>
        %get3A_2424 = arith.constant 32 : index
        %get3A_2425 = tpu.vector_load %arg18[%get3A_2424] {strides = array<i32>} : memref<256xf32, #tpu.memory_space<vmem>>, vector<16xf32>,
        %add3A_2426 = arith.addf %add3A_2423, %get3A_2425 : vector<16xf32>
        %get3A_2427 = arith.constant 48 : index
        %get3A_2428 = tpu.vector_load %arg18[%get3A_2427] {strides = array<i32>} : memref<256xf32, #tpu.memory_space<vmem>>, vector<16xf32>,
        %add3A_2429 = arith.addf %add3A_2426, %get3A_2428 : vector<16xf32>
        %get3A_2430 = arith.constant 64 : index
        %get3A_2431 = tpu.vector_load %arg18[%get3A_2430] {strides = array<i32>} : memref<256xf32, #tpu.memory_space<vmem>>, vector<16xf32>,
        %add3A_2432 = arith.addf %add3A_2429, %get3A_2431 : vector<16xf32>
        %get3A_2433 = arith.constant 80 : index
        %get3A_2434 = tpu.vector_load %arg18[%get3A_2433] {strides = array<i32>} : memref<256xf32, #tpu.memory_space<vmem>>, vector<16xf32>,
        %add3A_2435 = arith.addf %add3A_2432, %get3A_2434 : vector<16xf32>
        %get3A_2436 = arith.constant 96 : index
        %get3A_2437 = tpu.vector_load %arg18[%get3A_2436] {strides = array<i32>} : memref<256xf32, #tpu.memory_space<vmem>>, vector<16xf32>,
        %add3A_2438 = arith.addf %add3A_2435, %get3A_2437 : vector<16xf32>
        %get3A_2439 = arith.constant 112 : index
        %get3A_2440 = tpu.vector_load %arg18[%get3A_2439] {strides = array<i32>} : memref<256xf32, #tpu.memory_space<vmem>>, vector<16xf32>,
        %add3A_2441 = arith.addf %add3A_2438, %get3A_2440 : vector<16xf32>
        %get3A_2442 = arith.constant 128 : index
        %get3A_2443 = tpu.vector_load %arg18[%get3A_2442] {strides = array<i32>} : memref<256xf32, #tpu.memory_space<vmem>>, vector<16xf32>,
        %add3A_2444 = arith.addf %add3A_2441, %get3A_2443 : vector<16xf32>
        %get3A_2445 = arith.constant 144 : index
        %get3A_2446 = tpu.vector_load %arg18[%get3A_2445] {strides = array<i32>} : memref<256xf32, #tpu.memory_space<vmem>>, vector<16xf32>,
        %add3A_2447 = arith.addf %add3A_2444, %get3A_2446 : vector<16xf32>
        %get3A_2448 = arith.constant 160 : index
        %get3A_2449 = tpu.vector_load %arg18[%get3A_2448] {strides = array<i32>} : memref<256xf32, #tpu.memory_space<vmem>>, vector<16xf32>,
        %add3A_2450 = arith.addf %add3A_2447, %get3A_2449 : vector<16xf32>
        %get3A_2451 = arith.constant 176 : index
        %get3A_2452 = tpu.vector_load %arg18[%get3A_2451] {strides = array<i32>} : memref<256xf32, #tpu.memory_space<vmem>>, vector<16xf32>,
        %add3A_2453 = arith.addf %add3A_2450, %get3A_2452 : vector<16xf32>
        %get3A_2454 = arith.constant 192 : index
        %get3A_2455 = tpu.vector_load %arg18[%get3A_2454] {strides = array<i32>} : memref<256xf32, #tpu.memory_space<vmem>>, vector<16xf32>,
        %add3A_2456 = arith.addf %add3A_2453, %get3A_2455 : vector<16xf32>
        %get3A_2457 = arith.constant 208 : index
        %get3A_2458 = tpu.vector_load %arg18[%get3A_2457] {strides = array<i32>} : memref<256xf32, #tpu.memory_space<vmem>>, vector<16xf32>,
        %add3A_2459 = arith.addf %add3A_2456, %get3A_2458 : vector<16xf32>
        %get3A_2460 = arith.constant 224 : index
        %get3A_2461 = tpu.vector_load %arg18[%get3A_2460] {strides = array<i32>} : memref<256xf32, #tpu.memory_space<vmem>>, vector<16xf32>,
        %add3A_2462 = arith.addf %add3A_2459, %get3A_2461 : vector<16xf32>
        %get3A_2463 = arith.constant 240 : index
        %get3A_2464 = tpu.vector_load %arg18[%get3A_2463] {strides = array<i32>} : memref<256xf32, #tpu.memory_space<vmem>>, vector<16xf32>,
        %add3A_2465 = arith.addf %add3A_2462, %get3A_2464 : vector<16xf32>
        %add3A_2466 = arith.constant 0 : i32
        %add3A_2467 = vector.broadcast %add3A_2466 : i32 to vector<16xi32>
        %add3A_2468 = arith.addi %iota3A, %add3A_2467 : vector<16xi32>
        %mul3A_2469 = arith.constant 20 : i32
        %mul3A_2470 = vector.broadcast %mul3A_2469 : i32 to vector<16xi32>
        %mul3A_2471 = arith.muli %add3A_2468, %mul3A_2470 : vector<16xi32>
        %add3A_2472 = vector.broadcast %scan3A_1730 : i32 to vector<16xi32>
        %add3A_2473 = arith.addi %mul3A_2471, %add3A_2472 : vector<16xi32>
        tpu.vector_store_idx %arg17[%add3A_2473], %add3A_2465 : memref<640xf32, #tpu.memory_space<vmem>>[vector<16xi32>], vector<16xf32>,
        %add3A_2474 = arith.constant 320 : i32
        %add3A_2475 = arith.addi %add3A_2474, %scan3A_1730 : i32
        %get3A_2476 = arith.index_cast %add3A_2475 : i32 to index
        %get3A_2477 = arith.constant 0 : index
        %get3A_2478 = tpu.vector_load %arg13[%get3A_2476, %get3A_2477] {strides = array<i32>} : memref<640x64xf32, #tpu.memory_space<vmem>>, vector<16xf32>,
        %get3A_2479 = arith.constant 16 : i32
        %get3A_2480 = arith.index_cast %get3A_2479 : i32 to index
        %get3A_2481 = arith.constant 0 : index
        %get3A_2482 = tpu.vector_load %arg15[%get3A_2480, %get3A_2481] {strides = array<i32>} : memref<32x64xf32, #tpu.memory_space<vmem>>, vector<16xf32>,
        %mul3A_2483 = arith.mulf %get3A_2478, %get3A_2482 : vector<16xf32>
        %get3A_2484 = arith.index_cast %add3A_2475 : i32 to index
        %get3A_2485 = arith.constant 16 : index
        %get3A_2486 = tpu.vector_load %arg13[%get3A_2484, %get3A_2485] {strides = array<i32>} : memref<640x64xf32, #tpu.memory_space<vmem>>, vector<16xf32>,
        %get3A_2487 = arith.constant 16 : i32
        %get3A_2488 = arith.index_cast %get3A_2487 : i32 to index
        %get3A_2489 = arith.constant 16 : index
        %get3A_2490 = tpu.vector_load %arg15[%get3A_2488, %get3A_2489] {strides = array<i32>} : memref<32x64xf32, #tpu.memory_space<vmem>>, vector<16xf32>,
        %mul3A_2491 = arith.mulf %get3A_2486, %get3A_2490 : vector<16xf32>
        %add3A_2492 = arith.addf %mul3A_2483, %mul3A_2491 : vector<16xf32>
        %get3A_2493 = arith.index_cast %add3A_2475 : i32 to index
        %get3A_2494 = arith.constant 32 : index
        %get3A_2495 = tpu.vector_load %arg13[%get3A_2493, %get3A_2494] {strides = array<i32>} : memref<640x64xf32, #tpu.memory_space<vmem>>, vector<16xf32>,
        %get3A_2496 = arith.constant 16 : i32
        %get3A_2497 = arith.index_cast %get3A_2496 : i32 to index
        %get3A_2498 = arith.constant 32 : index
        %get3A_2499 = tpu.vector_load %arg15[%get3A_2497, %get3A_2498] {strides = array<i32>} : memref<32x64xf32, #tpu.memory_space<vmem>>, vector<16xf32>,
        %mul3A_2500 = arith.mulf %get3A_2495, %get3A_2499 : vector<16xf32>
        %add3A_2501 = arith.addf %add3A_2492, %mul3A_2500 : vector<16xf32>
        %get3A_2502 = arith.index_cast %add3A_2475 : i32 to index
        %get3A_2503 = arith.constant 48 : index
        %get3A_2504 = tpu.vector_load %arg13[%get3A_2502, %get3A_2503] {strides = array<i32>} : memref<640x64xf32, #tpu.memory_space<vmem>>, vector<16xf32>,
        %get3A_2505 = arith.constant 16 : i32
        %get3A_2506 = arith.index_cast %get3A_2505 : i32 to index
        %get3A_2507 = arith.constant 48 : index
        %get3A_2508 = tpu.vector_load %arg15[%get3A_2506, %get3A_2507] {strides = array<i32>} : memref<32x64xf32, #tpu.memory_space<vmem>>, vector<16xf32>,
        %mul3A_2509 = arith.mulf %get3A_2504, %get3A_2508 : vector<16xf32>
        %add3A_2510 = arith.addf %add3A_2501, %mul3A_2509 : vector<16xf32>
        %mul3A_2511 = arith.constant 16 : i32
        %mul3A_2512 = vector.broadcast %mul3A_2511 : i32 to vector<16xi32>
        %mul3A_2513 = arith.muli %iota3A, %mul3A_2512 : vector<16xi32>
        %add3A_2514 = arith.constant 0 : i32
        %add3A_2515 = vector.broadcast %add3A_2514 : i32 to vector<16xi32>
        %add3A_2516 = arith.addi %mul3A_2513, %add3A_2515 : vector<16xi32>
        tpu.vector_store_idx %arg18[%add3A_2516], %add3A_2510 : memref<256xf32, #tpu.memory_space<vmem>>[vector<16xi32>], vector<16xf32>,
        %add3A_2517 = arith.constant 340 : i32
        %add3A_2518 = arith.addi %add3A_2517, %scan3A_1730 : i32
        %get3A_2519 = arith.index_cast %add3A_2518 : i32 to index
        %get3A_2520 = arith.constant 0 : index
        %get3A_2521 = tpu.vector_load %arg13[%get3A_2519, %get3A_2520] {strides = array<i32>} : memref<640x64xf32, #tpu.memory_space<vmem>>, vector<16xf32>,
        %get3A_2522 = arith.constant 17 : i32
        %get3A_2523 = arith.index_cast %get3A_2522 : i32 to index
        %get3A_2524 = arith.constant 0 : index
        %get3A_2525 = tpu.vector_load %arg15[%get3A_2523, %get3A_2524] {strides = array<i32>} : memref<32x64xf32, #tpu.memory_space<vmem>>, vector<16xf32>,
        %mul3A_2526 = arith.mulf %get3A_2521, %get3A_2525 : vector<16xf32>
        %get3A_2527 = arith.index_cast %add3A_2518 : i32 to index
        %get3A_2528 = arith.constant 16 : index
        %get3A_2529 = tpu.vector_load %arg13[%get3A_2527, %get3A_2528] {strides = array<i32>} : memref<640x64xf32, #tpu.memory_space<vmem>>, vector<16xf32>,
        %get3A_2530 = arith.constant 17 : i32
        %get3A_2531 = arith.index_cast %get3A_2530 : i32 to index
        %get3A_2532 = arith.constant 16 : index
        %get3A_2533 = tpu.vector_load %arg15[%get3A_2531, %get3A_2532] {strides = array<i32>} : memref<32x64xf32, #tpu.memory_space<vmem>>, vector<16xf32>,
        %mul3A_2534 = arith.mulf %get3A_2529, %get3A_2533 : vector<16xf32>
        %add3A_2535 = arith.addf %mul3A_2526, %mul3A_2534 : vector<16xf32>
        %get3A_2536 = arith.index_cast %add3A_2518 : i32 to index
        %get3A_2537 = arith.constant 32 : index
        %get3A_2538 = tpu.vector_load %arg13[%get3A_2536, %get3A_2537] {strides = array<i32>} : memref<640x64xf32, #tpu.memory_space<vmem>>, vector<16xf32>,
        %get3A_2539 = arith.constant 17 : i32
        %get3A_2540 = arith.index_cast %get3A_2539 : i32 to index
        %get3A_2541 = arith.constant 32 : index
        %get3A_2542 = tpu.vector_load %arg15[%get3A_2540, %get3A_2541] {strides = array<i32>} : memref<32x64xf32, #tpu.memory_space<vmem>>, vector<16xf32>,
        %mul3A_2543 = arith.mulf %get3A_2538, %get3A_2542 : vector<16xf32>
        %add3A_2544 = arith.addf %add3A_2535, %mul3A_2543 : vector<16xf32>
        %get3A_2545 = arith.index_cast %add3A_2518 : i32 to index
        %get3A_2546 = arith.constant 48 : index
        %get3A_2547 = tpu.vector_load %arg13[%get3A_2545, %get3A_2546] {strides = array<i32>} : memref<640x64xf32, #tpu.memory_space<vmem>>, vector<16xf32>,
        %get3A_2548 = arith.constant 17 : i32
        %get3A_2549 = arith.index_cast %get3A_2548 : i32 to index
        %get3A_2550 = arith.constant 48 : index
        %get3A_2551 = tpu.vector_load %arg15[%get3A_2549, %get3A_2550] {strides = array<i32>} : memref<32x64xf32, #tpu.memory_space<vmem>>, vector<16xf32>,
        %mul3A_2552 = arith.mulf %get3A_2547, %get3A_2551 : vector<16xf32>
        %add3A_2553 = arith.addf %add3A_2544, %mul3A_2552 : vector<16xf32>
        %mul3A_2554 = arith.constant 16 : i32
        %mul3A_2555 = vector.broadcast %mul3A_2554 : i32 to vector<16xi32>
        %mul3A_2556 = arith.muli %iota3A, %mul3A_2555 : vector<16xi32>
        %add3A_2557 = arith.constant 1 : i32
        %add3A_2558 = vector.broadcast %add3A_2557 : i32 to vector<16xi32>
        %add3A_2559 = arith.addi %mul3A_2556, %add3A_2558 : vector<16xi32>
        tpu.vector_store_idx %arg18[%add3A_2559], %add3A_2553 : memref<256xf32, #tpu.memory_space<vmem>>[vector<16xi32>], vector<16xf32>,
        %add3A_2560 = arith.constant 360 : i32
        %add3A_2561 = arith.addi %add3A_2560, %scan3A_1730 : i32
        %get3A_2562 = arith.index_cast %add3A_2561 : i32 to index
        %get3A_2563 = arith.constant 0 : index
        %get3A_2564 = tpu.vector_load %arg13[%get3A_2562, %get3A_2563] {strides = array<i32>} : memref<640x64xf32, #tpu.memory_space<vmem>>, vector<16xf32>,
        %get3A_2565 = arith.constant 18 : i32
        %get3A_2566 = arith.index_cast %get3A_2565 : i32 to index
        %get3A_2567 = arith.constant 0 : index
        %get3A_2568 = tpu.vector_load %arg15[%get3A_2566, %get3A_2567] {strides = array<i32>} : memref<32x64xf32, #tpu.memory_space<vmem>>, vector<16xf32>,
        %mul3A_2569 = arith.mulf %get3A_2564, %get3A_2568 : vector<16xf32>
        %get3A_2570 = arith.index_cast %add3A_2561 : i32 to index
        %get3A_2571 = arith.constant 16 : index
        %get3A_2572 = tpu.vector_load %arg13[%get3A_2570, %get3A_2571] {strides = array<i32>} : memref<640x64xf32, #tpu.memory_space<vmem>>, vector<16xf32>,
        %get3A_2573 = arith.constant 18 : i32
        %get3A_2574 = arith.index_cast %get3A_2573 : i32 to index
        %get3A_2575 = arith.constant 16 : index
        %get3A_2576 = tpu.vector_load %arg15[%get3A_2574, %get3A_2575] {strides = array<i32>} : memref<32x64xf32, #tpu.memory_space<vmem>>, vector<16xf32>,
        %mul3A_2577 = arith.mulf %get3A_2572, %get3A_2576 : vector<16xf32>
        %add3A_2578 = arith.addf %mul3A_2569, %mul3A_2577 : vector<16xf32>
        %get3A_2579 = arith.index_cast %add3A_2561 : i32 to index
        %get3A_2580 = arith.constant 32 : index
        %get3A_2581 = tpu.vector_load %arg13[%get3A_2579, %get3A_2580] {strides = array<i32>} : memref<640x64xf32, #tpu.memory_space<vmem>>, vector<16xf32>,
        %get3A_2582 = arith.constant 18 : i32
        %get3A_2583 = arith.index_cast %get3A_2582 : i32 to index
        %get3A_2584 = arith.constant 32 : index
        %get3A_2585 = tpu.vector_load %arg15[%get3A_2583, %get3A_2584] {strides = array<i32>} : memref<32x64xf32, #tpu.memory_space<vmem>>, vector<16xf32>,
        %mul3A_2586 = arith.mulf %get3A_2581, %get3A_2585 : vector<16xf32>
        %add3A_2587 = arith.addf %add3A_2578, %mul3A_2586 : vector<16xf32>
        %get3A_2588 = arith.index_cast %add3A_2561 : i32 to index
        %get3A_2589 = arith.constant 48 : index
        %get3A_2590 = tpu.vector_load %arg13[%get3A_2588, %get3A_2589] {strides = array<i32>} : memref<640x64xf32, #tpu.memory_space<vmem>>, vector<16xf32>,
        %get3A_2591 = arith.constant 18 : i32
        %get3A_2592 = arith.index_cast %get3A_2591 : i32 to index
        %get3A_2593 = arith.constant 48 : index
        %get3A_2594 = tpu.vector_load %arg15[%get3A_2592, %get3A_2593] {strides = array<i32>} : memref<32x64xf32, #tpu.memory_space<vmem>>, vector<16xf32>,
        %mul3A_2595 = arith.mulf %get3A_2590, %get3A_2594 : vector<16xf32>
        %add3A_2596 = arith.addf %add3A_2587, %mul3A_2595 : vector<16xf32>
        %mul3A_2597 = arith.constant 16 : i32
        %mul3A_2598 = vector.broadcast %mul3A_2597 : i32 to vector<16xi32>
        %mul3A_2599 = arith.muli %iota3A, %mul3A_2598 : vector<16xi32>
        %add3A_2600 = arith.constant 2 : i32
        %add3A_2601 = vector.broadcast %add3A_2600 : i32 to vector<16xi32>
        %add3A_2602 = arith.addi %mul3A_2599, %add3A_2601 : vector<16xi32>
        tpu.vector_store_idx %arg18[%add3A_2602], %add3A_2596 : memref<256xf32, #tpu.memory_space<vmem>>[vector<16xi32>], vector<16xf32>,
        %add3A_2603 = arith.constant 380 : i32
        %add3A_2604 = arith.addi %add3A_2603, %scan3A_1730 : i32
        %get3A_2605 = arith.index_cast %add3A_2604 : i32 to index
        %get3A_2606 = arith.constant 0 : index
        %get3A_2607 = tpu.vector_load %arg13[%get3A_2605, %get3A_2606] {strides = array<i32>} : memref<640x64xf32, #tpu.memory_space<vmem>>, vector<16xf32>,
        %get3A_2608 = arith.constant 19 : i32
        %get3A_2609 = arith.index_cast %get3A_2608 : i32 to index
        %get3A_2610 = arith.constant 0 : index
        %get3A_2611 = tpu.vector_load %arg15[%get3A_2609, %get3A_2610] {strides = array<i32>} : memref<32x64xf32, #tpu.memory_space<vmem>>, vector<16xf32>,
        %mul3A_2612 = arith.mulf %get3A_2607, %get3A_2611 : vector<16xf32>
        %get3A_2613 = arith.index_cast %add3A_2604 : i32 to index
        %get3A_2614 = arith.constant 16 : index
        %get3A_2615 = tpu.vector_load %arg13[%get3A_2613, %get3A_2614] {strides = array<i32>} : memref<640x64xf32, #tpu.memory_space<vmem>>, vector<16xf32>,
        %get3A_2616 = arith.constant 19 : i32
        %get3A_2617 = arith.index_cast %get3A_2616 : i32 to index
        %get3A_2618 = arith.constant 16 : index
        %get3A_2619 = tpu.vector_load %arg15[%get3A_2617, %get3A_2618] {strides = array<i32>} : memref<32x64xf32, #tpu.memory_space<vmem>>, vector<16xf32>,
        %mul3A_2620 = arith.mulf %get3A_2615, %get3A_2619 : vector<16xf32>
        %add3A_2621 = arith.addf %mul3A_2612, %mul3A_2620 : vector<16xf32>
        %get3A_2622 = arith.index_cast %add3A_2604 : i32 to index
        %get3A_2623 = arith.constant 32 : index
        %get3A_2624 = tpu.vector_load %arg13[%get3A_2622, %get3A_2623] {strides = array<i32>} : memref<640x64xf32, #tpu.memory_space<vmem>>, vector<16xf32>,
        %get3A_2625 = arith.constant 19 : i32
        %get3A_2626 = arith.index_cast %get3A_2625 : i32 to index
        %get3A_2627 = arith.constant 32 : index
        %get3A_2628 = tpu.vector_load %arg15[%get3A_2626, %get3A_2627] {strides = array<i32>} : memref<32x64xf32, #tpu.memory_space<vmem>>, vector<16xf32>,
        %mul3A_2629 = arith.mulf %get3A_2624, %get3A_2628 : vector<16xf32>
        %add3A_2630 = arith.addf %add3A_2621, %mul3A_2629 : vector<16xf32>
        %get3A_2631 = arith.index_cast %add3A_2604 : i32 to index
        %get3A_2632 = arith.constant 48 : index
        %get3A_2633 = tpu.vector_load %arg13[%get3A_2631, %get3A_2632] {strides = array<i32>} : memref<640x64xf32, #tpu.memory_space<vmem>>, vector<16xf32>,
        %get3A_2634 = arith.constant 19 : i32
        %get3A_2635 = arith.index_cast %get3A_2634 : i32 to index
        %get3A_2636 = arith.constant 48 : index
        %get3A_2637 = tpu.vector_load %arg15[%get3A_2635, %get3A_2636] {strides = array<i32>} : memref<32x64xf32, #tpu.memory_space<vmem>>, vector<16xf32>,
        %mul3A_2638 = arith.mulf %get3A_2633, %get3A_2637 : vector<16xf32>
        %add3A_2639 = arith.addf %add3A_2630, %mul3A_2638 : vector<16xf32>
        %mul3A_2640 = arith.constant 16 : i32
        %mul3A_2641 = vector.broadcast %mul3A_2640 : i32 to vector<16xi32>
        %mul3A_2642 = arith.muli %iota3A, %mul3A_2641 : vector<16xi32>
        %add3A_2643 = arith.constant 3 : i32
        %add3A_2644 = vector.broadcast %add3A_2643 : i32 to vector<16xi32>
        %add3A_2645 = arith.addi %mul3A_2642, %add3A_2644 : vector<16xi32>
        tpu.vector_store_idx %arg18[%add3A_2645], %add3A_2639 : memref<256xf32, #tpu.memory_space<vmem>>[vector<16xi32>], vector<16xf32>,
        %add3A_2646 = arith.constant 400 : i32
        %add3A_2647 = arith.addi %add3A_2646, %scan3A_1730 : i32
        %get3A_2648 = arith.index_cast %add3A_2647 : i32 to index
        %get3A_2649 = arith.constant 0 : index
        %get3A_2650 = tpu.vector_load %arg13[%get3A_2648, %get3A_2649] {strides = array<i32>} : memref<640x64xf32, #tpu.memory_space<vmem>>, vector<16xf32>,
        %get3A_2651 = arith.constant 20 : i32
        %get3A_2652 = arith.index_cast %get3A_2651 : i32 to index
        %get3A_2653 = arith.constant 0 : index
        %get3A_2654 = tpu.vector_load %arg15[%get3A_2652, %get3A_2653] {strides = array<i32>} : memref<32x64xf32, #tpu.memory_space<vmem>>, vector<16xf32>,
        %mul3A_2655 = arith.mulf %get3A_2650, %get3A_2654 : vector<16xf32>
        %get3A_2656 = arith.index_cast %add3A_2647 : i32 to index
        %get3A_2657 = arith.constant 16 : index
        %get3A_2658 = tpu.vector_load %arg13[%get3A_2656, %get3A_2657] {strides = array<i32>} : memref<640x64xf32, #tpu.memory_space<vmem>>, vector<16xf32>,
        %get3A_2659 = arith.constant 20 : i32
        %get3A_2660 = arith.index_cast %get3A_2659 : i32 to index
        %get3A_2661 = arith.constant 16 : index
        %get3A_2662 = tpu.vector_load %arg15[%get3A_2660, %get3A_2661] {strides = array<i32>} : memref<32x64xf32, #tpu.memory_space<vmem>>, vector<16xf32>,
        %mul3A_2663 = arith.mulf %get3A_2658, %get3A_2662 : vector<16xf32>
        %add3A_2664 = arith.addf %mul3A_2655, %mul3A_2663 : vector<16xf32>
        %get3A_2665 = arith.index_cast %add3A_2647 : i32 to index
        %get3A_2666 = arith.constant 32 : index
        %get3A_2667 = tpu.vector_load %arg13[%get3A_2665, %get3A_2666] {strides = array<i32>} : memref<640x64xf32, #tpu.memory_space<vmem>>, vector<16xf32>,
        %get3A_2668 = arith.constant 20 : i32
        %get3A_2669 = arith.index_cast %get3A_2668 : i32 to index
        %get3A_2670 = arith.constant 32 : index
        %get3A_2671 = tpu.vector_load %arg15[%get3A_2669, %get3A_2670] {strides = array<i32>} : memref<32x64xf32, #tpu.memory_space<vmem>>, vector<16xf32>,
        %mul3A_2672 = arith.mulf %get3A_2667, %get3A_2671 : vector<16xf32>
        %add3A_2673 = arith.addf %add3A_2664, %mul3A_2672 : vector<16xf32>
        %get3A_2674 = arith.index_cast %add3A_2647 : i32 to index
        %get3A_2675 = arith.constant 48 : index
        %get3A_2676 = tpu.vector_load %arg13[%get3A_2674, %get3A_2675] {strides = array<i32>} : memref<640x64xf32, #tpu.memory_space<vmem>>, vector<16xf32>,
        %get3A_2677 = arith.constant 20 : i32
        %get3A_2678 = arith.index_cast %get3A_2677 : i32 to index
        %get3A_2679 = arith.constant 48 : index
        %get3A_2680 = tpu.vector_load %arg15[%get3A_2678, %get3A_2679] {strides = array<i32>} : memref<32x64xf32, #tpu.memory_space<vmem>>, vector<16xf32>,
        %mul3A_2681 = arith.mulf %get3A_2676, %get3A_2680 : vector<16xf32>
        %add3A_2682 = arith.addf %add3A_2673, %mul3A_2681 : vector<16xf32>
        %mul3A_2683 = arith.constant 16 : i32
        %mul3A_2684 = vector.broadcast %mul3A_2683 : i32 to vector<16xi32>
        %mul3A_2685 = arith.muli %iota3A, %mul3A_2684 : vector<16xi32>
        %add3A_2686 = arith.constant 4 : i32
        %add3A_2687 = vector.broadcast %add3A_2686 : i32 to vector<16xi32>
        %add3A_2688 = arith.addi %mul3A_2685, %add3A_2687 : vector<16xi32>
        tpu.vector_store_idx %arg18[%add3A_2688], %add3A_2682 : memref<256xf32, #tpu.memory_space<vmem>>[vector<16xi32>], vector<16xf32>,
        %add3A_2689 = arith.constant 420 : i32
        %add3A_2690 = arith.addi %add3A_2689, %scan3A_1730 : i32
        %get3A_2691 = arith.index_cast %add3A_2690 : i32 to index
        %get3A_2692 = arith.constant 0 : index
        %get3A_2693 = tpu.vector_load %arg13[%get3A_2691, %get3A_2692] {strides = array<i32>} : memref<640x64xf32, #tpu.memory_space<vmem>>, vector<16xf32>,
        %get3A_2694 = arith.constant 21 : i32
        %get3A_2695 = arith.index_cast %get3A_2694 : i32 to index
        %get3A_2696 = arith.constant 0 : index
        %get3A_2697 = tpu.vector_load %arg15[%get3A_2695, %get3A_2696] {strides = array<i32>} : memref<32x64xf32, #tpu.memory_space<vmem>>, vector<16xf32>,
        %mul3A_2698 = arith.mulf %get3A_2693, %get3A_2697 : vector<16xf32>
        %get3A_2699 = arith.index_cast %add3A_2690 : i32 to index
        %get3A_2700 = arith.constant 16 : index
        %get3A_2701 = tpu.vector_load %arg13[%get3A_2699, %get3A_2700] {strides = array<i32>} : memref<640x64xf32, #tpu.memory_space<vmem>>, vector<16xf32>,
        %get3A_2702 = arith.constant 21 : i32
        %get3A_2703 = arith.index_cast %get3A_2702 : i32 to index
        %get3A_2704 = arith.constant 16 : index
        %get3A_2705 = tpu.vector_load %arg15[%get3A_2703, %get3A_2704] {strides = array<i32>} : memref<32x64xf32, #tpu.memory_space<vmem>>, vector<16xf32>,
        %mul3A_2706 = arith.mulf %get3A_2701, %get3A_2705 : vector<16xf32>
        %add3A_2707 = arith.addf %mul3A_2698, %mul3A_2706 : vector<16xf32>
        %get3A_2708 = arith.index_cast %add3A_2690 : i32 to index
        %get3A_2709 = arith.constant 32 : index
        %get3A_2710 = tpu.vector_load %arg13[%get3A_2708, %get3A_2709] {strides = array<i32>} : memref<640x64xf32, #tpu.memory_space<vmem>>, vector<16xf32>,
        %get3A_2711 = arith.constant 21 : i32
        %get3A_2712 = arith.index_cast %get3A_2711 : i32 to index
        %get3A_2713 = arith.constant 32 : index
        %get3A_2714 = tpu.vector_load %arg15[%get3A_2712, %get3A_2713] {strides = array<i32>} : memref<32x64xf32, #tpu.memory_space<vmem>>, vector<16xf32>,
        %mul3A_2715 = arith.mulf %get3A_2710, %get3A_2714 : vector<16xf32>
        %add3A_2716 = arith.addf %add3A_2707, %mul3A_2715 : vector<16xf32>
        %get3A_2717 = arith.index_cast %add3A_2690 : i32 to index
        %get3A_2718 = arith.constant 48 : index
        %get3A_2719 = tpu.vector_load %arg13[%get3A_2717, %get3A_2718] {strides = array<i32>} : memref<640x64xf32, #tpu.memory_space<vmem>>, vector<16xf32>,
        %get3A_2720 = arith.constant 21 : i32
        %get3A_2721 = arith.index_cast %get3A_2720 : i32 to index
        %get3A_2722 = arith.constant 48 : index
        %get3A_2723 = tpu.vector_load %arg15[%get3A_2721, %get3A_2722] {strides = array<i32>} : memref<32x64xf32, #tpu.memory_space<vmem>>, vector<16xf32>,
        %mul3A_2724 = arith.mulf %get3A_2719, %get3A_2723 : vector<16xf32>
        %add3A_2725 = arith.addf %add3A_2716, %mul3A_2724 : vector<16xf32>
        %mul3A_2726 = arith.constant 16 : i32
        %mul3A_2727 = vector.broadcast %mul3A_2726 : i32 to vector<16xi32>
        %mul3A_2728 = arith.muli %iota3A, %mul3A_2727 : vector<16xi32>
        %add3A_2729 = arith.constant 5 : i32
        %add3A_2730 = vector.broadcast %add3A_2729 : i32 to vector<16xi32>
        %add3A_2731 = arith.addi %mul3A_2728, %add3A_2730 : vector<16xi32>
        tpu.vector_store_idx %arg18[%add3A_2731], %add3A_2725 : memref<256xf32, #tpu.memory_space<vmem>>[vector<16xi32>], vector<16xf32>,
        %add3A_2732 = arith.constant 440 : i32
        %add3A_2733 = arith.addi %add3A_2732, %scan3A_1730 : i32
        %get3A_2734 = arith.index_cast %add3A_2733 : i32 to index
        %get3A_2735 = arith.constant 0 : index
        %get3A_2736 = tpu.vector_load %arg13[%get3A_2734, %get3A_2735] {strides = array<i32>} : memref<640x64xf32, #tpu.memory_space<vmem>>, vector<16xf32>,
        %get3A_2737 = arith.constant 22 : i32
        %get3A_2738 = arith.index_cast %get3A_2737 : i32 to index
        %get3A_2739 = arith.constant 0 : index
        %get3A_2740 = tpu.vector_load %arg15[%get3A_2738, %get3A_2739] {strides = array<i32>} : memref<32x64xf32, #tpu.memory_space<vmem>>, vector<16xf32>,
        %mul3A_2741 = arith.mulf %get3A_2736, %get3A_2740 : vector<16xf32>
        %get3A_2742 = arith.index_cast %add3A_2733 : i32 to index
        %get3A_2743 = arith.constant 16 : index
        %get3A_2744 = tpu.vector_load %arg13[%get3A_2742, %get3A_2743] {strides = array<i32>} : memref<640x64xf32, #tpu.memory_space<vmem>>, vector<16xf32>,
        %get3A_2745 = arith.constant 22 : i32
        %get3A_2746 = arith.index_cast %get3A_2745 : i32 to index
        %get3A_2747 = arith.constant 16 : index
        %get3A_2748 = tpu.vector_load %arg15[%get3A_2746, %get3A_2747] {strides = array<i32>} : memref<32x64xf32, #tpu.memory_space<vmem>>, vector<16xf32>,
        %mul3A_2749 = arith.mulf %get3A_2744, %get3A_2748 : vector<16xf32>
        %add3A_2750 = arith.addf %mul3A_2741, %mul3A_2749 : vector<16xf32>
        %get3A_2751 = arith.index_cast %add3A_2733 : i32 to index
        %get3A_2752 = arith.constant 32 : index
        %get3A_2753 = tpu.vector_load %arg13[%get3A_2751, %get3A_2752] {strides = array<i32>} : memref<640x64xf32, #tpu.memory_space<vmem>>, vector<16xf32>,
        %get3A_2754 = arith.constant 22 : i32
        %get3A_2755 = arith.index_cast %get3A_2754 : i32 to index
        %get3A_2756 = arith.constant 32 : index
        %get3A_2757 = tpu.vector_load %arg15[%get3A_2755, %get3A_2756] {strides = array<i32>} : memref<32x64xf32, #tpu.memory_space<vmem>>, vector<16xf32>,
        %mul3A_2758 = arith.mulf %get3A_2753, %get3A_2757 : vector<16xf32>
        %add3A_2759 = arith.addf %add3A_2750, %mul3A_2758 : vector<16xf32>
        %get3A_2760 = arith.index_cast %add3A_2733 : i32 to index
        %get3A_2761 = arith.constant 48 : index
        %get3A_2762 = tpu.vector_load %arg13[%get3A_2760, %get3A_2761] {strides = array<i32>} : memref<640x64xf32, #tpu.memory_space<vmem>>, vector<16xf32>,
        %get3A_2763 = arith.constant 22 : i32
        %get3A_2764 = arith.index_cast %get3A_2763 : i32 to index
        %get3A_2765 = arith.constant 48 : index
        %get3A_2766 = tpu.vector_load %arg15[%get3A_2764, %get3A_2765] {strides = array<i32>} : memref<32x64xf32, #tpu.memory_space<vmem>>, vector<16xf32>,
        %mul3A_2767 = arith.mulf %get3A_2762, %get3A_2766 : vector<16xf32>
        %add3A_2768 = arith.addf %add3A_2759, %mul3A_2767 : vector<16xf32>
        %mul3A_2769 = arith.constant 16 : i32
        %mul3A_2770 = vector.broadcast %mul3A_2769 : i32 to vector<16xi32>
        %mul3A_2771 = arith.muli %iota3A, %mul3A_2770 : vector<16xi32>
        %add3A_2772 = arith.constant 6 : i32
        %add3A_2773 = vector.broadcast %add3A_2772 : i32 to vector<16xi32>
        %add3A_2774 = arith.addi %mul3A_2771, %add3A_2773 : vector<16xi32>
        tpu.vector_store_idx %arg18[%add3A_2774], %add3A_2768 : memref<256xf32, #tpu.memory_space<vmem>>[vector<16xi32>], vector<16xf32>,
        %add3A_2775 = arith.constant 460 : i32
        %add3A_2776 = arith.addi %add3A_2775, %scan3A_1730 : i32
        %get3A_2777 = arith.index_cast %add3A_2776 : i32 to index
        %get3A_2778 = arith.constant 0 : index
        %get3A_2779 = tpu.vector_load %arg13[%get3A_2777, %get3A_2778] {strides = array<i32>} : memref<640x64xf32, #tpu.memory_space<vmem>>, vector<16xf32>,
        %get3A_2780 = arith.constant 23 : i32
        %get3A_2781 = arith.index_cast %get3A_2780 : i32 to index
        %get3A_2782 = arith.constant 0 : index
        %get3A_2783 = tpu.vector_load %arg15[%get3A_2781, %get3A_2782] {strides = array<i32>} : memref<32x64xf32, #tpu.memory_space<vmem>>, vector<16xf32>,
        %mul3A_2784 = arith.mulf %get3A_2779, %get3A_2783 : vector<16xf32>
        %get3A_2785 = arith.index_cast %add3A_2776 : i32 to index
        %get3A_2786 = arith.constant 16 : index
        %get3A_2787 = tpu.vector_load %arg13[%get3A_2785, %get3A_2786] {strides = array<i32>} : memref<640x64xf32, #tpu.memory_space<vmem>>, vector<16xf32>,
        %get3A_2788 = arith.constant 23 : i32
        %get3A_2789 = arith.index_cast %get3A_2788 : i32 to index
        %get3A_2790 = arith.constant 16 : index
        %get3A_2791 = tpu.vector_load %arg15[%get3A_2789, %get3A_2790] {strides = array<i32>} : memref<32x64xf32, #tpu.memory_space<vmem>>, vector<16xf32>,
        %mul3A_2792 = arith.mulf %get3A_2787, %get3A_2791 : vector<16xf32>
        %add3A_2793 = arith.addf %mul3A_2784, %mul3A_2792 : vector<16xf32>
        %get3A_2794 = arith.index_cast %add3A_2776 : i32 to index
        %get3A_2795 = arith.constant 32 : index
        %get3A_2796 = tpu.vector_load %arg13[%get3A_2794, %get3A_2795] {strides = array<i32>} : memref<640x64xf32, #tpu.memory_space<vmem>>, vector<16xf32>,
        %get3A_2797 = arith.constant 23 : i32
        %get3A_2798 = arith.index_cast %get3A_2797 : i32 to index
        %get3A_2799 = arith.constant 32 : index
        %get3A_2800 = tpu.vector_load %arg15[%get3A_2798, %get3A_2799] {strides = array<i32>} : memref<32x64xf32, #tpu.memory_space<vmem>>, vector<16xf32>,
        %mul3A_2801 = arith.mulf %get3A_2796, %get3A_2800 : vector<16xf32>
        %add3A_2802 = arith.addf %add3A_2793, %mul3A_2801 : vector<16xf32>
        %get3A_2803 = arith.index_cast %add3A_2776 : i32 to index
        %get3A_2804 = arith.constant 48 : index
        %get3A_2805 = tpu.vector_load %arg13[%get3A_2803, %get3A_2804] {strides = array<i32>} : memref<640x64xf32, #tpu.memory_space<vmem>>, vector<16xf32>,
        %get3A_2806 = arith.constant 23 : i32
        %get3A_2807 = arith.index_cast %get3A_2806 : i32 to index
        %get3A_2808 = arith.constant 48 : index
        %get3A_2809 = tpu.vector_load %arg15[%get3A_2807, %get3A_2808] {strides = array<i32>} : memref<32x64xf32, #tpu.memory_space<vmem>>, vector<16xf32>,
        %mul3A_2810 = arith.mulf %get3A_2805, %get3A_2809 : vector<16xf32>
        %add3A_2811 = arith.addf %add3A_2802, %mul3A_2810 : vector<16xf32>
        %mul3A_2812 = arith.constant 16 : i32
        %mul3A_2813 = vector.broadcast %mul3A_2812 : i32 to vector<16xi32>
        %mul3A_2814 = arith.muli %iota3A, %mul3A_2813 : vector<16xi32>
        %add3A_2815 = arith.constant 7 : i32
        %add3A_2816 = vector.broadcast %add3A_2815 : i32 to vector<16xi32>
        %add3A_2817 = arith.addi %mul3A_2814, %add3A_2816 : vector<16xi32>
        tpu.vector_store_idx %arg18[%add3A_2817], %add3A_2811 : memref<256xf32, #tpu.memory_space<vmem>>[vector<16xi32>], vector<16xf32>,
        %add3A_2818 = arith.constant 480 : i32
        %add3A_2819 = arith.addi %add3A_2818, %scan3A_1730 : i32
        %get3A_2820 = arith.index_cast %add3A_2819 : i32 to index
        %get3A_2821 = arith.constant 0 : index
        %get3A_2822 = tpu.vector_load %arg13[%get3A_2820, %get3A_2821] {strides = array<i32>} : memref<640x64xf32, #tpu.memory_space<vmem>>, vector<16xf32>,
        %get3A_2823 = arith.constant 24 : i32
        %get3A_2824 = arith.index_cast %get3A_2823 : i32 to index
        %get3A_2825 = arith.constant 0 : index
        %get3A_2826 = tpu.vector_load %arg15[%get3A_2824, %get3A_2825] {strides = array<i32>} : memref<32x64xf32, #tpu.memory_space<vmem>>, vector<16xf32>,
        %mul3A_2827 = arith.mulf %get3A_2822, %get3A_2826 : vector<16xf32>
        %get3A_2828 = arith.index_cast %add3A_2819 : i32 to index
        %get3A_2829 = arith.constant 16 : index
        %get3A_2830 = tpu.vector_load %arg13[%get3A_2828, %get3A_2829] {strides = array<i32>} : memref<640x64xf32, #tpu.memory_space<vmem>>, vector<16xf32>,
        %get3A_2831 = arith.constant 24 : i32
        %get3A_2832 = arith.index_cast %get3A_2831 : i32 to index
        %get3A_2833 = arith.constant 16 : index
        %get3A_2834 = tpu.vector_load %arg15[%get3A_2832, %get3A_2833] {strides = array<i32>} : memref<32x64xf32, #tpu.memory_space<vmem>>, vector<16xf32>,
        %mul3A_2835 = arith.mulf %get3A_2830, %get3A_2834 : vector<16xf32>
        %add3A_2836 = arith.addf %mul3A_2827, %mul3A_2835 : vector<16xf32>
        %get3A_2837 = arith.index_cast %add3A_2819 : i32 to index
        %get3A_2838 = arith.constant 32 : index
        %get3A_2839 = tpu.vector_load %arg13[%get3A_2837, %get3A_2838] {strides = array<i32>} : memref<640x64xf32, #tpu.memory_space<vmem>>, vector<16xf32>,
        %get3A_2840 = arith.constant 24 : i32
        %get3A_2841 = arith.index_cast %get3A_2840 : i32 to index
        %get3A_2842 = arith.constant 32 : index
        %get3A_2843 = tpu.vector_load %arg15[%get3A_2841, %get3A_2842] {strides = array<i32>} : memref<32x64xf32, #tpu.memory_space<vmem>>, vector<16xf32>,
        %mul3A_2844 = arith.mulf %get3A_2839, %get3A_2843 : vector<16xf32>
        %add3A_2845 = arith.addf %add3A_2836, %mul3A_2844 : vector<16xf32>
        %get3A_2846 = arith.index_cast %add3A_2819 : i32 to index
        %get3A_2847 = arith.constant 48 : index
        %get3A_2848 = tpu.vector_load %arg13[%get3A_2846, %get3A_2847] {strides = array<i32>} : memref<640x64xf32, #tpu.memory_space<vmem>>, vector<16xf32>,
        %get3A_2849 = arith.constant 24 : i32
        %get3A_2850 = arith.index_cast %get3A_2849 : i32 to index
        %get3A_2851 = arith.constant 48 : index
        %get3A_2852 = tpu.vector_load %arg15[%get3A_2850, %get3A_2851] {strides = array<i32>} : memref<32x64xf32, #tpu.memory_space<vmem>>, vector<16xf32>,
        %mul3A_2853 = arith.mulf %get3A_2848, %get3A_2852 : vector<16xf32>
        %add3A_2854 = arith.addf %add3A_2845, %mul3A_2853 : vector<16xf32>
        %mul3A_2855 = arith.constant 16 : i32
        %mul3A_2856 = vector.broadcast %mul3A_2855 : i32 to vector<16xi32>
        %mul3A_2857 = arith.muli %iota3A, %mul3A_2856 : vector<16xi32>
        %add3A_2858 = arith.constant 8 : i32
        %add3A_2859 = vector.broadcast %add3A_2858 : i32 to vector<16xi32>
        %add3A_2860 = arith.addi %mul3A_2857, %add3A_2859 : vector<16xi32>
        tpu.vector_store_idx %arg18[%add3A_2860], %add3A_2854 : memref<256xf32, #tpu.memory_space<vmem>>[vector<16xi32>], vector<16xf32>,
        %add3A_2861 = arith.constant 500 : i32
        %add3A_2862 = arith.addi %add3A_2861, %scan3A_1730 : i32
        %get3A_2863 = arith.index_cast %add3A_2862 : i32 to index
        %get3A_2864 = arith.constant 0 : index
        %get3A_2865 = tpu.vector_load %arg13[%get3A_2863, %get3A_2864] {strides = array<i32>} : memref<640x64xf32, #tpu.memory_space<vmem>>, vector<16xf32>,
        %get3A_2866 = arith.constant 25 : i32
        %get3A_2867 = arith.index_cast %get3A_2866 : i32 to index
        %get3A_2868 = arith.constant 0 : index
        %get3A_2869 = tpu.vector_load %arg15[%get3A_2867, %get3A_2868] {strides = array<i32>} : memref<32x64xf32, #tpu.memory_space<vmem>>, vector<16xf32>,
        %mul3A_2870 = arith.mulf %get3A_2865, %get3A_2869 : vector<16xf32>
        %get3A_2871 = arith.index_cast %add3A_2862 : i32 to index
        %get3A_2872 = arith.constant 16 : index
        %get3A_2873 = tpu.vector_load %arg13[%get3A_2871, %get3A_2872] {strides = array<i32>} : memref<640x64xf32, #tpu.memory_space<vmem>>, vector<16xf32>,
        %get3A_2874 = arith.constant 25 : i32
        %get3A_2875 = arith.index_cast %get3A_2874 : i32 to index
        %get3A_2876 = arith.constant 16 : index
        %get3A_2877 = tpu.vector_load %arg15[%get3A_2875, %get3A_2876] {strides = array<i32>} : memref<32x64xf32, #tpu.memory_space<vmem>>, vector<16xf32>,
        %mul3A_2878 = arith.mulf %get3A_2873, %get3A_2877 : vector<16xf32>
        %add3A_2879 = arith.addf %mul3A_2870, %mul3A_2878 : vector<16xf32>
        %get3A_2880 = arith.index_cast %add3A_2862 : i32 to index
        %get3A_2881 = arith.constant 32 : index
        %get3A_2882 = tpu.vector_load %arg13[%get3A_2880, %get3A_2881] {strides = array<i32>} : memref<640x64xf32, #tpu.memory_space<vmem>>, vector<16xf32>,
        %get3A_2883 = arith.constant 25 : i32
        %get3A_2884 = arith.index_cast %get3A_2883 : i32 to index
        %get3A_2885 = arith.constant 32 : index
        %get3A_2886 = tpu.vector_load %arg15[%get3A_2884, %get3A_2885] {strides = array<i32>} : memref<32x64xf32, #tpu.memory_space<vmem>>, vector<16xf32>,
        %mul3A_2887 = arith.mulf %get3A_2882, %get3A_2886 : vector<16xf32>
        %add3A_2888 = arith.addf %add3A_2879, %mul3A_2887 : vector<16xf32>
        %get3A_2889 = arith.index_cast %add3A_2862 : i32 to index
        %get3A_2890 = arith.constant 48 : index
        %get3A_2891 = tpu.vector_load %arg13[%get3A_2889, %get3A_2890] {strides = array<i32>} : memref<640x64xf32, #tpu.memory_space<vmem>>, vector<16xf32>,
        %get3A_2892 = arith.constant 25 : i32
        %get3A_2893 = arith.index_cast %get3A_2892 : i32 to index
        %get3A_2894 = arith.constant 48 : index
        %get3A_2895 = tpu.vector_load %arg15[%get3A_2893, %get3A_2894] {strides = array<i32>} : memref<32x64xf32, #tpu.memory_space<vmem>>, vector<16xf32>,
        %mul3A_2896 = arith.mulf %get3A_2891, %get3A_2895 : vector<16xf32>
        %add3A_2897 = arith.addf %add3A_2888, %mul3A_2896 : vector<16xf32>
        %mul3A_2898 = arith.constant 16 : i32
        %mul3A_2899 = vector.broadcast %mul3A_2898 : i32 to vector<16xi32>
        %mul3A_2900 = arith.muli %iota3A, %mul3A_2899 : vector<16xi32>
        %add3A_2901 = arith.constant 9 : i32
        %add3A_2902 = vector.broadcast %add3A_2901 : i32 to vector<16xi32>
        %add3A_2903 = arith.addi %mul3A_2900, %add3A_2902 : vector<16xi32>
        tpu.vector_store_idx %arg18[%add3A_2903], %add3A_2897 : memref<256xf32, #tpu.memory_space<vmem>>[vector<16xi32>], vector<16xf32>,
        %add3A_2904 = arith.constant 520 : i32
        %add3A_2905 = arith.addi %add3A_2904, %scan3A_1730 : i32
        %get3A_2906 = arith.index_cast %add3A_2905 : i32 to index
        %get3A_2907 = arith.constant 0 : index
        %get3A_2908 = tpu.vector_load %arg13[%get3A_2906, %get3A_2907] {strides = array<i32>} : memref<640x64xf32, #tpu.memory_space<vmem>>, vector<16xf32>,
        %get3A_2909 = arith.constant 26 : i32
        %get3A_2910 = arith.index_cast %get3A_2909 : i32 to index
        %get3A_2911 = arith.constant 0 : index
        %get3A_2912 = tpu.vector_load %arg15[%get3A_2910, %get3A_2911] {strides = array<i32>} : memref<32x64xf32, #tpu.memory_space<vmem>>, vector<16xf32>,
        %mul3A_2913 = arith.mulf %get3A_2908, %get3A_2912 : vector<16xf32>
        %get3A_2914 = arith.index_cast %add3A_2905 : i32 to index
        %get3A_2915 = arith.constant 16 : index
        %get3A_2916 = tpu.vector_load %arg13[%get3A_2914, %get3A_2915] {strides = array<i32>} : memref<640x64xf32, #tpu.memory_space<vmem>>, vector<16xf32>,
        %get3A_2917 = arith.constant 26 : i32
        %get3A_2918 = arith.index_cast %get3A_2917 : i32 to index
        %get3A_2919 = arith.constant 16 : index
        %get3A_2920 = tpu.vector_load %arg15[%get3A_2918, %get3A_2919] {strides = array<i32>} : memref<32x64xf32, #tpu.memory_space<vmem>>, vector<16xf32>,
        %mul3A_2921 = arith.mulf %get3A_2916, %get3A_2920 : vector<16xf32>
        %add3A_2922 = arith.addf %mul3A_2913, %mul3A_2921 : vector<16xf32>
        %get3A_2923 = arith.index_cast %add3A_2905 : i32 to index
        %get3A_2924 = arith.constant 32 : index
        %get3A_2925 = tpu.vector_load %arg13[%get3A_2923, %get3A_2924] {strides = array<i32>} : memref<640x64xf32, #tpu.memory_space<vmem>>, vector<16xf32>,
        %get3A_2926 = arith.constant 26 : i32
        %get3A_2927 = arith.index_cast %get3A_2926 : i32 to index
        %get3A_2928 = arith.constant 32 : index
        %get3A_2929 = tpu.vector_load %arg15[%get3A_2927, %get3A_2928] {strides = array<i32>} : memref<32x64xf32, #tpu.memory_space<vmem>>, vector<16xf32>,
        %mul3A_2930 = arith.mulf %get3A_2925, %get3A_2929 : vector<16xf32>
        %add3A_2931 = arith.addf %add3A_2922, %mul3A_2930 : vector<16xf32>
        %get3A_2932 = arith.index_cast %add3A_2905 : i32 to index
        %get3A_2933 = arith.constant 48 : index
        %get3A_2934 = tpu.vector_load %arg13[%get3A_2932, %get3A_2933] {strides = array<i32>} : memref<640x64xf32, #tpu.memory_space<vmem>>, vector<16xf32>,
        %get3A_2935 = arith.constant 26 : i32
        %get3A_2936 = arith.index_cast %get3A_2935 : i32 to index
        %get3A_2937 = arith.constant 48 : index
        %get3A_2938 = tpu.vector_load %arg15[%get3A_2936, %get3A_2937] {strides = array<i32>} : memref<32x64xf32, #tpu.memory_space<vmem>>, vector<16xf32>,
        %mul3A_2939 = arith.mulf %get3A_2934, %get3A_2938 : vector<16xf32>
        %add3A_2940 = arith.addf %add3A_2931, %mul3A_2939 : vector<16xf32>
        %mul3A_2941 = arith.constant 16 : i32
        %mul3A_2942 = vector.broadcast %mul3A_2941 : i32 to vector<16xi32>
        %mul3A_2943 = arith.muli %iota3A, %mul3A_2942 : vector<16xi32>
        %add3A_2944 = arith.constant 10 : i32
        %add3A_2945 = vector.broadcast %add3A_2944 : i32 to vector<16xi32>
        %add3A_2946 = arith.addi %mul3A_2943, %add3A_2945 : vector<16xi32>
        tpu.vector_store_idx %arg18[%add3A_2946], %add3A_2940 : memref<256xf32, #tpu.memory_space<vmem>>[vector<16xi32>], vector<16xf32>,
        %add3A_2947 = arith.constant 540 : i32
        %add3A_2948 = arith.addi %add3A_2947, %scan3A_1730 : i32
        %get3A_2949 = arith.index_cast %add3A_2948 : i32 to index
        %get3A_2950 = arith.constant 0 : index
        %get3A_2951 = tpu.vector_load %arg13[%get3A_2949, %get3A_2950] {strides = array<i32>} : memref<640x64xf32, #tpu.memory_space<vmem>>, vector<16xf32>,
        %get3A_2952 = arith.constant 27 : i32
        %get3A_2953 = arith.index_cast %get3A_2952 : i32 to index
        %get3A_2954 = arith.constant 0 : index
        %get3A_2955 = tpu.vector_load %arg15[%get3A_2953, %get3A_2954] {strides = array<i32>} : memref<32x64xf32, #tpu.memory_space<vmem>>, vector<16xf32>,
        %mul3A_2956 = arith.mulf %get3A_2951, %get3A_2955 : vector<16xf32>
        %get3A_2957 = arith.index_cast %add3A_2948 : i32 to index
        %get3A_2958 = arith.constant 16 : index
        %get3A_2959 = tpu.vector_load %arg13[%get3A_2957, %get3A_2958] {strides = array<i32>} : memref<640x64xf32, #tpu.memory_space<vmem>>, vector<16xf32>,
        %get3A_2960 = arith.constant 27 : i32
        %get3A_2961 = arith.index_cast %get3A_2960 : i32 to index
        %get3A_2962 = arith.constant 16 : index
        %get3A_2963 = tpu.vector_load %arg15[%get3A_2961, %get3A_2962] {strides = array<i32>} : memref<32x64xf32, #tpu.memory_space<vmem>>, vector<16xf32>,
        %mul3A_2964 = arith.mulf %get3A_2959, %get3A_2963 : vector<16xf32>
        %add3A_2965 = arith.addf %mul3A_2956, %mul3A_2964 : vector<16xf32>
        %get3A_2966 = arith.index_cast %add3A_2948 : i32 to index
        %get3A_2967 = arith.constant 32 : index
        %get3A_2968 = tpu.vector_load %arg13[%get3A_2966, %get3A_2967] {strides = array<i32>} : memref<640x64xf32, #tpu.memory_space<vmem>>, vector<16xf32>,
        %get3A_2969 = arith.constant 27 : i32
        %get3A_2970 = arith.index_cast %get3A_2969 : i32 to index
        %get3A_2971 = arith.constant 32 : index
        %get3A_2972 = tpu.vector_load %arg15[%get3A_2970, %get3A_2971] {strides = array<i32>} : memref<32x64xf32, #tpu.memory_space<vmem>>, vector<16xf32>,
        %mul3A_2973 = arith.mulf %get3A_2968, %get3A_2972 : vector<16xf32>
        %add3A_2974 = arith.addf %add3A_2965, %mul3A_2973 : vector<16xf32>
        %get3A_2975 = arith.index_cast %add3A_2948 : i32 to index
        %get3A_2976 = arith.constant 48 : index
        %get3A_2977 = tpu.vector_load %arg13[%get3A_2975, %get3A_2976] {strides = array<i32>} : memref<640x64xf32, #tpu.memory_space<vmem>>, vector<16xf32>,
        %get3A_2978 = arith.constant 27 : i32
        %get3A_2979 = arith.index_cast %get3A_2978 : i32 to index
        %get3A_2980 = arith.constant 48 : index
        %get3A_2981 = tpu.vector_load %arg15[%get3A_2979, %get3A_2980] {strides = array<i32>} : memref<32x64xf32, #tpu.memory_space<vmem>>, vector<16xf32>,
        %mul3A_2982 = arith.mulf %get3A_2977, %get3A_2981 : vector<16xf32>
        %add3A_2983 = arith.addf %add3A_2974, %mul3A_2982 : vector<16xf32>
        %mul3A_2984 = arith.constant 16 : i32
        %mul3A_2985 = vector.broadcast %mul3A_2984 : i32 to vector<16xi32>
        %mul3A_2986 = arith.muli %iota3A, %mul3A_2985 : vector<16xi32>
        %add3A_2987 = arith.constant 11 : i32
        %add3A_2988 = vector.broadcast %add3A_2987 : i32 to vector<16xi32>
        %add3A_2989 = arith.addi %mul3A_2986, %add3A_2988 : vector<16xi32>
        tpu.vector_store_idx %arg18[%add3A_2989], %add3A_2983 : memref<256xf32, #tpu.memory_space<vmem>>[vector<16xi32>], vector<16xf32>,
        %add3A_2990 = arith.constant 560 : i32
        %add3A_2991 = arith.addi %add3A_2990, %scan3A_1730 : i32
        %get3A_2992 = arith.index_cast %add3A_2991 : i32 to index
        %get3A_2993 = arith.constant 0 : index
        %get3A_2994 = tpu.vector_load %arg13[%get3A_2992, %get3A_2993] {strides = array<i32>} : memref<640x64xf32, #tpu.memory_space<vmem>>, vector<16xf32>,
        %get3A_2995 = arith.constant 28 : i32
        %get3A_2996 = arith.index_cast %get3A_2995 : i32 to index
        %get3A_2997 = arith.constant 0 : index
        %get3A_2998 = tpu.vector_load %arg15[%get3A_2996, %get3A_2997] {strides = array<i32>} : memref<32x64xf32, #tpu.memory_space<vmem>>, vector<16xf32>,
        %mul3A_2999 = arith.mulf %get3A_2994, %get3A_2998 : vector<16xf32>
        %get3A_3000 = arith.index_cast %add3A_2991 : i32 to index
        %get3A_3001 = arith.constant 16 : index
        %get3A_3002 = tpu.vector_load %arg13[%get3A_3000, %get3A_3001] {strides = array<i32>} : memref<640x64xf32, #tpu.memory_space<vmem>>, vector<16xf32>,
        %get3A_3003 = arith.constant 28 : i32
        %get3A_3004 = arith.index_cast %get3A_3003 : i32 to index
        %get3A_3005 = arith.constant 16 : index
        %get3A_3006 = tpu.vector_load %arg15[%get3A_3004, %get3A_3005] {strides = array<i32>} : memref<32x64xf32, #tpu.memory_space<vmem>>, vector<16xf32>,
        %mul3A_3007 = arith.mulf %get3A_3002, %get3A_3006 : vector<16xf32>
        %add3A_3008 = arith.addf %mul3A_2999, %mul3A_3007 : vector<16xf32>
        %get3A_3009 = arith.index_cast %add3A_2991 : i32 to index
        %get3A_3010 = arith.constant 32 : index
        %get3A_3011 = tpu.vector_load %arg13[%get3A_3009, %get3A_3010] {strides = array<i32>} : memref<640x64xf32, #tpu.memory_space<vmem>>, vector<16xf32>,
        %get3A_3012 = arith.constant 28 : i32
        %get3A_3013 = arith.index_cast %get3A_3012 : i32 to index
        %get3A_3014 = arith.constant 32 : index
        %get3A_3015 = tpu.vector_load %arg15[%get3A_3013, %get3A_3014] {strides = array<i32>} : memref<32x64xf32, #tpu.memory_space<vmem>>, vector<16xf32>,
        %mul3A_3016 = arith.mulf %get3A_3011, %get3A_3015 : vector<16xf32>
        %add3A_3017 = arith.addf %add3A_3008, %mul3A_3016 : vector<16xf32>
        %get3A_3018 = arith.index_cast %add3A_2991 : i32 to index
        %get3A_3019 = arith.constant 48 : index
        %get3A_3020 = tpu.vector_load %arg13[%get3A_3018, %get3A_3019] {strides = array<i32>} : memref<640x64xf32, #tpu.memory_space<vmem>>, vector<16xf32>,
        %get3A_3021 = arith.constant 28 : i32
        %get3A_3022 = arith.index_cast %get3A_3021 : i32 to index
        %get3A_3023 = arith.constant 48 : index
        %get3A_3024 = tpu.vector_load %arg15[%get3A_3022, %get3A_3023] {strides = array<i32>} : memref<32x64xf32, #tpu.memory_space<vmem>>, vector<16xf32>,
        %mul3A_3025 = arith.mulf %get3A_3020, %get3A_3024 : vector<16xf32>
        %add3A_3026 = arith.addf %add3A_3017, %mul3A_3025 : vector<16xf32>
        %mul3A_3027 = arith.constant 16 : i32
        %mul3A_3028 = vector.broadcast %mul3A_3027 : i32 to vector<16xi32>
        %mul3A_3029 = arith.muli %iota3A, %mul3A_3028 : vector<16xi32>
        %add3A_3030 = arith.constant 12 : i32
        %add3A_3031 = vector.broadcast %add3A_3030 : i32 to vector<16xi32>
        %add3A_3032 = arith.addi %mul3A_3029, %add3A_3031 : vector<16xi32>
        tpu.vector_store_idx %arg18[%add3A_3032], %add3A_3026 : memref<256xf32, #tpu.memory_space<vmem>>[vector<16xi32>], vector<16xf32>,
        %add3A_3033 = arith.constant 580 : i32
        %add3A_3034 = arith.addi %add3A_3033, %scan3A_1730 : i32
        %get3A_3035 = arith.index_cast %add3A_3034 : i32 to index
        %get3A_3036 = arith.constant 0 : index
        %get3A_3037 = tpu.vector_load %arg13[%get3A_3035, %get3A_3036] {strides = array<i32>} : memref<640x64xf32, #tpu.memory_space<vmem>>, vector<16xf32>,
        %get3A_3038 = arith.constant 29 : i32
        %get3A_3039 = arith.index_cast %get3A_3038 : i32 to index
        %get3A_3040 = arith.constant 0 : index
        %get3A_3041 = tpu.vector_load %arg15[%get3A_3039, %get3A_3040] {strides = array<i32>} : memref<32x64xf32, #tpu.memory_space<vmem>>, vector<16xf32>,
        %mul3A_3042 = arith.mulf %get3A_3037, %get3A_3041 : vector<16xf32>
        %get3A_3043 = arith.index_cast %add3A_3034 : i32 to index
        %get3A_3044 = arith.constant 16 : index
        %get3A_3045 = tpu.vector_load %arg13[%get3A_3043, %get3A_3044] {strides = array<i32>} : memref<640x64xf32, #tpu.memory_space<vmem>>, vector<16xf32>,
        %get3A_3046 = arith.constant 29 : i32
        %get3A_3047 = arith.index_cast %get3A_3046 : i32 to index
        %get3A_3048 = arith.constant 16 : index
        %get3A_3049 = tpu.vector_load %arg15[%get3A_3047, %get3A_3048] {strides = array<i32>} : memref<32x64xf32, #tpu.memory_space<vmem>>, vector<16xf32>,
        %mul3A_3050 = arith.mulf %get3A_3045, %get3A_3049 : vector<16xf32>
        %add3A_3051 = arith.addf %mul3A_3042, %mul3A_3050 : vector<16xf32>
        %get3A_3052 = arith.index_cast %add3A_3034 : i32 to index
        %get3A_3053 = arith.constant 32 : index
        %get3A_3054 = tpu.vector_load %arg13[%get3A_3052, %get3A_3053] {strides = array<i32>} : memref<640x64xf32, #tpu.memory_space<vmem>>, vector<16xf32>,
        %get3A_3055 = arith.constant 29 : i32
        %get3A_3056 = arith.index_cast %get3A_3055 : i32 to index
        %get3A_3057 = arith.constant 32 : index
        %get3A_3058 = tpu.vector_load %arg15[%get3A_3056, %get3A_3057] {strides = array<i32>} : memref<32x64xf32, #tpu.memory_space<vmem>>, vector<16xf32>,
        %mul3A_3059 = arith.mulf %get3A_3054, %get3A_3058 : vector<16xf32>
        %add3A_3060 = arith.addf %add3A_3051, %mul3A_3059 : vector<16xf32>
        %get3A_3061 = arith.index_cast %add3A_3034 : i32 to index
        %get3A_3062 = arith.constant 48 : index
        %get3A_3063 = tpu.vector_load %arg13[%get3A_3061, %get3A_3062] {strides = array<i32>} : memref<640x64xf32, #tpu.memory_space<vmem>>, vector<16xf32>,
        %get3A_3064 = arith.constant 29 : i32
        %get3A_3065 = arith.index_cast %get3A_3064 : i32 to index
        %get3A_3066 = arith.constant 48 : index
        %get3A_3067 = tpu.vector_load %arg15[%get3A_3065, %get3A_3066] {strides = array<i32>} : memref<32x64xf32, #tpu.memory_space<vmem>>, vector<16xf32>,
        %mul3A_3068 = arith.mulf %get3A_3063, %get3A_3067 : vector<16xf32>
        %add3A_3069 = arith.addf %add3A_3060, %mul3A_3068 : vector<16xf32>
        %mul3A_3070 = arith.constant 16 : i32
        %mul3A_3071 = vector.broadcast %mul3A_3070 : i32 to vector<16xi32>
        %mul3A_3072 = arith.muli %iota3A, %mul3A_3071 : vector<16xi32>
        %add3A_3073 = arith.constant 13 : i32
        %add3A_3074 = vector.broadcast %add3A_3073 : i32 to vector<16xi32>
        %add3A_3075 = arith.addi %mul3A_3072, %add3A_3074 : vector<16xi32>
        tpu.vector_store_idx %arg18[%add3A_3075], %add3A_3069 : memref<256xf32, #tpu.memory_space<vmem>>[vector<16xi32>], vector<16xf32>,
        %add3A_3076 = arith.constant 600 : i32
        %add3A_3077 = arith.addi %add3A_3076, %scan3A_1730 : i32
        %get3A_3078 = arith.index_cast %add3A_3077 : i32 to index
        %get3A_3079 = arith.constant 0 : index
        %get3A_3080 = tpu.vector_load %arg13[%get3A_3078, %get3A_3079] {strides = array<i32>} : memref<640x64xf32, #tpu.memory_space<vmem>>, vector<16xf32>,
        %get3A_3081 = arith.constant 30 : i32
        %get3A_3082 = arith.index_cast %get3A_3081 : i32 to index
        %get3A_3083 = arith.constant 0 : index
        %get3A_3084 = tpu.vector_load %arg15[%get3A_3082, %get3A_3083] {strides = array<i32>} : memref<32x64xf32, #tpu.memory_space<vmem>>, vector<16xf32>,
        %mul3A_3085 = arith.mulf %get3A_3080, %get3A_3084 : vector<16xf32>
        %get3A_3086 = arith.index_cast %add3A_3077 : i32 to index
        %get3A_3087 = arith.constant 16 : index
        %get3A_3088 = tpu.vector_load %arg13[%get3A_3086, %get3A_3087] {strides = array<i32>} : memref<640x64xf32, #tpu.memory_space<vmem>>, vector<16xf32>,
        %get3A_3089 = arith.constant 30 : i32
        %get3A_3090 = arith.index_cast %get3A_3089 : i32 to index
        %get3A_3091 = arith.constant 16 : index
        %get3A_3092 = tpu.vector_load %arg15[%get3A_3090, %get3A_3091] {strides = array<i32>} : memref<32x64xf32, #tpu.memory_space<vmem>>, vector<16xf32>,
        %mul3A_3093 = arith.mulf %get3A_3088, %get3A_3092 : vector<16xf32>
        %add3A_3094 = arith.addf %mul3A_3085, %mul3A_3093 : vector<16xf32>
        %get3A_3095 = arith.index_cast %add3A_3077 : i32 to index
        %get3A_3096 = arith.constant 32 : index
        %get3A_3097 = tpu.vector_load %arg13[%get3A_3095, %get3A_3096] {strides = array<i32>} : memref<640x64xf32, #tpu.memory_space<vmem>>, vector<16xf32>,
        %get3A_3098 = arith.constant 30 : i32
        %get3A_3099 = arith.index_cast %get3A_3098 : i32 to index
        %get3A_3100 = arith.constant 32 : index
        %get3A_3101 = tpu.vector_load %arg15[%get3A_3099, %get3A_3100] {strides = array<i32>} : memref<32x64xf32, #tpu.memory_space<vmem>>, vector<16xf32>,
        %mul3A_3102 = arith.mulf %get3A_3097, %get3A_3101 : vector<16xf32>
        %add3A_3103 = arith.addf %add3A_3094, %mul3A_3102 : vector<16xf32>
        %get3A_3104 = arith.index_cast %add3A_3077 : i32 to index
        %get3A_3105 = arith.constant 48 : index
        %get3A_3106 = tpu.vector_load %arg13[%get3A_3104, %get3A_3105] {strides = array<i32>} : memref<640x64xf32, #tpu.memory_space<vmem>>, vector<16xf32>,
        %get3A_3107 = arith.constant 30 : i32
        %get3A_3108 = arith.index_cast %get3A_3107 : i32 to index
        %get3A_3109 = arith.constant 48 : index
        %get3A_3110 = tpu.vector_load %arg15[%get3A_3108, %get3A_3109] {strides = array<i32>} : memref<32x64xf32, #tpu.memory_space<vmem>>, vector<16xf32>,
        %mul3A_3111 = arith.mulf %get3A_3106, %get3A_3110 : vector<16xf32>
        %add3A_3112 = arith.addf %add3A_3103, %mul3A_3111 : vector<16xf32>
        %mul3A_3113 = arith.constant 16 : i32
        %mul3A_3114 = vector.broadcast %mul3A_3113 : i32 to vector<16xi32>
        %mul3A_3115 = arith.muli %iota3A, %mul3A_3114 : vector<16xi32>
        %add3A_3116 = arith.constant 14 : i32
        %add3A_3117 = vector.broadcast %add3A_3116 : i32 to vector<16xi32>
        %add3A_3118 = arith.addi %mul3A_3115, %add3A_3117 : vector<16xi32>
        tpu.vector_store_idx %arg18[%add3A_3118], %add3A_3112 : memref<256xf32, #tpu.memory_space<vmem>>[vector<16xi32>], vector<16xf32>,
        %add3A_3119 = arith.constant 620 : i32
        %add3A_3120 = arith.addi %add3A_3119, %scan3A_1730 : i32
        %get3A_3121 = arith.index_cast %add3A_3120 : i32 to index
        %get3A_3122 = arith.constant 0 : index
        %get3A_3123 = tpu.vector_load %arg13[%get3A_3121, %get3A_3122] {strides = array<i32>} : memref<640x64xf32, #tpu.memory_space<vmem>>, vector<16xf32>,
        %get3A_3124 = arith.constant 31 : i32
        %get3A_3125 = arith.index_cast %get3A_3124 : i32 to index
        %get3A_3126 = arith.constant 0 : index
        %get3A_3127 = tpu.vector_load %arg15[%get3A_3125, %get3A_3126] {strides = array<i32>} : memref<32x64xf32, #tpu.memory_space<vmem>>, vector<16xf32>,
        %mul3A_3128 = arith.mulf %get3A_3123, %get3A_3127 : vector<16xf32>
        %get3A_3129 = arith.index_cast %add3A_3120 : i32 to index
        %get3A_3130 = arith.constant 16 : index
        %get3A_3131 = tpu.vector_load %arg13[%get3A_3129, %get3A_3130] {strides = array<i32>} : memref<640x64xf32, #tpu.memory_space<vmem>>, vector<16xf32>,
        %get3A_3132 = arith.constant 31 : i32
        %get3A_3133 = arith.index_cast %get3A_3132 : i32 to index
        %get3A_3134 = arith.constant 16 : index
        %get3A_3135 = tpu.vector_load %arg15[%get3A_3133, %get3A_3134] {strides = array<i32>} : memref<32x64xf32, #tpu.memory_space<vmem>>, vector<16xf32>,
        %mul3A_3136 = arith.mulf %get3A_3131, %get3A_3135 : vector<16xf32>
        %add3A_3137 = arith.addf %mul3A_3128, %mul3A_3136 : vector<16xf32>
        %get3A_3138 = arith.index_cast %add3A_3120 : i32 to index
        %get3A_3139 = arith.constant 32 : index
        %get3A_3140 = tpu.vector_load %arg13[%get3A_3138, %get3A_3139] {strides = array<i32>} : memref<640x64xf32, #tpu.memory_space<vmem>>, vector<16xf32>,
        %get3A_3141 = arith.constant 31 : i32
        %get3A_3142 = arith.index_cast %get3A_3141 : i32 to index
        %get3A_3143 = arith.constant 32 : index
        %get3A_3144 = tpu.vector_load %arg15[%get3A_3142, %get3A_3143] {strides = array<i32>} : memref<32x64xf32, #tpu.memory_space<vmem>>, vector<16xf32>,
        %mul3A_3145 = arith.mulf %get3A_3140, %get3A_3144 : vector<16xf32>
        %add3A_3146 = arith.addf %add3A_3137, %mul3A_3145 : vector<16xf32>
        %get3A_3147 = arith.index_cast %add3A_3120 : i32 to index
        %get3A_3148 = arith.constant 48 : index
        %get3A_3149 = tpu.vector_load %arg13[%get3A_3147, %get3A_3148] {strides = array<i32>} : memref<640x64xf32, #tpu.memory_space<vmem>>, vector<16xf32>,
        %get3A_3150 = arith.constant 31 : i32
        %get3A_3151 = arith.index_cast %get3A_3150 : i32 to index
        %get3A_3152 = arith.constant 48 : index
        %get3A_3153 = tpu.vector_load %arg15[%get3A_3151, %get3A_3152] {strides = array<i32>} : memref<32x64xf32, #tpu.memory_space<vmem>>, vector<16xf32>,
        %mul3A_3154 = arith.mulf %get3A_3149, %get3A_3153 : vector<16xf32>
        %add3A_3155 = arith.addf %add3A_3146, %mul3A_3154 : vector<16xf32>
        %mul3A_3156 = arith.constant 16 : i32
        %mul3A_3157 = vector.broadcast %mul3A_3156 : i32 to vector<16xi32>
        %mul3A_3158 = arith.muli %iota3A, %mul3A_3157 : vector<16xi32>
        %add3A_3159 = arith.constant 15 : i32
        %add3A_3160 = vector.broadcast %add3A_3159 : i32 to vector<16xi32>
        %add3A_3161 = arith.addi %mul3A_3158, %add3A_3160 : vector<16xi32>
        tpu.vector_store_idx %arg18[%add3A_3161], %add3A_3155 : memref<256xf32, #tpu.memory_space<vmem>>[vector<16xi32>], vector<16xf32>,
        %get3A_3162 = arith.constant 0 : index
        %get3A_3163 = tpu.vector_load %arg18[%get3A_3162] {strides = array<i32>} : memref<256xf32, #tpu.memory_space<vmem>>, vector<16xf32>,
        %get3A_3164 = arith.constant 16 : index
        %get3A_3165 = tpu.vector_load %arg18[%get3A_3164] {strides = array<i32>} : memref<256xf32, #tpu.memory_space<vmem>>, vector<16xf32>,
        %add3A_3166 = arith.addf %get3A_3163, %get3A_3165 : vector<16xf32>
        %get3A_3167 = arith.constant 32 : index
        %get3A_3168 = tpu.vector_load %arg18[%get3A_3167] {strides = array<i32>} : memref<256xf32, #tpu.memory_space<vmem>>, vector<16xf32>,
        %add3A_3169 = arith.addf %add3A_3166, %get3A_3168 : vector<16xf32>
        %get3A_3170 = arith.constant 48 : index
        %get3A_3171 = tpu.vector_load %arg18[%get3A_3170] {strides = array<i32>} : memref<256xf32, #tpu.memory_space<vmem>>, vector<16xf32>,
        %add3A_3172 = arith.addf %add3A_3169, %get3A_3171 : vector<16xf32>
        %get3A_3173 = arith.constant 64 : index
        %get3A_3174 = tpu.vector_load %arg18[%get3A_3173] {strides = array<i32>} : memref<256xf32, #tpu.memory_space<vmem>>, vector<16xf32>,
        %add3A_3175 = arith.addf %add3A_3172, %get3A_3174 : vector<16xf32>
        %get3A_3176 = arith.constant 80 : index
        %get3A_3177 = tpu.vector_load %arg18[%get3A_3176] {strides = array<i32>} : memref<256xf32, #tpu.memory_space<vmem>>, vector<16xf32>,
        %add3A_3178 = arith.addf %add3A_3175, %get3A_3177 : vector<16xf32>
        %get3A_3179 = arith.constant 96 : index
        %get3A_3180 = tpu.vector_load %arg18[%get3A_3179] {strides = array<i32>} : memref<256xf32, #tpu.memory_space<vmem>>, vector<16xf32>,
        %add3A_3181 = arith.addf %add3A_3178, %get3A_3180 : vector<16xf32>
        %get3A_3182 = arith.constant 112 : index
        %get3A_3183 = tpu.vector_load %arg18[%get3A_3182] {strides = array<i32>} : memref<256xf32, #tpu.memory_space<vmem>>, vector<16xf32>,
        %add3A_3184 = arith.addf %add3A_3181, %get3A_3183 : vector<16xf32>
        %get3A_3185 = arith.constant 128 : index
        %get3A_3186 = tpu.vector_load %arg18[%get3A_3185] {strides = array<i32>} : memref<256xf32, #tpu.memory_space<vmem>>, vector<16xf32>,
        %add3A_3187 = arith.addf %add3A_3184, %get3A_3186 : vector<16xf32>
        %get3A_3188 = arith.constant 144 : index
        %get3A_3189 = tpu.vector_load %arg18[%get3A_3188] {strides = array<i32>} : memref<256xf32, #tpu.memory_space<vmem>>, vector<16xf32>,
        %add3A_3190 = arith.addf %add3A_3187, %get3A_3189 : vector<16xf32>
        %get3A_3191 = arith.constant 160 : index
        %get3A_3192 = tpu.vector_load %arg18[%get3A_3191] {strides = array<i32>} : memref<256xf32, #tpu.memory_space<vmem>>, vector<16xf32>,
        %add3A_3193 = arith.addf %add3A_3190, %get3A_3192 : vector<16xf32>
        %get3A_3194 = arith.constant 176 : index
        %get3A_3195 = tpu.vector_load %arg18[%get3A_3194] {strides = array<i32>} : memref<256xf32, #tpu.memory_space<vmem>>, vector<16xf32>,
        %add3A_3196 = arith.addf %add3A_3193, %get3A_3195 : vector<16xf32>
        %get3A_3197 = arith.constant 192 : index
        %get3A_3198 = tpu.vector_load %arg18[%get3A_3197] {strides = array<i32>} : memref<256xf32, #tpu.memory_space<vmem>>, vector<16xf32>,
        %add3A_3199 = arith.addf %add3A_3196, %get3A_3198 : vector<16xf32>
        %get3A_3200 = arith.constant 208 : index
        %get3A_3201 = tpu.vector_load %arg18[%get3A_3200] {strides = array<i32>} : memref<256xf32, #tpu.memory_space<vmem>>, vector<16xf32>,
        %add3A_3202 = arith.addf %add3A_3199, %get3A_3201 : vector<16xf32>
        %get3A_3203 = arith.constant 224 : index
        %get3A_3204 = tpu.vector_load %arg18[%get3A_3203] {strides = array<i32>} : memref<256xf32, #tpu.memory_space<vmem>>, vector<16xf32>,
        %add3A_3205 = arith.addf %add3A_3202, %get3A_3204 : vector<16xf32>
        %get3A_3206 = arith.constant 240 : index
        %get3A_3207 = tpu.vector_load %arg18[%get3A_3206] {strides = array<i32>} : memref<256xf32, #tpu.memory_space<vmem>>, vector<16xf32>,
        %add3A_3208 = arith.addf %add3A_3205, %get3A_3207 : vector<16xf32>
        %add3A_3209 = arith.constant 16 : i32
        %add3A_3210 = vector.broadcast %add3A_3209 : i32 to vector<16xi32>
        %add3A_3211 = arith.addi %iota3A, %add3A_3210 : vector<16xi32>
        %mul3A_3212 = arith.constant 20 : i32
        %mul3A_3213 = vector.broadcast %mul3A_3212 : i32 to vector<16xi32>
        %mul3A_3214 = arith.muli %add3A_3211, %mul3A_3213 : vector<16xi32>
        %add3A_3215 = vector.broadcast %scan3A_1730 : i32 to vector<16xi32>
        %add3A_3216 = arith.addi %mul3A_3214, %add3A_3215 : vector<16xi32>
        tpu.vector_store_idx %arg17[%add3A_3216], %add3A_3208 : memref<640xf32, #tpu.memory_space<vmem>>[vector<16xi32>], vector<16xf32>,
      }
      %scan3A_1727 = arith.constant 20 : i32
      "tpu.region"() ({
        %run_scoped3A = tpu.sem_alloc : memref<!tpu.dma_semaphore, #tpu.memory_space<semaphore_mem>>
        %dma_start3A_1730 = tpu.memref_slice %arg7[%add3A_11] : memref<16384xf32, #tpu.memory_space<hbm>> -> memref<32xf32, #tpu.memory_space<hbm>>
        %dma_start3A_1731 = tpu.memref_slice %arg7[%add3A_11] : memref<16384xf32, #tpu.memory_space<hbm>> -> memref<32xf32, #tpu.memory_space<hbm>>
        tpu.enqueue_dma source(%arg16 : memref<32xf32, #tpu.memory_space<vmem>>) target(%dma_start3A_1731 : memref<32xf32, #tpu.memory_space<hbm>>) target_semaphore(%run_scoped3A : memref<!tpu.dma_semaphore, #tpu.memory_space<semaphore_mem>>)
        %dma_wait3A_1732 = tpu.memref_slice %arg7[%add3A_11] : memref<16384xf32, #tpu.memory_space<hbm>> -> memref<32xf32, #tpu.memory_space<hbm>>
        %dma_wait3A_1733 = tpu.memref_slice %arg7[%add3A_11] : memref<16384xf32, #tpu.memory_space<hbm>> -> memref<32xf32, #tpu.memory_space<hbm>>
        tpu.wait_dma2 semaphore(%run_scoped3A : memref<!tpu.dma_semaphore, #tpu.memory_space<semaphore_mem>>) src(%arg16 : memref<32xf32, #tpu.memory_space<vmem>>) dst(%dma_wait3A_1733 : memref<32xf32, #tpu.memory_space<hbm>>)
        tpu.yield
      }) : () -> ()
      %mul3A_1728 = arith.constant 20 : i32
      %mul3A_1729 = arith.muli %add3A_11, %mul3A_1728 : i32
      "tpu.region"() ({
        %run_scoped3A = tpu.sem_alloc : memref<!tpu.dma_semaphore, #tpu.memory_space<semaphore_mem>>
        %dma_start3A_1730 = tpu.memref_slice %arg8[%mul3A_1729] : memref<327680xf32, #tpu.memory_space<hbm>> -> memref<640xf32, #tpu.memory_space<hbm>>
        %dma_start3A_1731 = tpu.memref_slice %arg8[%mul3A_1729] : memref<327680xf32, #tpu.memory_space<hbm>> -> memref<640xf32, #tpu.memory_space<hbm>>
        tpu.enqueue_dma source(%arg17 : memref<640xf32, #tpu.memory_space<vmem>>) target(%dma_start3A_1731 : memref<640xf32, #tpu.memory_space<hbm>>) target_semaphore(%run_scoped3A : memref<!tpu.dma_semaphore, #tpu.memory_space<semaphore_mem>>)
        %dma_wait3A_1732 = tpu.memref_slice %arg8[%mul3A_1729] : memref<327680xf32, #tpu.memory_space<hbm>> -> memref<640xf32, #tpu.memory_space<hbm>>
        %dma_wait3A_1733 = tpu.memref_slice %arg8[%mul3A_1729] : memref<327680xf32, #tpu.memory_space<hbm>> -> memref<640xf32, #tpu.memory_space<hbm>>
        tpu.wait_dma2 semaphore(%run_scoped3A : memref<!tpu.dma_semaphore, #tpu.memory_space<semaphore_mem>>) src(%arg17 : memref<640xf32, #tpu.memory_space<vmem>>) dst(%dma_wait3A_1733 : memref<640xf32, #tpu.memory_space<hbm>>)
        tpu.yield
      }) : () -> ()
    }
    %scan3A_5 = arith.constant 16 : i32
    return
  }
}

module attributes {stable_mosaic.version = 14 : i64} {
  func.func @loss_body(%arg0: memref<128x128xf32, #tpu.memory_space<vmem>>, %arg1: memref<2560x128xf32, #tpu.memory_space<vmem>>, %arg2: memref<1xf32, #tpu.memory_space<smem>>) attributes {dimension_semantics = [], scalar_prefetch = 0 : i64, scratch_operands = 0 : i64, tpu.core_type = #tpu.core_type<tc>} {
    %get3A = arith.constant 0 : index
    %get3A_0 = arith.constant 0 : index
    %get3A_1 = vector.load %arg0[%get3A, %get3A_0] : memref<128x128xf32, #tpu.memory_space<vmem>>, vector<128x128xf32>
    %get3A_2 = arith.constant 0 : index
    %get3A_3 = arith.constant 0 : index
    %get3A_4 = vector.load %arg1[%get3A_2, %get3A_3] : memref<2560x128xf32, #tpu.memory_space<vmem>>, vector<2560x128xf32>
    %min3A = arith.constant 0.000000e+00 : f32
    %min3A_5 = vector.broadcast %min3A : f32 to vector<128x128xf32>
    %min3A_6 = arith.minimumf %get3A_1, %min3A_5 : vector<128x128xf32>
    %abs3A = math.absf %get3A_1 : vector<128x128xf32>
    %neg3A = arith.constant 0.000000e+00 : f32
    %neg3A_7 = vector.broadcast %neg3A : f32 to vector<128x128xf32>
    %neg3A_8 = arith.subf %neg3A_7, %abs3A : vector<128x128xf32>
    %exp3A = math.exp %neg3A_8 : vector<128x128xf32>
    %log1p3A = math.log1p %exp3A : vector<128x128xf32>
    %sub3A = arith.subf %min3A_6, %log1p3A : vector<128x128xf32>
    %neg3A_9 = arith.constant 0.000000e+00 : f32
    %neg3A_10 = vector.broadcast %neg3A_9 : f32 to vector<2560x128xf32>
    %neg3A_11 = arith.subf %neg3A_10, %get3A_4 : vector<2560x128xf32>
    %min3A_12 = arith.constant 0.000000e+00 : f32
    %min3A_13 = vector.broadcast %min3A_12 : f32 to vector<2560x128xf32>
    %min3A_14 = arith.minimumf %neg3A_11, %min3A_13 : vector<2560x128xf32>
    %abs3A_15 = math.absf %get3A_4 : vector<2560x128xf32>
    %neg3A_16 = arith.constant 0.000000e+00 : f32
    %neg3A_17 = vector.broadcast %neg3A_16 : f32 to vector<2560x128xf32>
    %neg3A_18 = arith.subf %neg3A_17, %abs3A_15 : vector<2560x128xf32>
    %exp3A_19 = math.exp %neg3A_18 : vector<2560x128xf32>
    %log1p3A_20 = math.log1p %exp3A_19 : vector<2560x128xf32>
    %sub3A_21 = arith.subf %min3A_14, %log1p3A_20 : vector<2560x128xf32>
    %reduce_sum3A = vector.shape_cast %sub3A : vector<128x128xf32> to vector<1x128x128xf32>
    %reduce_sum3A_22 = arith.constant dense<0.000000e+00> : vector<1xf32>
    %reduce_sum3A_23 = vector.multi_reduction <add>, %reduce_sum3A, %reduce_sum3A_22 [1, 2] : vector<1x128x128xf32> to vector<1xf32>
    %reduce_sum3A_24 = vector.shape_cast %reduce_sum3A_23 : vector<1xf32> to vector<1x1x1xf32>
    %reduce_sum3A_25 = vector.extract %reduce_sum3A_24[0, 0, 0] : f32 from vector<1x1x1xf32>
    %reduce_sum3A_26 = vector.shape_cast %sub3A_21 : vector<2560x128xf32> to vector<1x2560x128xf32>
    %reduce_sum3A_27 = arith.constant dense<0.000000e+00> : vector<1xf32>
    %reduce_sum3A_28 = vector.multi_reduction <add>, %reduce_sum3A_26, %reduce_sum3A_27 [1, 2] : vector<1x2560x128xf32> to vector<1xf32>
    %reduce_sum3A_29 = vector.shape_cast %reduce_sum3A_28 : vector<1xf32> to vector<1x1x1xf32>
    %reduce_sum3A_30 = vector.extract %reduce_sum3A_29[0, 0, 0] : f32 from vector<1x1x1xf32>
    %add3A = arith.addf %reduce_sum3A_25, %reduce_sum3A_30 : f32
    %neg3A_31 = arith.constant 0.000000e+00 : f32
    %neg3A_32 = arith.subf %neg3A_31, %add3A : f32
    %div3A = arith.constant 1.638400e+04 : f32
    %div3A_33 = arith.divf %neg3A_32, %div3A : f32
    %swap3A = arith.constant 0 : index
    %swap3A_34 = memref.load %arg2[%swap3A] : memref<1xf32, #tpu.memory_space<smem>>
    memref.store %div3A_33, %arg2[%swap3A] : memref<1xf32, #tpu.memory_space<smem>>
    return
  }
}

</mosaic_0001>

<sc_bundles>
// kernel: kernel.4.cloned.1.call-start
scs
__scs_entry_jumppad:
0x0: {  	(pc) =	sbr.rel $0x88, $3  }
0x1: {  	(tag) =	ssettag $0x0;
	lr =	simm.s32 $0x1  }
0x2: {  	[smem:$0x3F9C] =	sst lr;
	_ =	strace $0xD0000000  }
0x3: {  	_ = 	snop  }
0x4: {  	_ = 	snop  }
0x5: {  	_ = 	snop  }
0x6: {  	_ = 	snop  }
0x7: {  	_ = 	snop  }
__scs_overlays_trampoline_lowered:
0x8: {  	[smem:$0x3FAB] =	sst s0  }
0x9: {  	[smem:$0x3FAC] =	sst s1  }
0xa: {  	[smem:$0x3FAD] =	sst s2  }
0xb: {  	[smem:$0x3FAE] =	sst s3  }
0xc: {  	[smem:$0x3FAF] =	sst s4  }
0xd: {  	[smem:$0x3FB0] =	sst s5  }
0xe: {  	[smem:$0x3FB1] =	sst s6  }
0xf: {  	[smem:$0x3FB2] =	sst s7  }
0x10: {  	[smem:$0x3FB3] =	sst s8  }
0x11: {  	[smem:$0x3FB4] =	sst s9;
	s0 =	simm.s32 @!p0 $0x0  }
0x12: {  	s1 =	sld [smem:$0x3F9A];
	s0 =	simm.s32 @p0 $0x1  }
0x13: {  	[smem:$0x3FB5] =	sst s0;
	s0 =	simm.s32 @!p1 $0x0  }
0x14: {  	s2 =	sld [smem:$0x3F99];
	s0 =	simm.s32 @p1 $0x1  }
0x15: {  	[smem:$0x3FB6] =	sst s0;
	s0 =	simm.s32 @!p2 $0x0  }
0x16: {  	s3 =	sld [smem:$0x3FDB];
	s0 =	simm.s32 @p2 $0x1  }
0x17: {  	s4 =	simm.s32 $0x1BF5;
	[smem:$0x3FB8] =	sst s0  }
0x18: {  	s0 =	sld [smem:$0x3F9B];
	_ =	swait.ge [sflag:s4], $0x0  }
0x19: {  	s7 =	sld [smem:$0x3F9C]  }
0x1a: {  	s8 =	sadd.s32 $0xFFFFE003, lr  }
0x1b: {  	s9 =	sadd.s32 $0xFFFFFEF7, lr;
	s5 =	simm.s32 $0xFFFFFFFF;
	p2 =	slt.u32 s8, $0xFFFFF086  }
0x1c: {  	p1 =	slt.u32 s9, $0xF7A;
	s5 =	simm.s32 @!p2 $0x0  }
0x1d: {  	s5 =	simm.s32 @p1 $0x1;
	p0 =	seq.s32 s7, s2  }
0x1e: {  	s7 =	smul.u32 @!p0 $0xF7A, s2;
	p2 =	seq.s32 @!p0 s5, $0x0  }
0x1f: {  	s9 =	smul.u32 $0xF7A, s1;
	s8 =	simm.s32 @!p0 $0x1BF5;
	p2 =	por !p2, p0  }
0x20: {  	[sflag:s8] =	ssyncset.s32 @!p0 $0xFFFFF086;
	s6 =	sadd.s32 @!p0 s3, s7;
	s7 =	simm.s32 @!p0 $0x108  }
0x21: {  	s3 =	sadd.s32 s3, s9;
	s6 =	sadd.s32 @!p0 $0x88, s6;
	s7 =	simm.s32 @p2 $0x1082  }
0x22: {  	[simem:s7], [sflag:s8] =	dma.local @!p0 [hbm:s6], $0xF7A  }
0x23: {  	s9 =	sor.u32 $0xD0000000, s2;
	s6 =	simm.s32 $0x108;
	_ =	swait.ge @!p0 [sflag:s8], $0x0  }
0x24: {  	s3 =	sadd.s32 $0x88, s3;
	s6 =	simm.s32 @!p1 $0x1082;
	[sflag:s4] =	ssyncset.s32 $0xFFFFF086  }
0x25: {  	[simem:s6], [sflag:s4] =	dma.local [hbm:s3], $0xF7A  }
0x26: {  	[smem:$0x3F9C] =	sst s1;
	(tag) =	ssettag s2;
	_ =	strace s9  }
0x27: {  	s1 =	sld [smem:$0x3FAC]  }
0x28: {  	s2 =	sld [smem:$0x3FAD]  }
0x29: {  	s4 =	sld [smem:$0x3FAF]  }
0x2a: {  	p0 =	seq.s32 s5, $0x0;
	s5 =	sld [smem:$0x3FB0]  }
0x2b: {  	s6 =	sld [smem:$0x3FB1]  }
0x2c: {  	s7 =	sld [smem:$0x3FB2]  }
0x2d: {  	s3 =	simm.s32 $0x108;
	s8 =	sld [smem:$0x3FB3]  }
0x2e: {  	s3 =	simm.s32 @!p0 $0x1082;
	s9 =	sld [smem:$0x3FB4]  }
0x2f: {  	lr =	sadd.s32 s0, s3;
	s0 =	sld [smem:$0x3FAB]  }
0x30: {  	s3 =	sld [smem:$0x3FAE]  }
0x31: {  	[smem:$0x3FB7] =	sst s10  }
0x32: {  	s10 =	sld [smem:$0x3FB5];
	_ =	sdelay $0x3  }
0x33: {  	p0 =	seq.s32 s10, $0x1;
	s10 =	sld [smem:$0x3FB7];
	_ =	sdelay $0x3  }
0x34: {  	[smem:$0x3FB7] =	sst s10  }
0x35: {  	s10 =	sld [smem:$0x3FB6];
	_ =	sdelay $0x3  }
0x36: {  	p1 =	seq.s32 s10, $0x1;
	s10 =	sld [smem:$0x3FB7];
	_ =	sdelay $0x3  }
0x37: {  	[smem:$0x3FB7] =	sst s10  }
0x38: {  	s10 =	sld [smem:$0x3FB8]  }
0x39: {  	_ = 	snop;
	(pc) =	sbr.ind lr, $3  }
0x3a: {  	_ = 	snop  }
0x3b: {  	_ = 	snop  }
0x3c: {  	p2 =	seq.s32 s10, $0x1;
	s10 =	sld [smem:$0x3FB7]  }
0x3d: {  	_ =	shalt  }
0x3e: {  	_ =	shalt  }
0x3f: {  	_ =	shalt  }
0x40: {  	_ =	shalt  }
0x41: {  	_ =	shalt  }
0x42: {  	_ =	shalt  }
0x43: {  	_ =	shalt  }
0x44: {  	_ =	shalt  }
0x45: {  	_ =	shalt  }
0x46: {  	_ =	shalt  }
0x47: {  	_ =	shalt  }
0x48: {  	_ =	shalt  }
0x49: {  	_ =	shalt  }
0x4a: {  	_ =	shalt  }
0x4b: {  	_ =	shalt  }
0x4c: {  	_ =	shalt  }
0x4d: {  	_ =	shalt  }
0x4e: {  	_ =	shalt  }
0x4f: {  	_ =	shalt  }
0x50: {  	_ =	shalt  }
0x51: {  	_ =	shalt  }
0x52: {  	_ =	shalt  }
0x53: {  	_ =	shalt  }
0x54: {  	_ =	shalt  }
0x55: {  	_ =	shalt  }
0x56: {  	_ =	shalt  }
0x57: {  	_ =	shalt  }
0x58: {  	_ =	shalt  }
0x59: {  	_ =	shalt  }
0x5a: {  	_ =	shalt  }
0x5b: {  	_ =	shalt  }
0x5c: {  	_ =	shalt  }
0x5d: {  	_ =	shalt  }
0x5e: {  	_ =	shalt  }
0x5f: {  	_ =	shalt  }
0x60: {  	_ =	shalt  }
0x61: {  	_ =	shalt  }
0x62: {  	_ =	shalt  }
0x63: {  	_ =	shalt  }
0x64: {  	_ =	shalt  }
0x65: {  	_ =	shalt  }
0x66: {  	_ =	shalt  }
0x67: {  	_ =	shalt  }
0x68: {  	_ =	shalt  }
0x69: {  	_ =	shalt  }
0x6a: {  	_ =	shalt  }
0x6b: {  	_ =	shalt  }
0x6c: {  	_ =	shalt  }
0x6d: {  	_ =	shalt  }
0x6e: {  	_ =	shalt  }
0x6f: {  	_ =	shalt  }
0x70: {  	_ =	shalt  }
0x71: {  	_ =	shalt  }
0x72: {  	_ =	shalt  }
0x73: {  	_ =	shalt  }
0x74: {  	_ =	shalt  }
0x75: {  	_ =	shalt  }
0x76: {  	_ =	shalt  }
0x77: {  	_ =	shalt  }
0x78: {  	_ =	shalt  }
0x79: {  	_ =	shalt  }
0x7a: {  	_ =	shalt  }
0x7b: {  	_ =	shalt  }
0x7c: {  	_ =	shalt  }
0x7d: {  	_ =	shalt  }
0x7e: {  	_ =	shalt  }
0x7f: {  	_ =	shalt  }
0x80: {  	_ =	shalt  }
0x81: {  	_ =	shalt  }
0x82: {  	_ =	shalt  }
0x83: {  	_ =	shalt  }
0x84: {  	_ =	shalt  }
0x85: {  	_ =	shalt  }
0x86: {  	_ =	shalt  }
0x87: {  	_ =	shalt  }
.Lfunc_end0:
.L_simem_size_0:
called_computation_lowered:
.L_overlay_start_0:
0x88: {  	s2 =	sld [smem:$0x3FD9]  }
0x89: {  	s3 =	sld [smem:$0x3FFE];
	_ =	sdelay $0x1  }
0x8a: {  	s1 =	srdreg.scid  }
0x8b: {  	s0 =	sand.u32 $0x1, s1  }
0x8c: {  	s17 =	sshll.u32 s0, $0xA;
	s2 =	sadd.s32 s3, s2  }
0x8d: {  	s2 =	sadd.s32 s2, s17  }
0x8e: {  	[smem:$0x3FC3] =	sst s2  }
0x8f: {  	_ = 	snop  }
0x90: {  	s2 =	sld [smem:$0x3FC8];
	(tm) =	ssettm $0x1  }
0x91: {  	s18 =	sld [smem:$0x3FFB];
	_ =	sdelay $0x3  }
0x92: {  	_ =	strace s18  }
0x93: {  	s3 =	sld [smem:$0x3FFC];
	_ =	sdelay $0x3  }
0x94: {  	_ =	strace s3  }
0x95: {  	s3 =	sld [smem:$0x3FFD];
	_ =	sdelay $0x3  }
0x96: {  	_ =	strace s3  }
0x97: {  	_ =	strace $0x8FFFFFFF  }
0x98: {  	s19 =	sld [smem:$0x3FDB];
	_ =	sdelay $0x1  }
0x99: {  	s4 =	simm.s32 $_scs_section_size  }
0x9a: {  	s5 =	simm.s32 $_size__tile_overlayer_lowered;
	s6 =	simm.s32 $_tile_overlayer_lowered  }
0x9b: {  	s22 =	simm.s32 $0x1BFF;
	s21 =	sshll.u32 s6, $0x1;
	s3 =	sadd.s32 s4, s19  }
0x9c: {  	s7 =	simm.s32 $0x0;
	s20 =	sshll.u32 s5, $0x1;
	s5 =	sadd.s32 s21, s3  }
0x9d: {  	[timem:s7], [sflag:s22] =	dma.local [hbm:s5], s20  }
0x9e: {  	_ =	swait.ge [sflag:s22], s20  }
0x9f: {  	s4 =	ssub.s32 $0x0, s20;
	[sflag:s22] =	ssyncset.done $0x0  }
0xa0: {  	[sflag:s22] =	ssyncadd.s32 s4;
	_ =	sdelay $0x1  }
0xa1: {  	s23 =	simm.s32 $0x1B8B  }
0xa2: {  	_ =	swait.ge [sflag:s23], $0x1  }
0xa3: {  	[sflag:s23] =	ssyncset.done $0x0  }
0xa4: {  	s25 =	simm.s32 $0x1B8E;
	s24 =	sld [smem:$0x3FFE];
	[sflag:s23] =	ssyncadd.s32 $0xFFFFFFFF  }
0xa5: {  	s26 =	simm.s32 $execute0_lowered;
	[smem:$0x3FD2] =	sst s25  }
0xa6: {  	s5 =	sshll.u32 s26, $0x1;
	_ =	strace $0x80000046;
	[dreg:$0x1] =	wrdreg $0xFFFFFFFF  }
0xa7: {  	s28 =	simm.s32 $_size_execute0_lowered;
	s3 =	sadd.s32 s3, s5;
	[dreg:$0x0] =	wrdreg $0x0  }
0xa8: {  	s5 =	sshll.u32 s28, $0x1;
	[dreg:$0x2] =	wrdreg s3  }
0xa9: {  	[dreg:$0x3] =	wrdreg s5  }
0xaa: {  	[dreg:$0x4] =	wrdreg $0xC0  }
0xab: {  	_ =	task [dreg:s7], $0x5FFFF  }
0xac: {  	[dreg:$0x1] =	wrdreg $0xFFFFFFFF  }
0xad: {  	[dreg:$0x0] =	wrdreg $0x60  }
0xae: {  	[dreg:$0x2] =	wrdreg s24  }
0xaf: {  	[dreg:$0x3] =	wrdreg s2  }
0xb0: {  	[dreg:$0x4] =	wrdreg $0x9  }
0xb1: {  	_ =	task.clear_ibuf [dreg:s7], $0x5FFFF;
	_ =	strace $0x90000046  }
0xb2: {  	s29 =	simm.s32 $0x9;
	_ =	strace $0x80000048  }
0xb3: {  	_ =	swait.ge [sflag:s29], $0x1  }
0xb4: {  	[sflag:s29] =	ssyncadd.s32 $0xFFFFFFFF  }
0xb5: {  	_ =	strace $0x90000048  }
0xb6: {  	_ =	sfence  }
0xb7: {  	s30 =	sld [smem:$0x0];
	_ =	sdelay $0x2  }
0xb8: {  	s31 =	sshll.u32 s1, $0xD;
	s1 =	sshrl.u32 s1, $0x2  }
0xb9: {  	s3 =	sand.u32 $0x4000, s31;
	s1 =	sadd.s32 s1, s30  }
0xba: {  	s0 =	sor.u32 s3, s0;
	s1 =	sshll.u32 s1, $0x11  }
0xbb: {  	s0 =	sor.u32 s1, s0  }
0xbc: {  	s0 =	sadd.s32 $0x8F2B, s0  }
0xbd: {  	[sflag:s0] =	ssyncadd.remote.s32 $0x1  }
0xbe: {  	_ =	sfence.sel $0xFFFF  }
0xbf: {  	[dreg:$0x0] =	wrdreg $0xFFFFFFFF;
	(pc) =	sbr.abs _section_cstart, $3  }
0xc0: {  	[dreg:$0x1] =	wrdreg $0xFFFFFFFF  }
0xc1: {  	_ =	task.clear_ibuf [dreg:s7], $0x2FFFF;
	_ =	strace $0x9FFFFFFF  }
0xc2: {  	(tm) =	ssettm $0x7FFFFFFF  }
0xc3: {  	_ =	shalt  }
tec
execute0_lowered:
.L_overlay_start_1:
0x0: {  	(tag) =	ssettag $0x1  }
0x1: {  	s0 =	rddreg [dreg:$0x0];
	s2 =	simm.s32 $0x0  }
0x2: {  	s1 =	srdreg.scid;
	s10 =	stileid.u32;
	s12 =	simm.s32 $0x4  }
0x3: {  	s13 =	simm.s32 $0x280;
	s14 =	simm.s32 $0x500;
	s15 =	simm.s32 $0x80  }
0x4: {  	s30 =	simm.s32 $0x380;
	s31 =	simm.s32 $0xE520;
	s11 =	simm.s32 $0x480  }
0x5: {  	v11 =	vlaneseq.u32;
	s16 =	simm.s32 $0x1;
	s17 =	simm.s32 $0x2;
	s18 =	simm.s32 $0x157C0  }
0x6: {  	s19 =	simm.s32 $0x3;
	s20 =	simm.s32 $0x15540;
	s21 =	simm.s32 $0x15520;
	v0 =	vmul.u32 $0x10, v11  }
0x7: {  	s23 =	simm.s32 $0x0;
	[smem:$0x7FF] =	sst s2;
	s3 =	sadd.s32 $0xB000, s0  }
0x8: {  	s4 =	sadd.s32 $0x1000, s0;
	s1 =	sand.u32 $0x1, s1;
	s6 =	sadd.s32 $0x16E4600, s0;
	v11 =	vmul.u32 $0x14, v11;
	v1 =	vor.u32 $0x1, v0  }
0x9: {  	s7 =	sadd.s32 $0xF43400, s0;
	s8 =	sadd.s32 $0x1F000, s0;
	s5 =	ssub.s32 $0x2, s1;
	v2 =	vor.u32 $0x2, v0;
	v3 =	vor.u32 $0x3, v0;
	v4 =	vor.u32 $0x4, v0  }
0xa: {  	s10 =	sshll.u32 s10, $0xA;
	s1 =	sshll.u32 s1, $0x9;
	s9 =	sshrl.u32 s5, $0x1;
	v5 =	vor.u32 $0x5, v0;
	v6 =	vor.u32 $0x6, v0;
	v7 =	vor.u32 $0x7, v0  }
0xb: {  	_ =	strace $0x80000047;
	s10 =	sor.u32 s1, s10;
	v8 =	vor.u32 $0x8, v0;
	v9 =	vor.u32 $0x9, v0;
	v10 =	vor.u32 $0xA, v0;
	s5 =	ssub.s32 s5, s9  }
0xc: {  	s1 =	simm.s32 $0x12520;
	v12 =	vor.u32 $0xB, v0;
	v13 =	vor.u32 $0xC, v0;
	v14 =	vor.u32 $0xD, v0;
	s9 =	sadd.s32 $0x15000, s0;
	s29 =	smax.u32 s5, $0x1  }
0xd: {  	v15 =	vor.u32 $0xE, v0;
	v16 =	vor.u32 $0xF, v0;
	v17 =	vadd.s32 $0x140, v11;
	s0 =	simm.s32 $0x400;
	s5 =	simm.s32 $0x10520;
	[dreg:$0x3] =	wrdreg s29  }
.LBB2_1:
0xe: {  	[dreg:$0x4] =	wrdreg s23;
	s22 =	simm.s32 $0x0  }
.LBB2_2:
0xf: {  	s23 =	sshll.u32 s22, $0x5  }
0x10: {  	s24 =	sadd.s32 s10, s23  }
0x11: {  	s23 =	smul.u32 $0x14, s24;
	_ =	sdelay $0x1  }
0x12: {  	s23 =	sshrl.u32 s23, $0x3  }
0x13: {  	s26 =	simm.s32 $0x0;
	s25 =	sadd.s32 s3, s23  }
0x14: {  	[tilespmem:s26], [sflag:$0x4] =	stream.linear.gather [hbm4b:s25+s26], $0x280, $0x38;
	[tilespmem:$0x158C0] =	vst v63  }
0x15: {  	_ =	swait.ge [sflag:s12], $0x280  }
0x16: {  	[sflag:s12] =	ssyncset.done $0x0  }
0x17: {  	s29 =	sadd.s32 s4, s23;
	[sflag:s12] =	ssyncadd.s32 $0xFFFFFD80  }
0x18: {  	[tilespmem:s13], [sflag:$0x4] =	stream.linear.gather [hbm4b:s29+s26], $0x280, $0x38;
	[tilespmem:$0x158C0] =	vst v63  }
0x19: {  	_ =	swait.ge [sflag:s12], $0x280  }
0x1a: {  	[sflag:s12] =	ssyncset.done $0x0  }
0x1b: {  	[sflag:s12] =	ssyncadd.s32 $0xFFFFFD80  }
0x1c: {  	s24 =	sshrl.u32 s24, $0x3;
	s29 =	rddreg [dreg:$0x1]  }
0x1d: {  	s25 =	sadd.s32 s29, s24  }
0x1e: {  	[tilespmem:s14], [sflag:$0x4] =	stream.linear.gather [hbm4b:s25+s26], $0x20, $0x38;
	[tilespmem:$0x158C0] =	vst v63  }
0x1f: {  	_ =	swait.ge [sflag:s12], $0x20  }
0x20: {  	[sflag:s12] =	ssyncset.done $0x0  }
0x21: {  	s29 =	simm.s32 $0x520;
	[sflag:s12] =	ssyncadd.s32 $0xFFFFFFE0  }
0x22: {  	[tilespmem:s29], [sflag:$0x1] =	stream.indirect.gather [hbm4b:s6+s15], $0x40, s26, s15, $0xb8;
	[tilespmem:$0x158C0] =	vst v63  }
0x23: {  	s29 =	simm.s32 $0x2520  }
0x24: {  	[tilespmem:s29], [sflag:$0x1] =	stream.indirect.gather [hbm4b:s6+s15], $0x40, s15, s15, $0xb8;
	[tilespmem:$0x158C0] =	vst v63  }
0x25: {  	s26 =	simm.s32 $0x100;
	s29 =	simm.s32 $0x4520  }
0x26: {  	[tilespmem:s29], [sflag:$0x1] =	stream.indirect.gather [hbm4b:s6+s15], $0x40, s26, s15, $0xb8;
	[tilespmem:$0x158C0] =	vst v63  }
0x27: {  	s26 =	simm.s32 $0x180;
	s29 =	simm.s32 $0x6520  }
0x28: {  	[tilespmem:s29], [sflag:$0x1] =	stream.indirect.gather [hbm4b:s6+s15], $0x40, s26, s15, $0xb8;
	[tilespmem:$0x158C0] =	vst v63  }
0x29: {  	s26 =	simm.s32 $0x200;
	s29 =	simm.s32 $0x8520  }
0x2a: {  	[tilespmem:s29], [sflag:$0x1] =	stream.indirect.gather [hbm4b:s6+s15], $0x40, s26, s15, $0xb8;
	[tilespmem:$0x158C0] =	vst v63  }
0x2b: {  	s26 =	simm.s32 $0x20;
	s29 =	simm.s32 $0x14520  }
0x2c: {  	[tilespmem:s29], [sflag:$0x2] =	stream.indirect.gather [hbm4b:s7+s26], $0x40, s14, s26, $0xb8;
	[tilespmem:$0x158C0] =	vst v63  }
0x2d: {  	s29 =	simm.s32 $0xA520  }
0x2e: {  	[tilespmem:s29], [sflag:$0x3] =	stream.indirect.gather [hbm4b:s7+s15], $0x40, s13, s15, $0xb8;
	[tilespmem:$0x158C0] =	vst v63  }
0x2f: {  	s26 =	simm.s32 $0x300;
	s29 =	simm.s32 $0xC520  }
0x30: {  	[tilespmem:s29], [sflag:$0x3] =	stream.indirect.gather [hbm4b:s7+s15], $0x40, s26, s15, $0xb8;
	[tilespmem:$0x158C0] =	vst v63  }
0x31: {  	_ = 	snop  }
0x32: {  	[tilespmem:s31], [sflag:$0x3] =	stream.indirect.gather [hbm4b:s7+s15], $0x40, s30, s15, $0xb8;
	[tilespmem:$0x158C0] =	vst v63  }
0x33: {  	_ = 	snop  }
0x34: {  	[tilespmem:s5], [sflag:$0x3] =	stream.indirect.gather [hbm4b:s7+s15], $0x40, s0, s15, $0xb8;
	[tilespmem:$0x158C0] =	vst v63  }
0x35: {  	_ = 	snop  }
0x36: {  	[tilespmem:s1], [sflag:$0x3] =	stream.indirect.gather [hbm4b:s7+s15], $0x40, s11, s15, $0xb8;
	[tilespmem:$0x158C0] =	vst v63  }
0x37: {  	_ =	swait.ge [sflag:s16], $0x2000  }
0x38: {  	[sflag:s16] =	ssyncset.done $0x0  }
0x39: {  	[sflag:s16] =	ssyncadd.s32 $0xFFFFE000  }
0x3a: {  	_ =	swait.ge [sflag:s16], $0x2000  }
0x3b: {  	[sflag:s16] =	ssyncset.done $0x0  }
0x3c: {  	[sflag:s16] =	ssyncadd.s32 $0xFFFFE000  }
0x3d: {  	_ =	swait.ge [sflag:s16], $0x2000  }
0x3e: {  	[sflag:s16] =	ssyncset.done $0x0  }
0x3f: {  	[sflag:s16] =	ssyncadd.s32 $0xFFFFE000  }
0x40: {  	_ =	swait.ge [sflag:s16], $0x2000  }
0x41: {  	[sflag:s16] =	ssyncset.done $0x0  }
0x42: {  	[sflag:s16] =	ssyncadd.s32 $0xFFFFE000  }
0x43: {  	_ =	swait.ge [sflag:s16], $0x2000  }
0x44: {  	[sflag:s16] =	ssyncset.done $0x0  }
0x45: {  	s25 =	simm.s32 $0x7A0;
	[sflag:s16] =	ssyncadd.s32 $0xFFFFE000  }
0x46: {  	v18 =	vld [tilespmem:s25+$0xFFFFFDC0]  }
0x47: {  	v19 =	vld [tilespmem:s25+$0xFFFFFD80];
	_ =	sdelay $0x1  }
0x48: {  	v20 =	vld [tilespmem:s25+$0xFFFFFE00];
	_ =	sdelay $0x1  }
0x49: {  	v21 =	vld [tilespmem:s25+$0xFFFFFE40]  }
0x4a: {  	v18 =	vadd.f32 v18, v19  }
0x4b: {  	v19 =	vld [tilespmem:s25+$0xFFFFFE80]  }
0x4c: {  	v18 =	vadd.f32 v20, v18  }
0x4d: {  	v20 =	vld [tilespmem:s25+$0xFFFFFEC0]  }
0x4e: {  	v18 =	vadd.f32 v21, v18  }
0x4f: {  	v41 =	vld [tilespmem:s25+$0xFFFFFF00]  }
0x50: {  	v18 =	vadd.f32 v19, v18  }
0x51: {  	v19 =	vld [tilespmem:s25+$0xFFFFFF40]  }
0x52: {  	v18 =	vadd.f32 v20, v18  }
0x53: {  	v20 =	vld [tilespmem:s25+$0xFFFFFF80]  }
0x54: {  	v18 =	vadd.f32 v41, v18  }
0x55: {  	v42 =	vld [tilespmem:s25+$0xFFFFFFC0]  }
0x56: {  	v18 =	vadd.f32 v19, v18  }
0x57: {  	v19 =	vld [tilespmem:s25+$0x0]  }
0x58: {  	v18 =	vadd.f32 v20, v18  }
0x59: {  	v20 =	vld [tilespmem:s25+$0x40]  }
0x5a: {  	v18 =	vadd.f32 v42, v18  }
0x5b: {  	v43 =	vld [tilespmem:s25+$0x80]  }
0x5c: {  	v18 =	vadd.f32 v19, v18  }
0x5d: {  	v19 =	vld [tilespmem:s25+$0xC0]  }
0x5e: {  	v18 =	vadd.f32 v20, v18  }
0x5f: {  	v20 =	vld [tilespmem:s25+$0x100]  }
0x60: {  	v18 =	vadd.f32 v43, v18  }
0x61: {  	v44 =	vld [tilespmem:s25+$0x140]  }
0x62: {  	v18 =	vadd.f32 v19, v18  }
0x63: {  	v19 =	vld [tilespmem:s25+$0x180]  }
0x64: {  	v18 =	vadd.f32 v20, v18  }
0x65: {  	v20 =	vld [tilespmem:s25+$0x1C0]  }
0x66: {  	v18 =	vadd.f32 v44, v18  }
0x67: {  	v45 =	vld [tilespmem:s25+$0x200]  }
0x68: {  	v18 =	vadd.f32 v19, v18  }
0x69: {  	v19 =	vld [tilespmem:s25+$0x240]  }
0x6a: {  	v18 =	vadd.f32 v20, v18;
	_ =	sdelay $0x1  }
0x6b: {  	v18 =	vadd.f32 v45, v18;
	_ =	sdelay $0x1  }
0x6c: {  	v18 =	vadd.f32 v19, v18;
	_ =	sdelay $0x1  }
0x6d: {  	v18 =	vmul.f32 $5.000000070e-02, v18  }
0x6e: {  	s26 =	simm.s32 $0x0  }
0x6f: {  	[tilespmem:s26+$0x14D20] =	vst v18  }
0x70: {  	v18 =	vld [tilespmem:s25+$0xFFFFFD90]  }
0x71: {  	v19 =	vld [tilespmem:s25+$0xFFFFFDD0];
	_ =	sdelay $0x1  }
0x72: {  	v20 =	vld [tilespmem:s25+$0xFFFFFE10];
	_ =	sdelay $0x1  }
0x73: {  	v46 =	vld [tilespmem:s25+$0xFFFFFE50]  }
0x74: {  	v18 =	vadd.f32 v19, v18  }
0x75: {  	v19 =	vld [tilespmem:s25+$0xFFFFFE90]  }
0x76: {  	v18 =	vadd.f32 v20, v18  }
0x77: {  	v20 =	vld [tilespmem:s25+$0xFFFFFED0]  }
0x78: {  	v18 =	vadd.f32 v46, v18  }
0x79: {  	v47 =	vld [tilespmem:s25+$0xFFFFFF10]  }
0x7a: {  	v18 =	vadd.f32 v19, v18  }
0x7b: {  	v19 =	vld [tilespmem:s25+$0xFFFFFF50]  }
0x7c: {  	v18 =	vadd.f32 v20, v18  }
0x7d: {  	v20 =	vld [tilespmem:s25+$0xFFFFFF90]  }
0x7e: {  	v18 =	vadd.f32 v47, v18  }
0x7f: {  	v48 =	vld [tilespmem:s25+$0xFFFFFFD0]  }
0x80: {  	v18 =	vadd.f32 v19, v18  }
0x81: {  	v19 =	vld [tilespmem:s25+$0x10]  }
0x82: {  	v18 =	vadd.f32 v20, v18  }
0x83: {  	v20 =	vld [tilespmem:s25+$0x50]  }
0x84: {  	v18 =	vadd.f32 v48, v18  }
0x85: {  	v49 =	vld [tilespmem:s25+$0x90]  }
0x86: {  	v18 =	vadd.f32 v19, v18  }
0x87: {  	v19 =	vld [tilespmem:s25+$0xD0]  }
0x88: {  	v18 =	vadd.f32 v20, v18  }
0x89: {  	v20 =	vld [tilespmem:s25+$0x110]  }
0x8a: {  	v18 =	vadd.f32 v49, v18  }
0x8b: {  	v50 =	vld [tilespmem:s25+$0x150]  }
0x8c: {  	v18 =	vadd.f32 v19, v18  }
0x8d: {  	v19 =	vld [tilespmem:s25+$0x190]  }
0x8e: {  	v18 =	vadd.f32 v20, v18  }
0x8f: {  	v20 =	vld [tilespmem:s25+$0x1D0]  }
0x90: {  	v18 =	vadd.f32 v50, v18  }
0x91: {  	v51 =	vld [tilespmem:s25+$0x210]  }
0x92: {  	v18 =	vadd.f32 v19, v18  }
0x93: {  	v19 =	vld [tilespmem:s25+$0x250]  }
0x94: {  	v18 =	vadd.f32 v20, v18;
	_ =	sdelay $0x1  }
0x95: {  	v18 =	vadd.f32 v51, v18;
	_ =	sdelay $0x1  }
0x96: {  	v18 =	vadd.f32 v19, v18;
	_ =	sdelay $0x1  }
0x97: {  	v18 =	vmul.f32 $5.000000070e-02, v18;
	_ =	sdelay $0x1  }
0x98: {  	[tilespmem:s26+$0x14D30] =	vst v18  }
0x99: {  	v18 =	vld [tilespmem:s25+$0xFFFFFDA0]  }
0x9a: {  	v19 =	vld [tilespmem:s25+$0xFFFFFDE0];
	_ =	sdelay $0x1  }
0x9b: {  	v20 =	vld [tilespmem:s25+$0xFFFFFE20];
	_ =	sdelay $0x1  }
0x9c: {  	v52 =	vld [tilespmem:s25+$0xFFFFFE60]  }
0x9d: {  	v18 =	vadd.f32 v19, v18  }
0x9e: {  	v19 =	vld [tilespmem:s25+$0xFFFFFEA0]  }
0x9f: {  	v18 =	vadd.f32 v20, v18  }
0xa0: {  	v20 =	vld [tilespmem:s25+$0xFFFFFEE0]  }
0xa1: {  	v18 =	vadd.f32 v52, v18  }
0xa2: {  	v53 =	vld [tilespmem:s25+$0xFFFFFF20]  }
0xa3: {  	v18 =	vadd.f32 v19, v18  }
0xa4: {  	v19 =	vld [tilespmem:s25+$0xFFFFFF60]  }
0xa5: {  	v18 =	vadd.f32 v20, v18  }
0xa6: {  	v20 =	vld [tilespmem:s25+$0xFFFFFFA0]  }
0xa7: {  	v18 =	vadd.f32 v53, v18  }
0xa8: {  	v54 =	vld [tilespmem:s25+$0xFFFFFFE0]  }
0xa9: {  	v18 =	vadd.f32 v19, v18  }
0xaa: {  	v19 =	vld [tilespmem:s25+$0x20]  }
0xab: {  	v18 =	vadd.f32 v20, v18  }
0xac: {  	v20 =	vld [tilespmem:s25+$0x60]  }
0xad: {  	v18 =	vadd.f32 v54, v18  }
0xae: {  	v55 =	vld [tilespmem:s25+$0xA0]  }
0xaf: {  	v18 =	vadd.f32 v19, v18  }
0xb0: {  	v19 =	vld [tilespmem:s25+$0xE0]  }
0xb1: {  	v18 =	vadd.f32 v20, v18  }
0xb2: {  	v20 =	vld [tilespmem:s25+$0x120]  }
0xb3: {  	v18 =	vadd.f32 v55, v18  }
0xb4: {  	v56 =	vld [tilespmem:s25+$0x160]  }
0xb5: {  	v18 =	vadd.f32 v19, v18  }
0xb6: {  	v19 =	vld [tilespmem:s25+$0x1A0]  }
0xb7: {  	v18 =	vadd.f32 v20, v18  }
0xb8: {  	v20 =	vld [tilespmem:s25+$0x1E0]  }
0xb9: {  	v18 =	vadd.f32 v56, v18  }
0xba: {  	v57 =	vld [tilespmem:s25+$0x220]  }
0xbb: {  	v18 =	vadd.f32 v19, v18  }
0xbc: {  	v19 =	vld [tilespmem:s25+$0x260]  }
0xbd: {  	v18 =	vadd.f32 v20, v18;
	_ =	sdelay $0x1  }
0xbe: {  	v18 =	vadd.f32 v57, v18;
	_ =	sdelay $0x1  }
0xbf: {  	v18 =	vadd.f32 v19, v18;
	_ =	sdelay $0x1  }
0xc0: {  	v18 =	vmul.f32 $5.000000070e-02, v18;
	_ =	sdelay $0x1  }
0xc1: {  	[tilespmem:s26+$0x14D40] =	vst v18  }
0xc2: {  	v18 =	vld [tilespmem:s25+$0xFFFFFDB0]  }
0xc3: {  	v19 =	vld [tilespmem:s25+$0xFFFFFDF0];
	_ =	sdelay $0x1  }
0xc4: {  	v20 =	vld [tilespmem:s25+$0xFFFFFE30];
	_ =	sdelay $0x1  }
0xc5: {  	v58 =	vld [tilespmem:s25+$0xFFFFFE70]  }
0xc6: {  	v18 =	vadd.f32 v19, v18  }
0xc7: {  	v19 =	vld [tilespmem:s25+$0xFFFFFEB0]  }
0xc8: {  	v18 =	vadd.f32 v20, v18  }
0xc9: {  	v20 =	vld [tilespmem:s25+$0xFFFFFEF0]  }
0xca: {  	v18 =	vadd.f32 v58, v18  }
0xcb: {  	v59 =	vld [tilespmem:s25+$0xFFFFFF30]  }
0xcc: {  	v18 =	vadd.f32 v19, v18  }
0xcd: {  	v19 =	vld [tilespmem:s25+$0xFFFFFF70]  }
0xce: {  	v18 =	vadd.f32 v20, v18  }
0xcf: {  	v20 =	vld [tilespmem:s25+$0xFFFFFFB0]  }
0xd0: {  	v18 =	vadd.f32 v59, v18  }
0xd1: {  	v60 =	vld [tilespmem:s25+$0xFFFFFFF0]  }
0xd2: {  	v18 =	vadd.f32 v19, v18  }
0xd3: {  	v19 =	vld [tilespmem:s25+$0x30]  }
0xd4: {  	v18 =	vadd.f32 v20, v18  }
0xd5: {  	v20 =	vld [tilespmem:s25+$0x70]  }
0xd6: {  	v18 =	vadd.f32 v60, v18  }
0xd7: {  	v61 =	vld [tilespmem:s25+$0xB0]  }
0xd8: {  	v18 =	vadd.f32 v19, v18  }
0xd9: {  	v19 =	vld [tilespmem:s25+$0xF0]  }
0xda: {  	v18 =	vadd.f32 v20, v18  }
0xdb: {  	v20 =	vld [tilespmem:s25+$0x130]  }
0xdc: {  	v18 =	vadd.f32 v61, v18  }
0xdd: {  	v62 =	vld [tilespmem:s25+$0x170]  }
0xde: {  	v18 =	vadd.f32 v19, v18  }
0xdf: {  	v19 =	vld [tilespmem:s25+$0x1B0]  }
0xe0: {  	v18 =	vadd.f32 v20, v18  }
0xe1: {  	v20 =	vld [tilespmem:s25+$0x1F0]  }
0xe2: {  	v18 =	vadd.f32 v62, v18;
	_ =	sdelay $0x1  }
0xe3: {  	v63 =	vld [tilespmem:s25+$0x230];
	v18 =	vadd.f32 v19, v18;
	_ =	sdelay $0x1  }
0xe4: {  	v19 =	vadd.f32 v20, v18;
	v18 =	vld [tilespmem:s25+$0x270];
	_ =	sdelay $0x2  }
0xe5: {  	s28 =	simm.s32 $0x100;
	v19 =	vadd.f32 v63, v19  }
.LBB2_3:
0xe6: {  	p0 =	sne.s32 s28, $0x1F00  }
0xe7: {  	s25 =	sadd.s32 $0x500, s25;
	s29 =	smov.u32 s28;
	s28 =	sadd.s32 $0x100, s28;
	v18 =	vadd.f32 v18, v19  }
0xe8: {  	_ = 	snop  }
0xe9: {  	v18 =	vmul.f32 $5.000000070e-02, v18;
	_ =	sdelay $0x1  }
0xea: {  	[tilespmem:s26+$0x14D50] =	vst v18  }
0xeb: {  	v18 =	vld [tilespmem:s25+$0xFFFFFDC0]  }
0xec: {  	v19 =	vld [tilespmem:s25+$0xFFFFFD80];
	_ =	sdelay $0x1  }
0xed: {  	v20 =	vld [tilespmem:s25+$0xFFFFFE00];
	_ =	sdelay $0x1  }
0xee: {  	v21 =	vld [tilespmem:s25+$0xFFFFFE40]  }
0xef: {  	v18 =	vadd.f32 v18, v19  }
0xf0: {  	v19 =	vld [tilespmem:s25+$0xFFFFFE80]  }
0xf1: {  	v18 =	vadd.f32 v20, v18  }
0xf2: {  	v20 =	vld [tilespmem:s25+$0xFFFFFEC0]  }
0xf3: {  	v18 =	vadd.f32 v21, v18  }
0xf4: {  	v21 =	vld [tilespmem:s25+$0xFFFFFF00]  }
0xf5: {  	v18 =	vadd.f32 v19, v18  }
0xf6: {  	v19 =	vld [tilespmem:s25+$0xFFFFFF40]  }
0xf7: {  	v18 =	vadd.f32 v20, v18  }
0xf8: {  	v20 =	vld [tilespmem:s25+$0xFFFFFF80]  }
0xf9: {  	v18 =	vadd.f32 v21, v18  }
0xfa: {  	v21 =	vld [tilespmem:s25+$0xFFFFFFC0]  }
0xfb: {  	v18 =	vadd.f32 v19, v18  }
0xfc: {  	v19 =	vld [tilespmem:s25+$0x0]  }
0xfd: {  	v18 =	vadd.f32 v20, v18  }
0xfe: {  	v20 =	vld [tilespmem:s25+$0x40]  }
0xff: {  	v18 =	vadd.f32 v21, v18  }
0x100: {  	v21 =	vld [tilespmem:s25+$0x80]  }
0x101: {  	v18 =	vadd.f32 v19, v18  }
0x102: {  	v19 =	vld [tilespmem:s25+$0xC0]  }
0x103: {  	v18 =	vadd.f32 v20, v18  }
0x104: {  	v20 =	vld [tilespmem:s25+$0x100]  }
0x105: {  	v18 =	vadd.f32 v21, v18  }
0x106: {  	v21 =	vld [tilespmem:s25+$0x140]  }
0x107: {  	v18 =	vadd.f32 v19, v18  }
0x108: {  	v19 =	vld [tilespmem:s25+$0x180]  }
0x109: {  	v18 =	vadd.f32 v20, v18  }
0x10a: {  	v20 =	vld [tilespmem:s25+$0x1C0]  }
0x10b: {  	v18 =	vadd.f32 v21, v18  }
0x10c: {  	v21 =	vld [tilespmem:s25+$0x200]  }
0x10d: {  	v18 =	vadd.f32 v19, v18  }
0x10e: {  	v19 =	vld [tilespmem:s25+$0x240]  }
0x10f: {  	v18 =	vadd.f32 v20, v18;
	_ =	sdelay $0x1  }
0x110: {  	v18 =	vadd.f32 v21, v18;
	_ =	sdelay $0x1  }
0x111: {  	v18 =	vadd.f32 v19, v18;
	_ =	sdelay $0x1  }
0x112: {  	v18 =	vmul.f32 $5.000000070e-02, v18  }
0x113: {  	s26 =	sshra.s32 s29, $0x2  }
0x114: {  	[tilespmem:s26+$0x14D20] =	vst v18  }
0x115: {  	v18 =	vld [tilespmem:s25+$0xFFFFFD90]  }
0x116: {  	v19 =	vld [tilespmem:s25+$0xFFFFFDD0];
	_ =	sdelay $0x1  }
0x117: {  	v20 =	vld [tilespmem:s25+$0xFFFFFE10];
	_ =	sdelay $0x1  }
0x118: {  	v21 =	vld [tilespmem:s25+$0xFFFFFE50]  }
0x119: {  	v18 =	vadd.f32 v19, v18  }
0x11a: {  	v19 =	vld [tilespmem:s25+$0xFFFFFE90]  }
0x11b: {  	v18 =	vadd.f32 v20, v18  }
0x11c: {  	v20 =	vld [tilespmem:s25+$0xFFFFFED0]  }
0x11d: {  	v18 =	vadd.f32 v21, v18  }
0x11e: {  	v21 =	vld [tilespmem:s25+$0xFFFFFF10]  }
0x11f: {  	v18 =	vadd.f32 v19, v18  }
0x120: {  	v19 =	vld [tilespmem:s25+$0xFFFFFF50]  }
0x121: {  	v18 =	vadd.f32 v20, v18  }
0x122: {  	v20 =	vld [tilespmem:s25+$0xFFFFFF90]  }
0x123: {  	v18 =	vadd.f32 v21, v18  }
0x124: {  	v21 =	vld [tilespmem:s25+$0xFFFFFFD0]  }
0x125: {  	v18 =	vadd.f32 v19, v18  }
0x126: {  	v19 =	vld [tilespmem:s25+$0x10]  }
0x127: {  	v18 =	vadd.f32 v20, v18  }
0x128: {  	v20 =	vld [tilespmem:s25+$0x50]  }
0x129: {  	v18 =	vadd.f32 v21, v18  }
0x12a: {  	v21 =	vld [tilespmem:s25+$0x90]  }
0x12b: {  	v18 =	vadd.f32 v19, v18  }
0x12c: {  	v19 =	vld [tilespmem:s25+$0xD0]  }
0x12d: {  	v18 =	vadd.f32 v20, v18  }
0x12e: {  	v20 =	vld [tilespmem:s25+$0x110]  }
0x12f: {  	v18 =	vadd.f32 v21, v18  }
0x130: {  	v21 =	vld [tilespmem:s25+$0x150]  }
0x131: {  	v18 =	vadd.f32 v19, v18  }
0x132: {  	v19 =	vld [tilespmem:s25+$0x190]  }
0x133: {  	v18 =	vadd.f32 v20, v18  }
0x134: {  	v20 =	vld [tilespmem:s25+$0x1D0]  }
0x135: {  	v18 =	vadd.f32 v21, v18  }
0x136: {  	v21 =	vld [tilespmem:s25+$0x210]  }
0x137: {  	v18 =	vadd.f32 v19, v18  }
0x138: {  	v19 =	vld [tilespmem:s25+$0x250]  }
0x139: {  	v18 =	vadd.f32 v20, v18;
	_ =	sdelay $0x1  }
0x13a: {  	v18 =	vadd.f32 v21, v18;
	_ =	sdelay $0x1  }
0x13b: {  	v18 =	vadd.f32 v19, v18;
	_ =	sdelay $0x1  }
0x13c: {  	v18 =	vmul.f32 $5.000000070e-02, v18;
	_ =	sdelay $0x1  }
0x13d: {  	[tilespmem:s26+$0x14D30] =	vst v18  }
0x13e: {  	v18 =	vld [tilespmem:s25+$0xFFFFFDA0]  }
0x13f: {  	v19 =	vld [tilespmem:s25+$0xFFFFFDE0];
	_ =	sdelay $0x1  }
0x140: {  	v20 =	vld [tilespmem:s25+$0xFFFFFE20];
	_ =	sdelay $0x1  }
0x141: {  	v21 =	vld [tilespmem:s25+$0xFFFFFE60]  }
0x142: {  	v18 =	vadd.f32 v19, v18  }
0x143: {  	v19 =	vld [tilespmem:s25+$0xFFFFFEA0]  }
0x144: {  	v18 =	vadd.f32 v20, v18  }
0x145: {  	v20 =	vld [tilespmem:s25+$0xFFFFFEE0]  }
0x146: {  	v18 =	vadd.f32 v21, v18  }
0x147: {  	v21 =	vld [tilespmem:s25+$0xFFFFFF20]  }
0x148: {  	v18 =	vadd.f32 v19, v18  }
0x149: {  	v19 =	vld [tilespmem:s25+$0xFFFFFF60]  }
0x14a: {  	v18 =	vadd.f32 v20, v18  }
0x14b: {  	v20 =	vld [tilespmem:s25+$0xFFFFFFA0]  }
0x14c: {  	v18 =	vadd.f32 v21, v18  }
0x14d: {  	v21 =	vld [tilespmem:s25+$0xFFFFFFE0]  }
0x14e: {  	v18 =	vadd.f32 v19, v18  }
0x14f: {  	v19 =	vld [tilespmem:s25+$0x20]  }
0x150: {  	v18 =	vadd.f32 v20, v18  }
0x151: {  	v20 =	vld [tilespmem:s25+$0x60]  }
0x152: {  	v18 =	vadd.f32 v21, v18  }
0x153: {  	v21 =	vld [tilespmem:s25+$0xA0]  }
0x154: {  	v18 =	vadd.f32 v19, v18  }
0x155: {  	v19 =	vld [tilespmem:s25+$0xE0]  }
0x156: {  	v18 =	vadd.f32 v20, v18  }
0x157: {  	v20 =	vld [tilespmem:s25+$0x120]  }
0x158: {  	v18 =	vadd.f32 v21, v18  }
0x159: {  	v21 =	vld [tilespmem:s25+$0x160]  }
0x15a: {  	v18 =	vadd.f32 v19, v18  }
0x15b: {  	v19 =	vld [tilespmem:s25+$0x1A0]  }
0x15c: {  	v18 =	vadd.f32 v20, v18  }
0x15d: {  	v20 =	vld [tilespmem:s25+$0x1E0]  }
0x15e: {  	v18 =	vadd.f32 v21, v18  }
0x15f: {  	v21 =	vld [tilespmem:s25+$0x220]  }
0x160: {  	v18 =	vadd.f32 v19, v18  }
0x161: {  	v19 =	vld [tilespmem:s25+$0x260]  }
0x162: {  	v18 =	vadd.f32 v20, v18;
	_ =	sdelay $0x1  }
0x163: {  	v18 =	vadd.f32 v21, v18;
	_ =	sdelay $0x1  }
0x164: {  	v18 =	vadd.f32 v19, v18;
	_ =	sdelay $0x1  }
0x165: {  	v18 =	vmul.f32 $5.000000070e-02, v18;
	_ =	sdelay $0x1  }
0x166: {  	[tilespmem:s26+$0x14D40] =	vst v18  }
0x167: {  	v18 =	vld [tilespmem:s25+$0xFFFFFDB0]  }
0x168: {  	v19 =	vld [tilespmem:s25+$0xFFFFFDF0]  }
0x169: {  	v20 =	vld [tilespmem:s25+$0xFFFFFE30]  }
0x16a: {  	v21 =	vld [tilespmem:s25+$0xFFFFFE70]  }
0x16b: {  	v22 =	vld [tilespmem:s25+$0xFFFFFEB0]  }
0x16c: {  	v23 =	vld [tilespmem:s25+$0xFFFFFEF0]  }
0x16d: {  	v18 =	vadd.f32 v19, v18;
	v19 =	vld [tilespmem:s25+$0xFFFFFF30]  }
0x16e: {  	v24 =	vld [tilespmem:s25+$0xFFFFFF70]  }
0x16f: {  	v18 =	vadd.f32 v20, v18;
	v20 =	vld [tilespmem:s25+$0xFFFFFFB0]  }
0x170: {  	v25 =	vld [tilespmem:s25+$0xFFFFFFF0]  }
0x171: {  	v18 =	vadd.f32 v21, v18;
	v21 =	vld [tilespmem:s25+$0x30]  }
0x172: {  	v26 =	vld [tilespmem:s25+$0x70]  }
0x173: {  	v18 =	vadd.f32 v22, v18;
	v22 =	vld [tilespmem:s25+$0xB0]  }
0x174: {  	v27 =	vld [tilespmem:s25+$0xF0]  }
0x175: {  	v18 =	vadd.f32 v23, v18;
	v23 =	vld [tilespmem:s25+$0x130]  }
0x176: {  	v28 =	vld [tilespmem:s25+$0x170]  }
0x177: {  	v18 =	vadd.f32 v19, v18;
	v19 =	vld [tilespmem:s25+$0x1B0]  }
0x178: {  	v29 =	vld [tilespmem:s25+$0x1F0]  }
0x179: {  	v24 =	vadd.f32 v24, v18;
	v30 =	vld [tilespmem:s25+$0x230]  }
0x17a: {  	v18 =	vld [tilespmem:s25+$0x270]  }
0x17b: {  	v20 =	vadd.f32 v20, v24;
	_ =	sdelay $0x1  }
0x17c: {  	v20 =	vadd.f32 v25, v20;
	_ =	sdelay $0x1  }
0x17d: {  	v20 =	vadd.f32 v21, v20;
	_ =	sdelay $0x1  }
0x17e: {  	v20 =	vadd.f32 v26, v20;
	_ =	sdelay $0x1  }
0x17f: {  	v20 =	vadd.f32 v22, v20;
	_ =	sdelay $0x1  }
0x180: {  	v20 =	vadd.f32 v27, v20;
	_ =	sdelay $0x1  }
0x181: {  	v20 =	vadd.f32 v23, v20;
	_ =	sdelay $0x1  }
0x182: {  	v20 =	vadd.f32 v28, v20;
	_ =	sdelay $0x1  }
.Ltmp0:
0x183: {  	v19 =	vadd.f32 v19, v20;
	(pc) =	sbr.rel @p0 .LBB2_3-.Ltmp0, $3  }
0x184: {  	_ = 	snop  }
0x185: {  	v19 =	vadd.f32 v29, v19;
	_ =	sdelay $0x1  }
0x186: {  	v19 =	vadd.f32 v30, v19  }
0x187: {  	_ = 	snop  }
0x188: {  	v18 =	vadd.f32 v18, v19;
	_ =	sdelay $0x1  }
0x189: {  	v18 =	vmul.f32 $5.000000070e-02, v18;
	_ =	sdelay $0x1  }
0x18a: {  	[tilespmem:s26+$0x14D50] =	vst v18  }
0x18b: {  	_ =	swait.ge [sflag:s17], $0x800  }
0x18c: {  	[sflag:s17] =	ssyncset.done $0x0  }
0x18d: {  	[sflag:s17] =	ssyncadd.s32 $0xFFFFF800  }
0x18e: {  	v18 =	vld [tilespmem:$0x14520]  }
0x18f: {  	v19 =	vld [tilespmem:$0x14D20]  }
0x190: {  	v20 =	vld [tilespmem:$0x14530]  }
0x191: {  	v21 =	vld [tilespmem:$0x14D30]  }
0x192: {  	v22 =	vld [tilespmem:$0x14540]  }
0x193: {  	v23 =	vld [tilespmem:$0x14D40]  }
0x194: {  	v24 =	vld [tilespmem:$0x14550]  }
0x195: {  	v25 =	vld [tilespmem:$0x14D50]  }
0x196: {  	v18 =	vmul.f32 v19, v18;
	v19 =	vmul.f32 v21, v20;
	_ =	sdelay $0x1  }
0x197: {  	v18 =	vadd.f32 v19, v18;
	v19 =	vmul.f32 v23, v22;
	_ =	sdelay $0x1  }
0x198: {  	v18 =	vadd.f32 v19, v18;
	v19 =	vmul.f32 v25, v24;
	_ =	sdelay $0x1  }
0x199: {  	v18 =	vadd.f32 v19, v18;
	_ =	sdelay $0x1  }
0x19a: {  	[tilespmem:v0+s18+$0x0] =	vst.idx.msk $0xffff, v18  }
0x19b: {  	v18 =	vld [tilespmem:$0x14560]  }
0x19c: {  	v19 =	vld [tilespmem:$0x14D60]  }
0x19d: {  	v33 =	vld [tilespmem:$0x14570]  }
0x19e: {  	v34 =	vld [tilespmem:$0x14D70]  }
0x19f: {  	v35 =	vld [tilespmem:$0x14580]  }
0x1a0: {  	v36 =	vld [tilespmem:$0x14D80]  }
0x1a1: {  	v37 =	vld [tilespmem:$0x14590]  }
0x1a2: {  	v38 =	vld [tilespmem:$0x14D90]  }
0x1a3: {  	v18 =	vmul.f32 v19, v18;
	v19 =	vmul.f32 v34, v33;
	_ =	sdelay $0x1  }
0x1a4: {  	v18 =	vadd.f32 v19, v18;
	v19 =	vmul.f32 v36, v35;
	_ =	sdelay $0x1  }
0x1a5: {  	v18 =	vadd.f32 v19, v18;
	v19 =	vmul.f32 v38, v37;
	_ =	sdelay $0x1  }
0x1a6: {  	v18 =	vadd.f32 v19, v18;
	_ =	sdelay $0x1  }
0x1a7: {  	[tilespmem:v1+s18+$0x0] =	vst.idx.msk $0xffff, v18  }
0x1a8: {  	v18 =	vld [tilespmem:$0x145A0]  }
0x1a9: {  	v19 =	vld [tilespmem:$0x14DA0]  }
0x1aa: {  	v39 =	vld [tilespmem:$0x145B0]  }
0x1ab: {  	v40 =	vld [tilespmem:$0x14DB0]  }
0x1ac: {  	v41 =	vld [tilespmem:$0x145C0]  }
0x1ad: {  	v42 =	vld [tilespmem:$0x14DC0]  }
0x1ae: {  	v43 =	vld [tilespmem:$0x145D0]  }
0x1af: {  	v44 =	vld [tilespmem:$0x14DD0]  }
0x1b0: {  	v18 =	vmul.f32 v19, v18;
	v19 =	vmul.f32 v40, v39;
	_ =	sdelay $0x1  }
0x1b1: {  	v18 =	vadd.f32 v19, v18;
	v19 =	vmul.f32 v42, v41;
	_ =	sdelay $0x1  }
0x1b2: {  	v18 =	vadd.f32 v19, v18;
	v19 =	vmul.f32 v44, v43;
	_ =	sdelay $0x1  }
0x1b3: {  	v18 =	vadd.f32 v19, v18;
	_ =	sdelay $0x1  }
0x1b4: {  	[tilespmem:v2+s18+$0x0] =	vst.idx.msk $0xffff, v18  }
0x1b5: {  	v18 =	vld [tilespmem:$0x145E0]  }
0x1b6: {  	v19 =	vld [tilespmem:$0x14DE0]  }
0x1b7: {  	v45 =	vld [tilespmem:$0x145F0]  }
0x1b8: {  	v46 =	vld [tilespmem:$0x14DF0]  }
0x1b9: {  	v47 =	vld [tilespmem:$0x14600]  }
0x1ba: {  	v48 =	vld [tilespmem:$0x14E00]  }
0x1bb: {  	v49 =	vld [tilespmem:$0x14610]  }
0x1bc: {  	v50 =	vld [tilespmem:$0x14E10]  }
0x1bd: {  	v18 =	vmul.f32 v19, v18;
	v19 =	vmul.f32 v46, v45;
	_ =	sdelay $0x1  }
0x1be: {  	v18 =	vadd.f32 v19, v18;
	v19 =	vmul.f32 v48, v47;
	_ =	sdelay $0x1  }
0x1bf: {  	v18 =	vadd.f32 v19, v18;
	v19 =	vmul.f32 v50, v49;
	_ =	sdelay $0x1  }
0x1c0: {  	v18 =	vadd.f32 v19, v18;
	_ =	sdelay $0x1  }
0x1c1: {  	[tilespmem:v3+s18+$0x0] =	vst.idx.msk $0xffff, v18  }
0x1c2: {  	v18 =	vld [tilespmem:$0x14620]  }
0x1c3: {  	v19 =	vld [tilespmem:$0x14E20]  }
0x1c4: {  	v51 =	vld [tilespmem:$0x14630]  }
0x1c5: {  	v52 =	vld [tilespmem:$0x14E30]  }
0x1c6: {  	v53 =	vld [tilespmem:$0x14640]  }
0x1c7: {  	v54 =	vld [tilespmem:$0x14E40]  }
0x1c8: {  	v55 =	vld [tilespmem:$0x14650]  }
0x1c9: {  	v56 =	vld [tilespmem:$0x14E50]  }
0x1ca: {  	v18 =	vmul.f32 v19, v18;
	v19 =	vmul.f32 v52, v51;
	_ =	sdelay $0x1  }
0x1cb: {  	v18 =	vadd.f32 v19, v18;
	v19 =	vmul.f32 v54, v53;
	_ =	sdelay $0x1  }
0x1cc: {  	v18 =	vadd.f32 v19, v18;
	v19 =	vmul.f32 v56, v55;
	_ =	sdelay $0x1  }
0x1cd: {  	v18 =	vadd.f32 v19, v18;
	_ =	sdelay $0x1  }
0x1ce: {  	[tilespmem:v4+s18+$0x0] =	vst.idx.msk $0xffff, v18  }
0x1cf: {  	v18 =	vld [tilespmem:$0x14660]  }
0x1d0: {  	v19 =	vld [tilespmem:$0x14E60]  }
0x1d1: {  	v57 =	vld [tilespmem:$0x14670]  }
0x1d2: {  	v58 =	vld [tilespmem:$0x14E70]  }
0x1d3: {  	v59 =	vld [tilespmem:$0x14680]  }
0x1d4: {  	v60 =	vld [tilespmem:$0x14E80]  }
0x1d5: {  	v61 =	vld [tilespmem:$0x14690]  }
0x1d6: {  	v62 =	vld [tilespmem:$0x14E90]  }
0x1d7: {  	v18 =	vmul.f32 v19, v18;
	v19 =	vmul.f32 v58, v57;
	_ =	sdelay $0x1  }
0x1d8: {  	v18 =	vadd.f32 v19, v18;
	v19 =	vmul.f32 v60, v59;
	_ =	sdelay $0x1  }
0x1d9: {  	v18 =	vadd.f32 v19, v18;
	v19 =	vmul.f32 v62, v61;
	_ =	sdelay $0x1  }
0x1da: {  	v18 =	vadd.f32 v19, v18;
	_ =	sdelay $0x1  }
0x1db: {  	[tilespmem:v5+s18+$0x0] =	vst.idx.msk $0xffff, v18  }
0x1dc: {  	v18 =	vld [tilespmem:$0x146A0]  }
0x1dd: {  	v19 =	vld [tilespmem:$0x14EA0]  }
0x1de: {  	v63 =	vld [tilespmem:$0x146B0]  }
0x1df: {  	v28 =	vld [tilespmem:$0x14EB0]  }
0x1e0: {  	v29 =	vld [tilespmem:$0x146C0]  }
0x1e1: {  	v30 =	vld [tilespmem:$0x14EC0]  }
0x1e2: {  	v31 =	vld [tilespmem:$0x146D0]  }
0x1e3: {  	v32 =	vld [tilespmem:$0x14ED0]  }
0x1e4: {  	v18 =	vmul.f32 v19, v18;
	v19 =	vmul.f32 v28, v63;
	_ =	sdelay $0x1  }
0x1e5: {  	v18 =	vadd.f32 v19, v18;
	v19 =	vmul.f32 v30, v29;
	_ =	sdelay $0x1  }
0x1e6: {  	v18 =	vadd.f32 v19, v18;
	v19 =	vmul.f32 v32, v31;
	_ =	sdelay $0x1  }
0x1e7: {  	v18 =	vadd.f32 v19, v18;
	_ =	sdelay $0x1  }
0x1e8: {  	[tilespmem:v6+s18+$0x0] =	vst.idx.msk $0xffff, v18  }
0x1e9: {  	v18 =	vld [tilespmem:$0x146E0]  }
0x1ea: {  	v19 =	vld [tilespmem:$0x14EE0]  }
0x1eb: {  	v33 =	vld [tilespmem:$0x146F0]  }
0x1ec: {  	v34 =	vld [tilespmem:$0x14EF0]  }
0x1ed: {  	v35 =	vld [tilespmem:$0x14700]  }
0x1ee: {  	v36 =	vld [tilespmem:$0x14F00]  }
0x1ef: {  	v37 =	vld [tilespmem:$0x14710]  }
0x1f0: {  	v38 =	vld [tilespmem:$0x14F10]  }
0x1f1: {  	v18 =	vmul.f32 v19, v18;
	v19 =	vmul.f32 v34, v33;
	_ =	sdelay $0x1  }
0x1f2: {  	v18 =	vadd.f32 v19, v18;
	v19 =	vmul.f32 v36, v35;
	_ =	sdelay $0x1  }
0x1f3: {  	v18 =	vadd.f32 v19, v18;
	v19 =	vmul.f32 v38, v37;
	_ =	sdelay $0x1  }
0x1f4: {  	v18 =	vadd.f32 v19, v18;
	_ =	sdelay $0x1  }
0x1f5: {  	[tilespmem:v7+s18+$0x0] =	vst.idx.msk $0xffff, v18  }
0x1f6: {  	v18 =	vld [tilespmem:$0x14720]  }
0x1f7: {  	v19 =	vld [tilespmem:$0x14F20]  }
0x1f8: {  	v39 =	vld [tilespmem:$0x14730]  }
0x1f9: {  	v40 =	vld [tilespmem:$0x14F30]  }
0x1fa: {  	v41 =	vld [tilespmem:$0x14740]  }
0x1fb: {  	v42 =	vld [tilespmem:$0x14F40]  }
0x1fc: {  	v43 =	vld [tilespmem:$0x14750]  }
0x1fd: {  	v44 =	vld [tilespmem:$0x14F50]  }
0x1fe: {  	v18 =	vmul.f32 v19, v18;
	v19 =	vmul.f32 v40, v39;
	_ =	sdelay $0x1  }
0x1ff: {  	v18 =	vadd.f32 v19, v18;
	v19 =	vmul.f32 v42, v41;
	_ =	sdelay $0x1  }
0x200: {  	v18 =	vadd.f32 v19, v18;
	v19 =	vmul.f32 v44, v43;
	_ =	sdelay $0x1  }
0x201: {  	v18 =	vadd.f32 v19, v18;
	_ =	sdelay $0x1  }
0x202: {  	[tilespmem:v8+s18+$0x0] =	vst.idx.msk $0xffff, v18  }
0x203: {  	v18 =	vld [tilespmem:$0x14760]  }
0x204: {  	v19 =	vld [tilespmem:$0x14F60]  }
0x205: {  	v45 =	vld [tilespmem:$0x14770]  }
0x206: {  	v46 =	vld [tilespmem:$0x14F70]  }
0x207: {  	v47 =	vld [tilespmem:$0x14780]  }
0x208: {  	v48 =	vld [tilespmem:$0x14F80]  }
0x209: {  	v49 =	vld [tilespmem:$0x14790]  }
0x20a: {  	v50 =	vld [tilespmem:$0x14F90]  }
0x20b: {  	v18 =	vmul.f32 v19, v18;
	v19 =	vmul.f32 v46, v45;
	_ =	sdelay $0x1  }
0x20c: {  	v18 =	vadd.f32 v19, v18;
	v19 =	vmul.f32 v48, v47;
	_ =	sdelay $0x1  }
0x20d: {  	v18 =	vadd.f32 v19, v18;
	v19 =	vmul.f32 v50, v49;
	_ =	sdelay $0x1  }
0x20e: {  	v18 =	vadd.f32 v19, v18;
	_ =	sdelay $0x1  }
0x20f: {  	[tilespmem:v9+s18+$0x0] =	vst.idx.msk $0xffff, v18  }
0x210: {  	v18 =	vld [tilespmem:$0x147A0]  }
0x211: {  	v19 =	vld [tilespmem:$0x14FA0]  }
0x212: {  	v51 =	vld [tilespmem:$0x147B0]  }
0x213: {  	v52 =	vld [tilespmem:$0x14FB0]  }
0x214: {  	v53 =	vld [tilespmem:$0x147C0]  }
0x215: {  	v54 =	vld [tilespmem:$0x14FC0]  }
0x216: {  	v55 =	vld [tilespmem:$0x147D0]  }
0x217: {  	v56 =	vld [tilespmem:$0x14FD0]  }
0x218: {  	v18 =	vmul.f32 v19, v18;
	v19 =	vmul.f32 v52, v51;
	_ =	sdelay $0x1  }
0x219: {  	v18 =	vadd.f32 v19, v18;
	v19 =	vmul.f32 v54, v53;
	_ =	sdelay $0x1  }
0x21a: {  	v18 =	vadd.f32 v19, v18;
	v19 =	vmul.f32 v56, v55;
	_ =	sdelay $0x1  }
0x21b: {  	v18 =	vadd.f32 v19, v18;
	_ =	sdelay $0x1  }
0x21c: {  	[tilespmem:v10+s18+$0x0] =	vst.idx.msk $0xffff, v18  }
0x21d: {  	v18 =	vld [tilespmem:$0x147E0]  }
0x21e: {  	v19 =	vld [tilespmem:$0x14FE0]  }
0x21f: {  	v57 =	vld [tilespmem:$0x147F0]  }
0x220: {  	v58 =	vld [tilespmem:$0x14FF0]  }
0x221: {  	v59 =	vld [tilespmem:$0x14800]  }
0x222: {  	v60 =	vld [tilespmem:$0x15000]  }
0x223: {  	v61 =	vld [tilespmem:$0x14810]  }
0x224: {  	v62 =	vld [tilespmem:$0x15010]  }
0x225: {  	v18 =	vmul.f32 v19, v18;
	v19 =	vmul.f32 v58, v57;
	_ =	sdelay $0x1  }
0x226: {  	v18 =	vadd.f32 v19, v18;
	v19 =	vmul.f32 v60, v59;
	_ =	sdelay $0x1  }
0x227: {  	v18 =	vadd.f32 v19, v18;
	v19 =	vmul.f32 v62, v61;
	_ =	sdelay $0x1  }
0x228: {  	v18 =	vadd.f32 v19, v18;
	_ =	sdelay $0x1  }
0x229: {  	[tilespmem:v12+s18+$0x0] =	vst.idx.msk $0xffff, v18  }
0x22a: {  	v18 =	vld [tilespmem:$0x14820]  }
0x22b: {  	v19 =	vld [tilespmem:$0x15020]  }
0x22c: {  	v63 =	vld [tilespmem:$0x14830]  }
0x22d: {  	v28 =	vld [tilespmem:$0x15030]  }
0x22e: {  	v29 =	vld [tilespmem:$0x14840]  }
0x22f: {  	v30 =	vld [tilespmem:$0x15040]  }
0x230: {  	v31 =	vld [tilespmem:$0x14850]  }
0x231: {  	v32 =	vld [tilespmem:$0x15050]  }
0x232: {  	v18 =	vmul.f32 v19, v18;
	v19 =	vmul.f32 v28, v63;
	_ =	sdelay $0x1  }
0x233: {  	v18 =	vadd.f32 v19, v18;
	v19 =	vmul.f32 v30, v29;
	_ =	sdelay $0x1  }
0x234: {  	v18 =	vadd.f32 v19, v18;
	v19 =	vmul.f32 v32, v31;
	_ =	sdelay $0x1  }
0x235: {  	v18 =	vadd.f32 v19, v18;
	_ =	sdelay $0x1  }
0x236: {  	[tilespmem:v13+s18+$0x0] =	vst.idx.msk $0xffff, v18  }
0x237: {  	v18 =	vld [tilespmem:$0x14860]  }
0x238: {  	v19 =	vld [tilespmem:$0x15060]  }
0x239: {  	v33 =	vld [tilespmem:$0x14870]  }
0x23a: {  	v34 =	vld [tilespmem:$0x15070]  }
0x23b: {  	v35 =	vld [tilespmem:$0x14880]  }
0x23c: {  	v36 =	vld [tilespmem:$0x15080]  }
0x23d: {  	v37 =	vld [tilespmem:$0x14890]  }
0x23e: {  	v38 =	vld [tilespmem:$0x15090]  }
0x23f: {  	v18 =	vmul.f32 v19, v18;
	v19 =	vmul.f32 v34, v33;
	_ =	sdelay $0x1  }
0x240: {  	v18 =	vadd.f32 v19, v18;
	v19 =	vmul.f32 v36, v35;
	_ =	sdelay $0x1  }
0x241: {  	v18 =	vadd.f32 v19, v18;
	v19 =	vmul.f32 v38, v37;
	_ =	sdelay $0x1  }
0x242: {  	v18 =	vadd.f32 v19, v18;
	_ =	sdelay $0x1  }
0x243: {  	[tilespmem:v14+s18+$0x0] =	vst.idx.msk $0xffff, v18  }
0x244: {  	v18 =	vld [tilespmem:$0x148A0]  }
0x245: {  	v19 =	vld [tilespmem:$0x150A0]  }
0x246: {  	v39 =	vld [tilespmem:$0x148B0]  }
0x247: {  	v40 =	vld [tilespmem:$0x150B0]  }
0x248: {  	v41 =	vld [tilespmem:$0x148C0]  }
0x249: {  	v42 =	vld [tilespmem:$0x150C0]  }
0x24a: {  	v43 =	vld [tilespmem:$0x148D0]  }
0x24b: {  	v44 =	vld [tilespmem:$0x150D0]  }
0x24c: {  	v18 =	vmul.f32 v19, v18;
	v19 =	vmul.f32 v40, v39;
	_ =	sdelay $0x1  }
0x24d: {  	v18 =	vadd.f32 v19, v18;
	v19 =	vmul.f32 v42, v41;
	_ =	sdelay $0x1  }
0x24e: {  	v18 =	vadd.f32 v19, v18;
	v19 =	vmul.f32 v44, v43;
	_ =	sdelay $0x1  }
0x24f: {  	v18 =	vadd.f32 v19, v18;
	_ =	sdelay $0x1  }
0x250: {  	[tilespmem:v15+s18+$0x0] =	vst.idx.msk $0xffff, v18  }
0x251: {  	v18 =	vld [tilespmem:$0x148E0]  }
0x252: {  	v19 =	vld [tilespmem:$0x150E0]  }
0x253: {  	v45 =	vld [tilespmem:$0x148F0]  }
0x254: {  	v46 =	vld [tilespmem:$0x150F0]  }
0x255: {  	v47 =	vld [tilespmem:$0x14900]  }
0x256: {  	v48 =	vld [tilespmem:$0x15100]  }
0x257: {  	v49 =	vld [tilespmem:$0x14910]  }
0x258: {  	v50 =	vld [tilespmem:$0x15110]  }
0x259: {  	v18 =	vmul.f32 v19, v18;
	v19 =	vmul.f32 v46, v45;
	_ =	sdelay $0x1  }
0x25a: {  	v18 =	vadd.f32 v19, v18;
	v19 =	vmul.f32 v48, v47;
	_ =	sdelay $0x1  }
0x25b: {  	v18 =	vadd.f32 v19, v18;
	v19 =	vmul.f32 v50, v49;
	_ =	sdelay $0x1  }
0x25c: {  	v18 =	vadd.f32 v19, v18;
	_ =	sdelay $0x1  }
0x25d: {  	[tilespmem:v16+s18+$0x0] =	vst.idx.msk $0xffff, v18  }
0x25e: {  	v18 =	vld [tilespmem:$0x157C0]  }
0x25f: {  	v19 =	vld [tilespmem:$0x157D0];
	_ =	sdelay $0x1  }
0x260: {  	v51 =	vld [tilespmem:$0x157E0];
	_ =	sdelay $0x1  }
0x261: {  	v52 =	vld [tilespmem:$0x157F0]  }
0x262: {  	v18 =	vadd.f32 v19, v18  }
0x263: {  	v19 =	vld [tilespmem:$0x15800]  }
0x264: {  	v18 =	vadd.f32 v51, v18  }
0x265: {  	v53 =	vld [tilespmem:$0x15810]  }
0x266: {  	v18 =	vadd.f32 v52, v18  }
0x267: {  	v54 =	vld [tilespmem:$0x15820]  }
0x268: {  	v18 =	vadd.f32 v19, v18  }
0x269: {  	v19 =	vld [tilespmem:$0x15830]  }
0x26a: {  	v55 =	vld [tilespmem:$0x15840];
	v18 =	vadd.f32 v53, v18  }
0x26b: {  	v56 =	vld [tilespmem:$0x15850]  }
0x26c: {  	v57 =	vld [tilespmem:$0x15860];
	v18 =	vadd.f32 v54, v18  }
0x26d: {  	v58 =	vld [tilespmem:$0x15870]  }
0x26e: {  	v59 =	vld [tilespmem:$0x15890];
	v18 =	vadd.f32 v19, v18  }
0x26f: {  	v60 =	vld [tilespmem:$0x158A0]  }
0x270: {  	v61 =	vld [tilespmem:$0x14920];
	v18 =	vadd.f32 v55, v18  }
0x271: {  	v62 =	vld [tilespmem:$0x15120]  }
0x272: {  	v26 =	vld [tilespmem:$0x14930];
	v18 =	vadd.f32 v56, v18  }
0x273: {  	v19 =	vld [tilespmem:$0x15880]  }
0x274: {  	v63 =	vld [tilespmem:$0x15130];
	v18 =	vadd.f32 v57, v18  }
0x275: {  	v27 =	vld [tilespmem:$0x14940]  }
0x276: {  	v32 =	vld [tilespmem:$0x15140];
	v18 =	vadd.f32 v58, v18  }
0x277: {  	v28 =	vld [tilespmem:$0x14950]  }
0x278: {  	v18 =	vadd.f32 v19, v18;
	v19 =	vld [tilespmem:$0x15150]  }
0x279: {  	v33 =	vld [tilespmem:$0x158B0];
	v22 =	vmul.f32 v62, v61;
	v21 =	vmul.f32 v63, v26  }
0x27a: {  	v18 =	vadd.f32 v59, v18  }
0x27b: {  	v34 =	vmul.f32 v32, v27;
	v21 =	vadd.f32 v21, v22  }
0x27c: {  	v18 =	vadd.f32 v60, v18  }
0x27d: {  	v35 =	vadd.f32 v34, v21;
	v19 =	vmul.f32 v19, v28  }
0x27e: {  	v18 =	vadd.f32 v33, v18  }
0x27f: {  	v19 =	vadd.f32 v19, v35  }
0x280: {  	[tilespmem:$0x15520] =	vst v18  }
0x281: {  	[tilespmem:v0+s18+$0x0] =	vst.idx.msk $0xffff, v19  }
0x282: {  	v18 =	vld [tilespmem:$0x14960]  }
0x283: {  	v19 =	vld [tilespmem:$0x15160]  }
0x284: {  	v36 =	vld [tilespmem:$0x14970]  }
0x285: {  	v37 =	vld [tilespmem:$0x15170]  }
0x286: {  	v38 =	vld [tilespmem:$0x14980]  }
0x287: {  	v39 =	vld [tilespmem:$0x15180]  }
0x288: {  	v40 =	vld [tilespmem:$0x14990]  }
0x289: {  	v41 =	vld [tilespmem:$0x15190]  }
0x28a: {  	v18 =	vmul.f32 v19, v18;
	v19 =	vmul.f32 v37, v36;
	_ =	sdelay $0x1  }
0x28b: {  	v18 =	vadd.f32 v19, v18;
	v19 =	vmul.f32 v39, v38;
	_ =	sdelay $0x1  }
0x28c: {  	v18 =	vadd.f32 v19, v18;
	v19 =	vmul.f32 v41, v40;
	_ =	sdelay $0x1  }
0x28d: {  	v18 =	vadd.f32 v19, v18;
	_ =	sdelay $0x1  }
0x28e: {  	[tilespmem:v1+s18+$0x0] =	vst.idx.msk $0xffff, v18  }
0x28f: {  	v18 =	vld [tilespmem:$0x149A0]  }
0x290: {  	v19 =	vld [tilespmem:$0x151A0]  }
0x291: {  	v42 =	vld [tilespmem:$0x149B0]  }
0x292: {  	v43 =	vld [tilespmem:$0x151B0]  }
0x293: {  	v44 =	vld [tilespmem:$0x149C0]  }
0x294: {  	v45 =	vld [tilespmem:$0x151C0]  }
0x295: {  	v46 =	vld [tilespmem:$0x149D0]  }
0x296: {  	v47 =	vld [tilespmem:$0x151D0]  }
0x297: {  	v18 =	vmul.f32 v19, v18;
	v19 =	vmul.f32 v43, v42;
	_ =	sdelay $0x1  }
0x298: {  	v18 =	vadd.f32 v19, v18;
	v19 =	vmul.f32 v45, v44;
	_ =	sdelay $0x1  }
0x299: {  	v18 =	vadd.f32 v19, v18;
	v19 =	vmul.f32 v47, v46;
	_ =	sdelay $0x1  }
0x29a: {  	v18 =	vadd.f32 v19, v18;
	_ =	sdelay $0x1  }
0x29b: {  	[tilespmem:v2+s18+$0x0] =	vst.idx.msk $0xffff, v18  }
0x29c: {  	v18 =	vld [tilespmem:$0x149E0]  }
0x29d: {  	v19 =	vld [tilespmem:$0x151E0]  }
0x29e: {  	v48 =	vld [tilespmem:$0x149F0]  }
0x29f: {  	v49 =	vld [tilespmem:$0x151F0]  }
0x2a0: {  	v50 =	vld [tilespmem:$0x14A00]  }
0x2a1: {  	v51 =	vld [tilespmem:$0x15200]  }
0x2a2: {  	v52 =	vld [tilespmem:$0x14A10]  }
0x2a3: {  	v53 =	vld [tilespmem:$0x15210]  }
0x2a4: {  	v18 =	vmul.f32 v19, v18;
	v19 =	vmul.f32 v49, v48;
	_ =	sdelay $0x1  }
0x2a5: {  	v18 =	vadd.f32 v19, v18;
	v19 =	vmul.f32 v51, v50;
	_ =	sdelay $0x1  }
0x2a6: {  	v18 =	vadd.f32 v19, v18;
	v19 =	vmul.f32 v53, v52;
	_ =	sdelay $0x1  }
0x2a7: {  	v18 =	vadd.f32 v19, v18;
	_ =	sdelay $0x1  }
0x2a8: {  	[tilespmem:v3+s18+$0x0] =	vst.idx.msk $0xffff, v18  }
0x2a9: {  	v18 =	vld [tilespmem:$0x14A20]  }
0x2aa: {  	v19 =	vld [tilespmem:$0x15220]  }
0x2ab: {  	v54 =	vld [tilespmem:$0x14A30]  }
0x2ac: {  	v55 =	vld [tilespmem:$0x15230]  }
0x2ad: {  	v56 =	vld [tilespmem:$0x14A40]  }
0x2ae: {  	v57 =	vld [tilespmem:$0x15240]  }
0x2af: {  	v58 =	vld [tilespmem:$0x14A50]  }
0x2b0: {  	v59 =	vld [tilespmem:$0x15250]  }
0x2b1: {  	v18 =	vmul.f32 v19, v18;
	v19 =	vmul.f32 v55, v54;
	_ =	sdelay $0x1  }
0x2b2: {  	v18 =	vadd.f32 v19, v18;
	v19 =	vmul.f32 v57, v56;
	_ =	sdelay $0x1  }
0x2b3: {  	v18 =	vadd.f32 v19, v18;
	v19 =	vmul.f32 v59, v58;
	_ =	sdelay $0x1  }
0x2b4: {  	v18 =	vadd.f32 v19, v18;
	_ =	sdelay $0x1  }
0x2b5: {  	[tilespmem:v4+s18+$0x0] =	vst.idx.msk $0xffff, v18  }
0x2b6: {  	v18 =	vld [tilespmem:$0x14A60]  }
0x2b7: {  	v19 =	vld [tilespmem:$0x15260]  }
0x2b8: {  	v60 =	vld [tilespmem:$0x14A70]  }
0x2b9: {  	v61 =	vld [tilespmem:$0x15270]  }
0x2ba: {  	v62 =	vld [tilespmem:$0x14A80]  }
0x2bb: {  	v63 =	vld [tilespmem:$0x15280]  }
0x2bc: {  	v28 =	vld [tilespmem:$0x14A90]  }
0x2bd: {  	v29 =	vld [tilespmem:$0x15290]  }
0x2be: {  	v18 =	vmul.f32 v19, v18;
	v19 =	vmul.f32 v61, v60;
	_ =	sdelay $0x1  }
0x2bf: {  	v18 =	vadd.f32 v19, v18;
	v19 =	vmul.f32 v63, v62;
	_ =	sdelay $0x1  }
0x2c0: {  	v18 =	vadd.f32 v19, v18;
	v19 =	vmul.f32 v29, v28;
	_ =	sdelay $0x1  }
0x2c1: {  	v18 =	vadd.f32 v19, v18;
	_ =	sdelay $0x1  }
0x2c2: {  	[tilespmem:v5+s18+$0x0] =	vst.idx.msk $0xffff, v18  }
0x2c3: {  	v18 =	vld [tilespmem:$0x14AA0]  }
0x2c4: {  	v19 =	vld [tilespmem:$0x152A0]  }
0x2c5: {  	v30 =	vld [tilespmem:$0x14AB0]  }
0x2c6: {  	v31 =	vld [tilespmem:$0x152B0]  }
0x2c7: {  	v32 =	vld [tilespmem:$0x14AC0]  }
0x2c8: {  	v33 =	vld [tilespmem:$0x152C0]  }
0x2c9: {  	v34 =	vld [tilespmem:$0x14AD0]  }
0x2ca: {  	v35 =	vld [tilespmem:$0x152D0]  }
0x2cb: {  	v18 =	vmul.f32 v19, v18;
	v19 =	vmul.f32 v31, v30;
	_ =	sdelay $0x1  }
0x2cc: {  	v18 =	vadd.f32 v19, v18;
	v19 =	vmul.f32 v33, v32;
	_ =	sdelay $0x1  }
0x2cd: {  	v18 =	vadd.f32 v19, v18;
	v19 =	vmul.f32 v35, v34;
	_ =	sdelay $0x1  }
0x2ce: {  	v18 =	vadd.f32 v19, v18;
	_ =	sdelay $0x1  }
0x2cf: {  	[tilespmem:v6+s18+$0x0] =	vst.idx.msk $0xffff, v18  }
0x2d0: {  	v18 =	vld [tilespmem:$0x14AE0]  }
0x2d1: {  	v19 =	vld [tilespmem:$0x152E0]  }
0x2d2: {  	v36 =	vld [tilespmem:$0x14AF0]  }
0x2d3: {  	v37 =	vld [tilespmem:$0x152F0]  }
0x2d4: {  	v38 =	vld [tilespmem:$0x14B00]  }
0x2d5: {  	v39 =	vld [tilespmem:$0x15300]  }
0x2d6: {  	v40 =	vld [tilespmem:$0x14B10]  }
0x2d7: {  	v41 =	vld [tilespmem:$0x15310]  }
0x2d8: {  	v18 =	vmul.f32 v19, v18;
	v19 =	vmul.f32 v37, v36;
	_ =	sdelay $0x1  }
0x2d9: {  	v18 =	vadd.f32 v19, v18;
	v19 =	vmul.f32 v39, v38;
	_ =	sdelay $0x1  }
0x2da: {  	v18 =	vadd.f32 v19, v18;
	v19 =	vmul.f32 v41, v40;
	_ =	sdelay $0x1  }
0x2db: {  	v18 =	vadd.f32 v19, v18;
	_ =	sdelay $0x1  }
0x2dc: {  	[tilespmem:v7+s18+$0x0] =	vst.idx.msk $0xffff, v18  }
0x2dd: {  	v18 =	vld [tilespmem:$0x14B20]  }
0x2de: {  	v19 =	vld [tilespmem:$0x15320]  }
0x2df: {  	v42 =	vld [tilespmem:$0x14B30]  }
0x2e0: {  	v43 =	vld [tilespmem:$0x15330]  }
0x2e1: {  	v44 =	vld [tilespmem:$0x14B40]  }
0x2e2: {  	v45 =	vld [tilespmem:$0x15340]  }
0x2e3: {  	v46 =	vld [tilespmem:$0x14B50]  }
0x2e4: {  	v47 =	vld [tilespmem:$0x15350]  }
0x2e5: {  	v18 =	vmul.f32 v19, v18;
	v19 =	vmul.f32 v43, v42;
	_ =	sdelay $0x1  }
0x2e6: {  	v18 =	vadd.f32 v19, v18;
	v19 =	vmul.f32 v45, v44;
	_ =	sdelay $0x1  }
0x2e7: {  	v18 =	vadd.f32 v19, v18;
	v19 =	vmul.f32 v47, v46;
	_ =	sdelay $0x1  }
0x2e8: {  	v18 =	vadd.f32 v19, v18;
	_ =	sdelay $0x1  }
0x2e9: {  	[tilespmem:v8+s18+$0x0] =	vst.idx.msk $0xffff, v18  }
0x2ea: {  	v18 =	vld [tilespmem:$0x14B60]  }
0x2eb: {  	v19 =	vld [tilespmem:$0x15360]  }
0x2ec: {  	v48 =	vld [tilespmem:$0x14B70]  }
0x2ed: {  	v49 =	vld [tilespmem:$0x15370]  }
0x2ee: {  	v50 =	vld [tilespmem:$0x14B80]  }
0x2ef: {  	v51 =	vld [tilespmem:$0x15380]  }
0x2f0: {  	v52 =	vld [tilespmem:$0x14B90]  }
0x2f1: {  	v53 =	vld [tilespmem:$0x15390]  }
0x2f2: {  	v18 =	vmul.f32 v19, v18;
	v19 =	vmul.f32 v49, v48;
	_ =	sdelay $0x1  }
0x2f3: {  	v18 =	vadd.f32 v19, v18;
	v19 =	vmul.f32 v51, v50;
	_ =	sdelay $0x1  }
0x2f4: {  	v18 =	vadd.f32 v19, v18;
	v19 =	vmul.f32 v53, v52;
	_ =	sdelay $0x1  }
0x2f5: {  	v18 =	vadd.f32 v19, v18;
	_ =	sdelay $0x1  }
0x2f6: {  	[tilespmem:v9+s18+$0x0] =	vst.idx.msk $0xffff, v18  }
0x2f7: {  	v18 =	vld [tilespmem:$0x14BA0]  }
0x2f8: {  	v19 =	vld [tilespmem:$0x153A0]  }
0x2f9: {  	v54 =	vld [tilespmem:$0x14BB0]  }
0x2fa: {  	v55 =	vld [tilespmem:$0x153B0]  }
0x2fb: {  	v56 =	vld [tilespmem:$0x14BC0]  }
0x2fc: {  	v57 =	vld [tilespmem:$0x153C0]  }
0x2fd: {  	v58 =	vld [tilespmem:$0x14BD0]  }
0x2fe: {  	v59 =	vld [tilespmem:$0x153D0]  }
0x2ff: {  	v18 =	vmul.f32 v19, v18;
	v19 =	vmul.f32 v55, v54;
	_ =	sdelay $0x1  }
0x300: {  	v18 =	vadd.f32 v19, v18;
	v19 =	vmul.f32 v57, v56;
	_ =	sdelay $0x1  }
0x301: {  	v18 =	vadd.f32 v19, v18;
	v19 =	vmul.f32 v59, v58;
	_ =	sdelay $0x1  }
0x302: {  	v18 =	vadd.f32 v19, v18;
	_ =	sdelay $0x1  }
0x303: {  	[tilespmem:v10+s18+$0x0] =	vst.idx.msk $0xffff, v18  }
0x304: {  	v18 =	vld [tilespmem:$0x14BE0]  }
0x305: {  	v19 =	vld [tilespmem:$0x153E0]  }
0x306: {  	v60 =	vld [tilespmem:$0x14BF0]  }
0x307: {  	v61 =	vld [tilespmem:$0x153F0]  }
0x308: {  	v62 =	vld [tilespmem:$0x14C00]  }
0x309: {  	v63 =	vld [tilespmem:$0x15400]  }
0x30a: {  	v28 =	vld [tilespmem:$0x14C10]  }
0x30b: {  	v29 =	vld [tilespmem:$0x15410]  }
0x30c: {  	v18 =	vmul.f32 v19, v18;
	v19 =	vmul.f32 v61, v60;
	_ =	sdelay $0x1  }
0x30d: {  	v18 =	vadd.f32 v19, v18;
	v19 =	vmul.f32 v63, v62;
	_ =	sdelay $0x1  }
0x30e: {  	v18 =	vadd.f32 v19, v18;
	v19 =	vmul.f32 v29, v28;
	_ =	sdelay $0x1  }
0x30f: {  	v18 =	vadd.f32 v19, v18;
	_ =	sdelay $0x1  }
0x310: {  	[tilespmem:v12+s18+$0x0] =	vst.idx.msk $0xffff, v18  }
0x311: {  	v18 =	vld [tilespmem:$0x14C20]  }
0x312: {  	v19 =	vld [tilespmem:$0x15420]  }
0x313: {  	v30 =	vld [tilespmem:$0x14C30]  }
0x314: {  	v31 =	vld [tilespmem:$0x15430]  }
0x315: {  	v32 =	vld [tilespmem:$0x14C40]  }
0x316: {  	v33 =	vld [tilespmem:$0x15440]  }
0x317: {  	v34 =	vld [tilespmem:$0x14C50]  }
0x318: {  	v35 =	vld [tilespmem:$0x15450]  }
0x319: {  	v18 =	vmul.f32 v19, v18;
	v19 =	vmul.f32 v31, v30;
	_ =	sdelay $0x1  }
0x31a: {  	v18 =	vadd.f32 v19, v18;
	v19 =	vmul.f32 v33, v32;
	_ =	sdelay $0x1  }
0x31b: {  	v18 =	vadd.f32 v19, v18;
	v19 =	vmul.f32 v35, v34;
	_ =	sdelay $0x1  }
0x31c: {  	v18 =	vadd.f32 v19, v18;
	_ =	sdelay $0x1  }
0x31d: {  	[tilespmem:v13+s18+$0x0] =	vst.idx.msk $0xffff, v18  }
0x31e: {  	v18 =	vld [tilespmem:$0x14C60]  }
0x31f: {  	v19 =	vld [tilespmem:$0x15460]  }
0x320: {  	v36 =	vld [tilespmem:$0x14C70]  }
0x321: {  	v37 =	vld [tilespmem:$0x15470]  }
0x322: {  	v38 =	vld [tilespmem:$0x14C80]  }
0x323: {  	v39 =	vld [tilespmem:$0x15480]  }
0x324: {  	v40 =	vld [tilespmem:$0x14C90]  }
0x325: {  	v41 =	vld [tilespmem:$0x15490]  }
0x326: {  	v18 =	vmul.f32 v19, v18;
	v19 =	vmul.f32 v37, v36;
	_ =	sdelay $0x1  }
0x327: {  	v18 =	vadd.f32 v19, v18;
	v19 =	vmul.f32 v39, v38;
	_ =	sdelay $0x1  }
0x328: {  	v18 =	vadd.f32 v19, v18;
	v19 =	vmul.f32 v41, v40;
	_ =	sdelay $0x1  }
0x329: {  	v18 =	vadd.f32 v19, v18;
	_ =	sdelay $0x1  }
0x32a: {  	[tilespmem:v14+s18+$0x0] =	vst.idx.msk $0xffff, v18  }
0x32b: {  	v18 =	vld [tilespmem:$0x14CA0]  }
0x32c: {  	v19 =	vld [tilespmem:$0x154A0]  }
0x32d: {  	v42 =	vld [tilespmem:$0x14CB0]  }
0x32e: {  	v43 =	vld [tilespmem:$0x154B0]  }
0x32f: {  	v44 =	vld [tilespmem:$0x14CC0]  }
0x330: {  	v45 =	vld [tilespmem:$0x154C0]  }
0x331: {  	v46 =	vld [tilespmem:$0x14CD0]  }
0x332: {  	v47 =	vld [tilespmem:$0x154D0]  }
0x333: {  	v18 =	vmul.f32 v19, v18;
	v19 =	vmul.f32 v43, v42;
	_ =	sdelay $0x1  }
0x334: {  	v18 =	vadd.f32 v19, v18;
	v19 =	vmul.f32 v45, v44;
	_ =	sdelay $0x1  }
0x335: {  	v18 =	vadd.f32 v19, v18;
	v19 =	vmul.f32 v47, v46;
	_ =	sdelay $0x1  }
0x336: {  	v18 =	vadd.f32 v19, v18;
	_ =	sdelay $0x1  }
0x337: {  	[tilespmem:v15+s18+$0x0] =	vst.idx.msk $0xffff, v18  }
0x338: {  	v18 =	vld [tilespmem:$0x14CE0]  }
0x339: {  	v19 =	vld [tilespmem:$0x154E0]  }
0x33a: {  	v48 =	vld [tilespmem:$0x14CF0]  }
0x33b: {  	v49 =	vld [tilespmem:$0x154F0]  }
0x33c: {  	v50 =	vld [tilespmem:$0x14D00]  }
0x33d: {  	v51 =	vld [tilespmem:$0x15500]  }
0x33e: {  	v52 =	vld [tilespmem:$0x14D10]  }
0x33f: {  	v53 =	vld [tilespmem:$0x15510]  }
0x340: {  	v18 =	vmul.f32 v19, v18;
	v19 =	vmul.f32 v49, v48;
	_ =	sdelay $0x1  }
0x341: {  	v18 =	vadd.f32 v19, v18;
	v19 =	vmul.f32 v51, v50;
	_ =	sdelay $0x1  }
0x342: {  	v18 =	vadd.f32 v19, v18;
	v19 =	vmul.f32 v53, v52;
	_ =	sdelay $0x1  }
0x343: {  	v18 =	vadd.f32 v19, v18;
	_ =	sdelay $0x1  }
0x344: {  	[tilespmem:v16+s18+$0x0] =	vst.idx.msk $0xffff, v18  }
0x345: {  	v18 =	vld [tilespmem:$0x157C0]  }
0x346: {  	v19 =	vld [tilespmem:$0x157D0];
	_ =	sdelay $0x1  }
0x347: {  	v54 =	vld [tilespmem:$0x157E0];
	_ =	sdelay $0x1  }
0x348: {  	v55 =	vld [tilespmem:$0x157F0]  }
0x349: {  	v18 =	vadd.f32 v19, v18  }
0x34a: {  	v19 =	vld [tilespmem:$0x15800]  }
0x34b: {  	v18 =	vadd.f32 v54, v18  }
0x34c: {  	v56 =	vld [tilespmem:$0x15810]  }
0x34d: {  	v18 =	vadd.f32 v55, v18  }
0x34e: {  	v57 =	vld [tilespmem:$0x15820]  }
0x34f: {  	v18 =	vadd.f32 v19, v18  }
0x350: {  	v19 =	vld [tilespmem:$0x15830]  }
0x351: {  	v18 =	vadd.f32 v56, v18  }
0x352: {  	v58 =	vld [tilespmem:$0x15840]  }
0x353: {  	v18 =	vadd.f32 v57, v18  }
0x354: {  	v59 =	vld [tilespmem:$0x15850]  }
0x355: {  	v18 =	vadd.f32 v19, v18  }
0x356: {  	v19 =	vld [tilespmem:$0x15860]  }
0x357: {  	v18 =	vadd.f32 v58, v18  }
0x358: {  	v60 =	vld [tilespmem:$0x15870]  }
0x359: {  	v18 =	vadd.f32 v59, v18  }
0x35a: {  	v61 =	vld [tilespmem:$0x15880]  }
0x35b: {  	v18 =	vadd.f32 v19, v18  }
0x35c: {  	v19 =	vld [tilespmem:$0x15890]  }
0x35d: {  	v18 =	vadd.f32 v60, v18  }
0x35e: {  	v62 =	vld [tilespmem:$0x158A0]  }
0x35f: {  	v18 =	vadd.f32 v61, v18  }
0x360: {  	v63 =	vld [tilespmem:$0x158B0]  }
0x361: {  	v18 =	vadd.f32 v19, v18;
	_ =	sdelay $0x1  }
0x362: {  	v18 =	vadd.f32 v62, v18;
	_ =	sdelay $0x1  }
0x363: {  	v18 =	vadd.f32 v63, v18;
	_ =	sdelay $0x1  }
0x364: {  	[tilespmem:$0x15530] =	vst v18  }
0x365: {  	_ =	swait.ge [sflag:s19], $0x2000  }
0x366: {  	[sflag:s19] =	ssyncset.done $0x0  }
0x367: {  	[sflag:s19] =	ssyncadd.s32 $0xFFFFE000  }
0x368: {  	_ =	swait.ge [sflag:s19], $0x2000  }
0x369: {  	[sflag:s19] =	ssyncset.done $0x0  }
0x36a: {  	[sflag:s19] =	ssyncadd.s32 $0xFFFFE000  }
0x36b: {  	_ =	swait.ge [sflag:s19], $0x2000  }
0x36c: {  	[sflag:s19] =	ssyncset.done $0x0  }
0x36d: {  	[sflag:s19] =	ssyncadd.s32 $0xFFFFE000  }
0x36e: {  	_ =	swait.ge [sflag:s19], $0x2000  }
0x36f: {  	[sflag:s19] =	ssyncset.done $0x0  }
0x370: {  	[sflag:s19] =	ssyncadd.s32 $0xFFFFE000  }
0x371: {  	_ =	swait.ge [sflag:s19], $0x2000  }
0x372: {  	[sflag:s19] =	ssyncset.done $0x0  }
0x373: {  	s25 =	simm.s32 $0x0;
	s26 =	simm.s32 $0x0;
	[sflag:s19] =	ssyncadd.s32 $0xFFFFE000  }
.LBB2_5:
0x374: {  	v19 =	vld [tilespmem:$0x14D20]  }
0x375: {  	s28 =	sshra.s32 s25, $0x2;
	v21 =	vld [tilespmem:$0x14D30]  }
0x376: {  	v18 =	vld [tilespmem:s28+$0xA520]  }
0x377: {  	v20 =	vld [tilespmem:s28+$0xA530]  }
0x378: {  	v23 =	vld [tilespmem:$0x14D40]  }
0x379: {  	v22 =	vld [tilespmem:s28+$0xA540]  }
0x37a: {  	v25 =	vld [tilespmem:$0x14D50]  }
0x37b: {  	v24 =	vld [tilespmem:s28+$0xA550]  }
0x37c: {  	v18 =	vmul.f32 v19, v18;
	v19 =	vmul.f32 v21, v20;
	_ =	sdelay $0x1  }
0x37d: {  	v18 =	vadd.f32 v19, v18;
	v19 =	vmul.f32 v23, v22;
	_ =	sdelay $0x1  }
0x37e: {  	v18 =	vadd.f32 v19, v18;
	v19 =	vmul.f32 v25, v24;
	_ =	sdelay $0x1  }
0x37f: {  	v18 =	vadd.f32 v19, v18;
	_ =	sdelay $0x1  }
0x380: {  	[tilespmem:v0+s18+$0x0] =	vst.idx.msk $0xffff, v18  }
0x381: {  	v18 =	vld [tilespmem:s28+$0xAA20]  }
0x382: {  	v19 =	vld [tilespmem:$0x14D60]  }
0x383: {  	v42 =	vld [tilespmem:s28+$0xAA30]  }
0x384: {  	v43 =	vld [tilespmem:$0x14D70]  }
0x385: {  	v44 =	vld [tilespmem:s28+$0xAA40]  }
0x386: {  	v45 =	vld [tilespmem:$0x14D80]  }
0x387: {  	v46 =	vld [tilespmem:s28+$0xAA50]  }
0x388: {  	v47 =	vld [tilespmem:$0x14D90]  }
0x389: {  	v18 =	vmul.f32 v19, v18;
	v19 =	vmul.f32 v43, v42;
	_ =	sdelay $0x1  }
0x38a: {  	v18 =	vadd.f32 v19, v18;
	v19 =	vmul.f32 v45, v44;
	_ =	sdelay $0x1  }
0x38b: {  	v18 =	vadd.f32 v19, v18;
	v19 =	vmul.f32 v47, v46;
	_ =	sdelay $0x1  }
0x38c: {  	v18 =	vadd.f32 v19, v18;
	_ =	sdelay $0x1  }
0x38d: {  	[tilespmem:v1+s18+$0x0] =	vst.idx.msk $0xffff, v18  }
0x38e: {  	v18 =	vld [tilespmem:s28+$0xAF20]  }
0x38f: {  	v19 =	vld [tilespmem:$0x14DA0]  }
0x390: {  	v48 =	vld [tilespmem:s28+$0xAF30]  }
0x391: {  	v49 =	vld [tilespmem:$0x14DB0]  }
0x392: {  	v50 =	vld [tilespmem:s28+$0xAF40]  }
0x393: {  	v51 =	vld [tilespmem:$0x14DC0]  }
0x394: {  	v52 =	vld [tilespmem:s28+$0xAF50]  }
0x395: {  	v53 =	vld [tilespmem:$0x14DD0]  }
0x396: {  	v18 =	vmul.f32 v19, v18;
	v19 =	vmul.f32 v49, v48;
	_ =	sdelay $0x1  }
0x397: {  	v18 =	vadd.f32 v19, v18;
	v19 =	vmul.f32 v51, v50;
	_ =	sdelay $0x1  }
0x398: {  	v18 =	vadd.f32 v19, v18;
	v19 =	vmul.f32 v53, v52;
	_ =	sdelay $0x1  }
0x399: {  	v18 =	vadd.f32 v19, v18;
	_ =	sdelay $0x1  }
0x39a: {  	[tilespmem:v2+s18+$0x0] =	vst.idx.msk $0xffff, v18  }
0x39b: {  	v18 =	vld [tilespmem:s28+$0xB420]  }
0x39c: {  	v19 =	vld [tilespmem:$0x14DE0]  }
0x39d: {  	v54 =	vld [tilespmem:s28+$0xB430]  }
0x39e: {  	v55 =	vld [tilespmem:$0x14DF0]  }
0x39f: {  	v56 =	vld [tilespmem:s28+$0xB440]  }
0x3a0: {  	v57 =	vld [tilespmem:$0x14E00]  }
0x3a1: {  	v58 =	vld [tilespmem:s28+$0xB450]  }
0x3a2: {  	v59 =	vld [tilespmem:$0x14E10]  }
0x3a3: {  	v18 =	vmul.f32 v19, v18;
	v19 =	vmul.f32 v55, v54;
	_ =	sdelay $0x1  }
0x3a4: {  	v18 =	vadd.f32 v19, v18;
	v19 =	vmul.f32 v57, v56;
	_ =	sdelay $0x1  }
0x3a5: {  	v18 =	vadd.f32 v19, v18;
	v19 =	vmul.f32 v59, v58;
	_ =	sdelay $0x1  }
0x3a6: {  	v18 =	vadd.f32 v19, v18;
	_ =	sdelay $0x1  }
0x3a7: {  	[tilespmem:v3+s18+$0x0] =	vst.idx.msk $0xffff, v18  }
0x3a8: {  	v18 =	vld [tilespmem:s28+$0xB920]  }
0x3a9: {  	v19 =	vld [tilespmem:$0x14E20]  }
0x3aa: {  	v60 =	vld [tilespmem:s28+$0xB930]  }
0x3ab: {  	v61 =	vld [tilespmem:$0x14E30]  }
0x3ac: {  	v62 =	vld [tilespmem:s28+$0xB940]  }
0x3ad: {  	v63 =	vld [tilespmem:$0x14E40]  }
0x3ae: {  	v28 =	vld [tilespmem:s28+$0xB950]  }
0x3af: {  	v29 =	vld [tilespmem:$0x14E50]  }
0x3b0: {  	v18 =	vmul.f32 v19, v18;
	v19 =	vmul.f32 v61, v60;
	_ =	sdelay $0x1  }
0x3b1: {  	v18 =	vadd.f32 v19, v18;
	v19 =	vmul.f32 v63, v62;
	_ =	sdelay $0x1  }
0x3b2: {  	v18 =	vadd.f32 v19, v18;
	v19 =	vmul.f32 v29, v28;
	_ =	sdelay $0x1  }
0x3b3: {  	v18 =	vadd.f32 v19, v18;
	_ =	sdelay $0x1  }
0x3b4: {  	[tilespmem:v4+s18+$0x0] =	vst.idx.msk $0xffff, v18  }
0x3b5: {  	v18 =	vld [tilespmem:s28+$0xBE20]  }
0x3b6: {  	v19 =	vld [tilespmem:$0x14E60]  }
0x3b7: {  	v30 =	vld [tilespmem:s28+$0xBE30]  }
0x3b8: {  	v31 =	vld [tilespmem:$0x14E70]  }
0x3b9: {  	v32 =	vld [tilespmem:s28+$0xBE40]  }
0x3ba: {  	v33 =	vld [tilespmem:$0x14E80]  }
0x3bb: {  	v34 =	vld [tilespmem:s28+$0xBE50]  }
0x3bc: {  	v35 =	vld [tilespmem:$0x14E90]  }
0x3bd: {  	v18 =	vmul.f32 v19, v18;
	v19 =	vmul.f32 v31, v30;
	_ =	sdelay $0x1  }
0x3be: {  	v18 =	vadd.f32 v19, v18;
	v19 =	vmul.f32 v33, v32;
	_ =	sdelay $0x1  }
0x3bf: {  	v18 =	vadd.f32 v19, v18;
	v19 =	vmul.f32 v35, v34;
	_ =	sdelay $0x1  }
0x3c0: {  	v18 =	vadd.f32 v19, v18;
	_ =	sdelay $0x1  }
0x3c1: {  	[tilespmem:v5+s18+$0x0] =	vst.idx.msk $0xffff, v18  }
0x3c2: {  	v18 =	vld [tilespmem:s28+$0xC320]  }
0x3c3: {  	v19 =	vld [tilespmem:$0x14EA0]  }
0x3c4: {  	v36 =	vld [tilespmem:s28+$0xC330]  }
0x3c5: {  	v37 =	vld [tilespmem:$0x14EB0]  }
0x3c6: {  	v38 =	vld [tilespmem:s28+$0xC340]  }
0x3c7: {  	v39 =	vld [tilespmem:$0x14EC0]  }
0x3c8: {  	v40 =	vld [tilespmem:s28+$0xC350]  }
0x3c9: {  	v41 =	vld [tilespmem:$0x14ED0]  }
0x3ca: {  	v18 =	vmul.f32 v19, v18;
	v19 =	vmul.f32 v37, v36;
	_ =	sdelay $0x1  }
0x3cb: {  	v18 =	vadd.f32 v19, v18;
	v19 =	vmul.f32 v39, v38;
	_ =	sdelay $0x1  }
0x3cc: {  	v18 =	vadd.f32 v19, v18;
	v19 =	vmul.f32 v41, v40;
	_ =	sdelay $0x1  }
0x3cd: {  	v18 =	vadd.f32 v19, v18;
	_ =	sdelay $0x1  }
0x3ce: {  	[tilespmem:v6+s18+$0x0] =	vst.idx.msk $0xffff, v18  }
0x3cf: {  	v18 =	vld [tilespmem:s28+$0xC820]  }
0x3d0: {  	v19 =	vld [tilespmem:$0x14EE0]  }
0x3d1: {  	v42 =	vld [tilespmem:s28+$0xC830]  }
0x3d2: {  	v43 =	vld [tilespmem:$0x14EF0]  }
0x3d3: {  	v44 =	vld [tilespmem:s28+$0xC840]  }
0x3d4: {  	v45 =	vld [tilespmem:$0x14F00]  }
0x3d5: {  	v46 =	vld [tilespmem:s28+$0xC850]  }
0x3d6: {  	v47 =	vld [tilespmem:$0x14F10]  }
0x3d7: {  	v18 =	vmul.f32 v19, v18;
	v19 =	vmul.f32 v43, v42;
	_ =	sdelay $0x1  }
0x3d8: {  	v18 =	vadd.f32 v19, v18;
	v19 =	vmul.f32 v45, v44;
	_ =	sdelay $0x1  }
0x3d9: {  	v18 =	vadd.f32 v19, v18;
	v19 =	vmul.f32 v47, v46;
	_ =	sdelay $0x1  }
0x3da: {  	v18 =	vadd.f32 v19, v18;
	_ =	sdelay $0x1  }
0x3db: {  	[tilespmem:v7+s18+$0x0] =	vst.idx.msk $0xffff, v18  }
0x3dc: {  	v18 =	vld [tilespmem:s28+$0xCD20]  }
0x3dd: {  	v19 =	vld [tilespmem:$0x14F20]  }
0x3de: {  	v48 =	vld [tilespmem:s28+$0xCD30]  }
0x3df: {  	v49 =	vld [tilespmem:$0x14F30]  }
0x3e0: {  	v50 =	vld [tilespmem:s28+$0xCD40]  }
0x3e1: {  	v51 =	vld [tilespmem:$0x14F40]  }
0x3e2: {  	v52 =	vld [tilespmem:s28+$0xCD50]  }
0x3e3: {  	v53 =	vld [tilespmem:$0x14F50]  }
0x3e4: {  	v18 =	vmul.f32 v19, v18;
	v19 =	vmul.f32 v49, v48;
	_ =	sdelay $0x1  }
0x3e5: {  	v18 =	vadd.f32 v19, v18;
	v19 =	vmul.f32 v51, v50;
	_ =	sdelay $0x1  }
0x3e6: {  	v18 =	vadd.f32 v19, v18;
	v19 =	vmul.f32 v53, v52;
	_ =	sdelay $0x1  }
0x3e7: {  	v18 =	vadd.f32 v19, v18;
	_ =	sdelay $0x1  }
0x3e8: {  	[tilespmem:v8+s18+$0x0] =	vst.idx.msk $0xffff, v18  }
0x3e9: {  	v18 =	vld [tilespmem:s28+$0xD220]  }
0x3ea: {  	v19 =	vld [tilespmem:$0x14F60]  }
0x3eb: {  	v54 =	vld [tilespmem:s28+$0xD230]  }
0x3ec: {  	v55 =	vld [tilespmem:$0x14F70]  }
0x3ed: {  	v56 =	vld [tilespmem:s28+$0xD240]  }
0x3ee: {  	v57 =	vld [tilespmem:$0x14F80]  }
0x3ef: {  	v58 =	vld [tilespmem:s28+$0xD250]  }
0x3f0: {  	v59 =	vld [tilespmem:$0x14F90]  }
0x3f1: {  	v18 =	vmul.f32 v19, v18;
	v19 =	vmul.f32 v55, v54;
	_ =	sdelay $0x1  }
0x3f2: {  	v18 =	vadd.f32 v19, v18;
	v19 =	vmul.f32 v57, v56;
	_ =	sdelay $0x1  }
0x3f3: {  	v18 =	vadd.f32 v19, v18;
	v19 =	vmul.f32 v59, v58;
	_ =	sdelay $0x1  }
0x3f4: {  	v18 =	vadd.f32 v19, v18;
	_ =	sdelay $0x1  }
0x3f5: {  	[tilespmem:v9+s18+$0x0] =	vst.idx.msk $0xffff, v18  }
0x3f6: {  	v18 =	vld [tilespmem:s28+$0xD720]  }
0x3f7: {  	v19 =	vld [tilespmem:$0x14FA0]  }
0x3f8: {  	v60 =	vld [tilespmem:s28+$0xD730]  }
0x3f9: {  	v61 =	vld [tilespmem:$0x14FB0]  }
0x3fa: {  	v62 =	vld [tilespmem:s28+$0xD740]  }
0x3fb: {  	v63 =	vld [tilespmem:$0x14FC0]  }
0x3fc: {  	v28 =	vld [tilespmem:s28+$0xD750]  }
0x3fd: {  	v29 =	vld [tilespmem:$0x14FD0]  }
0x3fe: {  	v18 =	vmul.f32 v19, v18;
	v19 =	vmul.f32 v61, v60;
	_ =	sdelay $0x1  }
0x3ff: {  	v18 =	vadd.f32 v19, v18;
	v19 =	vmul.f32 v63, v62;
	_ =	sdelay $0x1  }
0x400: {  	v18 =	vadd.f32 v19, v18;
	v19 =	vmul.f32 v29, v28;
	_ =	sdelay $0x1  }
0x401: {  	v18 =	vadd.f32 v19, v18;
	_ =	sdelay $0x1  }
0x402: {  	[tilespmem:v10+s18+$0x0] =	vst.idx.msk $0xffff, v18  }
0x403: {  	v18 =	vld [tilespmem:s28+$0xDC20]  }
0x404: {  	v19 =	vld [tilespmem:$0x14FE0]  }
0x405: {  	v30 =	vld [tilespmem:s28+$0xDC30]  }
0x406: {  	v31 =	vld [tilespmem:$0x14FF0]  }
0x407: {  	v32 =	vld [tilespmem:s28+$0xDC40]  }
0x408: {  	v33 =	vld [tilespmem:$0x15000]  }
0x409: {  	v34 =	vld [tilespmem:s28+$0xDC50]  }
0x40a: {  	v35 =	vld [tilespmem:$0x15010]  }
0x40b: {  	v18 =	vmul.f32 v19, v18;
	v19 =	vmul.f32 v31, v30;
	_ =	sdelay $0x1  }
0x40c: {  	v18 =	vadd.f32 v19, v18;
	v19 =	vmul.f32 v33, v32;
	_ =	sdelay $0x1  }
0x40d: {  	v18 =	vadd.f32 v19, v18;
	v19 =	vmul.f32 v35, v34;
	_ =	sdelay $0x1  }
0x40e: {  	v18 =	vadd.f32 v19, v18;
	_ =	sdelay $0x1  }
0x40f: {  	[tilespmem:v12+s18+$0x0] =	vst.idx.msk $0xffff, v18  }
0x410: {  	v18 =	vld [tilespmem:s28+$0xE120]  }
0x411: {  	v19 =	vld [tilespmem:$0x15020]  }
0x412: {  	v36 =	vld [tilespmem:s28+$0xE130]  }
0x413: {  	v37 =	vld [tilespmem:$0x15030]  }
0x414: {  	v38 =	vld [tilespmem:s28+$0xE140]  }
0x415: {  	v39 =	vld [tilespmem:$0x15040]  }
0x416: {  	v40 =	vld [tilespmem:s28+$0xE150]  }
0x417: {  	v41 =	vld [tilespmem:$0x15050]  }
0x418: {  	v18 =	vmul.f32 v19, v18;
	v19 =	vmul.f32 v37, v36;
	_ =	sdelay $0x1  }
0x419: {  	v18 =	vadd.f32 v19, v18;
	v19 =	vmul.f32 v39, v38;
	_ =	sdelay $0x1  }
0x41a: {  	v18 =	vadd.f32 v19, v18;
	v19 =	vmul.f32 v41, v40;
	_ =	sdelay $0x1  }
0x41b: {  	v18 =	vadd.f32 v19, v18;
	_ =	sdelay $0x1  }
0x41c: {  	[tilespmem:v13+s18+$0x0] =	vst.idx.msk $0xffff, v18  }
0x41d: {  	v18 =	vld [tilespmem:s28+$0xE620]  }
0x41e: {  	v19 =	vld [tilespmem:$0x15060]  }
0x41f: {  	v42 =	vld [tilespmem:s28+$0xE630]  }
0x420: {  	v43 =	vld [tilespmem:$0x15070]  }
0x421: {  	v44 =	vld [tilespmem:s28+$0xE640]  }
0x422: {  	v45 =	vld [tilespmem:$0x15080]  }
0x423: {  	v46 =	vld [tilespmem:s28+$0xE650]  }
0x424: {  	v47 =	vld [tilespmem:$0x15090]  }
0x425: {  	v18 =	vmul.f32 v19, v18;
	v19 =	vmul.f32 v43, v42;
	_ =	sdelay $0x1  }
0x426: {  	v18 =	vadd.f32 v19, v18;
	v19 =	vmul.f32 v45, v44;
	_ =	sdelay $0x1  }
0x427: {  	v18 =	vadd.f32 v19, v18;
	v19 =	vmul.f32 v47, v46;
	_ =	sdelay $0x1  }
0x428: {  	v18 =	vadd.f32 v19, v18;
	_ =	sdelay $0x1  }
0x429: {  	[tilespmem:v14+s18+$0x0] =	vst.idx.msk $0xffff, v18  }
0x42a: {  	v18 =	vld [tilespmem:s28+$0xEB20]  }
0x42b: {  	v19 =	vld [tilespmem:$0x150A0]  }
0x42c: {  	v48 =	vld [tilespmem:s28+$0xEB30]  }
0x42d: {  	v49 =	vld [tilespmem:$0x150B0]  }
0x42e: {  	v50 =	vld [tilespmem:s28+$0xEB40]  }
0x42f: {  	v51 =	vld [tilespmem:$0x150C0]  }
0x430: {  	v52 =	vld [tilespmem:s28+$0xEB50]  }
0x431: {  	v53 =	vld [tilespmem:$0x150D0]  }
0x432: {  	v18 =	vmul.f32 v19, v18;
	v19 =	vmul.f32 v49, v48;
	_ =	sdelay $0x1  }
0x433: {  	v18 =	vadd.f32 v19, v18;
	v19 =	vmul.f32 v51, v50;
	_ =	sdelay $0x1  }
0x434: {  	v18 =	vadd.f32 v19, v18;
	v19 =	vmul.f32 v53, v52;
	_ =	sdelay $0x1  }
0x435: {  	v18 =	vadd.f32 v19, v18;
	_ =	sdelay $0x1  }
0x436: {  	[tilespmem:v15+s18+$0x0] =	vst.idx.msk $0xffff, v18  }
0x437: {  	v18 =	vld [tilespmem:s28+$0xF020]  }
0x438: {  	v19 =	vld [tilespmem:$0x150E0]  }
0x439: {  	v54 =	vld [tilespmem:s28+$0xF030]  }
0x43a: {  	v55 =	vld [tilespmem:$0x150F0]  }
0x43b: {  	v56 =	vld [tilespmem:s28+$0xF040]  }
0x43c: {  	v57 =	vld [tilespmem:$0x15100]  }
0x43d: {  	v58 =	vld [tilespmem:s28+$0xF050]  }
0x43e: {  	v59 =	vld [tilespmem:$0x15110]  }
0x43f: {  	v18 =	vmul.f32 v19, v18;
	v19 =	vmul.f32 v55, v54;
	_ =	sdelay $0x1  }
0x440: {  	v18 =	vadd.f32 v19, v18;
	v19 =	vmul.f32 v57, v56;
	_ =	sdelay $0x1  }
0x441: {  	v18 =	vadd.f32 v19, v18;
	v19 =	vmul.f32 v59, v58;
	_ =	sdelay $0x1  }
0x442: {  	v18 =	vadd.f32 v19, v18;
	_ =	sdelay $0x1  }
0x443: {  	[tilespmem:v16+s18+$0x0] =	vst.idx.msk $0xffff, v18  }
0x444: {  	v18 =	vld [tilespmem:$0x157C0]  }
0x445: {  	v19 =	vld [tilespmem:$0x157D0];
	_ =	sdelay $0x1  }
0x446: {  	v60 =	vld [tilespmem:$0x157E0];
	_ =	sdelay $0x1  }
0x447: {  	v61 =	vld [tilespmem:$0x157F0]  }
0x448: {  	v18 =	vadd.f32 v19, v18  }
0x449: {  	v19 =	vld [tilespmem:$0x15800]  }
0x44a: {  	v18 =	vadd.f32 v60, v18  }
0x44b: {  	v62 =	vld [tilespmem:$0x15810]  }
0x44c: {  	v18 =	vadd.f32 v61, v18  }
0x44d: {  	v63 =	vld [tilespmem:$0x15820]  }
0x44e: {  	v18 =	vadd.f32 v19, v18  }
0x44f: {  	v19 =	vld [tilespmem:$0x15830]  }
0x450: {  	v18 =	vadd.f32 v62, v18  }
0x451: {  	v24 =	vld [tilespmem:$0x15840]  }
0x452: {  	v18 =	vadd.f32 v63, v18  }
0x453: {  	v25 =	vld [tilespmem:$0x15850]  }
0x454: {  	v18 =	vadd.f32 v19, v18  }
0x455: {  	v19 =	vld [tilespmem:$0x15860]  }
0x456: {  	v18 =	vadd.f32 v24, v18  }
0x457: {  	v26 =	vld [tilespmem:$0x15870]  }
0x458: {  	v18 =	vadd.f32 v25, v18  }
0x459: {  	v27 =	vld [tilespmem:$0x15880]  }
0x45a: {  	v18 =	vadd.f32 v19, v18  }
0x45b: {  	v19 =	vld [tilespmem:$0x15890]  }
0x45c: {  	v18 =	vadd.f32 v26, v18  }
0x45d: {  	v28 =	vld [tilespmem:$0x158A0]  }
0x45e: {  	v18 =	vadd.f32 v27, v18  }
0x45f: {  	v29 =	vld [tilespmem:$0x158B0]  }
0x460: {  	v18 =	vadd.f32 v19, v18  }
0x461: {  	v19 =	vadd.s32 s26, v11  }
0x462: {  	v18 =	vadd.f32 v28, v18;
	_ =	sdelay $0x1  }
0x463: {  	v18 =	vadd.f32 v29, v18;
	_ =	sdelay $0x1  }
0x464: {  	[tilespmem:v19+s20+$0x0] =	vst.idx.msk $0xffff, v18  }
0x465: {  	v18 =	vld [tilespmem:s28+$0xF520]  }
0x466: {  	v19 =	vld [tilespmem:$0x15120]  }
0x467: {  	v30 =	vld [tilespmem:s28+$0xF530]  }
0x468: {  	v31 =	vld [tilespmem:$0x15130]  }
0x469: {  	v32 =	vld [tilespmem:s28+$0xF540]  }
0x46a: {  	v33 =	vld [tilespmem:$0x15140]  }
0x46b: {  	v34 =	vld [tilespmem:s28+$0xF550]  }
0x46c: {  	v35 =	vld [tilespmem:$0x15150]  }
0x46d: {  	v18 =	vmul.f32 v19, v18;
	v19 =	vmul.f32 v31, v30;
	_ =	sdelay $0x1  }
0x46e: {  	v18 =	vadd.f32 v19, v18;
	v19 =	vmul.f32 v33, v32;
	_ =	sdelay $0x1  }
0x46f: {  	v18 =	vadd.f32 v19, v18;
	v19 =	vmul.f32 v35, v34;
	_ =	sdelay $0x1  }
0x470: {  	v18 =	vadd.f32 v19, v18;
	_ =	sdelay $0x1  }
0x471: {  	[tilespmem:v0+s18+$0x0] =	vst.idx.msk $0xffff, v18  }
0x472: {  	v18 =	vld [tilespmem:s28+$0xFA20]  }
0x473: {  	v19 =	vld [tilespmem:$0x15160]  }
0x474: {  	v36 =	vld [tilespmem:s28+$0xFA30]  }
0x475: {  	v37 =	vld [tilespmem:$0x15170]  }
0x476: {  	v38 =	vld [tilespmem:s28+$0xFA40]  }
0x477: {  	v39 =	vld [tilespmem:$0x15180]  }
0x478: {  	v40 =	vld [tilespmem:s28+$0xFA50]  }
0x479: {  	v41 =	vld [tilespmem:$0x15190]  }
0x47a: {  	v18 =	vmul.f32 v19, v18;
	v19 =	vmul.f32 v37, v36;
	_ =	sdelay $0x1  }
0x47b: {  	v18 =	vadd.f32 v19, v18;
	v19 =	vmul.f32 v39, v38;
	_ =	sdelay $0x1  }
0x47c: {  	v18 =	vadd.f32 v19, v18;
	v19 =	vmul.f32 v41, v40;
	_ =	sdelay $0x1  }
0x47d: {  	v18 =	vadd.f32 v19, v18;
	_ =	sdelay $0x1  }
0x47e: {  	[tilespmem:v1+s18+$0x0] =	vst.idx.msk $0xffff, v18  }
0x47f: {  	v18 =	vld [tilespmem:s28+$0xFF20]  }
0x480: {  	v19 =	vld [tilespmem:$0x151A0]  }
0x481: {  	v42 =	vld [tilespmem:s28+$0xFF30]  }
0x482: {  	v43 =	vld [tilespmem:$0x151B0]  }
0x483: {  	v44 =	vld [tilespmem:s28+$0xFF40]  }
0x484: {  	v45 =	vld [tilespmem:$0x151C0]  }
0x485: {  	v46 =	vld [tilespmem:s28+$0xFF50]  }
0x486: {  	v47 =	vld [tilespmem:$0x151D0]  }
0x487: {  	v18 =	vmul.f32 v19, v18;
	v19 =	vmul.f32 v43, v42;
	_ =	sdelay $0x1  }
0x488: {  	v18 =	vadd.f32 v19, v18;
	v19 =	vmul.f32 v45, v44;
	_ =	sdelay $0x1  }
0x489: {  	v18 =	vadd.f32 v19, v18;
	v19 =	vmul.f32 v47, v46;
	_ =	sdelay $0x1  }
0x48a: {  	v18 =	vadd.f32 v19, v18;
	_ =	sdelay $0x1  }
0x48b: {  	[tilespmem:v2+s18+$0x0] =	vst.idx.msk $0xffff, v18  }
0x48c: {  	v18 =	vld [tilespmem:s28+$0x10420]  }
0x48d: {  	v19 =	vld [tilespmem:$0x151E0]  }
0x48e: {  	v48 =	vld [tilespmem:s28+$0x10430]  }
0x48f: {  	v49 =	vld [tilespmem:$0x151F0]  }
0x490: {  	v50 =	vld [tilespmem:s28+$0x10440]  }
0x491: {  	v51 =	vld [tilespmem:$0x15200]  }
0x492: {  	v52 =	vld [tilespmem:s28+$0x10450]  }
0x493: {  	v53 =	vld [tilespmem:$0x15210]  }
0x494: {  	v18 =	vmul.f32 v19, v18;
	v19 =	vmul.f32 v49, v48;
	_ =	sdelay $0x1  }
0x495: {  	v18 =	vadd.f32 v19, v18;
	v19 =	vmul.f32 v51, v50;
	_ =	sdelay $0x1  }
0x496: {  	v18 =	vadd.f32 v19, v18;
	v19 =	vmul.f32 v53, v52;
	_ =	sdelay $0x1  }
0x497: {  	v18 =	vadd.f32 v19, v18;
	_ =	sdelay $0x1  }
0x498: {  	[tilespmem:v3+s18+$0x0] =	vst.idx.msk $0xffff, v18  }
0x499: {  	v18 =	vld [tilespmem:s28+$0x10920]  }
0x49a: {  	v19 =	vld [tilespmem:$0x15220]  }
0x49b: {  	v54 =	vld [tilespmem:s28+$0x10930]  }
0x49c: {  	v55 =	vld [tilespmem:$0x15230]  }
0x49d: {  	v56 =	vld [tilespmem:s28+$0x10940]  }
0x49e: {  	v57 =	vld [tilespmem:$0x15240]  }
0x49f: {  	v58 =	vld [tilespmem:s28+$0x10950]  }
0x4a0: {  	v59 =	vld [tilespmem:$0x15250]  }
0x4a1: {  	v18 =	vmul.f32 v19, v18;
	v19 =	vmul.f32 v55, v54;
	_ =	sdelay $0x1  }
0x4a2: {  	v18 =	vadd.f32 v19, v18;
	v19 =	vmul.f32 v57, v56;
	_ =	sdelay $0x1  }
0x4a3: {  	v18 =	vadd.f32 v19, v18;
	v19 =	vmul.f32 v59, v58;
	_ =	sdelay $0x1  }
0x4a4: {  	v18 =	vadd.f32 v19, v18;
	_ =	sdelay $0x1  }
0x4a5: {  	[tilespmem:v4+s18+$0x0] =	vst.idx.msk $0xffff, v18  }
0x4a6: {  	v18 =	vld [tilespmem:s28+$0x10E20]  }
0x4a7: {  	v19 =	vld [tilespmem:$0x15260]  }
0x4a8: {  	v60 =	vld [tilespmem:s28+$0x10E30]  }
0x4a9: {  	v61 =	vld [tilespmem:$0x15270]  }
0x4aa: {  	v62 =	vld [tilespmem:s28+$0x10E40]  }
0x4ab: {  	v63 =	vld [tilespmem:$0x15280]  }
0x4ac: {  	v28 =	vld [tilespmem:s28+$0x10E50]  }
0x4ad: {  	v29 =	vld [tilespmem:$0x15290]  }
0x4ae: {  	v18 =	vmul.f32 v19, v18;
	v19 =	vmul.f32 v61, v60;
	_ =	sdelay $0x1  }
0x4af: {  	v18 =	vadd.f32 v19, v18;
	v19 =	vmul.f32 v63, v62;
	_ =	sdelay $0x1  }
0x4b0: {  	v18 =	vadd.f32 v19, v18;
	v19 =	vmul.f32 v29, v28;
	_ =	sdelay $0x1  }
0x4b1: {  	v18 =	vadd.f32 v19, v18;
	_ =	sdelay $0x1  }
0x4b2: {  	[tilespmem:v5+s18+$0x0] =	vst.idx.msk $0xffff, v18  }
0x4b3: {  	v18 =	vld [tilespmem:s28+$0x11320]  }
0x4b4: {  	v19 =	vld [tilespmem:$0x152A0]  }
0x4b5: {  	v30 =	vld [tilespmem:s28+$0x11330]  }
0x4b6: {  	v31 =	vld [tilespmem:$0x152B0]  }
0x4b7: {  	v32 =	vld [tilespmem:s28+$0x11340]  }
0x4b8: {  	v33 =	vld [tilespmem:$0x152C0]  }
0x4b9: {  	v34 =	vld [tilespmem:s28+$0x11350]  }
0x4ba: {  	v35 =	vld [tilespmem:$0x152D0]  }
0x4bb: {  	v18 =	vmul.f32 v19, v18;
	v19 =	vmul.f32 v31, v30;
	_ =	sdelay $0x1  }
0x4bc: {  	v18 =	vadd.f32 v19, v18;
	v19 =	vmul.f32 v33, v32;
	_ =	sdelay $0x1  }
0x4bd: {  	v18 =	vadd.f32 v19, v18;
	v19 =	vmul.f32 v35, v34;
	_ =	sdelay $0x1  }
0x4be: {  	v18 =	vadd.f32 v19, v18;
	_ =	sdelay $0x1  }
0x4bf: {  	[tilespmem:v6+s18+$0x0] =	vst.idx.msk $0xffff, v18  }
0x4c0: {  	v18 =	vld [tilespmem:s28+$0x11820]  }
0x4c1: {  	v19 =	vld [tilespmem:$0x152E0]  }
0x4c2: {  	v36 =	vld [tilespmem:s28+$0x11830]  }
0x4c3: {  	v37 =	vld [tilespmem:$0x152F0]  }
0x4c4: {  	v38 =	vld [tilespmem:s28+$0x11840]  }
0x4c5: {  	v39 =	vld [tilespmem:$0x15300]  }
0x4c6: {  	v40 =	vld [tilespmem:s28+$0x11850]  }
0x4c7: {  	v41 =	vld [tilespmem:$0x15310]  }
0x4c8: {  	v18 =	vmul.f32 v19, v18;
	v19 =	vmul.f32 v37, v36;
	_ =	sdelay $0x1  }
0x4c9: {  	v18 =	vadd.f32 v19, v18;
	v19 =	vmul.f32 v39, v38;
	_ =	sdelay $0x1  }
0x4ca: {  	v18 =	vadd.f32 v19, v18;
	v19 =	vmul.f32 v41, v40;
	_ =	sdelay $0x1  }
0x4cb: {  	v18 =	vadd.f32 v19, v18;
	_ =	sdelay $0x1  }
0x4cc: {  	[tilespmem:v7+s18+$0x0] =	vst.idx.msk $0xffff, v18  }
0x4cd: {  	v18 =	vld [tilespmem:s28+$0x11D20]  }
0x4ce: {  	v19 =	vld [tilespmem:$0x15320]  }
0x4cf: {  	v42 =	vld [tilespmem:s28+$0x11D30]  }
0x4d0: {  	v43 =	vld [tilespmem:$0x15330]  }
0x4d1: {  	v44 =	vld [tilespmem:s28+$0x11D40]  }
0x4d2: {  	v45 =	vld [tilespmem:$0x15340]  }
0x4d3: {  	v46 =	vld [tilespmem:s28+$0x11D50]  }
0x4d4: {  	v47 =	vld [tilespmem:$0x15350]  }
0x4d5: {  	v18 =	vmul.f32 v19, v18;
	v19 =	vmul.f32 v43, v42;
	_ =	sdelay $0x1  }
0x4d6: {  	v18 =	vadd.f32 v19, v18;
	v19 =	vmul.f32 v45, v44;
	_ =	sdelay $0x1  }
0x4d7: {  	v18 =	vadd.f32 v19, v18;
	v19 =	vmul.f32 v47, v46;
	_ =	sdelay $0x1  }
0x4d8: {  	v18 =	vadd.f32 v19, v18;
	_ =	sdelay $0x1  }
0x4d9: {  	[tilespmem:v8+s18+$0x0] =	vst.idx.msk $0xffff, v18  }
0x4da: {  	v18 =	vld [tilespmem:s28+$0x12220]  }
0x4db: {  	v19 =	vld [tilespmem:$0x15360]  }
0x4dc: {  	v48 =	vld [tilespmem:s28+$0x12230]  }
0x4dd: {  	v49 =	vld [tilespmem:$0x15370]  }
0x4de: {  	v50 =	vld [tilespmem:s28+$0x12240]  }
0x4df: {  	v51 =	vld [tilespmem:$0x15380]  }
0x4e0: {  	v52 =	vld [tilespmem:s28+$0x12250]  }
0x4e1: {  	v53 =	vld [tilespmem:$0x15390]  }
0x4e2: {  	v18 =	vmul.f32 v19, v18;
	v19 =	vmul.f32 v49, v48;
	_ =	sdelay $0x1  }
0x4e3: {  	v18 =	vadd.f32 v19, v18;
	v19 =	vmul.f32 v51, v50;
	_ =	sdelay $0x1  }
0x4e4: {  	v18 =	vadd.f32 v19, v18;
	v19 =	vmul.f32 v53, v52;
	_ =	sdelay $0x1  }
0x4e5: {  	v18 =	vadd.f32 v19, v18;
	_ =	sdelay $0x1  }
0x4e6: {  	[tilespmem:v9+s18+$0x0] =	vst.idx.msk $0xffff, v18  }
0x4e7: {  	v18 =	vld [tilespmem:s28+$0x12720]  }
0x4e8: {  	v19 =	vld [tilespmem:$0x153A0]  }
0x4e9: {  	v54 =	vld [tilespmem:s28+$0x12730]  }
0x4ea: {  	v55 =	vld [tilespmem:$0x153B0]  }
0x4eb: {  	v56 =	vld [tilespmem:s28+$0x12740]  }
0x4ec: {  	v57 =	vld [tilespmem:$0x153C0]  }
0x4ed: {  	v58 =	vld [tilespmem:s28+$0x12750]  }
0x4ee: {  	v59 =	vld [tilespmem:$0x153D0]  }
0x4ef: {  	v18 =	vmul.f32 v19, v18;
	v19 =	vmul.f32 v55, v54;
	_ =	sdelay $0x1  }
0x4f0: {  	v18 =	vadd.f32 v19, v18;
	v19 =	vmul.f32 v57, v56;
	_ =	sdelay $0x1  }
0x4f1: {  	v18 =	vadd.f32 v19, v18;
	v19 =	vmul.f32 v59, v58;
	_ =	sdelay $0x1  }
0x4f2: {  	v18 =	vadd.f32 v19, v18;
	_ =	sdelay $0x1  }
0x4f3: {  	[tilespmem:v10+s18+$0x0] =	vst.idx.msk $0xffff, v18  }
0x4f4: {  	v18 =	vld [tilespmem:s28+$0x12C20]  }
0x4f5: {  	v19 =	vld [tilespmem:$0x153E0]  }
0x4f6: {  	v60 =	vld [tilespmem:s28+$0x12C30]  }
0x4f7: {  	v61 =	vld [tilespmem:$0x153F0]  }
0x4f8: {  	v62 =	vld [tilespmem:s28+$0x12C40]  }
0x4f9: {  	v63 =	vld [tilespmem:$0x15400]  }
0x4fa: {  	v28 =	vld [tilespmem:s28+$0x12C50]  }
0x4fb: {  	v29 =	vld [tilespmem:$0x15410]  }
0x4fc: {  	v18 =	vmul.f32 v19, v18;
	v19 =	vmul.f32 v61, v60;
	_ =	sdelay $0x1  }
0x4fd: {  	v18 =	vadd.f32 v19, v18;
	v19 =	vmul.f32 v63, v62;
	_ =	sdelay $0x1  }
0x4fe: {  	v18 =	vadd.f32 v19, v18;
	v19 =	vmul.f32 v29, v28;
	_ =	sdelay $0x1  }
0x4ff: {  	v18 =	vadd.f32 v19, v18;
	_ =	sdelay $0x1  }
0x500: {  	[tilespmem:v12+s18+$0x0] =	vst.idx.msk $0xffff, v18  }
0x501: {  	v18 =	vld [tilespmem:s28+$0x13120]  }
0x502: {  	v19 =	vld [tilespmem:$0x15420]  }
0x503: {  	v30 =	vld [tilespmem:s28+$0x13130]  }
0x504: {  	v31 =	vld [tilespmem:$0x15430]  }
0x505: {  	v32 =	vld [tilespmem:s28+$0x13140]  }
0x506: {  	v33 =	vld [tilespmem:$0x15440]  }
0x507: {  	v34 =	vld [tilespmem:s28+$0x13150]  }
0x508: {  	v35 =	vld [tilespmem:$0x15450]  }
0x509: {  	v18 =	vmul.f32 v19, v18;
	v19 =	vmul.f32 v31, v30;
	_ =	sdelay $0x1  }
0x50a: {  	v18 =	vadd.f32 v19, v18;
	v19 =	vmul.f32 v33, v32;
	_ =	sdelay $0x1  }
0x50b: {  	v18 =	vadd.f32 v19, v18;
	v19 =	vmul.f32 v35, v34;
	_ =	sdelay $0x1  }
0x50c: {  	v18 =	vadd.f32 v19, v18;
	_ =	sdelay $0x1  }
0x50d: {  	[tilespmem:v13+s18+$0x0] =	vst.idx.msk $0xffff, v18  }
0x50e: {  	v18 =	vld [tilespmem:s28+$0x13620]  }
0x50f: {  	v19 =	vld [tilespmem:$0x15460]  }
0x510: {  	v36 =	vld [tilespmem:s28+$0x13630]  }
0x511: {  	v37 =	vld [tilespmem:$0x15470]  }
0x512: {  	v38 =	vld [tilespmem:s28+$0x13640]  }
0x513: {  	v39 =	vld [tilespmem:$0x15480]  }
0x514: {  	v40 =	vld [tilespmem:s28+$0x13650]  }
0x515: {  	v41 =	vld [tilespmem:$0x15490]  }
0x516: {  	v18 =	vmul.f32 v19, v18;
	v19 =	vmul.f32 v37, v36;
	_ =	sdelay $0x1  }
0x517: {  	v18 =	vadd.f32 v19, v18;
	v19 =	vmul.f32 v39, v38;
	_ =	sdelay $0x1  }
0x518: {  	v18 =	vadd.f32 v19, v18;
	v19 =	vmul.f32 v41, v40;
	_ =	sdelay $0x1  }
0x519: {  	v18 =	vadd.f32 v19, v18;
	_ =	sdelay $0x1  }
0x51a: {  	[tilespmem:v14+s18+$0x0] =	vst.idx.msk $0xffff, v18  }
0x51b: {  	v18 =	vld [tilespmem:s28+$0x13B20]  }
0x51c: {  	v19 =	vld [tilespmem:$0x154A0]  }
0x51d: {  	v42 =	vld [tilespmem:s28+$0x13B30]  }
0x51e: {  	v43 =	vld [tilespmem:$0x154B0]  }
0x51f: {  	v44 =	vld [tilespmem:s28+$0x13B40]  }
0x520: {  	v45 =	vld [tilespmem:$0x154C0]  }
0x521: {  	v46 =	vld [tilespmem:s28+$0x13B50]  }
0x522: {  	v47 =	vld [tilespmem:$0x154D0]  }
0x523: {  	v18 =	vmul.f32 v19, v18;
	v19 =	vmul.f32 v43, v42;
	_ =	sdelay $0x1  }
0x524: {  	v18 =	vadd.f32 v19, v18;
	v19 =	vmul.f32 v45, v44;
	_ =	sdelay $0x1  }
0x525: {  	v18 =	vadd.f32 v19, v18;
	v19 =	vmul.f32 v47, v46;
	_ =	sdelay $0x1  }
0x526: {  	v18 =	vadd.f32 v19, v18;
	_ =	sdelay $0x1  }
0x527: {  	[tilespmem:v15+s18+$0x0] =	vst.idx.msk $0xffff, v18  }
0x528: {  	v18 =	vld [tilespmem:s28+$0x14020]  }
0x529: {  	v19 =	vld [tilespmem:$0x154E0]  }
0x52a: {  	v48 =	vld [tilespmem:s28+$0x14030]  }
0x52b: {  	v49 =	vld [tilespmem:$0x154F0]  }
0x52c: {  	v50 =	vld [tilespmem:s28+$0x14040]  }
0x52d: {  	v51 =	vld [tilespmem:$0x15500]  }
0x52e: {  	v52 =	vld [tilespmem:s28+$0x14050]  }
0x52f: {  	v53 =	vld [tilespmem:$0x15510]  }
0x530: {  	v18 =	vmul.f32 v19, v18;
	v19 =	vmul.f32 v49, v48;
	_ =	sdelay $0x1  }
0x531: {  	v18 =	vadd.f32 v19, v18;
	v19 =	vmul.f32 v51, v50;
	_ =	sdelay $0x1  }
0x532: {  	v18 =	vadd.f32 v19, v18;
	v19 =	vmul.f32 v53, v52;
	_ =	sdelay $0x1  }
0x533: {  	v18 =	vadd.f32 v19, v18;
	_ =	sdelay $0x1  }
0x534: {  	[tilespmem:v16+s18+$0x0] =	vst.idx.msk $0xffff, v18  }
0x535: {  	v18 =	vld [tilespmem:$0x157C0]  }
0x536: {  	v19 =	vld [tilespmem:$0x157D0];
	_ =	sdelay $0x1  }
0x537: {  	v54 =	vld [tilespmem:$0x157E0];
	_ =	sdelay $0x1  }
0x538: {  	v55 =	vld [tilespmem:$0x157F0]  }
0x539: {  	v18 =	vadd.f32 v19, v18  }
0x53a: {  	v19 =	vld [tilespmem:$0x15800]  }
0x53b: {  	v18 =	vadd.f32 v54, v18  }
0x53c: {  	v56 =	vld [tilespmem:$0x15810]  }
0x53d: {  	v18 =	vadd.f32 v55, v18  }
0x53e: {  	v57 =	vld [tilespmem:$0x15820]  }
0x53f: {  	v18 =	vadd.f32 v19, v18  }
0x540: {  	v19 =	vld [tilespmem:$0x15830]  }
0x541: {  	v18 =	vadd.f32 v56, v18  }
0x542: {  	v58 =	vld [tilespmem:$0x15840]  }
0x543: {  	v18 =	vadd.f32 v57, v18  }
0x544: {  	v59 =	vld [tilespmem:$0x15850]  }
0x545: {  	v18 =	vadd.f32 v19, v18  }
0x546: {  	v19 =	vld [tilespmem:$0x15860]  }
0x547: {  	v18 =	vadd.f32 v58, v18  }
0x548: {  	v60 =	vld [tilespmem:$0x15870]  }
0x549: {  	v18 =	vadd.f32 v59, v18  }
0x54a: {  	v61 =	vld [tilespmem:$0x15880]  }
0x54b: {  	v18 =	vadd.f32 v19, v18  }
0x54c: {  	v19 =	vld [tilespmem:$0x15890]  }
0x54d: {  	v18 =	vadd.f32 v60, v18  }
0x54e: {  	v62 =	vld [tilespmem:$0x158A0]  }
0x54f: {  	v18 =	vadd.f32 v61, v18  }
0x550: {  	v63 =	vld [tilespmem:$0x158B0]  }
0x551: {  	v18 =	vadd.f32 v19, v18  }
0x552: {  	p0 =	sne.s32 s25, $0x1300;
	v19 =	vadd.s32 s26, v17  }
.Ltmp1:
0x553: {  	v18 =	vadd.f32 v62, v18;
	(pc) =	sbr.rel @p0 .LBB2_5-.Ltmp1, $3  }
0x554: {  	_ = 	snop  }
0x555: {  	v18 =	vadd.f32 v63, v18;
	_ =	sdelay $0x1  }
0x556: {  	s25 =	sadd.s32 $0x100, s25;
	s26 =	sadd.s32 $0x1, s26;
	[tilespmem:v19+s20+$0x0] =	vst.idx.msk $0xffff, v18  }
0x557: {  	s24 =	sadd.s32 s8, s24  }
0x558: {  	[hbm4b:s24+s2] =	stream.linear.scatter [tilespmem:s21], [sflag:$0x4], $0x20, $0x38;
	[tilespmem:$0x158C0] =	vst v63  }
0x559: {  	s22 =	sadd.s32 $0x1, s22;
	_ =	swait.ge [sflag:s12], $0x20  }
0x55a: {  	p0 =	sne.s32 s22, $0x10;
	[sflag:s12] =	ssyncset.done $0x0  }
.Ltmp2:
0x55b: {  	s23 =	sadd.s32 s9, s23;
	[sflag:s12] =	ssyncadd.s32 $0xFFFFFFE0;
	(pc) =	sbr.rel @p0 .LBB2_2-.Ltmp2, $4  }
0x55c: {  	[hbm4b:s23+s2] =	stream.linear.scatter [tilespmem:s20], [sflag:$0x4], $0x280, $0x38;
	[tilespmem:$0x158C0] =	vst v63  }
0x55d: {  	_ =	swait.ge [sflag:s12], $0x280  }
0x55e: {  	[sflag:s12] =	ssyncset.done $0x0  }
0x55f: {  	[sflag:s12] =	ssyncadd.s32 $0xFFFFFD80  }
0x560: {  	s23 =	rddreg [dreg:$0x4]  }
0x561: {  	s22 =	rddreg [dreg:$0x3];
	s23 =	sadd.s32 $0x1, s23  }
0x562: {  	p0 =	sne.s32 s23, s22  }
.Ltmp3:
0x563: {  	_ = 	snop;
	(pc) =	sbr.rel @p0 .LBB2_1-.Ltmp3, $1  }
0x564: {  	_ =	sdelay $0x3  }
0x565: {  	_ =	sfence.sel $0x180000  }
0x566: {  	[bflag:$0x0] =	sbarrier.arrive $0xFFFF  }
0x567: {  	_ =	strace $0x90000047  }
0x568: {  	s0 =	stileid.u32;
	[bflag:$0x2] =	sbarrier.arrive $0xFFFF  }
0x569: {  	p0 =	sne.s32 s0, $0x0;
	s0 =	rddreg [dreg:$0x2]  }
0x56a: {  	s0 =	sadd.s32 @!p0 $0x100000, s0  }
0x56b: {  	[sflag:s0] =	ssyncadd.tile.s32 @!p0 $0x1;
	_ =	shalt  }
.Lfunc_end2:
_tile_overlayer_lowered:
.L_overlay_start_2:
0x56c: {  	(tag) =	ssettag $0x2  }
0x56d: {  	s0 =	rddreg [dreg:$0x0];
	s2 =	stileid.u32  }
0x56e: {  	s1 =	rddreg [dreg:$0x1];
	p0 =	sne.s32 s2, $0x0  }
0x56f: {  	s3 =	rddreg [dreg:$0x2];
	[bflag:$0x3] =	sbarrier.arrive $0xFFFF;
	s2 =	simm.s32 @!p0 $0x1C04  }
0x570: {  	[timem:s3], [sflag:s2] =	dma.local @!p0 [hbm:s0], s1  }
0x571: {  	s0 =	simm.s32 @!p0 $0x4  }
0x572: {  	_ =	swait.ge @!p0 [sflag:s0], s1  }
0x573: {  	s1 =	ssub.s32 @!p0 $0x0, s1;
	[sflag:s0] =	ssyncset.done @!p0 $0x0  }
0x574: {  	[sflag:s0] =	ssyncadd.s32 @!p0 s1  }
0x575: {  	[bflag:$0x3] =	sbarrier.arrive $0xFFFF  }
0x576: {  	_ =	shalt  }

</sc_bundles>
